<compile_context>
chip_gen: v7x
topology: tpu7x:2x2x1
jax: 0.10.2.dev20260603
libtpu: 0.0.44.dev20260713+nightly
codegen_flags: <defaults>
</compile_context>

<pallas_src>
import functools

import jax
import jax.numpy as jnp
from jax import lax
from jax.experimental import pallas as pl
from jax.experimental.pallas import tpu as pltpu
from jax.experimental.pallas import tpu_sc as plsc

N = 10000
E = 160000
IN = 256
GW = 32
NG = 8
OUT = 512
Q = 16384
LAMDA = 0.8

NPAD = 10240
EPAD = 163840

NC = 2
NS = 16

_mesh = plsc.VectorSubcoreMesh(
    core_axis_name="c", subcore_axis_name="s", num_cores=NC, num_subcores=NS)


@functools.partial(
    pl.kernel,
    mesh=_mesh,
    out_type=jax.ShapeDtypeStruct((NC * NPAD,), jnp.float32),
    scratch_types=[
        pltpu.VMEM((40, 128), jnp.int32),
        pltpu.VMEM((128,), jnp.float32),
        pltpu.VMEM((640,), jnp.float32),
        pltpu.VMEM_SHARED((NPAD,), jnp.float32),
    ],
)
def _deg_kernel(dst_hbm, out_hbm, dst_v, ones_v, stage_v, deg_sp):
    c = lax.axis_index("c")
    s = lax.axis_index("s")
    w = s * NC + c
    for k in range(8):
        ones_v[pl.ds(k * 16, 16)] = jnp.ones((16,), jnp.float32)
    for k in range(40):
        stage_v[pl.ds(k * 16, 16)] = jnp.zeros((16,), jnp.float32)
    pltpu.sync_copy(stage_v, deg_sp.at[pl.ds(s * 640, 640)])
    pltpu.sync_copy(dst_hbm.at[w], dst_v)
    plsc.subcore_barrier()

    def body(j, carry):
        pltpu.sync_copy(ones_v, deg_sp.at[dst_v.at[j]], add=True)
        return carry

    lax.fori_loop(0, 40, body, 0)
    plsc.subcore_barrier()
    pltpu.sync_copy(deg_sp.at[pl.ds(s * 640, 640)], stage_v)
    off = pl.multiple_of(c * NPAD + s * 640, 8)
    pltpu.sync_copy(stage_v, out_hbm.at[pl.ds(off, 640)])


def _embs_body(deg_ref, emb_ref, out_ref):
    d = deg_ref[0, :] + deg_ref[1, :] + 1.0
    dinv = lax.rsqrt(d)
    z = dinv[:, None] * emb_ref[...]
    zz = jnp.transpose(z.reshape(256, 4, NG, GW), (2, 0, 1, 3))
    out_ref[...] = zz.reshape(NG, 256, 128)


def _embs_call(deg2, emb):
    out = pl.pallas_call(
        _embs_body,
        grid=(10,),
        in_specs=[
            pl.BlockSpec((2, 1024), lambda i: (0, i)),
            pl.BlockSpec((1024, IN), lambda i: (i, 0)),
        ],
        out_specs=pl.BlockSpec((NG, 256, 128), lambda i: (0, i, 0)),
        out_shape=jax.ShapeDtypeStruct((NG, NPAD // 4, 128), jnp.float32),
    )(deg2, emb)
    return out


@functools.partial(
    pl.kernel,
    mesh=_mesh,
    out_type=jax.ShapeDtypeStruct((NG * NPAD, GW), jnp.float32),
    compiler_params=pltpu.CompilerParams(use_tc_tiling_on_sc=False),
    scratch_types=[
        pltpu.VMEM((80, 128), jnp.int32),
        pltpu.VMEM((80, 128), jnp.int32),
        pltpu.VMEM((8, 128, GW), jnp.float32),
        pltpu.VMEM((128, GW), jnp.float32),
        pltpu.VMEM((640, GW), jnp.float32),
        pltpu.VMEM_SHARED((NPAD, GW), jnp.float32),
        pltpu.VMEM_SHARED((NPAD, GW), jnp.float32),
        pltpu.SemaphoreType.DMA((8,)),
        pltpu.SemaphoreType.DMA((8,)),
    ],
)
def _agg_kernel(src_hbm, dst_hbm, embs_hbm, out_hbm, src_v, dst_v, stage, zbuf,
                ldbuf, grp_sp, acc_sp, gsem, ssem):
    c = lax.axis_index("c")
    t = lax.axis_index("s")
    pltpu.sync_copy(src_hbm.at[t], src_v)
    pltpu.sync_copy(dst_hbm.at[t], dst_v)


    for g in range(4):
        goff = pl.multiple_of((c * 4 + g) * NPAD, 8)
        pltpu.sync_copy(embs_hbm.at[pl.ds(goff + t * 640, 640)], ldbuf)
        pltpu.sync_copy(ldbuf, grp_sp.at[pl.ds(t * 640, 640)])

        def zrow(r, carry):
            for k in range(GW // 16):
                zbuf[r, pl.ds(k * 16, 16)] = jnp.zeros((16,), jnp.float32)
            return carry

        lax.fori_loop(0, 128, zrow, 0)
        for u in range(5):
            pltpu.sync_copy(zbuf, acc_sp.at[pl.ds(t * 640 + u * 128, 128)])
        plsc.subcore_barrier()

        def _gat(j, b):
            return pltpu.make_async_copy(
                grp_sp.at[src_v.at[j]], stage.at[b], gsem.at[b])

        def _sca(j, b):
            return pltpu.make_async_copy(
                stage.at[b], acc_sp.at[dst_v.at[j]], ssem.at[b])

        for pj in range(6):
            _gat(pj, pj).start()

        def body(j, carry):
            b = j % 8
            _gat(j, b).wait()
            pltpu.async_copy(stage.at[b], acc_sp.at[dst_v.at[j]],
                             ssem.at[b], add=True)

            @pl.when(j >= 2)
            def _():
                _sca(j - 2, (j - 2) % 8).wait()

            @pl.when(j + 6 < 80)
            def _():
                _gat(j + 6, (j + 6) % 8).start()

            return carry

        lax.fori_loop(0, 80, body, 0)
        _sca(78, 6).wait()
        _sca(79, 7).wait()
        plsc.subcore_barrier()

        for u in range(5):
            rows = t * 640 + u * 128
            pltpu.sync_copy(acc_sp.at[pl.ds(rows, 128)], zbuf)
            off = pl.multiple_of(goff + rows, 8)
            pltpu.sync_copy(zbuf, out_hbm.at[pl.ds(off, 128)])


def _mix_body(g0_ref, g1_ref, g2_ref, g3_ref, g4_ref, g5_ref, g6_ref, g7_ref,
              deg_ref, emb_ref, w_ref, b_ref, out_ref):
    grefs = (g0_ref, g1_ref, g2_ref, g3_ref, g4_ref, g5_ref, g6_ref, g7_ref)
    for a in range(4):
        d = deg_ref[0, :, a] + deg_ref[1, :, a] + 1.0
        dinv = lax.rsqrt(d)
        ga = jnp.concatenate(
            [gr[...][:, GW * a:GW * (a + 1)] for gr in grefs], axis=1)
        ea = emb_ref[:, a, :]
        z = (LAMDA * dinv)[:, None] * ga \
            + (LAMDA * dinv * dinv + (1.0 - LAMDA))[:, None] * ea
        o = jnp.dot(z, w_ref[...], preferred_element_type=jnp.float32) + b_ref[...]
        ssq = jnp.sum(o * o, axis=1, keepdims=True)
        inv = 1.0 / jnp.maximum(jnp.sqrt(ssq), 1e-12)
        out_ref[:, a, :] = o * inv


def _mix_call(g, deg3, emb3, w, b2):
    return pl.pallas_call(
        _mix_body,
        grid=(10,),
        in_specs=[
            pl.BlockSpec((256, 128), lambda i: (i, 0)),
            pl.BlockSpec((256, 128), lambda i: (10 + i, 0)),
            pl.BlockSpec((256, 128), lambda i: (20 + i, 0)),
            pl.BlockSpec((256, 128), lambda i: (30 + i, 0)),
            pl.BlockSpec((256, 128), lambda i: (40 + i, 0)),
            pl.BlockSpec((256, 128), lambda i: (50 + i, 0)),
            pl.BlockSpec((256, 128), lambda i: (60 + i, 0)),
            pl.BlockSpec((256, 128), lambda i: (70 + i, 0)),
            pl.BlockSpec((2, 256, 4), lambda i: (0, i, 0)),
            pl.BlockSpec((256, 4, IN), lambda i: (i, 0, 0)),
            pl.BlockSpec((IN, OUT), lambda i: (0, 0)),
            pl.BlockSpec((1, OUT), lambda i: (0, 0)),
        ],
        out_specs=pl.BlockSpec((256, 4, OUT), lambda i: (i, 0, 0)),
        out_shape=jax.ShapeDtypeStruct((NPAD // 4, 4, OUT), jnp.float32),
    )(g, g, g, g, g, g, g, g, deg3, emb3, w, b2)


@functools.partial(
    pl.kernel,
    mesh=_mesh,
    out_type=(
        jax.ShapeDtypeStruct((Q, OUT), jnp.float32),
        jax.ShapeDtypeStruct((Q, OUT), jnp.float32),
    ),
    scratch_types=[
        pltpu.VMEM((1024,), jnp.int32),
        pltpu.VMEM((4, 32, OUT), jnp.float32),
        pltpu.SemaphoreType.DMA((4,)),
        pltpu.SemaphoreType.DMA((4,)),
    ],
)
def _take_kernel(embn_hbm, xi_hbm, drug_hbm, dis_hbm, qidx, rows, gsem, wsem):
    c = lax.axis_index("c")
    s = lax.axis_index("s")

    def run(xrow, out_hbm):
        pltpu.sync_copy(xi_hbm.at[xrow, pl.ds(s * 1024, 1024)], qidx)

        def _gat(k, b):
            ioff = pl.multiple_of(k * 32, 8)
            return pltpu.make_async_copy(embn_hbm.at[qidx.at[pl.ds(ioff, 32)]],
                                         rows.at[b], gsem.at[b])

        def _wr(k, b):
            ooff = pl.multiple_of(s * 1024 + k * 32, 8)
            return pltpu.make_async_copy(rows.at[b], out_hbm.at[pl.ds(ooff, 32)],
                                         wsem.at[b])

        _gat(0, 0).start()
        _gat(1, 1).start()

        def body(k, carry):
            b = k % 4
            _gat(k, b).wait()
            _wr(k, b).start()

            @pl.when(k >= 2)
            def _():
                _wr(k - 2, (k - 2) % 4).wait()

            @pl.when(k + 2 < 32)
            def _():
                _gat(k + 2, (k + 2) % 4).start()

            return carry

        lax.fori_loop(0, 32, body, 0)
        _wr(30, 2).wait()
        _wr(31, 3).wait()

    @pl.when(c == 0)
    def _():
        run(0, drug_hbm)

    @pl.when(c == 1)
    def _():
        run(1, dis_hbm)


@jax.jit
def kernel(x, edge_index, embedding, W, b):
    ei = edge_index.astype(jnp.int32)
    xi = x.astype(jnp.int32)
    pad = EPAD - E
    padv = N + jnp.arange(pad, dtype=jnp.int32) % (NPAD - N)
    src = jnp.concatenate([ei[0], jnp.zeros((pad,), jnp.int32)]).reshape(640, 256)
    dst = jnp.concatenate([ei[1], padv]).reshape(640, 256)

    degp = _deg_kernel(dst.reshape(32, 40, 128))
    deg2 = degp.reshape(2, NPAD)
    embs = _embs_call(deg2, embedding).reshape(NG * NPAD, GW)
    g = _agg_kernel(src.reshape(16, 80, 128), dst.reshape(16, 80, 128),
                    embs).reshape(NG * NPAD // 4, 128)
    deg3 = degp.reshape(2, NPAD // 4, 4)
    emb3 = embedding.reshape(N // 4, 4, IN)
    embn = _mix_call(g, deg3, emb3, W, b.reshape(1, OUT)).reshape(NPAD, OUT)
    drug, dis = _take_kernel(embn, xi)
    return (drug, dis)

# --- scband reference (transcript-rebuilt; emitter-appended) ---
"""Pipeline reference for scband-neighbor-embedding1-10977936408770 (READ-ONLY COPY).

The authoritative reference and input builder live on the scoring server;
editing this copy changes nothing except your own understanding.
"""

import jax, jax.numpy as jnp
import numpy as np

N = 10000
E = 160000
IN = 256
OUT = 512
Q = 16384
LAMDA = 0.8


def _l2_normalize(v, eps=1e-12):
    # matches torch F.normalize(p=2, dim=-1)
    nrm = jnp.sqrt(jnp.sum(v * v, axis=-1, keepdims=True))
    return v / jnp.maximum(nrm, eps)


def setup_inputs(seed: int = 0) -> dict:
    key = jax.random.key(seed)
    k1, k2, k3, k4 = jax.random.split(key, 4)
    x = jax.random.randint(k1, (2, Q), 0, N, dtype=jnp.int64)
    edge_index = jax.random.randint(k2, (2, E), 0, N, dtype=jnp.int64)
    embedding = jax.random.normal(k3, (N, IN), dtype=jnp.float32)
    # BGCNA learned parameters (shared weight since share=True)
    W = jax.random.normal(k4, (IN, OUT), dtype=jnp.float32) * 0.05
    b = jnp.zeros((OUT,), dtype=jnp.float32)
    return {"x": x, "edge_index": edge_index, "embedding": embedding, "W": W, "b": b}


def _bgcna(embedding, edge_index, W, b):
    # Bipartite/graph GCN-style layer with lamda residual mixing (share=True -> single W)
    h = embedding @ W + b
    src = edge_index[0]
    dst = edge_index[1]
    loop = jnp.arange(N, dtype=src.dtype)
    src_f = jnp.concatenate([src, loop])
    dst_f = jnp.concatenate([dst, loop])
    deg = jnp.zeros((N,), dtype=jnp.float32).at[dst_f].add(1.0)
    dinv = jax.lax.rsqrt(jnp.clip(deg, 1.0, None))
    norm = dinv[src_f] * dinv[dst_f]
    msgs = h[src_f] * norm[:, None]
    agg = jnp.zeros((N, OUT), dtype=jnp.float32).at[dst_f].add(msgs)
    return LAMDA * agg + (1.0 - LAMDA) * h


def reference(x, edge_index, embedding, W, b):
    emb = _bgcna(embedding, edge_index, W, b)
    # dropout is identity at inference
    drug = _l2_normalize(jnp.take(emb, x[0], axis=0))
    disease = _l2_normalize(jnp.take(emb, x[1], axis=0))
    return (drug, disease)

if __name__ == "__main__":
    import jax
    _d = setup_inputs()
    print(jax.jit(kernel)(*tuple(_d.values())))

</pallas_src>

<mosaic_0001>
#map = affine_map<(d0, d1) -> (0, 0)>
module attributes {stable_mosaic.version = 14 : i64} {
  func.func @_take_kernel(%arg0: i32, %arg1: i32, %arg2: memref<10240x512xf32, #tpu.memory_space<hbm>>, %arg3: memref<2x16384xi32, #tpu.memory_space<hbm>>, %arg4: memref<16384x512xf32, #tpu.memory_space<hbm>>, %arg5: memref<16384x512xf32, #tpu.memory_space<hbm>>, %arg6: memref<1024xi32, #tpu.memory_space<vmem>>, %arg7: memref<4x32x512xf32, #tpu.memory_space<vmem>>, %arg8: memref<4x!tpu.dma_semaphore, #tpu.memory_space<semaphore_mem>>, %arg9: memref<4x!tpu.dma_semaphore, #tpu.memory_space<semaphore_mem>>) attributes {dimension_semantics = [#tpu.dimension_semantics<core_parallel>, #tpu.dimension_semantics<subcore_parallel>], iteration_bounds = array<i64: 2, 16>, scalar_prefetch = 0 : i64, scratch_operands = 4 : i64, tpu.core_type = #tpu.core_type<sc_vector_subcore>, window_params = [{transform_indices = #map}, {transform_indices = #map}, {transform_indices = #map}, {transform_indices = #map}]} {
    %eq3A = arith.constant 0 : i32
    %eq3A_0 = arith.cmpi eq, %arg0, %eq3A : i32
    %convert_element_type3A = arith.extui %eq3A_0 : i1 to i32
    %cond3A = arith.constant 0 : i32
    %cond3A_1 = arith.cmpi ne, %convert_element_type3A, %cond3A : i32
    scf.if %cond3A_1 {
      %mul3A = arith.constant 1024 : i32
      %mul3A_7 = arith.muli %arg1, %mul3A : i32
      %run_scoped3A = arith.constant 0 : i32
      "tpu.region"() ({
        %run_scoped3A_79 = tpu.sem_alloc : memref<!tpu.dma_semaphore, #tpu.memory_space<semaphore_mem>>
        %dma_start3A_80 = tpu.memref_slice %arg3[%run_scoped3A, %mul3A_7] : memref<2x16384xi32, #tpu.memory_space<hbm>> -> memref<1x1024xi32, #tpu.memory_space<hbm>>
        %dma_start3A_81 = tpu.memref_squeeze %dma_start3A_80 : memref<1x1024xi32, #tpu.memory_space<hbm>> -> memref<1024xi32, #tpu.memory_space<hbm>>
        %dma_start3A_82 = tpu.memref_slice %arg3[%run_scoped3A, %mul3A_7] : memref<2x16384xi32, #tpu.memory_space<hbm>> -> memref<1x1024xi32, #tpu.memory_space<hbm>>
        %dma_start3A_83 = tpu.memref_squeeze %dma_start3A_82 : memref<1x1024xi32, #tpu.memory_space<hbm>> -> memref<1024xi32, #tpu.memory_space<hbm>>
        tpu.enqueue_dma source(%dma_start3A_83 : memref<1024xi32, #tpu.memory_space<hbm>>) target(%arg6 : memref<1024xi32, #tpu.memory_space<vmem>>) target_semaphore(%run_scoped3A_79 : memref<!tpu.dma_semaphore, #tpu.memory_space<semaphore_mem>>)
        %dma_wait3A_84 = tpu.memref_slice %arg3[%run_scoped3A, %mul3A_7] : memref<2x16384xi32, #tpu.memory_space<hbm>> -> memref<1x1024xi32, #tpu.memory_space<hbm>>
        %dma_wait3A_85 = tpu.memref_squeeze %dma_wait3A_84 : memref<1x1024xi32, #tpu.memory_space<hbm>> -> memref<1024xi32, #tpu.memory_space<hbm>>
        %dma_wait3A_86 = tpu.memref_slice %arg3[%run_scoped3A, %mul3A_7] : memref<2x16384xi32, #tpu.memory_space<hbm>> -> memref<1x1024xi32, #tpu.memory_space<hbm>>
        %dma_wait3A_87 = tpu.memref_squeeze %dma_wait3A_86 : memref<1x1024xi32, #tpu.memory_space<hbm>> -> memref<1024xi32, #tpu.memory_space<hbm>>
        tpu.wait_dma2 semaphore(%run_scoped3A_79 : memref<!tpu.dma_semaphore, #tpu.memory_space<semaphore_mem>>) src(%dma_wait3A_87 : memref<1024xi32, #tpu.memory_space<hbm>>) dst(%arg6 : memref<1024xi32, #tpu.memory_space<vmem>>)
        tpu.yield
      }) : () -> ()
      %multiple_of3A = arith.constant 0 : i32
      %multiple_of3A_8 = tpu.assume_multiple %multiple_of3A, 8 : i32
      %dma_start3A = arith.constant 0 : i32
      %dma_start3A_9 = arith.constant 0 : i32
      %dma_start3A_10 = arith.constant 0 : i32
      %dma_start3A_11 = arith.constant 0 : i32
      %dma_start3A_12 = tpu.memref_slice %arg7[%dma_start3A, %dma_start3A_10, %dma_start3A_11] : memref<4x32x512xf32, #tpu.memory_space<vmem>> -> memref<1x32x512xf32, #tpu.memory_space<vmem>>
      %dma_start3A_13 = tpu.memref_squeeze %dma_start3A_12 : memref<1x32x512xf32, #tpu.memory_space<vmem>> -> memref<32x512xf32, #tpu.memory_space<vmem>>
      %dma_start3A_14 = tpu.memref_slice %arg6[%multiple_of3A_8] : memref<1024xi32, #tpu.memory_space<vmem>> -> memref<32xi32, #tpu.memory_space<vmem>>
      %dma_start3A_15 = arith.constant 0 : i32
      %dma_start3A_16 = arith.constant 0 : i32
      %dma_start3A_17 = tpu.memref_slice %arg2[%dma_start3A_15, %dma_start3A_16] : memref<10240x512xf32, #tpu.memory_space<hbm>> -> memref<10240x512xf32, #tpu.memory_space<hbm>>
      %dma_start3A_18 = tpu.memref_slice %arg8[%dma_start3A_9] : memref<4x!tpu.dma_semaphore, #tpu.memory_space<semaphore_mem>> -> memref<1x!tpu.dma_semaphore, #tpu.memory_space<semaphore_mem>>
      %dma_start3A_19 = tpu.memref_squeeze %dma_start3A_18 : memref<1x!tpu.dma_semaphore, #tpu.memory_space<semaphore_mem>> -> memref<!tpu.dma_semaphore, #tpu.memory_space<semaphore_mem>>
      tpu.enqueue_indirect_dma source(%dma_start3A_17 : memref<10240x512xf32, #tpu.memory_space<hbm>>) target(%dma_start3A_13 : memref<32x512xf32, #tpu.memory_space<vmem>>) offsets(%dma_start3A_14 : memref<32xi32, #tpu.memory_space<vmem>>) semaphore(%dma_start3A_19 : memref<!tpu.dma_semaphore, #tpu.memory_space<semaphore_mem>>)
      %multiple_of3A_20 = arith.constant 32 : i32
      %multiple_of3A_21 = tpu.assume_multiple %multiple_of3A_20, 8 : i32
      %dma_start3A_22 = arith.constant 1 : i32
      %dma_start3A_23 = arith.constant 1 : i32
      %dma_start3A_24 = arith.constant 0 : i32
      %dma_start3A_25 = arith.constant 0 : i32
      %dma_start3A_26 = tpu.memref_slice %arg7[%dma_start3A_22, %dma_start3A_24, %dma_start3A_25] : memref<4x32x512xf32, #tpu.memory_space<vmem>> -> memref<1x32x512xf32, #tpu.memory_space<vmem>>
      %dma_start3A_27 = tpu.memref_squeeze %dma_start3A_26 : memref<1x32x512xf32, #tpu.memory_space<vmem>> -> memref<32x512xf32, #tpu.memory_space<vmem>>
      %dma_start3A_28 = tpu.memref_slice %arg6[%multiple_of3A_21] : memref<1024xi32, #tpu.memory_space<vmem>> -> memref<32xi32, #tpu.memory_space<vmem>>
      %dma_start3A_29 = arith.constant 0 : i32
      %dma_start3A_30 = arith.constant 0 : i32
      %dma_start3A_31 = tpu.memref_slice %arg2[%dma_start3A_29, %dma_start3A_30] : memref<10240x512xf32, #tpu.memory_space<hbm>> -> memref<10240x512xf32, #tpu.memory_space<hbm>>
      %dma_start3A_32 = tpu.memref_slice %arg8[%dma_start3A_23] : memref<4x!tpu.dma_semaphore, #tpu.memory_space<semaphore_mem>> -> memref<1x!tpu.dma_semaphore, #tpu.memory_space<semaphore_mem>>
      %dma_start3A_33 = tpu.memref_squeeze %dma_start3A_32 : memref<1x!tpu.dma_semaphore, #tpu.memory_space<semaphore_mem>> -> memref<!tpu.dma_semaphore, #tpu.memory_space<semaphore_mem>>
      tpu.enqueue_indirect_dma source(%dma_start3A_31 : memref<10240x512xf32, #tpu.memory_space<hbm>>) target(%dma_start3A_27 : memref<32x512xf32, #tpu.memory_space<vmem>>) offsets(%dma_start3A_28 : memref<32xi32, #tpu.memory_space<vmem>>) semaphore(%dma_start3A_33 : memref<!tpu.dma_semaphore, #tpu.memory_space<semaphore_mem>>)
      %scan3A = arith.constant 0 : i32
      %scan3A_34 = arith.constant 0 : i32
      %scan3A_35 = arith.constant 32 : i32
      %scan3A_36 = arith.addi %scan3A_34, %scan3A_35 : i32
      %scan3A_37 = arith.constant 1 : i32
      scf.for %scan3A_79 = %scan3A_34 to %scan3A_36 step %scan3A_37  : i32 {
        %jit3A = arith.constant 4 : i32
        %eq3A_80 = arith.constant 0 : i32
        %eq3A_81 = arith.cmpi eq, %jit3A, %eq3A_80 : i32
        %jit3A_82 = arith.constant 1 : i32
        %select_n3A = arith.select %eq3A_81, %jit3A_82, %jit3A : i32
        %rem3A = arith.remsi %scan3A_79, %select_n3A : i32
        %ne3A = arith.constant 0 : i32
        %ne3A_83 = arith.cmpi ne, %rem3A, %ne3A : i32
        %lt3A = arith.constant 0 : i32
        %lt3A_84 = arith.cmpi slt, %rem3A, %lt3A : i32
        %lt3A_85 = arith.constant 0 : i32
        %lt3A_86 = arith.cmpi slt, %select_n3A, %lt3A_85 : i32
        %ne3A_87 = arith.xori %lt3A_84, %lt3A_86 : i1
        %and3A = arith.andi %ne3A_87, %ne3A_83 : i1
        %add3A_88 = arith.addi %rem3A, %select_n3A : i32
        %select_n3A_89 = arith.select %and3A, %add3A_88, %rem3A : i32
        %mul3A_90 = arith.constant 32 : i32
        %mul3A_91 = arith.muli %scan3A_79, %mul3A_90 : i32
        %multiple_of3A_92 = tpu.assume_multiple %mul3A_91, 8 : i32
        %dma_wait3A_93 = arith.constant 0 : i32
        %dma_wait3A_94 = arith.constant 0 : i32
        %dma_wait3A_95 = tpu.memref_slice %arg7[%select_n3A_89, %dma_wait3A_93, %dma_wait3A_94] : memref<4x32x512xf32, #tpu.memory_space<vmem>> -> memref<1x32x512xf32, #tpu.memory_space<vmem>>
        %dma_wait3A_96 = tpu.memref_squeeze %dma_wait3A_95 : memref<1x32x512xf32, #tpu.memory_space<vmem>> -> memref<32x512xf32, #tpu.memory_space<vmem>>
        %dma_wait3A_97 = tpu.memref_slice %arg6[%multiple_of3A_92] : memref<1024xi32, #tpu.memory_space<vmem>> -> memref<32xi32, #tpu.memory_space<vmem>>
        %dma_wait3A_98 = arith.constant 0 : i32
        %dma_wait3A_99 = arith.constant 0 : i32
        %dma_wait3A_100 = tpu.memref_slice %arg2[%dma_wait3A_98, %dma_wait3A_99] : memref<10240x512xf32, #tpu.memory_space<hbm>> -> memref<10240x512xf32, #tpu.memory_space<hbm>>
        %dma_wait3A_101 = tpu.memref_slice %arg8[%select_n3A_89] : memref<4x!tpu.dma_semaphore, #tpu.memory_space<semaphore_mem>> -> memref<1x!tpu.dma_semaphore, #tpu.memory_space<semaphore_mem>>
        %dma_wait3A_102 = tpu.memref_squeeze %dma_wait3A_101 : memref<1x!tpu.dma_semaphore, #tpu.memory_space<semaphore_mem>> -> memref<!tpu.dma_semaphore, #tpu.memory_space<semaphore_mem>>
        tpu.wait_indirect_dma semaphore(%dma_wait3A_102 : memref<!tpu.dma_semaphore, #tpu.memory_space<semaphore_mem>>) src(%dma_wait3A_100 : memref<10240x512xf32, #tpu.memory_space<hbm>>) dst(%dma_wait3A_96 : memref<32x512xf32, #tpu.memory_space<vmem>>)
        %mul3A_103 = arith.constant 1024 : i32
        %mul3A_104 = arith.muli %arg1, %mul3A_103 : i32
        %mul3A_105 = arith.constant 32 : i32
        %mul3A_106 = arith.muli %scan3A_79, %mul3A_105 : i32
        %add3A_107 = arith.addi %mul3A_104, %mul3A_106 : i32
        %multiple_of3A_108 = tpu.assume_multiple %add3A_107, 8 : i32
        %dma_start3A_109 = arith.constant 0 : i32
        %dma_start3A_110 = arith.constant 0 : i32
        %dma_start3A_111 = tpu.memref_slice %arg7[%select_n3A_89, %dma_start3A_109, %dma_start3A_110] : memref<4x32x512xf32, #tpu.memory_space<vmem>> -> memref<1x32x512xf32, #tpu.memory_space<vmem>>
        %dma_start3A_112 = tpu.memref_squeeze %dma_start3A_111 : memref<1x32x512xf32, #tpu.memory_space<vmem>> -> memref<32x512xf32, #tpu.memory_space<vmem>>
        %dma_start3A_113 = arith.constant 0 : i32
        %dma_start3A_114 = tpu.memref_slice %arg4[%multiple_of3A_108, %dma_start3A_113] : memref<16384x512xf32, #tpu.memory_space<hbm>> -> memref<32x512xf32, #tpu.memory_space<hbm>>
        %dma_start3A_115 = tpu.memref_slice %arg9[%select_n3A_89] : memref<4x!tpu.dma_semaphore, #tpu.memory_space<semaphore_mem>> -> memref<1x!tpu.dma_semaphore, #tpu.memory_space<semaphore_mem>>
        %dma_start3A_116 = tpu.memref_squeeze %dma_start3A_115 : memref<1x!tpu.dma_semaphore, #tpu.memory_space<semaphore_mem>> -> memref<!tpu.dma_semaphore, #tpu.memory_space<semaphore_mem>>
        %dma_start3A_117 = arith.constant 0 : i32
        %dma_start3A_118 = tpu.memref_slice %arg4[%multiple_of3A_108, %dma_start3A_117] : memref<16384x512xf32, #tpu.memory_space<hbm>> -> memref<32x512xf32, #tpu.memory_space<hbm>>
        %dma_start3A_119 = arith.constant 0 : i32
        %dma_start3A_120 = arith.constant 0 : i32
        %dma_start3A_121 = tpu.memref_slice %arg7[%select_n3A_89, %dma_start3A_119, %dma_start3A_120] : memref<4x32x512xf32, #tpu.memory_space<vmem>> -> memref<1x32x512xf32, #tpu.memory_space<vmem>>
        %dma_start3A_122 = tpu.memref_squeeze %dma_start3A_121 : memref<1x32x512xf32, #tpu.memory_space<vmem>> -> memref<32x512xf32, #tpu.memory_space<vmem>>
        tpu.enqueue_dma source(%dma_start3A_122 : memref<32x512xf32, #tpu.memory_space<vmem>>) target(%dma_start3A_118 : memref<32x512xf32, #tpu.memory_space<hbm>>) target_semaphore(%dma_start3A_116 : memref<!tpu.dma_semaphore, #tpu.memory_space<semaphore_mem>>)
        %ge3A = arith.constant 2 : i32
        %ge3A_123 = arith.cmpi sge, %scan3A_79, %ge3A : i32
        %convert_element_type3A_124 = arith.extui %ge3A_123 : i1 to i32
        %cond3A_125 = arith.constant 0 : i32
        %cond3A_126 = arith.cmpi ne, %convert_element_type3A_124, %cond3A_125 : i32
        scf.if %cond3A_126 {
          %sub3A = arith.constant 2 : i32
          %sub3A_134 = arith.subi %scan3A_79, %sub3A : i32
          %sub3A_135 = arith.constant 2 : i32
          %sub3A_136 = arith.subi %scan3A_79, %sub3A_135 : i32
          %jit3A_137 = arith.constant 4 : i32
          %eq3A_138 = arith.constant 0 : i32
          %eq3A_139 = arith.cmpi eq, %jit3A_137, %eq3A_138 : i32
          %jit3A_140 = arith.constant 1 : i32
          %select_n3A_141 = arith.select %eq3A_139, %jit3A_140, %jit3A_137 : i32
          %rem3A_142 = arith.remsi %sub3A_136, %select_n3A_141 : i32
          %ne3A_143 = arith.constant 0 : i32
          %ne3A_144 = arith.cmpi ne, %rem3A_142, %ne3A_143 : i32
          %lt3A_145 = arith.constant 0 : i32
          %lt3A_146 = arith.cmpi slt, %rem3A_142, %lt3A_145 : i32
          %lt3A_147 = arith.constant 0 : i32
          %lt3A_148 = arith.cmpi slt, %select_n3A_141, %lt3A_147 : i32
          %ne3A_149 = arith.xori %lt3A_146, %lt3A_148 : i1
          %and3A_150 = arith.andi %ne3A_149, %ne3A_144 : i1
          %add3A_151 = arith.addi %rem3A_142, %select_n3A_141 : i32
          %select_n3A_152 = arith.select %and3A_150, %add3A_151, %rem3A_142 : i32
          %mul3A_153 = arith.constant 1024 : i32
          %mul3A_154 = arith.muli %arg1, %mul3A_153 : i32
          %mul3A_155 = arith.constant 32 : i32
          %mul3A_156 = arith.muli %sub3A_134, %mul3A_155 : i32
          %add3A_157 = arith.addi %mul3A_154, %mul3A_156 : i32
          %multiple_of3A_158 = tpu.assume_multiple %add3A_157, 8 : i32
          %dma_wait3A_159 = arith.constant 0 : i32
          %dma_wait3A_160 = arith.constant 0 : i32
          %dma_wait3A_161 = tpu.memref_slice %arg7[%select_n3A_152, %dma_wait3A_159, %dma_wait3A_160] : memref<4x32x512xf32, #tpu.memory_space<vmem>> -> memref<1x32x512xf32, #tpu.memory_space<vmem>>
          %dma_wait3A_162 = tpu.memref_squeeze %dma_wait3A_161 : memref<1x32x512xf32, #tpu.memory_space<vmem>> -> memref<32x512xf32, #tpu.memory_space<vmem>>
          %dma_wait3A_163 = arith.constant 0 : i32
          %dma_wait3A_164 = tpu.memref_slice %arg4[%multiple_of3A_158, %dma_wait3A_163] : memref<16384x512xf32, #tpu.memory_space<hbm>> -> memref<32x512xf32, #tpu.memory_space<hbm>>
          %dma_wait3A_165 = tpu.memref_slice %arg9[%select_n3A_152] : memref<4x!tpu.dma_semaphore, #tpu.memory_space<semaphore_mem>> -> memref<1x!tpu.dma_semaphore, #tpu.memory_space<semaphore_mem>>
          %dma_wait3A_166 = tpu.memref_squeeze %dma_wait3A_165 : memref<1x!tpu.dma_semaphore, #tpu.memory_space<semaphore_mem>> -> memref<!tpu.dma_semaphore, #tpu.memory_space<semaphore_mem>>
          %dma_wait3A_167 = arith.constant 0 : i32
          %dma_wait3A_168 = tpu.memref_slice %arg4[%multiple_of3A_158, %dma_wait3A_167] : memref<16384x512xf32, #tpu.memory_space<hbm>> -> memref<32x512xf32, #tpu.memory_space<hbm>>
          %dma_wait3A_169 = arith.constant 0 : i32
          %dma_wait3A_170 = arith.constant 0 : i32
          %dma_wait3A_171 = tpu.memref_slice %arg7[%select_n3A_152, %dma_wait3A_169, %dma_wait3A_170] : memref<4x32x512xf32, #tpu.memory_space<vmem>> -> memref<1x32x512xf32, #tpu.memory_space<vmem>>
          %dma_wait3A_172 = tpu.memref_squeeze %dma_wait3A_171 : memref<1x32x512xf32, #tpu.memory_space<vmem>> -> memref<32x512xf32, #tpu.memory_space<vmem>>
          tpu.wait_dma2 semaphore(%dma_wait3A_166 : memref<!tpu.dma_semaphore, #tpu.memory_space<semaphore_mem>>) src(%dma_wait3A_172 : memref<32x512xf32, #tpu.memory_space<vmem>>) dst(%dma_wait3A_168 : memref<32x512xf32, #tpu.memory_space<hbm>>)
        } else {
        }
        %add3A_127 = arith.constant 2 : i32
        %add3A_128 = arith.addi %scan3A_79, %add3A_127 : i32
        %lt3A_129 = arith.constant 32 : i32
        %lt3A_130 = arith.cmpi slt, %add3A_128, %lt3A_129 : i32
        %convert_element_type3A_131 = arith.extui %lt3A_130 : i1 to i32
        %cond3A_132 = arith.constant 0 : i32
        %cond3A_133 = arith.cmpi ne, %convert_element_type3A_131, %cond3A_132 : i32
        scf.if %cond3A_133 {
          %add3A_134 = arith.constant 2 : i32
          %add3A_135 = arith.addi %scan3A_79, %add3A_134 : i32
          %add3A_136 = arith.constant 2 : i32
          %add3A_137 = arith.addi %scan3A_79, %add3A_136 : i32
          %jit3A_138 = arith.constant 4 : i32
          %eq3A_139 = arith.constant 0 : i32
          %eq3A_140 = arith.cmpi eq, %jit3A_138, %eq3A_139 : i32
          %jit3A_141 = arith.constant 1 : i32
          %select_n3A_142 = arith.select %eq3A_140, %jit3A_141, %jit3A_138 : i32
          %rem3A_143 = arith.remsi %add3A_137, %select_n3A_142 : i32
          %ne3A_144 = arith.constant 0 : i32
          %ne3A_145 = arith.cmpi ne, %rem3A_143, %ne3A_144 : i32
          %lt3A_146 = arith.constant 0 : i32
          %lt3A_147 = arith.cmpi slt, %rem3A_143, %lt3A_146 : i32
          %lt3A_148 = arith.constant 0 : i32
          %lt3A_149 = arith.cmpi slt, %select_n3A_142, %lt3A_148 : i32
          %ne3A_150 = arith.xori %lt3A_147, %lt3A_149 : i1
          %and3A_151 = arith.andi %ne3A_150, %ne3A_145 : i1
          %add3A_152 = arith.addi %rem3A_143, %select_n3A_142 : i32
          %select_n3A_153 = arith.select %and3A_151, %add3A_152, %rem3A_143 : i32
          %mul3A_154 = arith.constant 32 : i32
          %mul3A_155 = arith.muli %add3A_135, %mul3A_154 : i32
          %multiple_of3A_156 = tpu.assume_multiple %mul3A_155, 8 : i32
          %dma_start3A_157 = arith.constant 0 : i32
          %dma_start3A_158 = arith.constant 0 : i32
          %dma_start3A_159 = tpu.memref_slice %arg7[%select_n3A_153, %dma_start3A_157, %dma_start3A_158] : memref<4x32x512xf32, #tpu.memory_space<vmem>> -> memref<1x32x512xf32, #tpu.memory_space<vmem>>
          %dma_start3A_160 = tpu.memref_squeeze %dma_start3A_159 : memref<1x32x512xf32, #tpu.memory_space<vmem>> -> memref<32x512xf32, #tpu.memory_space<vmem>>
          %dma_start3A_161 = tpu.memref_slice %arg6[%multiple_of3A_156] : memref<1024xi32, #tpu.memory_space<vmem>> -> memref<32xi32, #tpu.memory_space<vmem>>
          %dma_start3A_162 = arith.constant 0 : i32
          %dma_start3A_163 = arith.constant 0 : i32
          %dma_start3A_164 = tpu.memref_slice %arg2[%dma_start3A_162, %dma_start3A_163] : memref<10240x512xf32, #tpu.memory_space<hbm>> -> memref<10240x512xf32, #tpu.memory_space<hbm>>
          %dma_start3A_165 = tpu.memref_slice %arg8[%select_n3A_153] : memref<4x!tpu.dma_semaphore, #tpu.memory_space<semaphore_mem>> -> memref<1x!tpu.dma_semaphore, #tpu.memory_space<semaphore_mem>>
          %dma_start3A_166 = tpu.memref_squeeze %dma_start3A_165 : memref<1x!tpu.dma_semaphore, #tpu.memory_space<semaphore_mem>> -> memref<!tpu.dma_semaphore, #tpu.memory_space<semaphore_mem>>
          tpu.enqueue_indirect_dma source(%dma_start3A_164 : memref<10240x512xf32, #tpu.memory_space<hbm>>) target(%dma_start3A_160 : memref<32x512xf32, #tpu.memory_space<vmem>>) offsets(%dma_start3A_161 : memref<32xi32, #tpu.memory_space<vmem>>) semaphore(%dma_start3A_166 : memref<!tpu.dma_semaphore, #tpu.memory_space<semaphore_mem>>)
        } else {
        }
      }
      %scan3A_38 = arith.constant 32 : i32
      %mul3A_39 = arith.constant 1024 : i32
      %mul3A_40 = arith.muli %arg1, %mul3A_39 : i32
      %add3A = arith.constant 960 : i32
      %add3A_41 = arith.addi %mul3A_40, %add3A : i32
      %multiple_of3A_42 = tpu.assume_multiple %add3A_41, 8 : i32
      %dma_wait3A = arith.constant 2 : i32
      %dma_wait3A_43 = arith.constant 2 : i32
      %dma_wait3A_44 = arith.constant 0 : i32
      %dma_wait3A_45 = arith.constant 0 : i32
      %dma_wait3A_46 = tpu.memref_slice %arg7[%dma_wait3A, %dma_wait3A_44, %dma_wait3A_45] : memref<4x32x512xf32, #tpu.memory_space<vmem>> -> memref<1x32x512xf32, #tpu.memory_space<vmem>>
      %dma_wait3A_47 = tpu.memref_squeeze %dma_wait3A_46 : memref<1x32x512xf32, #tpu.memory_space<vmem>> -> memref<32x512xf32, #tpu.memory_space<vmem>>
      %dma_wait3A_48 = arith.constant 0 : i32
      %dma_wait3A_49 = tpu.memref_slice %arg4[%multiple_of3A_42, %dma_wait3A_48] : memref<16384x512xf32, #tpu.memory_space<hbm>> -> memref<32x512xf32, #tpu.memory_space<hbm>>
      %dma_wait3A_50 = tpu.memref_slice %arg9[%dma_wait3A_43] : memref<4x!tpu.dma_semaphore, #tpu.memory_space<semaphore_mem>> -> memref<1x!tpu.dma_semaphore, #tpu.memory_space<semaphore_mem>>
      %dma_wait3A_51 = tpu.memref_squeeze %dma_wait3A_50 : memref<1x!tpu.dma_semaphore, #tpu.memory_space<semaphore_mem>> -> memref<!tpu.dma_semaphore, #tpu.memory_space<semaphore_mem>>
      %dma_wait3A_52 = arith.constant 0 : i32
      %dma_wait3A_53 = tpu.memref_slice %arg4[%multiple_of3A_42, %dma_wait3A_52] : memref<16384x512xf32, #tpu.memory_space<hbm>> -> memref<32x512xf32, #tpu.memory_space<hbm>>
      %dma_wait3A_54 = arith.constant 0 : i32
      %dma_wait3A_55 = arith.constant 0 : i32
      %dma_wait3A_56 = tpu.memref_slice %arg7[%dma_wait3A, %dma_wait3A_54, %dma_wait3A_55] : memref<4x32x512xf32, #tpu.memory_space<vmem>> -> memref<1x32x512xf32, #tpu.memory_space<vmem>>
      %dma_wait3A_57 = tpu.memref_squeeze %dma_wait3A_56 : memref<1x32x512xf32, #tpu.memory_space<vmem>> -> memref<32x512xf32, #tpu.memory_space<vmem>>
      tpu.wait_dma2 semaphore(%dma_wait3A_51 : memref<!tpu.dma_semaphore, #tpu.memory_space<semaphore_mem>>) src(%dma_wait3A_57 : memref<32x512xf32, #tpu.memory_space<vmem>>) dst(%dma_wait3A_53 : memref<32x512xf32, #tpu.memory_space<hbm>>)
      %mul3A_58 = arith.constant 1024 : i32
      %mul3A_59 = arith.muli %arg1, %mul3A_58 : i32
      %add3A_60 = arith.constant 992 : i32
      %add3A_61 = arith.addi %mul3A_59, %add3A_60 : i32
      %multiple_of3A_62 = tpu.assume_multiple %add3A_61, 8 : i32
      %dma_wait3A_63 = arith.constant 3 : i32
      %dma_wait3A_64 = arith.constant 3 : i32
      %dma_wait3A_65 = arith.constant 0 : i32
      %dma_wait3A_66 = arith.constant 0 : i32
      %dma_wait3A_67 = tpu.memref_slice %arg7[%dma_wait3A_63, %dma_wait3A_65, %dma_wait3A_66] : memref<4x32x512xf32, #tpu.memory_space<vmem>> -> memref<1x32x512xf32, #tpu.memory_space<vmem>>
      %dma_wait3A_68 = tpu.memref_squeeze %dma_wait3A_67 : memref<1x32x512xf32, #tpu.memory_space<vmem>> -> memref<32x512xf32, #tpu.memory_space<vmem>>
      %dma_wait3A_69 = arith.constant 0 : i32
      %dma_wait3A_70 = tpu.memref_slice %arg4[%multiple_of3A_62, %dma_wait3A_69] : memref<16384x512xf32, #tpu.memory_space<hbm>> -> memref<32x512xf32, #tpu.memory_space<hbm>>
      %dma_wait3A_71 = tpu.memref_slice %arg9[%dma_wait3A_64] : memref<4x!tpu.dma_semaphore, #tpu.memory_space<semaphore_mem>> -> memref<1x!tpu.dma_semaphore, #tpu.memory_space<semaphore_mem>>
      %dma_wait3A_72 = tpu.memref_squeeze %dma_wait3A_71 : memref<1x!tpu.dma_semaphore, #tpu.memory_space<semaphore_mem>> -> memref<!tpu.dma_semaphore, #tpu.memory_space<semaphore_mem>>
      %dma_wait3A_73 = arith.constant 0 : i32
      %dma_wait3A_74 = tpu.memref_slice %arg4[%multiple_of3A_62, %dma_wait3A_73] : memref<16384x512xf32, #tpu.memory_space<hbm>> -> memref<32x512xf32, #tpu.memory_space<hbm>>
      %dma_wait3A_75 = arith.constant 0 : i32
      %dma_wait3A_76 = arith.constant 0 : i32
      %dma_wait3A_77 = tpu.memref_slice %arg7[%dma_wait3A_63, %dma_wait3A_75, %dma_wait3A_76] : memref<4x32x512xf32, #tpu.memory_space<vmem>> -> memref<1x32x512xf32, #tpu.memory_space<vmem>>
      %dma_wait3A_78 = tpu.memref_squeeze %dma_wait3A_77 : memref<1x32x512xf32, #tpu.memory_space<vmem>> -> memref<32x512xf32, #tpu.memory_space<vmem>>
      tpu.wait_dma2 semaphore(%dma_wait3A_72 : memref<!tpu.dma_semaphore, #tpu.memory_space<semaphore_mem>>) src(%dma_wait3A_78 : memref<32x512xf32, #tpu.memory_space<vmem>>) dst(%dma_wait3A_74 : memref<32x512xf32, #tpu.memory_space<hbm>>)
    } else {
    }
    %eq3A_2 = arith.constant 1 : i32
    %eq3A_3 = arith.cmpi eq, %arg0, %eq3A_2 : i32
    %convert_element_type3A_4 = arith.extui %eq3A_3 : i1 to i32
    %cond3A_5 = arith.constant 0 : i32
    %cond3A_6 = arith.cmpi ne, %convert_element_type3A_4, %cond3A_5 : i32
    scf.if %cond3A_6 {
      %mul3A = arith.constant 1024 : i32
      %mul3A_7 = arith.muli %arg1, %mul3A : i32
      %run_scoped3A = arith.constant 1 : i32
      "tpu.region"() ({
        %run_scoped3A_79 = tpu.sem_alloc : memref<!tpu.dma_semaphore, #tpu.memory_space<semaphore_mem>>
        %dma_start3A_80 = tpu.memref_slice %arg3[%run_scoped3A, %mul3A_7] : memref<2x16384xi32, #tpu.memory_space<hbm>> -> memref<1x1024xi32, #tpu.memory_space<hbm>>
        %dma_start3A_81 = tpu.memref_squeeze %dma_start3A_80 : memref<1x1024xi32, #tpu.memory_space<hbm>> -> memref<1024xi32, #tpu.memory_space<hbm>>
        %dma_start3A_82 = tpu.memref_slice %arg3[%run_scoped3A, %mul3A_7] : memref<2x16384xi32, #tpu.memory_space<hbm>> -> memref<1x1024xi32, #tpu.memory_space<hbm>>
        %dma_start3A_83 = tpu.memref_squeeze %dma_start3A_82 : memref<1x1024xi32, #tpu.memory_space<hbm>> -> memref<1024xi32, #tpu.memory_space<hbm>>
        tpu.enqueue_dma source(%dma_start3A_83 : memref<1024xi32, #tpu.memory_space<hbm>>) target(%arg6 : memref<1024xi32, #tpu.memory_space<vmem>>) target_semaphore(%run_scoped3A_79 : memref<!tpu.dma_semaphore, #tpu.memory_space<semaphore_mem>>)
        %dma_wait3A_84 = tpu.memref_slice %arg3[%run_scoped3A, %mul3A_7] : memref<2x16384xi32, #tpu.memory_space<hbm>> -> memref<1x1024xi32, #tpu.memory_space<hbm>>
        %dma_wait3A_85 = tpu.memref_squeeze %dma_wait3A_84 : memref<1x1024xi32, #tpu.memory_space<hbm>> -> memref<1024xi32, #tpu.memory_space<hbm>>
        %dma_wait3A_86 = tpu.memref_slice %arg3[%run_scoped3A, %mul3A_7] : memref<2x16384xi32, #tpu.memory_space<hbm>> -> memref<1x1024xi32, #tpu.memory_space<hbm>>
        %dma_wait3A_87 = tpu.memref_squeeze %dma_wait3A_86 : memref<1x1024xi32, #tpu.memory_space<hbm>> -> memref<1024xi32, #tpu.memory_space<hbm>>
        tpu.wait_dma2 semaphore(%run_scoped3A_79 : memref<!tpu.dma_semaphore, #tpu.memory_space<semaphore_mem>>) src(%dma_wait3A_87 : memref<1024xi32, #tpu.memory_space<hbm>>) dst(%arg6 : memref<1024xi32, #tpu.memory_space<vmem>>)
        tpu.yield
      }) : () -> ()
      %multiple_of3A = arith.constant 0 : i32
      %multiple_of3A_8 = tpu.assume_multiple %multiple_of3A, 8 : i32
      %dma_start3A = arith.constant 0 : i32
      %dma_start3A_9 = arith.constant 0 : i32
      %dma_start3A_10 = arith.constant 0 : i32
      %dma_start3A_11 = arith.constant 0 : i32
      %dma_start3A_12 = tpu.memref_slice %arg7[%dma_start3A, %dma_start3A_10, %dma_start3A_11] : memref<4x32x512xf32, #tpu.memory_space<vmem>> -> memref<1x32x512xf32, #tpu.memory_space<vmem>>
      %dma_start3A_13 = tpu.memref_squeeze %dma_start3A_12 : memref<1x32x512xf32, #tpu.memory_space<vmem>> -> memref<32x512xf32, #tpu.memory_space<vmem>>
      %dma_start3A_14 = tpu.memref_slice %arg6[%multiple_of3A_8] : memref<1024xi32, #tpu.memory_space<vmem>> -> memref<32xi32, #tpu.memory_space<vmem>>
      %dma_start3A_15 = arith.constant 0 : i32
      %dma_start3A_16 = arith.constant 0 : i32
      %dma_start3A_17 = tpu.memref_slice %arg2[%dma_start3A_15, %dma_start3A_16] : memref<10240x512xf32, #tpu.memory_space<hbm>> -> memref<10240x512xf32, #tpu.memory_space<hbm>>
      %dma_start3A_18 = tpu.memref_slice %arg8[%dma_start3A_9] : memref<4x!tpu.dma_semaphore, #tpu.memory_space<semaphore_mem>> -> memref<1x!tpu.dma_semaphore, #tpu.memory_space<semaphore_mem>>
      %dma_start3A_19 = tpu.memref_squeeze %dma_start3A_18 : memref<1x!tpu.dma_semaphore, #tpu.memory_space<semaphore_mem>> -> memref<!tpu.dma_semaphore, #tpu.memory_space<semaphore_mem>>
      tpu.enqueue_indirect_dma source(%dma_start3A_17 : memref<10240x512xf32, #tpu.memory_space<hbm>>) target(%dma_start3A_13 : memref<32x512xf32, #tpu.memory_space<vmem>>) offsets(%dma_start3A_14 : memref<32xi32, #tpu.memory_space<vmem>>) semaphore(%dma_start3A_19 : memref<!tpu.dma_semaphore, #tpu.memory_space<semaphore_mem>>)
      %multiple_of3A_20 = arith.constant 32 : i32
      %multiple_of3A_21 = tpu.assume_multiple %multiple_of3A_20, 8 : i32
      %dma_start3A_22 = arith.constant 1 : i32
      %dma_start3A_23 = arith.constant 1 : i32
      %dma_start3A_24 = arith.constant 0 : i32
      %dma_start3A_25 = arith.constant 0 : i32
      %dma_start3A_26 = tpu.memref_slice %arg7[%dma_start3A_22, %dma_start3A_24, %dma_start3A_25] : memref<4x32x512xf32, #tpu.memory_space<vmem>> -> memref<1x32x512xf32, #tpu.memory_space<vmem>>
      %dma_start3A_27 = tpu.memref_squeeze %dma_start3A_26 : memref<1x32x512xf32, #tpu.memory_space<vmem>> -> memref<32x512xf32, #tpu.memory_space<vmem>>
      %dma_start3A_28 = tpu.memref_slice %arg6[%multiple_of3A_21] : memref<1024xi32, #tpu.memory_space<vmem>> -> memref<32xi32, #tpu.memory_space<vmem>>
      %dma_start3A_29 = arith.constant 0 : i32
      %dma_start3A_30 = arith.constant 0 : i32
      %dma_start3A_31 = tpu.memref_slice %arg2[%dma_start3A_29, %dma_start3A_30] : memref<10240x512xf32, #tpu.memory_space<hbm>> -> memref<10240x512xf32, #tpu.memory_space<hbm>>
      %dma_start3A_32 = tpu.memref_slice %arg8[%dma_start3A_23] : memref<4x!tpu.dma_semaphore, #tpu.memory_space<semaphore_mem>> -> memref<1x!tpu.dma_semaphore, #tpu.memory_space<semaphore_mem>>
      %dma_start3A_33 = tpu.memref_squeeze %dma_start3A_32 : memref<1x!tpu.dma_semaphore, #tpu.memory_space<semaphore_mem>> -> memref<!tpu.dma_semaphore, #tpu.memory_space<semaphore_mem>>
      tpu.enqueue_indirect_dma source(%dma_start3A_31 : memref<10240x512xf32, #tpu.memory_space<hbm>>) target(%dma_start3A_27 : memref<32x512xf32, #tpu.memory_space<vmem>>) offsets(%dma_start3A_28 : memref<32xi32, #tpu.memory_space<vmem>>) semaphore(%dma_start3A_33 : memref<!tpu.dma_semaphore, #tpu.memory_space<semaphore_mem>>)
      %scan3A = arith.constant 0 : i32
      %scan3A_34 = arith.constant 0 : i32
      %scan3A_35 = arith.constant 32 : i32
      %scan3A_36 = arith.addi %scan3A_34, %scan3A_35 : i32
      %scan3A_37 = arith.constant 1 : i32
      scf.for %scan3A_79 = %scan3A_34 to %scan3A_36 step %scan3A_37  : i32 {
        %jit3A = arith.constant 4 : i32
        %eq3A_80 = arith.constant 0 : i32
        %eq3A_81 = arith.cmpi eq, %jit3A, %eq3A_80 : i32
        %jit3A_82 = arith.constant 1 : i32
        %select_n3A = arith.select %eq3A_81, %jit3A_82, %jit3A : i32
        %rem3A = arith.remsi %scan3A_79, %select_n3A : i32
        %ne3A = arith.constant 0 : i32
        %ne3A_83 = arith.cmpi ne, %rem3A, %ne3A : i32
        %lt3A = arith.constant 0 : i32
        %lt3A_84 = arith.cmpi slt, %rem3A, %lt3A : i32
        %lt3A_85 = arith.constant 0 : i32
        %lt3A_86 = arith.cmpi slt, %select_n3A, %lt3A_85 : i32
        %ne3A_87 = arith.xori %lt3A_84, %lt3A_86 : i1
        %and3A = arith.andi %ne3A_87, %ne3A_83 : i1
        %add3A_88 = arith.addi %rem3A, %select_n3A : i32
        %select_n3A_89 = arith.select %and3A, %add3A_88, %rem3A : i32
        %mul3A_90 = arith.constant 32 : i32
        %mul3A_91 = arith.muli %scan3A_79, %mul3A_90 : i32
        %multiple_of3A_92 = tpu.assume_multiple %mul3A_91, 8 : i32
        %dma_wait3A_93 = arith.constant 0 : i32
        %dma_wait3A_94 = arith.constant 0 : i32
        %dma_wait3A_95 = tpu.memref_slice %arg7[%select_n3A_89, %dma_wait3A_93, %dma_wait3A_94] : memref<4x32x512xf32, #tpu.memory_space<vmem>> -> memref<1x32x512xf32, #tpu.memory_space<vmem>>
        %dma_wait3A_96 = tpu.memref_squeeze %dma_wait3A_95 : memref<1x32x512xf32, #tpu.memory_space<vmem>> -> memref<32x512xf32, #tpu.memory_space<vmem>>
        %dma_wait3A_97 = tpu.memref_slice %arg6[%multiple_of3A_92] : memref<1024xi32, #tpu.memory_space<vmem>> -> memref<32xi32, #tpu.memory_space<vmem>>
        %dma_wait3A_98 = arith.constant 0 : i32
        %dma_wait3A_99 = arith.constant 0 : i32
        %dma_wait3A_100 = tpu.memref_slice %arg2[%dma_wait3A_98, %dma_wait3A_99] : memref<10240x512xf32, #tpu.memory_space<hbm>> -> memref<10240x512xf32, #tpu.memory_space<hbm>>
        %dma_wait3A_101 = tpu.memref_slice %arg8[%select_n3A_89] : memref<4x!tpu.dma_semaphore, #tpu.memory_space<semaphore_mem>> -> memref<1x!tpu.dma_semaphore, #tpu.memory_space<semaphore_mem>>
        %dma_wait3A_102 = tpu.memref_squeeze %dma_wait3A_101 : memref<1x!tpu.dma_semaphore, #tpu.memory_space<semaphore_mem>> -> memref<!tpu.dma_semaphore, #tpu.memory_space<semaphore_mem>>
        tpu.wait_indirect_dma semaphore(%dma_wait3A_102 : memref<!tpu.dma_semaphore, #tpu.memory_space<semaphore_mem>>) src(%dma_wait3A_100 : memref<10240x512xf32, #tpu.memory_space<hbm>>) dst(%dma_wait3A_96 : memref<32x512xf32, #tpu.memory_space<vmem>>)
        %mul3A_103 = arith.constant 1024 : i32
        %mul3A_104 = arith.muli %arg1, %mul3A_103 : i32
        %mul3A_105 = arith.constant 32 : i32
        %mul3A_106 = arith.muli %scan3A_79, %mul3A_105 : i32
        %add3A_107 = arith.addi %mul3A_104, %mul3A_106 : i32
        %multiple_of3A_108 = tpu.assume_multiple %add3A_107, 8 : i32
        %dma_start3A_109 = arith.constant 0 : i32
        %dma_start3A_110 = arith.constant 0 : i32
        %dma_start3A_111 = tpu.memref_slice %arg7[%select_n3A_89, %dma_start3A_109, %dma_start3A_110] : memref<4x32x512xf32, #tpu.memory_space<vmem>> -> memref<1x32x512xf32, #tpu.memory_space<vmem>>
        %dma_start3A_112 = tpu.memref_squeeze %dma_start3A_111 : memref<1x32x512xf32, #tpu.memory_space<vmem>> -> memref<32x512xf32, #tpu.memory_space<vmem>>
        %dma_start3A_113 = arith.constant 0 : i32
        %dma_start3A_114 = tpu.memref_slice %arg5[%multiple_of3A_108, %dma_start3A_113] : memref<16384x512xf32, #tpu.memory_space<hbm>> -> memref<32x512xf32, #tpu.memory_space<hbm>>
        %dma_start3A_115 = tpu.memref_slice %arg9[%select_n3A_89] : memref<4x!tpu.dma_semaphore, #tpu.memory_space<semaphore_mem>> -> memref<1x!tpu.dma_semaphore, #tpu.memory_space<semaphore_mem>>
        %dma_start3A_116 = tpu.memref_squeeze %dma_start3A_115 : memref<1x!tpu.dma_semaphore, #tpu.memory_space<semaphore_mem>> -> memref<!tpu.dma_semaphore, #tpu.memory_space<semaphore_mem>>
        %dma_start3A_117 = arith.constant 0 : i32
        %dma_start3A_118 = tpu.memref_slice %arg5[%multiple_of3A_108, %dma_start3A_117] : memref<16384x512xf32, #tpu.memory_space<hbm>> -> memref<32x512xf32, #tpu.memory_space<hbm>>
        %dma_start3A_119 = arith.constant 0 : i32
        %dma_start3A_120 = arith.constant 0 : i32
        %dma_start3A_121 = tpu.memref_slice %arg7[%select_n3A_89, %dma_start3A_119, %dma_start3A_120] : memref<4x32x512xf32, #tpu.memory_space<vmem>> -> memref<1x32x512xf32, #tpu.memory_space<vmem>>
        %dma_start3A_122 = tpu.memref_squeeze %dma_start3A_121 : memref<1x32x512xf32, #tpu.memory_space<vmem>> -> memref<32x512xf32, #tpu.memory_space<vmem>>
        tpu.enqueue_dma source(%dma_start3A_122 : memref<32x512xf32, #tpu.memory_space<vmem>>) target(%dma_start3A_118 : memref<32x512xf32, #tpu.memory_space<hbm>>) target_semaphore(%dma_start3A_116 : memref<!tpu.dma_semaphore, #tpu.memory_space<semaphore_mem>>)
        %ge3A = arith.constant 2 : i32
        %ge3A_123 = arith.cmpi sge, %scan3A_79, %ge3A : i32
        %convert_element_type3A_124 = arith.extui %ge3A_123 : i1 to i32
        %cond3A_125 = arith.constant 0 : i32
        %cond3A_126 = arith.cmpi ne, %convert_element_type3A_124, %cond3A_125 : i32
        scf.if %cond3A_126 {
          %sub3A = arith.constant 2 : i32
          %sub3A_134 = arith.subi %scan3A_79, %sub3A : i32
          %sub3A_135 = arith.constant 2 : i32
          %sub3A_136 = arith.subi %scan3A_79, %sub3A_135 : i32
          %jit3A_137 = arith.constant 4 : i32
          %eq3A_138 = arith.constant 0 : i32
          %eq3A_139 = arith.cmpi eq, %jit3A_137, %eq3A_138 : i32
          %jit3A_140 = arith.constant 1 : i32
          %select_n3A_141 = arith.select %eq3A_139, %jit3A_140, %jit3A_137 : i32
          %rem3A_142 = arith.remsi %sub3A_136, %select_n3A_141 : i32
          %ne3A_143 = arith.constant 0 : i32
          %ne3A_144 = arith.cmpi ne, %rem3A_142, %ne3A_143 : i32
          %lt3A_145 = arith.constant 0 : i32
          %lt3A_146 = arith.cmpi slt, %rem3A_142, %lt3A_145 : i32
          %lt3A_147 = arith.constant 0 : i32
          %lt3A_148 = arith.cmpi slt, %select_n3A_141, %lt3A_147 : i32
          %ne3A_149 = arith.xori %lt3A_146, %lt3A_148 : i1
          %and3A_150 = arith.andi %ne3A_149, %ne3A_144 : i1
          %add3A_151 = arith.addi %rem3A_142, %select_n3A_141 : i32
          %select_n3A_152 = arith.select %and3A_150, %add3A_151, %rem3A_142 : i32
          %mul3A_153 = arith.constant 1024 : i32
          %mul3A_154 = arith.muli %arg1, %mul3A_153 : i32
          %mul3A_155 = arith.constant 32 : i32
          %mul3A_156 = arith.muli %sub3A_134, %mul3A_155 : i32
          %add3A_157 = arith.addi %mul3A_154, %mul3A_156 : i32
          %multiple_of3A_158 = tpu.assume_multiple %add3A_157, 8 : i32
          %dma_wait3A_159 = arith.constant 0 : i32
          %dma_wait3A_160 = arith.constant 0 : i32
          %dma_wait3A_161 = tpu.memref_slice %arg7[%select_n3A_152, %dma_wait3A_159, %dma_wait3A_160] : memref<4x32x512xf32, #tpu.memory_space<vmem>> -> memref<1x32x512xf32, #tpu.memory_space<vmem>>
          %dma_wait3A_162 = tpu.memref_squeeze %dma_wait3A_161 : memref<1x32x512xf32, #tpu.memory_space<vmem>> -> memref<32x512xf32, #tpu.memory_space<vmem>>
          %dma_wait3A_163 = arith.constant 0 : i32
          %dma_wait3A_164 = tpu.memref_slice %arg5[%multiple_of3A_158, %dma_wait3A_163] : memref<16384x512xf32, #tpu.memory_space<hbm>> -> memref<32x512xf32, #tpu.memory_space<hbm>>
          %dma_wait3A_165 = tpu.memref_slice %arg9[%select_n3A_152] : memref<4x!tpu.dma_semaphore, #tpu.memory_space<semaphore_mem>> -> memref<1x!tpu.dma_semaphore, #tpu.memory_space<semaphore_mem>>
          %dma_wait3A_166 = tpu.memref_squeeze %dma_wait3A_165 : memref<1x!tpu.dma_semaphore, #tpu.memory_space<semaphore_mem>> -> memref<!tpu.dma_semaphore, #tpu.memory_space<semaphore_mem>>
          %dma_wait3A_167 = arith.constant 0 : i32
          %dma_wait3A_168 = tpu.memref_slice %arg5[%multiple_of3A_158, %dma_wait3A_167] : memref<16384x512xf32, #tpu.memory_space<hbm>> -> memref<32x512xf32, #tpu.memory_space<hbm>>
          %dma_wait3A_169 = arith.constant 0 : i32
          %dma_wait3A_170 = arith.constant 0 : i32
          %dma_wait3A_171 = tpu.memref_slice %arg7[%select_n3A_152, %dma_wait3A_169, %dma_wait3A_170] : memref<4x32x512xf32, #tpu.memory_space<vmem>> -> memref<1x32x512xf32, #tpu.memory_space<vmem>>
          %dma_wait3A_172 = tpu.memref_squeeze %dma_wait3A_171 : memref<1x32x512xf32, #tpu.memory_space<vmem>> -> memref<32x512xf32, #tpu.memory_space<vmem>>
          tpu.wait_dma2 semaphore(%dma_wait3A_166 : memref<!tpu.dma_semaphore, #tpu.memory_space<semaphore_mem>>) src(%dma_wait3A_172 : memref<32x512xf32, #tpu.memory_space<vmem>>) dst(%dma_wait3A_168 : memref<32x512xf32, #tpu.memory_space<hbm>>)
        } else {
        }
        %add3A_127 = arith.constant 2 : i32
        %add3A_128 = arith.addi %scan3A_79, %add3A_127 : i32
        %lt3A_129 = arith.constant 32 : i32
        %lt3A_130 = arith.cmpi slt, %add3A_128, %lt3A_129 : i32
        %convert_element_type3A_131 = arith.extui %lt3A_130 : i1 to i32
        %cond3A_132 = arith.constant 0 : i32
        %cond3A_133 = arith.cmpi ne, %convert_element_type3A_131, %cond3A_132 : i32
        scf.if %cond3A_133 {
          %add3A_134 = arith.constant 2 : i32
          %add3A_135 = arith.addi %scan3A_79, %add3A_134 : i32
          %add3A_136 = arith.constant 2 : i32
          %add3A_137 = arith.addi %scan3A_79, %add3A_136 : i32
          %jit3A_138 = arith.constant 4 : i32
          %eq3A_139 = arith.constant 0 : i32
          %eq3A_140 = arith.cmpi eq, %jit3A_138, %eq3A_139 : i32
          %jit3A_141 = arith.constant 1 : i32
          %select_n3A_142 = arith.select %eq3A_140, %jit3A_141, %jit3A_138 : i32
          %rem3A_143 = arith.remsi %add3A_137, %select_n3A_142 : i32
          %ne3A_144 = arith.constant 0 : i32
          %ne3A_145 = arith.cmpi ne, %rem3A_143, %ne3A_144 : i32
          %lt3A_146 = arith.constant 0 : i32
          %lt3A_147 = arith.cmpi slt, %rem3A_143, %lt3A_146 : i32
          %lt3A_148 = arith.constant 0 : i32
          %lt3A_149 = arith.cmpi slt, %select_n3A_142, %lt3A_148 : i32
          %ne3A_150 = arith.xori %lt3A_147, %lt3A_149 : i1
          %and3A_151 = arith.andi %ne3A_150, %ne3A_145 : i1
          %add3A_152 = arith.addi %rem3A_143, %select_n3A_142 : i32
          %select_n3A_153 = arith.select %and3A_151, %add3A_152, %rem3A_143 : i32
          %mul3A_154 = arith.constant 32 : i32
          %mul3A_155 = arith.muli %add3A_135, %mul3A_154 : i32
          %multiple_of3A_156 = tpu.assume_multiple %mul3A_155, 8 : i32
          %dma_start3A_157 = arith.constant 0 : i32
          %dma_start3A_158 = arith.constant 0 : i32
          %dma_start3A_159 = tpu.memref_slice %arg7[%select_n3A_153, %dma_start3A_157, %dma_start3A_158] : memref<4x32x512xf32, #tpu.memory_space<vmem>> -> memref<1x32x512xf32, #tpu.memory_space<vmem>>
          %dma_start3A_160 = tpu.memref_squeeze %dma_start3A_159 : memref<1x32x512xf32, #tpu.memory_space<vmem>> -> memref<32x512xf32, #tpu.memory_space<vmem>>
          %dma_start3A_161 = tpu.memref_slice %arg6[%multiple_of3A_156] : memref<1024xi32, #tpu.memory_space<vmem>> -> memref<32xi32, #tpu.memory_space<vmem>>
          %dma_start3A_162 = arith.constant 0 : i32
          %dma_start3A_163 = arith.constant 0 : i32
          %dma_start3A_164 = tpu.memref_slice %arg2[%dma_start3A_162, %dma_start3A_163] : memref<10240x512xf32, #tpu.memory_space<hbm>> -> memref<10240x512xf32, #tpu.memory_space<hbm>>
          %dma_start3A_165 = tpu.memref_slice %arg8[%select_n3A_153] : memref<4x!tpu.dma_semaphore, #tpu.memory_space<semaphore_mem>> -> memref<1x!tpu.dma_semaphore, #tpu.memory_space<semaphore_mem>>
          %dma_start3A_166 = tpu.memref_squeeze %dma_start3A_165 : memref<1x!tpu.dma_semaphore, #tpu.memory_space<semaphore_mem>> -> memref<!tpu.dma_semaphore, #tpu.memory_space<semaphore_mem>>
          tpu.enqueue_indirect_dma source(%dma_start3A_164 : memref<10240x512xf32, #tpu.memory_space<hbm>>) target(%dma_start3A_160 : memref<32x512xf32, #tpu.memory_space<vmem>>) offsets(%dma_start3A_161 : memref<32xi32, #tpu.memory_space<vmem>>) semaphore(%dma_start3A_166 : memref<!tpu.dma_semaphore, #tpu.memory_space<semaphore_mem>>)
        } else {
        }
      }
      %scan3A_38 = arith.constant 32 : i32
      %mul3A_39 = arith.constant 1024 : i32
      %mul3A_40 = arith.muli %arg1, %mul3A_39 : i32
      %add3A = arith.constant 960 : i32
      %add3A_41 = arith.addi %mul3A_40, %add3A : i32
      %multiple_of3A_42 = tpu.assume_multiple %add3A_41, 8 : i32
      %dma_wait3A = arith.constant 2 : i32
      %dma_wait3A_43 = arith.constant 2 : i32
      %dma_wait3A_44 = arith.constant 0 : i32
      %dma_wait3A_45 = arith.constant 0 : i32
      %dma_wait3A_46 = tpu.memref_slice %arg7[%dma_wait3A, %dma_wait3A_44, %dma_wait3A_45] : memref<4x32x512xf32, #tpu.memory_space<vmem>> -> memref<1x32x512xf32, #tpu.memory_space<vmem>>
      %dma_wait3A_47 = tpu.memref_squeeze %dma_wait3A_46 : memref<1x32x512xf32, #tpu.memory_space<vmem>> -> memref<32x512xf32, #tpu.memory_space<vmem>>
      %dma_wait3A_48 = arith.constant 0 : i32
      %dma_wait3A_49 = tpu.memref_slice %arg5[%multiple_of3A_42, %dma_wait3A_48] : memref<16384x512xf32, #tpu.memory_space<hbm>> -> memref<32x512xf32, #tpu.memory_space<hbm>>
      %dma_wait3A_50 = tpu.memref_slice %arg9[%dma_wait3A_43] : memref<4x!tpu.dma_semaphore, #tpu.memory_space<semaphore_mem>> -> memref<1x!tpu.dma_semaphore, #tpu.memory_space<semaphore_mem>>
      %dma_wait3A_51 = tpu.memref_squeeze %dma_wait3A_50 : memref<1x!tpu.dma_semaphore, #tpu.memory_space<semaphore_mem>> -> memref<!tpu.dma_semaphore, #tpu.memory_space<semaphore_mem>>
      %dma_wait3A_52 = arith.constant 0 : i32
      %dma_wait3A_53 = tpu.memref_slice %arg5[%multiple_of3A_42, %dma_wait3A_52] : memref<16384x512xf32, #tpu.memory_space<hbm>> -> memref<32x512xf32, #tpu.memory_space<hbm>>
      %dma_wait3A_54 = arith.constant 0 : i32
      %dma_wait3A_55 = arith.constant 0 : i32
      %dma_wait3A_56 = tpu.memref_slice %arg7[%dma_wait3A, %dma_wait3A_54, %dma_wait3A_55] : memref<4x32x512xf32, #tpu.memory_space<vmem>> -> memref<1x32x512xf32, #tpu.memory_space<vmem>>
      %dma_wait3A_57 = tpu.memref_squeeze %dma_wait3A_56 : memref<1x32x512xf32, #tpu.memory_space<vmem>> -> memref<32x512xf32, #tpu.memory_space<vmem>>
      tpu.wait_dma2 semaphore(%dma_wait3A_51 : memref<!tpu.dma_semaphore, #tpu.memory_space<semaphore_mem>>) src(%dma_wait3A_57 : memref<32x512xf32, #tpu.memory_space<vmem>>) dst(%dma_wait3A_53 : memref<32x512xf32, #tpu.memory_space<hbm>>)
      %mul3A_58 = arith.constant 1024 : i32
      %mul3A_59 = arith.muli %arg1, %mul3A_58 : i32
      %add3A_60 = arith.constant 992 : i32
      %add3A_61 = arith.addi %mul3A_59, %add3A_60 : i32
      %multiple_of3A_62 = tpu.assume_multiple %add3A_61, 8 : i32
      %dma_wait3A_63 = arith.constant 3 : i32
      %dma_wait3A_64 = arith.constant 3 : i32
      %dma_wait3A_65 = arith.constant 0 : i32
      %dma_wait3A_66 = arith.constant 0 : i32
      %dma_wait3A_67 = tpu.memref_slice %arg7[%dma_wait3A_63, %dma_wait3A_65, %dma_wait3A_66] : memref<4x32x512xf32, #tpu.memory_space<vmem>> -> memref<1x32x512xf32, #tpu.memory_space<vmem>>
      %dma_wait3A_68 = tpu.memref_squeeze %dma_wait3A_67 : memref<1x32x512xf32, #tpu.memory_space<vmem>> -> memref<32x512xf32, #tpu.memory_space<vmem>>
      %dma_wait3A_69 = arith.constant 0 : i32
      %dma_wait3A_70 = tpu.memref_slice %arg5[%multiple_of3A_62, %dma_wait3A_69] : memref<16384x512xf32, #tpu.memory_space<hbm>> -> memref<32x512xf32, #tpu.memory_space<hbm>>
      %dma_wait3A_71 = tpu.memref_slice %arg9[%dma_wait3A_64] : memref<4x!tpu.dma_semaphore, #tpu.memory_space<semaphore_mem>> -> memref<1x!tpu.dma_semaphore, #tpu.memory_space<semaphore_mem>>
      %dma_wait3A_72 = tpu.memref_squeeze %dma_wait3A_71 : memref<1x!tpu.dma_semaphore, #tpu.memory_space<semaphore_mem>> -> memref<!tpu.dma_semaphore, #tpu.memory_space<semaphore_mem>>
      %dma_wait3A_73 = arith.constant 0 : i32
      %dma_wait3A_74 = tpu.memref_slice %arg5[%multiple_of3A_62, %dma_wait3A_73] : memref<16384x512xf32, #tpu.memory_space<hbm>> -> memref<32x512xf32, #tpu.memory_space<hbm>>
      %dma_wait3A_75 = arith.constant 0 : i32
      %dma_wait3A_76 = arith.constant 0 : i32
      %dma_wait3A_77 = tpu.memref_slice %arg7[%dma_wait3A_63, %dma_wait3A_75, %dma_wait3A_76] : memref<4x32x512xf32, #tpu.memory_space<vmem>> -> memref<1x32x512xf32, #tpu.memory_space<vmem>>
      %dma_wait3A_78 = tpu.memref_squeeze %dma_wait3A_77 : memref<1x32x512xf32, #tpu.memory_space<vmem>> -> memref<32x512xf32, #tpu.memory_space<vmem>>
      tpu.wait_dma2 semaphore(%dma_wait3A_72 : memref<!tpu.dma_semaphore, #tpu.memory_space<semaphore_mem>>) src(%dma_wait3A_78 : memref<32x512xf32, #tpu.memory_space<vmem>>) dst(%dma_wait3A_74 : memref<32x512xf32, #tpu.memory_space<hbm>>)
    } else {
    }
    return
  }
}

#map = affine_map<(d0, d1) -> (0, 0, 0)>
#map1 = affine_map<(d0, d1) -> (0)>
module attributes {stable_mosaic.version = 14 : i64} {
  func.func @_deg_kernel(%arg0: i32, %arg1: i32, %arg2: memref<32x40x128xi32, #tpu.memory_space<hbm>>, %arg3: memref<20480xf32, #tpu.memory_space<hbm>>, %arg4: memref<40x128xi32, #tpu.memory_space<vmem>>, %arg5: memref<128xf32, #tpu.memory_space<vmem>>, %arg6: memref<640xf32, #tpu.memory_space<vmem>>, %arg7: memref<10240xf32, #tpu.memory_space<vmem_shared>>) attributes {dimension_semantics = [#tpu.dimension_semantics<core_parallel>, #tpu.dimension_semantics<subcore_parallel>], iteration_bounds = array<i64: 2, 16>, scalar_prefetch = 0 : i64, scratch_operands = 4 : i64, tpu.core_type = #tpu.core_type<sc_vector_subcore>, window_params = [{transform_indices = #map}, {transform_indices = #map1}]} {
    %mul3A = arith.constant 2 : i32
    %mul3A_0 = arith.muli %arg1, %mul3A : i32
    %add3A = arith.addi %mul3A_0, %arg0 : i32
    %broadcast_in_dim3A = arith.constant 1.000000e+00 : f32
    %broadcast_in_dim3A_1 = vector.broadcast %broadcast_in_dim3A : f32 to vector<16xf32>
    %swap3A = arith.constant 0 : index
    %swap3A_2 = tpu.vector_load %arg5[%swap3A] {strides = array<i32>} : memref<128xf32, #tpu.memory_space<vmem>>, vector<16xf32>,
    %swap3A_3 = vector.shape_cast %swap3A_2 : vector<16xf32> to vector<16xf32>
    %swap3A_4 = vector.shape_cast %broadcast_in_dim3A_1 : vector<16xf32> to vector<16xf32>
    tpu.vector_store %arg5[%swap3A], %swap3A_4 {strides = array<i32>} : memref<128xf32, #tpu.memory_space<vmem>>, vector<16xf32>,
    %broadcast_in_dim3A_5 = arith.constant 1.000000e+00 : f32
    %broadcast_in_dim3A_6 = vector.broadcast %broadcast_in_dim3A_5 : f32 to vector<16xf32>
    %swap3A_7 = arith.constant 16 : index
    %swap3A_8 = tpu.vector_load %arg5[%swap3A_7] {strides = array<i32>} : memref<128xf32, #tpu.memory_space<vmem>>, vector<16xf32>,
    %swap3A_9 = vector.shape_cast %swap3A_8 : vector<16xf32> to vector<16xf32>
    %swap3A_10 = vector.shape_cast %broadcast_in_dim3A_6 : vector<16xf32> to vector<16xf32>
    tpu.vector_store %arg5[%swap3A_7], %swap3A_10 {strides = array<i32>} : memref<128xf32, #tpu.memory_space<vmem>>, vector<16xf32>,
    %broadcast_in_dim3A_11 = arith.constant 1.000000e+00 : f32
    %broadcast_in_dim3A_12 = vector.broadcast %broadcast_in_dim3A_11 : f32 to vector<16xf32>
    %swap3A_13 = arith.constant 32 : index
    %swap3A_14 = tpu.vector_load %arg5[%swap3A_13] {strides = array<i32>} : memref<128xf32, #tpu.memory_space<vmem>>, vector<16xf32>,
    %swap3A_15 = vector.shape_cast %swap3A_14 : vector<16xf32> to vector<16xf32>
    %swap3A_16 = vector.shape_cast %broadcast_in_dim3A_12 : vector<16xf32> to vector<16xf32>
    tpu.vector_store %arg5[%swap3A_13], %swap3A_16 {strides = array<i32>} : memref<128xf32, #tpu.memory_space<vmem>>, vector<16xf32>,
    %broadcast_in_dim3A_17 = arith.constant 1.000000e+00 : f32
    %broadcast_in_dim3A_18 = vector.broadcast %broadcast_in_dim3A_17 : f32 to vector<16xf32>
    %swap3A_19 = arith.constant 48 : index
    %swap3A_20 = tpu.vector_load %arg5[%swap3A_19] {strides = array<i32>} : memref<128xf32, #tpu.memory_space<vmem>>, vector<16xf32>,
    %swap3A_21 = vector.shape_cast %swap3A_20 : vector<16xf32> to vector<16xf32>
    %swap3A_22 = vector.shape_cast %broadcast_in_dim3A_18 : vector<16xf32> to vector<16xf32>
    tpu.vector_store %arg5[%swap3A_19], %swap3A_22 {strides = array<i32>} : memref<128xf32, #tpu.memory_space<vmem>>, vector<16xf32>,
    %broadcast_in_dim3A_23 = arith.constant 1.000000e+00 : f32
    %broadcast_in_dim3A_24 = vector.broadcast %broadcast_in_dim3A_23 : f32 to vector<16xf32>
    %swap3A_25 = arith.constant 64 : index
    %swap3A_26 = tpu.vector_load %arg5[%swap3A_25] {strides = array<i32>} : memref<128xf32, #tpu.memory_space<vmem>>, vector<16xf32>,
    %swap3A_27 = vector.shape_cast %swap3A_26 : vector<16xf32> to vector<16xf32>
    %swap3A_28 = vector.shape_cast %broadcast_in_dim3A_24 : vector<16xf32> to vector<16xf32>
    tpu.vector_store %arg5[%swap3A_25], %swap3A_28 {strides = array<i32>} : memref<128xf32, #tpu.memory_space<vmem>>, vector<16xf32>,
    %broadcast_in_dim3A_29 = arith.constant 1.000000e+00 : f32
    %broadcast_in_dim3A_30 = vector.broadcast %broadcast_in_dim3A_29 : f32 to vector<16xf32>
    %swap3A_31 = arith.constant 80 : index
    %swap3A_32 = tpu.vector_load %arg5[%swap3A_31] {strides = array<i32>} : memref<128xf32, #tpu.memory_space<vmem>>, vector<16xf32>,
    %swap3A_33 = vector.shape_cast %swap3A_32 : vector<16xf32> to vector<16xf32>
    %swap3A_34 = vector.shape_cast %broadcast_in_dim3A_30 : vector<16xf32> to vector<16xf32>
    tpu.vector_store %arg5[%swap3A_31], %swap3A_34 {strides = array<i32>} : memref<128xf32, #tpu.memory_space<vmem>>, vector<16xf32>,
    %broadcast_in_dim3A_35 = arith.constant 1.000000e+00 : f32
    %broadcast_in_dim3A_36 = vector.broadcast %broadcast_in_dim3A_35 : f32 to vector<16xf32>
    %swap3A_37 = arith.constant 96 : index
    %swap3A_38 = tpu.vector_load %arg5[%swap3A_37] {strides = array<i32>} : memref<128xf32, #tpu.memory_space<vmem>>, vector<16xf32>,
    %swap3A_39 = vector.shape_cast %swap3A_38 : vector<16xf32> to vector<16xf32>
    %swap3A_40 = vector.shape_cast %broadcast_in_dim3A_36 : vector<16xf32> to vector<16xf32>
    tpu.vector_store %arg5[%swap3A_37], %swap3A_40 {strides = array<i32>} : memref<128xf32, #tpu.memory_space<vmem>>, vector<16xf32>,
    %broadcast_in_dim3A_41 = arith.constant 1.000000e+00 : f32
    %broadcast_in_dim3A_42 = vector.broadcast %broadcast_in_dim3A_41 : f32 to vector<16xf32>
    %swap3A_43 = arith.constant 112 : index
    %swap3A_44 = tpu.vector_load %arg5[%swap3A_43] {strides = array<i32>} : memref<128xf32, #tpu.memory_space<vmem>>, vector<16xf32>,
    %swap3A_45 = vector.shape_cast %swap3A_44 : vector<16xf32> to vector<16xf32>
    %swap3A_46 = vector.shape_cast %broadcast_in_dim3A_42 : vector<16xf32> to vector<16xf32>
    tpu.vector_store %arg5[%swap3A_43], %swap3A_46 {strides = array<i32>} : memref<128xf32, #tpu.memory_space<vmem>>, vector<16xf32>,
    %broadcast_in_dim3A_47 = arith.constant 0.000000e+00 : f32
    %broadcast_in_dim3A_48 = vector.broadcast %broadcast_in_dim3A_47 : f32 to vector<16xf32>
    %swap3A_49 = arith.constant 0 : index
    %swap3A_50 = tpu.vector_load %arg6[%swap3A_49] {strides = array<i32>} : memref<640xf32, #tpu.memory_space<vmem>>, vector<16xf32>,
    %swap3A_51 = vector.shape_cast %swap3A_50 : vector<16xf32> to vector<16xf32>
    %swap3A_52 = vector.shape_cast %broadcast_in_dim3A_48 : vector<16xf32> to vector<16xf32>
    tpu.vector_store %arg6[%swap3A_49], %swap3A_52 {strides = array<i32>} : memref<640xf32, #tpu.memory_space<vmem>>, vector<16xf32>,
    %broadcast_in_dim3A_53 = arith.constant 0.000000e+00 : f32
    %broadcast_in_dim3A_54 = vector.broadcast %broadcast_in_dim3A_53 : f32 to vector<16xf32>
    %swap3A_55 = arith.constant 16 : index
    %swap3A_56 = tpu.vector_load %arg6[%swap3A_55] {strides = array<i32>} : memref<640xf32, #tpu.memory_space<vmem>>, vector<16xf32>,
    %swap3A_57 = vector.shape_cast %swap3A_56 : vector<16xf32> to vector<16xf32>
    %swap3A_58 = vector.shape_cast %broadcast_in_dim3A_54 : vector<16xf32> to vector<16xf32>
    tpu.vector_store %arg6[%swap3A_55], %swap3A_58 {strides = array<i32>} : memref<640xf32, #tpu.memory_space<vmem>>, vector<16xf32>,
    %broadcast_in_dim3A_59 = arith.constant 0.000000e+00 : f32
    %broadcast_in_dim3A_60 = vector.broadcast %broadcast_in_dim3A_59 : f32 to vector<16xf32>
    %swap3A_61 = arith.constant 32 : index
    %swap3A_62 = tpu.vector_load %arg6[%swap3A_61] {strides = array<i32>} : memref<640xf32, #tpu.memory_space<vmem>>, vector<16xf32>,
    %swap3A_63 = vector.shape_cast %swap3A_62 : vector<16xf32> to vector<16xf32>
    %swap3A_64 = vector.shape_cast %broadcast_in_dim3A_60 : vector<16xf32> to vector<16xf32>
    tpu.vector_store %arg6[%swap3A_61], %swap3A_64 {strides = array<i32>} : memref<640xf32, #tpu.memory_space<vmem>>, vector<16xf32>,
    %broadcast_in_dim3A_65 = arith.constant 0.000000e+00 : f32
    %broadcast_in_dim3A_66 = vector.broadcast %broadcast_in_dim3A_65 : f32 to vector<16xf32>
    %swap3A_67 = arith.constant 48 : index
    %swap3A_68 = tpu.vector_load %arg6[%swap3A_67] {strides = array<i32>} : memref<640xf32, #tpu.memory_space<vmem>>, vector<16xf32>,
    %swap3A_69 = vector.shape_cast %swap3A_68 : vector<16xf32> to vector<16xf32>
    %swap3A_70 = vector.shape_cast %broadcast_in_dim3A_66 : vector<16xf32> to vector<16xf32>
    tpu.vector_store %arg6[%swap3A_67], %swap3A_70 {strides = array<i32>} : memref<640xf32, #tpu.memory_space<vmem>>, vector<16xf32>,
    %broadcast_in_dim3A_71 = arith.constant 0.000000e+00 : f32
    %broadcast_in_dim3A_72 = vector.broadcast %broadcast_in_dim3A_71 : f32 to vector<16xf32>
    %swap3A_73 = arith.constant 64 : index
    %swap3A_74 = tpu.vector_load %arg6[%swap3A_73] {strides = array<i32>} : memref<640xf32, #tpu.memory_space<vmem>>, vector<16xf32>,
    %swap3A_75 = vector.shape_cast %swap3A_74 : vector<16xf32> to vector<16xf32>
    %swap3A_76 = vector.shape_cast %broadcast_in_dim3A_72 : vector<16xf32> to vector<16xf32>
    tpu.vector_store %arg6[%swap3A_73], %swap3A_76 {strides = array<i32>} : memref<640xf32, #tpu.memory_space<vmem>>, vector<16xf32>,
    %broadcast_in_dim3A_77 = arith.constant 0.000000e+00 : f32
    %broadcast_in_dim3A_78 = vector.broadcast %broadcast_in_dim3A_77 : f32 to vector<16xf32>
    %swap3A_79 = arith.constant 80 : index
    %swap3A_80 = tpu.vector_load %arg6[%swap3A_79] {strides = array<i32>} : memref<640xf32, #tpu.memory_space<vmem>>, vector<16xf32>,
    %swap3A_81 = vector.shape_cast %swap3A_80 : vector<16xf32> to vector<16xf32>
    %swap3A_82 = vector.shape_cast %broadcast_in_dim3A_78 : vector<16xf32> to vector<16xf32>
    tpu.vector_store %arg6[%swap3A_79], %swap3A_82 {strides = array<i32>} : memref<640xf32, #tpu.memory_space<vmem>>, vector<16xf32>,
    %broadcast_in_dim3A_83 = arith.constant 0.000000e+00 : f32
    %broadcast_in_dim3A_84 = vector.broadcast %broadcast_in_dim3A_83 : f32 to vector<16xf32>
    %swap3A_85 = arith.constant 96 : index
    %swap3A_86 = tpu.vector_load %arg6[%swap3A_85] {strides = array<i32>} : memref<640xf32, #tpu.memory_space<vmem>>, vector<16xf32>,
    %swap3A_87 = vector.shape_cast %swap3A_86 : vector<16xf32> to vector<16xf32>
    %swap3A_88 = vector.shape_cast %broadcast_in_dim3A_84 : vector<16xf32> to vector<16xf32>
    tpu.vector_store %arg6[%swap3A_85], %swap3A_88 {strides = array<i32>} : memref<640xf32, #tpu.memory_space<vmem>>, vector<16xf32>,
    %broadcast_in_dim3A_89 = arith.constant 0.000000e+00 : f32
    %broadcast_in_dim3A_90 = vector.broadcast %broadcast_in_dim3A_89 : f32 to vector<16xf32>
    %swap3A_91 = arith.constant 112 : index
    %swap3A_92 = tpu.vector_load %arg6[%swap3A_91] {strides = array<i32>} : memref<640xf32, #tpu.memory_space<vmem>>, vector<16xf32>,
    %swap3A_93 = vector.shape_cast %swap3A_92 : vector<16xf32> to vector<16xf32>
    %swap3A_94 = vector.shape_cast %broadcast_in_dim3A_90 : vector<16xf32> to vector<16xf32>
    tpu.vector_store %arg6[%swap3A_91], %swap3A_94 {strides = array<i32>} : memref<640xf32, #tpu.memory_space<vmem>>, vector<16xf32>,
    %broadcast_in_dim3A_95 = arith.constant 0.000000e+00 : f32
    %broadcast_in_dim3A_96 = vector.broadcast %broadcast_in_dim3A_95 : f32 to vector<16xf32>
    %swap3A_97 = arith.constant 128 : index
    %swap3A_98 = tpu.vector_load %arg6[%swap3A_97] {strides = array<i32>} : memref<640xf32, #tpu.memory_space<vmem>>, vector<16xf32>,
    %swap3A_99 = vector.shape_cast %swap3A_98 : vector<16xf32> to vector<16xf32>
    %swap3A_100 = vector.shape_cast %broadcast_in_dim3A_96 : vector<16xf32> to vector<16xf32>
    tpu.vector_store %arg6[%swap3A_97], %swap3A_100 {strides = array<i32>} : memref<640xf32, #tpu.memory_space<vmem>>, vector<16xf32>,
    %broadcast_in_dim3A_101 = arith.constant 0.000000e+00 : f32
    %broadcast_in_dim3A_102 = vector.broadcast %broadcast_in_dim3A_101 : f32 to vector<16xf32>
    %swap3A_103 = arith.constant 144 : index
    %swap3A_104 = tpu.vector_load %arg6[%swap3A_103] {strides = array<i32>} : memref<640xf32, #tpu.memory_space<vmem>>, vector<16xf32>,
    %swap3A_105 = vector.shape_cast %swap3A_104 : vector<16xf32> to vector<16xf32>
    %swap3A_106 = vector.shape_cast %broadcast_in_dim3A_102 : vector<16xf32> to vector<16xf32>
    tpu.vector_store %arg6[%swap3A_103], %swap3A_106 {strides = array<i32>} : memref<640xf32, #tpu.memory_space<vmem>>, vector<16xf32>,
    %broadcast_in_dim3A_107 = arith.constant 0.000000e+00 : f32
    %broadcast_in_dim3A_108 = vector.broadcast %broadcast_in_dim3A_107 : f32 to vector<16xf32>
    %swap3A_109 = arith.constant 160 : index
    %swap3A_110 = tpu.vector_load %arg6[%swap3A_109] {strides = array<i32>} : memref<640xf32, #tpu.memory_space<vmem>>, vector<16xf32>,
    %swap3A_111 = vector.shape_cast %swap3A_110 : vector<16xf32> to vector<16xf32>
    %swap3A_112 = vector.shape_cast %broadcast_in_dim3A_108 : vector<16xf32> to vector<16xf32>
    tpu.vector_store %arg6[%swap3A_109], %swap3A_112 {strides = array<i32>} : memref<640xf32, #tpu.memory_space<vmem>>, vector<16xf32>,
    %broadcast_in_dim3A_113 = arith.constant 0.000000e+00 : f32
    %broadcast_in_dim3A_114 = vector.broadcast %broadcast_in_dim3A_113 : f32 to vector<16xf32>
    %swap3A_115 = arith.constant 176 : index
    %swap3A_116 = tpu.vector_load %arg6[%swap3A_115] {strides = array<i32>} : memref<640xf32, #tpu.memory_space<vmem>>, vector<16xf32>,
    %swap3A_117 = vector.shape_cast %swap3A_116 : vector<16xf32> to vector<16xf32>
    %swap3A_118 = vector.shape_cast %broadcast_in_dim3A_114 : vector<16xf32> to vector<16xf32>
    tpu.vector_store %arg6[%swap3A_115], %swap3A_118 {strides = array<i32>} : memref<640xf32, #tpu.memory_space<vmem>>, vector<16xf32>,
    %broadcast_in_dim3A_119 = arith.constant 0.000000e+00 : f32
    %broadcast_in_dim3A_120 = vector.broadcast %broadcast_in_dim3A_119 : f32 to vector<16xf32>
    %swap3A_121 = arith.constant 192 : index
    %swap3A_122 = tpu.vector_load %arg6[%swap3A_121] {strides = array<i32>} : memref<640xf32, #tpu.memory_space<vmem>>, vector<16xf32>,
    %swap3A_123 = vector.shape_cast %swap3A_122 : vector<16xf32> to vector<16xf32>
    %swap3A_124 = vector.shape_cast %broadcast_in_dim3A_120 : vector<16xf32> to vector<16xf32>
    tpu.vector_store %arg6[%swap3A_121], %swap3A_124 {strides = array<i32>} : memref<640xf32, #tpu.memory_space<vmem>>, vector<16xf32>,
    %broadcast_in_dim3A_125 = arith.constant 0.000000e+00 : f32
    %broadcast_in_dim3A_126 = vector.broadcast %broadcast_in_dim3A_125 : f32 to vector<16xf32>
    %swap3A_127 = arith.constant 208 : index
    %swap3A_128 = tpu.vector_load %arg6[%swap3A_127] {strides = array<i32>} : memref<640xf32, #tpu.memory_space<vmem>>, vector<16xf32>,
    %swap3A_129 = vector.shape_cast %swap3A_128 : vector<16xf32> to vector<16xf32>
    %swap3A_130 = vector.shape_cast %broadcast_in_dim3A_126 : vector<16xf32> to vector<16xf32>
    tpu.vector_store %arg6[%swap3A_127], %swap3A_130 {strides = array<i32>} : memref<640xf32, #tpu.memory_space<vmem>>, vector<16xf32>,
    %broadcast_in_dim3A_131 = arith.constant 0.000000e+00 : f32
    %broadcast_in_dim3A_132 = vector.broadcast %broadcast_in_dim3A_131 : f32 to vector<16xf32>
    %swap3A_133 = arith.constant 224 : index
    %swap3A_134 = tpu.vector_load %arg6[%swap3A_133] {strides = array<i32>} : memref<640xf32, #tpu.memory_space<vmem>>, vector<16xf32>,
    %swap3A_135 = vector.shape_cast %swap3A_134 : vector<16xf32> to vector<16xf32>
    %swap3A_136 = vector.shape_cast %broadcast_in_dim3A_132 : vector<16xf32> to vector<16xf32>
    tpu.vector_store %arg6[%swap3A_133], %swap3A_136 {strides = array<i32>} : memref<640xf32, #tpu.memory_space<vmem>>, vector<16xf32>,
    %broadcast_in_dim3A_137 = arith.constant 0.000000e+00 : f32
    %broadcast_in_dim3A_138 = vector.broadcast %broadcast_in_dim3A_137 : f32 to vector<16xf32>
    %swap3A_139 = arith.constant 240 : index
    %swap3A_140 = tpu.vector_load %arg6[%swap3A_139] {strides = array<i32>} : memref<640xf32, #tpu.memory_space<vmem>>, vector<16xf32>,
    %swap3A_141 = vector.shape_cast %swap3A_140 : vector<16xf32> to vector<16xf32>
    %swap3A_142 = vector.shape_cast %broadcast_in_dim3A_138 : vector<16xf32> to vector<16xf32>
    tpu.vector_store %arg6[%swap3A_139], %swap3A_142 {strides = array<i32>} : memref<640xf32, #tpu.memory_space<vmem>>, vector<16xf32>,
    %broadcast_in_dim3A_143 = arith.constant 0.000000e+00 : f32
    %broadcast_in_dim3A_144 = vector.broadcast %broadcast_in_dim3A_143 : f32 to vector<16xf32>
    %swap3A_145 = arith.constant 256 : index
    %swap3A_146 = tpu.vector_load %arg6[%swap3A_145] {strides = array<i32>} : memref<640xf32, #tpu.memory_space<vmem>>, vector<16xf32>,
    %swap3A_147 = vector.shape_cast %swap3A_146 : vector<16xf32> to vector<16xf32>
    %swap3A_148 = vector.shape_cast %broadcast_in_dim3A_144 : vector<16xf32> to vector<16xf32>
    tpu.vector_store %arg6[%swap3A_145], %swap3A_148 {strides = array<i32>} : memref<640xf32, #tpu.memory_space<vmem>>, vector<16xf32>,
    %broadcast_in_dim3A_149 = arith.constant 0.000000e+00 : f32
    %broadcast_in_dim3A_150 = vector.broadcast %broadcast_in_dim3A_149 : f32 to vector<16xf32>
    %swap3A_151 = arith.constant 272 : index
    %swap3A_152 = tpu.vector_load %arg6[%swap3A_151] {strides = array<i32>} : memref<640xf32, #tpu.memory_space<vmem>>, vector<16xf32>,
    %swap3A_153 = vector.shape_cast %swap3A_152 : vector<16xf32> to vector<16xf32>
    %swap3A_154 = vector.shape_cast %broadcast_in_dim3A_150 : vector<16xf32> to vector<16xf32>
    tpu.vector_store %arg6[%swap3A_151], %swap3A_154 {strides = array<i32>} : memref<640xf32, #tpu.memory_space<vmem>>, vector<16xf32>,
    %broadcast_in_dim3A_155 = arith.constant 0.000000e+00 : f32
    %broadcast_in_dim3A_156 = vector.broadcast %broadcast_in_dim3A_155 : f32 to vector<16xf32>
    %swap3A_157 = arith.constant 288 : index
    %swap3A_158 = tpu.vector_load %arg6[%swap3A_157] {strides = array<i32>} : memref<640xf32, #tpu.memory_space<vmem>>, vector<16xf32>,
    %swap3A_159 = vector.shape_cast %swap3A_158 : vector<16xf32> to vector<16xf32>
    %swap3A_160 = vector.shape_cast %broadcast_in_dim3A_156 : vector<16xf32> to vector<16xf32>
    tpu.vector_store %arg6[%swap3A_157], %swap3A_160 {strides = array<i32>} : memref<640xf32, #tpu.memory_space<vmem>>, vector<16xf32>,
    %broadcast_in_dim3A_161 = arith.constant 0.000000e+00 : f32
    %broadcast_in_dim3A_162 = vector.broadcast %broadcast_in_dim3A_161 : f32 to vector<16xf32>
    %swap3A_163 = arith.constant 304 : index
    %swap3A_164 = tpu.vector_load %arg6[%swap3A_163] {strides = array<i32>} : memref<640xf32, #tpu.memory_space<vmem>>, vector<16xf32>,
    %swap3A_165 = vector.shape_cast %swap3A_164 : vector<16xf32> to vector<16xf32>
    %swap3A_166 = vector.shape_cast %broadcast_in_dim3A_162 : vector<16xf32> to vector<16xf32>
    tpu.vector_store %arg6[%swap3A_163], %swap3A_166 {strides = array<i32>} : memref<640xf32, #tpu.memory_space<vmem>>, vector<16xf32>,
    %broadcast_in_dim3A_167 = arith.constant 0.000000e+00 : f32
    %broadcast_in_dim3A_168 = vector.broadcast %broadcast_in_dim3A_167 : f32 to vector<16xf32>
    %swap3A_169 = arith.constant 320 : index
    %swap3A_170 = tpu.vector_load %arg6[%swap3A_169] {strides = array<i32>} : memref<640xf32, #tpu.memory_space<vmem>>, vector<16xf32>,
    %swap3A_171 = vector.shape_cast %swap3A_170 : vector<16xf32> to vector<16xf32>
    %swap3A_172 = vector.shape_cast %broadcast_in_dim3A_168 : vector<16xf32> to vector<16xf32>
    tpu.vector_store %arg6[%swap3A_169], %swap3A_172 {strides = array<i32>} : memref<640xf32, #tpu.memory_space<vmem>>, vector<16xf32>,
    %broadcast_in_dim3A_173 = arith.constant 0.000000e+00 : f32
    %broadcast_in_dim3A_174 = vector.broadcast %broadcast_in_dim3A_173 : f32 to vector<16xf32>
    %swap3A_175 = arith.constant 336 : index
    %swap3A_176 = tpu.vector_load %arg6[%swap3A_175] {strides = array<i32>} : memref<640xf32, #tpu.memory_space<vmem>>, vector<16xf32>,
    %swap3A_177 = vector.shape_cast %swap3A_176 : vector<16xf32> to vector<16xf32>
    %swap3A_178 = vector.shape_cast %broadcast_in_dim3A_174 : vector<16xf32> to vector<16xf32>
    tpu.vector_store %arg6[%swap3A_175], %swap3A_178 {strides = array<i32>} : memref<640xf32, #tpu.memory_space<vmem>>, vector<16xf32>,
    %broadcast_in_dim3A_179 = arith.constant 0.000000e+00 : f32
    %broadcast_in_dim3A_180 = vector.broadcast %broadcast_in_dim3A_179 : f32 to vector<16xf32>
    %swap3A_181 = arith.constant 352 : index
    %swap3A_182 = tpu.vector_load %arg6[%swap3A_181] {strides = array<i32>} : memref<640xf32, #tpu.memory_space<vmem>>, vector<16xf32>,
    %swap3A_183 = vector.shape_cast %swap3A_182 : vector<16xf32> to vector<16xf32>
    %swap3A_184 = vector.shape_cast %broadcast_in_dim3A_180 : vector<16xf32> to vector<16xf32>
    tpu.vector_store %arg6[%swap3A_181], %swap3A_184 {strides = array<i32>} : memref<640xf32, #tpu.memory_space<vmem>>, vector<16xf32>,
    %broadcast_in_dim3A_185 = arith.constant 0.000000e+00 : f32
    %broadcast_in_dim3A_186 = vector.broadcast %broadcast_in_dim3A_185 : f32 to vector<16xf32>
    %swap3A_187 = arith.constant 368 : index
    %swap3A_188 = tpu.vector_load %arg6[%swap3A_187] {strides = array<i32>} : memref<640xf32, #tpu.memory_space<vmem>>, vector<16xf32>,
    %swap3A_189 = vector.shape_cast %swap3A_188 : vector<16xf32> to vector<16xf32>
    %swap3A_190 = vector.shape_cast %broadcast_in_dim3A_186 : vector<16xf32> to vector<16xf32>
    tpu.vector_store %arg6[%swap3A_187], %swap3A_190 {strides = array<i32>} : memref<640xf32, #tpu.memory_space<vmem>>, vector<16xf32>,
    %broadcast_in_dim3A_191 = arith.constant 0.000000e+00 : f32
    %broadcast_in_dim3A_192 = vector.broadcast %broadcast_in_dim3A_191 : f32 to vector<16xf32>
    %swap3A_193 = arith.constant 384 : index
    %swap3A_194 = tpu.vector_load %arg6[%swap3A_193] {strides = array<i32>} : memref<640xf32, #tpu.memory_space<vmem>>, vector<16xf32>,
    %swap3A_195 = vector.shape_cast %swap3A_194 : vector<16xf32> to vector<16xf32>
    %swap3A_196 = vector.shape_cast %broadcast_in_dim3A_192 : vector<16xf32> to vector<16xf32>
    tpu.vector_store %arg6[%swap3A_193], %swap3A_196 {strides = array<i32>} : memref<640xf32, #tpu.memory_space<vmem>>, vector<16xf32>,
    %broadcast_in_dim3A_197 = arith.constant 0.000000e+00 : f32
    %broadcast_in_dim3A_198 = vector.broadcast %broadcast_in_dim3A_197 : f32 to vector<16xf32>
    %swap3A_199 = arith.constant 400 : index
    %swap3A_200 = tpu.vector_load %arg6[%swap3A_199] {strides = array<i32>} : memref<640xf32, #tpu.memory_space<vmem>>, vector<16xf32>,
    %swap3A_201 = vector.shape_cast %swap3A_200 : vector<16xf32> to vector<16xf32>
    %swap3A_202 = vector.shape_cast %broadcast_in_dim3A_198 : vector<16xf32> to vector<16xf32>
    tpu.vector_store %arg6[%swap3A_199], %swap3A_202 {strides = array<i32>} : memref<640xf32, #tpu.memory_space<vmem>>, vector<16xf32>,
    %broadcast_in_dim3A_203 = arith.constant 0.000000e+00 : f32
    %broadcast_in_dim3A_204 = vector.broadcast %broadcast_in_dim3A_203 : f32 to vector<16xf32>
    %swap3A_205 = arith.constant 416 : index
    %swap3A_206 = tpu.vector_load %arg6[%swap3A_205] {strides = array<i32>} : memref<640xf32, #tpu.memory_space<vmem>>, vector<16xf32>,
    %swap3A_207 = vector.shape_cast %swap3A_206 : vector<16xf32> to vector<16xf32>
    %swap3A_208 = vector.shape_cast %broadcast_in_dim3A_204 : vector<16xf32> to vector<16xf32>
    tpu.vector_store %arg6[%swap3A_205], %swap3A_208 {strides = array<i32>} : memref<640xf32, #tpu.memory_space<vmem>>, vector<16xf32>,
    %broadcast_in_dim3A_209 = arith.constant 0.000000e+00 : f32
    %broadcast_in_dim3A_210 = vector.broadcast %broadcast_in_dim3A_209 : f32 to vector<16xf32>
    %swap3A_211 = arith.constant 432 : index
    %swap3A_212 = tpu.vector_load %arg6[%swap3A_211] {strides = array<i32>} : memref<640xf32, #tpu.memory_space<vmem>>, vector<16xf32>,
    %swap3A_213 = vector.shape_cast %swap3A_212 : vector<16xf32> to vector<16xf32>
    %swap3A_214 = vector.shape_cast %broadcast_in_dim3A_210 : vector<16xf32> to vector<16xf32>
    tpu.vector_store %arg6[%swap3A_211], %swap3A_214 {strides = array<i32>} : memref<640xf32, #tpu.memory_space<vmem>>, vector<16xf32>,
    %broadcast_in_dim3A_215 = arith.constant 0.000000e+00 : f32
    %broadcast_in_dim3A_216 = vector.broadcast %broadcast_in_dim3A_215 : f32 to vector<16xf32>
    %swap3A_217 = arith.constant 448 : index
    %swap3A_218 = tpu.vector_load %arg6[%swap3A_217] {strides = array<i32>} : memref<640xf32, #tpu.memory_space<vmem>>, vector<16xf32>,
    %swap3A_219 = vector.shape_cast %swap3A_218 : vector<16xf32> to vector<16xf32>
    %swap3A_220 = vector.shape_cast %broadcast_in_dim3A_216 : vector<16xf32> to vector<16xf32>
    tpu.vector_store %arg6[%swap3A_217], %swap3A_220 {strides = array<i32>} : memref<640xf32, #tpu.memory_space<vmem>>, vector<16xf32>,
    %broadcast_in_dim3A_221 = arith.constant 0.000000e+00 : f32
    %broadcast_in_dim3A_222 = vector.broadcast %broadcast_in_dim3A_221 : f32 to vector<16xf32>
    %swap3A_223 = arith.constant 464 : index
    %swap3A_224 = tpu.vector_load %arg6[%swap3A_223] {strides = array<i32>} : memref<640xf32, #tpu.memory_space<vmem>>, vector<16xf32>,
    %swap3A_225 = vector.shape_cast %swap3A_224 : vector<16xf32> to vector<16xf32>
    %swap3A_226 = vector.shape_cast %broadcast_in_dim3A_222 : vector<16xf32> to vector<16xf32>
    tpu.vector_store %arg6[%swap3A_223], %swap3A_226 {strides = array<i32>} : memref<640xf32, #tpu.memory_space<vmem>>, vector<16xf32>,
    %broadcast_in_dim3A_227 = arith.constant 0.000000e+00 : f32
    %broadcast_in_dim3A_228 = vector.broadcast %broadcast_in_dim3A_227 : f32 to vector<16xf32>
    %swap3A_229 = arith.constant 480 : index
    %swap3A_230 = tpu.vector_load %arg6[%swap3A_229] {strides = array<i32>} : memref<640xf32, #tpu.memory_space<vmem>>, vector<16xf32>,
    %swap3A_231 = vector.shape_cast %swap3A_230 : vector<16xf32> to vector<16xf32>
    %swap3A_232 = vector.shape_cast %broadcast_in_dim3A_228 : vector<16xf32> to vector<16xf32>
    tpu.vector_store %arg6[%swap3A_229], %swap3A_232 {strides = array<i32>} : memref<640xf32, #tpu.memory_space<vmem>>, vector<16xf32>,
    %broadcast_in_dim3A_233 = arith.constant 0.000000e+00 : f32
    %broadcast_in_dim3A_234 = vector.broadcast %broadcast_in_dim3A_233 : f32 to vector<16xf32>
    %swap3A_235 = arith.constant 496 : index
    %swap3A_236 = tpu.vector_load %arg6[%swap3A_235] {strides = array<i32>} : memref<640xf32, #tpu.memory_space<vmem>>, vector<16xf32>,
    %swap3A_237 = vector.shape_cast %swap3A_236 : vector<16xf32> to vector<16xf32>
    %swap3A_238 = vector.shape_cast %broadcast_in_dim3A_234 : vector<16xf32> to vector<16xf32>
    tpu.vector_store %arg6[%swap3A_235], %swap3A_238 {strides = array<i32>} : memref<640xf32, #tpu.memory_space<vmem>>, vector<16xf32>,
    %broadcast_in_dim3A_239 = arith.constant 0.000000e+00 : f32
    %broadcast_in_dim3A_240 = vector.broadcast %broadcast_in_dim3A_239 : f32 to vector<16xf32>
    %swap3A_241 = arith.constant 512 : index
    %swap3A_242 = tpu.vector_load %arg6[%swap3A_241] {strides = array<i32>} : memref<640xf32, #tpu.memory_space<vmem>>, vector<16xf32>,
    %swap3A_243 = vector.shape_cast %swap3A_242 : vector<16xf32> to vector<16xf32>
    %swap3A_244 = vector.shape_cast %broadcast_in_dim3A_240 : vector<16xf32> to vector<16xf32>
    tpu.vector_store %arg6[%swap3A_241], %swap3A_244 {strides = array<i32>} : memref<640xf32, #tpu.memory_space<vmem>>, vector<16xf32>,
    %broadcast_in_dim3A_245 = arith.constant 0.000000e+00 : f32
    %broadcast_in_dim3A_246 = vector.broadcast %broadcast_in_dim3A_245 : f32 to vector<16xf32>
    %swap3A_247 = arith.constant 528 : index
    %swap3A_248 = tpu.vector_load %arg6[%swap3A_247] {strides = array<i32>} : memref<640xf32, #tpu.memory_space<vmem>>, vector<16xf32>,
    %swap3A_249 = vector.shape_cast %swap3A_248 : vector<16xf32> to vector<16xf32>
    %swap3A_250 = vector.shape_cast %broadcast_in_dim3A_246 : vector<16xf32> to vector<16xf32>
    tpu.vector_store %arg6[%swap3A_247], %swap3A_250 {strides = array<i32>} : memref<640xf32, #tpu.memory_space<vmem>>, vector<16xf32>,
    %broadcast_in_dim3A_251 = arith.constant 0.000000e+00 : f32
    %broadcast_in_dim3A_252 = vector.broadcast %broadcast_in_dim3A_251 : f32 to vector<16xf32>
    %swap3A_253 = arith.constant 544 : index
    %swap3A_254 = tpu.vector_load %arg6[%swap3A_253] {strides = array<i32>} : memref<640xf32, #tpu.memory_space<vmem>>, vector<16xf32>,
    %swap3A_255 = vector.shape_cast %swap3A_254 : vector<16xf32> to vector<16xf32>
    %swap3A_256 = vector.shape_cast %broadcast_in_dim3A_252 : vector<16xf32> to vector<16xf32>
    tpu.vector_store %arg6[%swap3A_253], %swap3A_256 {strides = array<i32>} : memref<640xf32, #tpu.memory_space<vmem>>, vector<16xf32>,
    %broadcast_in_dim3A_257 = arith.constant 0.000000e+00 : f32
    %broadcast_in_dim3A_258 = vector.broadcast %broadcast_in_dim3A_257 : f32 to vector<16xf32>
    %swap3A_259 = arith.constant 560 : index
    %swap3A_260 = tpu.vector_load %arg6[%swap3A_259] {strides = array<i32>} : memref<640xf32, #tpu.memory_space<vmem>>, vector<16xf32>,
    %swap3A_261 = vector.shape_cast %swap3A_260 : vector<16xf32> to vector<16xf32>
    %swap3A_262 = vector.shape_cast %broadcast_in_dim3A_258 : vector<16xf32> to vector<16xf32>
    tpu.vector_store %arg6[%swap3A_259], %swap3A_262 {strides = array<i32>} : memref<640xf32, #tpu.memory_space<vmem>>, vector<16xf32>,
    %broadcast_in_dim3A_263 = arith.constant 0.000000e+00 : f32
    %broadcast_in_dim3A_264 = vector.broadcast %broadcast_in_dim3A_263 : f32 to vector<16xf32>
    %swap3A_265 = arith.constant 576 : index
    %swap3A_266 = tpu.vector_load %arg6[%swap3A_265] {strides = array<i32>} : memref<640xf32, #tpu.memory_space<vmem>>, vector<16xf32>,
    %swap3A_267 = vector.shape_cast %swap3A_266 : vector<16xf32> to vector<16xf32>
    %swap3A_268 = vector.shape_cast %broadcast_in_dim3A_264 : vector<16xf32> to vector<16xf32>
    tpu.vector_store %arg6[%swap3A_265], %swap3A_268 {strides = array<i32>} : memref<640xf32, #tpu.memory_space<vmem>>, vector<16xf32>,
    %broadcast_in_dim3A_269 = arith.constant 0.000000e+00 : f32
    %broadcast_in_dim3A_270 = vector.broadcast %broadcast_in_dim3A_269 : f32 to vector<16xf32>
    %swap3A_271 = arith.constant 592 : index
    %swap3A_272 = tpu.vector_load %arg6[%swap3A_271] {strides = array<i32>} : memref<640xf32, #tpu.memory_space<vmem>>, vector<16xf32>,
    %swap3A_273 = vector.shape_cast %swap3A_272 : vector<16xf32> to vector<16xf32>
    %swap3A_274 = vector.shape_cast %broadcast_in_dim3A_270 : vector<16xf32> to vector<16xf32>
    tpu.vector_store %arg6[%swap3A_271], %swap3A_274 {strides = array<i32>} : memref<640xf32, #tpu.memory_space<vmem>>, vector<16xf32>,
    %broadcast_in_dim3A_275 = arith.constant 0.000000e+00 : f32
    %broadcast_in_dim3A_276 = vector.broadcast %broadcast_in_dim3A_275 : f32 to vector<16xf32>
    %swap3A_277 = arith.constant 608 : index
    %swap3A_278 = tpu.vector_load %arg6[%swap3A_277] {strides = array<i32>} : memref<640xf32, #tpu.memory_space<vmem>>, vector<16xf32>,
    %swap3A_279 = vector.shape_cast %swap3A_278 : vector<16xf32> to vector<16xf32>
    %swap3A_280 = vector.shape_cast %broadcast_in_dim3A_276 : vector<16xf32> to vector<16xf32>
    tpu.vector_store %arg6[%swap3A_277], %swap3A_280 {strides = array<i32>} : memref<640xf32, #tpu.memory_space<vmem>>, vector<16xf32>,
    %broadcast_in_dim3A_281 = arith.constant 0.000000e+00 : f32
    %broadcast_in_dim3A_282 = vector.broadcast %broadcast_in_dim3A_281 : f32 to vector<16xf32>
    %swap3A_283 = arith.constant 624 : index
    %swap3A_284 = tpu.vector_load %arg6[%swap3A_283] {strides = array<i32>} : memref<640xf32, #tpu.memory_space<vmem>>, vector<16xf32>,
    %swap3A_285 = vector.shape_cast %swap3A_284 : vector<16xf32> to vector<16xf32>
    %swap3A_286 = vector.shape_cast %broadcast_in_dim3A_282 : vector<16xf32> to vector<16xf32>
    tpu.vector_store %arg6[%swap3A_283], %swap3A_286 {strides = array<i32>} : memref<640xf32, #tpu.memory_space<vmem>>, vector<16xf32>,
    %mul3A_287 = arith.constant 640 : i32
    %mul3A_288 = arith.muli %arg1, %mul3A_287 : i32
    "tpu.region"() ({
      %run_scoped3A = tpu.sem_alloc : memref<!tpu.dma_semaphore, #tpu.memory_space<semaphore_mem>>
      %dma_start3A = tpu.memref_slice %arg7[%mul3A_288] : memref<10240xf32, #tpu.memory_space<vmem_shared>> -> memref<640xf32, #tpu.memory_space<vmem_shared>>
      %dma_start3A_302 = tpu.memref_slice %arg7[%mul3A_288] : memref<10240xf32, #tpu.memory_space<vmem_shared>> -> memref<640xf32, #tpu.memory_space<vmem_shared>>
      tpu.enqueue_dma source(%arg6 : memref<640xf32, #tpu.memory_space<vmem>>) target(%dma_start3A_302 : memref<640xf32, #tpu.memory_space<vmem_shared>>) target_semaphore(%run_scoped3A : memref<!tpu.dma_semaphore, #tpu.memory_space<semaphore_mem>>)
      %dma_wait3A = tpu.memref_slice %arg7[%mul3A_288] : memref<10240xf32, #tpu.memory_space<vmem_shared>> -> memref<640xf32, #tpu.memory_space<vmem_shared>>
      %dma_wait3A_303 = tpu.memref_slice %arg7[%mul3A_288] : memref<10240xf32, #tpu.memory_space<vmem_shared>> -> memref<640xf32, #tpu.memory_space<vmem_shared>>
      tpu.wait_dma2 semaphore(%run_scoped3A : memref<!tpu.dma_semaphore, #tpu.memory_space<semaphore_mem>>) src(%arg6 : memref<640xf32, #tpu.memory_space<vmem>>) dst(%dma_wait3A_303 : memref<640xf32, #tpu.memory_space<vmem_shared>>)
      tpu.yield
    }) : () -> ()
    "tpu.region"() ({
      %run_scoped3A = tpu.sem_alloc : memref<!tpu.dma_semaphore, #tpu.memory_space<semaphore_mem>>
      %dma_start3A = arith.constant 0 : i32
      %dma_start3A_302 = arith.constant 0 : i32
      %dma_start3A_303 = tpu.memref_slice %arg2[%add3A, %dma_start3A, %dma_start3A_302] : memref<32x40x128xi32, #tpu.memory_space<hbm>> -> memref<1x40x128xi32, #tpu.memory_space<hbm>>
      %dma_start3A_304 = tpu.memref_squeeze %dma_start3A_303 : memref<1x40x128xi32, #tpu.memory_space<hbm>> -> memref<40x128xi32, #tpu.memory_space<hbm>>
      %dma_start3A_305 = arith.constant 0 : i32
      %dma_start3A_306 = arith.constant 0 : i32
      %dma_start3A_307 = tpu.memref_slice %arg2[%add3A, %dma_start3A_305, %dma_start3A_306] : memref<32x40x128xi32, #tpu.memory_space<hbm>> -> memref<1x40x128xi32, #tpu.memory_space<hbm>>
      %dma_start3A_308 = tpu.memref_squeeze %dma_start3A_307 : memref<1x40x128xi32, #tpu.memory_space<hbm>> -> memref<40x128xi32, #tpu.memory_space<hbm>>
      tpu.enqueue_dma source(%dma_start3A_308 : memref<40x128xi32, #tpu.memory_space<hbm>>) target(%arg4 : memref<40x128xi32, #tpu.memory_space<vmem>>) target_semaphore(%run_scoped3A : memref<!tpu.dma_semaphore, #tpu.memory_space<semaphore_mem>>)
      %dma_wait3A = arith.constant 0 : i32
      %dma_wait3A_309 = arith.constant 0 : i32
      %dma_wait3A_310 = tpu.memref_slice %arg2[%add3A, %dma_wait3A, %dma_wait3A_309] : memref<32x40x128xi32, #tpu.memory_space<hbm>> -> memref<1x40x128xi32, #tpu.memory_space<hbm>>
      %dma_wait3A_311 = tpu.memref_squeeze %dma_wait3A_310 : memref<1x40x128xi32, #tpu.memory_space<hbm>> -> memref<40x128xi32, #tpu.memory_space<hbm>>
      %dma_wait3A_312 = arith.constant 0 : i32
      %dma_wait3A_313 = arith.constant 0 : i32
      %dma_wait3A_314 = tpu.memref_slice %arg2[%add3A, %dma_wait3A_312, %dma_wait3A_313] : memref<32x40x128xi32, #tpu.memory_space<hbm>> -> memref<1x40x128xi32, #tpu.memory_space<hbm>>
      %dma_wait3A_315 = tpu.memref_squeeze %dma_wait3A_314 : memref<1x40x128xi32, #tpu.memory_space<hbm>> -> memref<40x128xi32, #tpu.memory_space<hbm>>
      tpu.wait_dma2 semaphore(%run_scoped3A : memref<!tpu.dma_semaphore, #tpu.memory_space<semaphore_mem>>) src(%dma_wait3A_315 : memref<40x128xi32, #tpu.memory_space<hbm>>) dst(%arg4 : memref<40x128xi32, #tpu.memory_space<vmem>>)
      tpu.yield
    }) : () -> ()
    %barrier3A = arith.constant 0 : index
    tpu.barrier barrier_id(%barrier3A)
    %scan3A = arith.constant 0 : i32
    %scan3A_289 = arith.constant 0 : i32
    %scan3A_290 = arith.constant 40 : i32
    %scan3A_291 = arith.addi %scan3A_289, %scan3A_290 : i32
    %scan3A_292 = arith.constant 1 : i32
    scf.for %scan3A_302 = %scan3A_289 to %scan3A_291 step %scan3A_292  : i32 {
      "tpu.region"() ({
        %run_scoped3A = tpu.sem_alloc : memref<!tpu.dma_semaphore, #tpu.memory_space<semaphore_mem>>
        %dma_start3A = arith.constant 0 : i32
        %dma_start3A_303 = tpu.memref_slice %arg4[%scan3A_302, %dma_start3A] : memref<40x128xi32, #tpu.memory_space<vmem>> -> memref<1x128xi32, #tpu.memory_space<vmem>>
        %dma_start3A_304 = tpu.memref_squeeze %dma_start3A_303 : memref<1x128xi32, #tpu.memory_space<vmem>> -> memref<128xi32, #tpu.memory_space<vmem>>
        %dma_start3A_305 = arith.constant 0 : i32
        %dma_start3A_306 = tpu.memref_slice %arg7[%dma_start3A_305] : memref<10240xf32, #tpu.memory_space<vmem_shared>> -> memref<10240xf32, #tpu.memory_space<vmem_shared>>
        tpu.enqueue_indirect_dma source(%arg5 : memref<128xf32, #tpu.memory_space<vmem>>) target(%dma_start3A_306 : memref<10240xf32, #tpu.memory_space<vmem_shared>>) offsets(%dma_start3A_304 : memref<128xi32, #tpu.memory_space<vmem>>) semaphore(%run_scoped3A : memref<!tpu.dma_semaphore, #tpu.memory_space<semaphore_mem>>) {add = true}
        %dma_wait3A = arith.constant 0 : i32
        %dma_wait3A_307 = tpu.memref_slice %arg4[%scan3A_302, %dma_wait3A] : memref<40x128xi32, #tpu.memory_space<vmem>> -> memref<1x128xi32, #tpu.memory_space<vmem>>
        %dma_wait3A_308 = tpu.memref_squeeze %dma_wait3A_307 : memref<1x128xi32, #tpu.memory_space<vmem>> -> memref<128xi32, #tpu.memory_space<vmem>>
        %dma_wait3A_309 = arith.constant 0 : i32
        %dma_wait3A_310 = tpu.memref_slice %arg7[%dma_wait3A_309] : memref<10240xf32, #tpu.memory_space<vmem_shared>> -> memref<10240xf32, #tpu.memory_space<vmem_shared>>
        tpu.wait_indirect_dma semaphore(%run_scoped3A : memref<!tpu.dma_semaphore, #tpu.memory_space<semaphore_mem>>) src(%arg5 : memref<128xf32, #tpu.memory_space<vmem>>) dst(%dma_wait3A_310 : memref<10240xf32, #tpu.memory_space<vmem_shared>>)
        tpu.yield
      }) : () -> ()
    }
    %scan3A_293 = arith.constant 40 : i32
    %barrier3A_294 = arith.constant 0 : index
    tpu.barrier barrier_id(%barrier3A_294)
    %mul3A_295 = arith.constant 640 : i32
    %mul3A_296 = arith.muli %arg1, %mul3A_295 : i32
    "tpu.region"() ({
      %run_scoped3A = tpu.sem_alloc : memref<!tpu.dma_semaphore, #tpu.memory_space<semaphore_mem>>
      %dma_start3A = tpu.memref_slice %arg7[%mul3A_296] : memref<10240xf32, #tpu.memory_space<vmem_shared>> -> memref<640xf32, #tpu.memory_space<vmem_shared>>
      %dma_start3A_302 = tpu.memref_slice %arg7[%mul3A_296] : memref<10240xf32, #tpu.memory_space<vmem_shared>> -> memref<640xf32, #tpu.memory_space<vmem_shared>>
      tpu.enqueue_dma source(%dma_start3A_302 : memref<640xf32, #tpu.memory_space<vmem_shared>>) target(%arg6 : memref<640xf32, #tpu.memory_space<vmem>>) target_semaphore(%run_scoped3A : memref<!tpu.dma_semaphore, #tpu.memory_space<semaphore_mem>>)
      %dma_wait3A = tpu.memref_slice %arg7[%mul3A_296] : memref<10240xf32, #tpu.memory_space<vmem_shared>> -> memref<640xf32, #tpu.memory_space<vmem_shared>>
      %dma_wait3A_303 = tpu.memref_slice %arg7[%mul3A_296] : memref<10240xf32, #tpu.memory_space<vmem_shared>> -> memref<640xf32, #tpu.memory_space<vmem_shared>>
      tpu.wait_dma2 semaphore(%run_scoped3A : memref<!tpu.dma_semaphore, #tpu.memory_space<semaphore_mem>>) src(%dma_wait3A_303 : memref<640xf32, #tpu.memory_space<vmem_shared>>) dst(%arg6 : memref<640xf32, #tpu.memory_space<vmem>>)
      tpu.yield
    }) : () -> ()
    %mul3A_297 = arith.constant 10240 : i32
    %mul3A_298 = arith.muli %arg0, %mul3A_297 : i32
    %mul3A_299 = arith.constant 640 : i32
    %mul3A_300 = arith.muli %arg1, %mul3A_299 : i32
    %add3A_301 = arith.addi %mul3A_298, %mul3A_300 : i32
    %multiple_of3A = tpu.assume_multiple %add3A_301, 8 : i32
    "tpu.region"() ({
      %run_scoped3A = tpu.sem_alloc : memref<!tpu.dma_semaphore, #tpu.memory_space<semaphore_mem>>
      %dma_start3A = tpu.memref_slice %arg3[%multiple_of3A] : memref<20480xf32, #tpu.memory_space<hbm>> -> memref<640xf32, #tpu.memory_space<hbm>>
      %dma_start3A_302 = tpu.memref_slice %arg3[%multiple_of3A] : memref<20480xf32, #tpu.memory_space<hbm>> -> memref<640xf32, #tpu.memory_space<hbm>>
      tpu.enqueue_dma source(%arg6 : memref<640xf32, #tpu.memory_space<vmem>>) target(%dma_start3A_302 : memref<640xf32, #tpu.memory_space<hbm>>) target_semaphore(%run_scoped3A : memref<!tpu.dma_semaphore, #tpu.memory_space<semaphore_mem>>)
      %dma_wait3A = tpu.memref_slice %arg3[%multiple_of3A] : memref<20480xf32, #tpu.memory_space<hbm>> -> memref<640xf32, #tpu.memory_space<hbm>>
      %dma_wait3A_303 = tpu.memref_slice %arg3[%multiple_of3A] : memref<20480xf32, #tpu.memory_space<hbm>> -> memref<640xf32, #tpu.memory_space<hbm>>
      tpu.wait_dma2 semaphore(%run_scoped3A : memref<!tpu.dma_semaphore, #tpu.memory_space<semaphore_mem>>) src(%arg6 : memref<640xf32, #tpu.memory_space<vmem>>) dst(%dma_wait3A_303 : memref<640xf32, #tpu.memory_space<hbm>>)
      tpu.yield
    }) : () -> ()
    return
  }
}

#map = affine_map<(d0, d1) -> (0, 0, 0)>
#map1 = affine_map<(d0, d1) -> (0, 0)>
module attributes {stable_mosaic.version = 14 : i64} {
  func.func @_agg_kernel(%arg0: i32, %arg1: i32, %arg2: memref<16x80x128xi32, #tpu.memory_space<hbm>>, %arg3: memref<16x80x128xi32, #tpu.memory_space<hbm>>, %arg4: memref<81920x32xf32, #tpu.memory_space<hbm>>, %arg5: memref<81920x32xf32, #tpu.memory_space<hbm>>, %arg6: memref<80x128xi32, #tpu.memory_space<vmem>>, %arg7: memref<80x128xi32, #tpu.memory_space<vmem>>, %arg8: memref<8x128x32xf32, #tpu.memory_space<vmem>>, %arg9: memref<128x32xf32, #tpu.memory_space<vmem>>, %arg10: memref<640x32xf32, #tpu.memory_space<vmem>>, %arg11: memref<10240x32xf32, #tpu.memory_space<vmem_shared>>, %arg12: memref<10240x32xf32, #tpu.memory_space<vmem_shared>>, %arg13: memref<8x!tpu.dma_semaphore, #tpu.memory_space<semaphore_mem>>, %arg14: memref<8x!tpu.dma_semaphore, #tpu.memory_space<semaphore_mem>>) attributes {dimension_semantics = [#tpu.dimension_semantics<core_parallel>, #tpu.dimension_semantics<subcore_parallel>], iteration_bounds = array<i64: 2, 16>, scalar_prefetch = 0 : i64, scratch_operands = 9 : i64, tpu.core_type = #tpu.core_type<sc_vector_subcore>, window_params = [{transform_indices = #map}, {transform_indices = #map}, {transform_indices = #map1}, {transform_indices = #map1}]} {
    "tpu.region"() ({
      %run_scoped3A = tpu.sem_alloc : memref<!tpu.dma_semaphore, #tpu.memory_space<semaphore_mem>>
      %dma_start3A_777 = arith.constant 0 : i32
      %dma_start3A_778 = arith.constant 0 : i32
      %dma_start3A_779 = tpu.memref_slice %arg2[%arg1, %dma_start3A_777, %dma_start3A_778] : memref<16x80x128xi32, #tpu.memory_space<hbm>> -> memref<1x80x128xi32, #tpu.memory_space<hbm>>
      %dma_start3A_780 = tpu.memref_squeeze %dma_start3A_779 : memref<1x80x128xi32, #tpu.memory_space<hbm>> -> memref<80x128xi32, #tpu.memory_space<hbm>>
      %dma_start3A_781 = arith.constant 0 : i32
      %dma_start3A_782 = arith.constant 0 : i32
      %dma_start3A_783 = tpu.memref_slice %arg2[%arg1, %dma_start3A_781, %dma_start3A_782] : memref<16x80x128xi32, #tpu.memory_space<hbm>> -> memref<1x80x128xi32, #tpu.memory_space<hbm>>
      %dma_start3A_784 = tpu.memref_squeeze %dma_start3A_783 : memref<1x80x128xi32, #tpu.memory_space<hbm>> -> memref<80x128xi32, #tpu.memory_space<hbm>>
      tpu.enqueue_dma source(%dma_start3A_784 : memref<80x128xi32, #tpu.memory_space<hbm>>) target(%arg6 : memref<80x128xi32, #tpu.memory_space<vmem>>) target_semaphore(%run_scoped3A : memref<!tpu.dma_semaphore, #tpu.memory_space<semaphore_mem>>)
      %dma_wait3A_785 = arith.constant 0 : i32
      %dma_wait3A_786 = arith.constant 0 : i32
      %dma_wait3A_787 = tpu.memref_slice %arg2[%arg1, %dma_wait3A_785, %dma_wait3A_786] : memref<16x80x128xi32, #tpu.memory_space<hbm>> -> memref<1x80x128xi32, #tpu.memory_space<hbm>>
      %dma_wait3A_788 = tpu.memref_squeeze %dma_wait3A_787 : memref<1x80x128xi32, #tpu.memory_space<hbm>> -> memref<80x128xi32, #tpu.memory_space<hbm>>
      %dma_wait3A_789 = arith.constant 0 : i32
      %dma_wait3A_790 = arith.constant 0 : i32
      %dma_wait3A_791 = tpu.memref_slice %arg2[%arg1, %dma_wait3A_789, %dma_wait3A_790] : memref<16x80x128xi32, #tpu.memory_space<hbm>> -> memref<1x80x128xi32, #tpu.memory_space<hbm>>
      %dma_wait3A_792 = tpu.memref_squeeze %dma_wait3A_791 : memref<1x80x128xi32, #tpu.memory_space<hbm>> -> memref<80x128xi32, #tpu.memory_space<hbm>>
      tpu.wait_dma2 semaphore(%run_scoped3A : memref<!tpu.dma_semaphore, #tpu.memory_space<semaphore_mem>>) src(%dma_wait3A_792 : memref<80x128xi32, #tpu.memory_space<hbm>>) dst(%arg6 : memref<80x128xi32, #tpu.memory_space<vmem>>)
      tpu.yield
    }) : () -> ()
    "tpu.region"() ({
      %run_scoped3A = tpu.sem_alloc : memref<!tpu.dma_semaphore, #tpu.memory_space<semaphore_mem>>
      %dma_start3A_777 = arith.constant 0 : i32
      %dma_start3A_778 = arith.constant 0 : i32
      %dma_start3A_779 = tpu.memref_slice %arg3[%arg1, %dma_start3A_777, %dma_start3A_778] : memref<16x80x128xi32, #tpu.memory_space<hbm>> -> memref<1x80x128xi32, #tpu.memory_space<hbm>>
      %dma_start3A_780 = tpu.memref_squeeze %dma_start3A_779 : memref<1x80x128xi32, #tpu.memory_space<hbm>> -> memref<80x128xi32, #tpu.memory_space<hbm>>
      %dma_start3A_781 = arith.constant 0 : i32
      %dma_start3A_782 = arith.constant 0 : i32
      %dma_start3A_783 = tpu.memref_slice %arg3[%arg1, %dma_start3A_781, %dma_start3A_782] : memref<16x80x128xi32, #tpu.memory_space<hbm>> -> memref<1x80x128xi32, #tpu.memory_space<hbm>>
      %dma_start3A_784 = tpu.memref_squeeze %dma_start3A_783 : memref<1x80x128xi32, #tpu.memory_space<hbm>> -> memref<80x128xi32, #tpu.memory_space<hbm>>
      tpu.enqueue_dma source(%dma_start3A_784 : memref<80x128xi32, #tpu.memory_space<hbm>>) target(%arg7 : memref<80x128xi32, #tpu.memory_space<vmem>>) target_semaphore(%run_scoped3A : memref<!tpu.dma_semaphore, #tpu.memory_space<semaphore_mem>>)
      %dma_wait3A_785 = arith.constant 0 : i32
      %dma_wait3A_786 = arith.constant 0 : i32
      %dma_wait3A_787 = tpu.memref_slice %arg3[%arg1, %dma_wait3A_785, %dma_wait3A_786] : memref<16x80x128xi32, #tpu.memory_space<hbm>> -> memref<1x80x128xi32, #tpu.memory_space<hbm>>
      %dma_wait3A_788 = tpu.memref_squeeze %dma_wait3A_787 : memref<1x80x128xi32, #tpu.memory_space<hbm>> -> memref<80x128xi32, #tpu.memory_space<hbm>>
      %dma_wait3A_789 = arith.constant 0 : i32
      %dma_wait3A_790 = arith.constant 0 : i32
      %dma_wait3A_791 = tpu.memref_slice %arg3[%arg1, %dma_wait3A_789, %dma_wait3A_790] : memref<16x80x128xi32, #tpu.memory_space<hbm>> -> memref<1x80x128xi32, #tpu.memory_space<hbm>>
      %dma_wait3A_792 = tpu.memref_squeeze %dma_wait3A_791 : memref<1x80x128xi32, #tpu.memory_space<hbm>> -> memref<80x128xi32, #tpu.memory_space<hbm>>
      tpu.wait_dma2 semaphore(%run_scoped3A : memref<!tpu.dma_semaphore, #tpu.memory_space<semaphore_mem>>) src(%dma_wait3A_792 : memref<80x128xi32, #tpu.memory_space<hbm>>) dst(%arg7 : memref<80x128xi32, #tpu.memory_space<vmem>>)
      tpu.yield
    }) : () -> ()
    %mul3A = arith.constant 4 : i32
    %mul3A_0 = arith.muli %arg0, %mul3A : i32
    %add3A = arith.constant 0 : i32
    %add3A_1 = arith.addi %mul3A_0, %add3A : i32
    %mul3A_2 = arith.constant 10240 : i32
    %mul3A_3 = arith.muli %add3A_1, %mul3A_2 : i32
    %multiple_of3A = tpu.assume_multiple %mul3A_3, 8 : i32
    %mul3A_4 = arith.constant 640 : i32
    %mul3A_5 = arith.muli %arg1, %mul3A_4 : i32
    %add3A_6 = arith.addi %multiple_of3A, %mul3A_5 : i32
    "tpu.region"() ({
      %run_scoped3A = tpu.sem_alloc : memref<!tpu.dma_semaphore, #tpu.memory_space<semaphore_mem>>
      %dma_start3A_777 = arith.constant 0 : i32
      %dma_start3A_778 = tpu.memref_slice %arg4[%add3A_6, %dma_start3A_777] : memref<81920x32xf32, #tpu.memory_space<hbm>> -> memref<640x32xf32, #tpu.memory_space<hbm>>
      %dma_start3A_779 = arith.constant 0 : i32
      %dma_start3A_780 = tpu.memref_slice %arg4[%add3A_6, %dma_start3A_779] : memref<81920x32xf32, #tpu.memory_space<hbm>> -> memref<640x32xf32, #tpu.memory_space<hbm>>
      tpu.enqueue_dma source(%dma_start3A_780 : memref<640x32xf32, #tpu.memory_space<hbm>>) target(%arg10 : memref<640x32xf32, #tpu.memory_space<vmem>>) target_semaphore(%run_scoped3A : memref<!tpu.dma_semaphore, #tpu.memory_space<semaphore_mem>>)
      %dma_wait3A_781 = arith.constant 0 : i32
      %dma_wait3A_782 = tpu.memref_slice %arg4[%add3A_6, %dma_wait3A_781] : memref<81920x32xf32, #tpu.memory_space<hbm>> -> memref<640x32xf32, #tpu.memory_space<hbm>>
      %dma_wait3A_783 = arith.constant 0 : i32
      %dma_wait3A_784 = tpu.memref_slice %arg4[%add3A_6, %dma_wait3A_783] : memref<81920x32xf32, #tpu.memory_space<hbm>> -> memref<640x32xf32, #tpu.memory_space<hbm>>
      tpu.wait_dma2 semaphore(%run_scoped3A : memref<!tpu.dma_semaphore, #tpu.memory_space<semaphore_mem>>) src(%dma_wait3A_784 : memref<640x32xf32, #tpu.memory_space<hbm>>) dst(%arg10 : memref<640x32xf32, #tpu.memory_space<vmem>>)
      tpu.yield
    }) : () -> ()
    %mul3A_7 = arith.constant 640 : i32
    %mul3A_8 = arith.muli %arg1, %mul3A_7 : i32
    "tpu.region"() ({
      %run_scoped3A = tpu.sem_alloc : memref<!tpu.dma_semaphore, #tpu.memory_space<semaphore_mem>>
      %dma_start3A_777 = arith.constant 0 : i32
      %dma_start3A_778 = tpu.memref_slice %arg11[%mul3A_8, %dma_start3A_777] : memref<10240x32xf32, #tpu.memory_space<vmem_shared>> -> memref<640x32xf32, #tpu.memory_space<vmem_shared>>
      %dma_start3A_779 = arith.constant 0 : i32
      %dma_start3A_780 = tpu.memref_slice %arg11[%mul3A_8, %dma_start3A_779] : memref<10240x32xf32, #tpu.memory_space<vmem_shared>> -> memref<640x32xf32, #tpu.memory_space<vmem_shared>>
      tpu.enqueue_dma source(%arg10 : memref<640x32xf32, #tpu.memory_space<vmem>>) target(%dma_start3A_780 : memref<640x32xf32, #tpu.memory_space<vmem_shared>>) target_semaphore(%run_scoped3A : memref<!tpu.dma_semaphore, #tpu.memory_space<semaphore_mem>>)
      %dma_wait3A_781 = arith.constant 0 : i32
      %dma_wait3A_782 = tpu.memref_slice %arg11[%mul3A_8, %dma_wait3A_781] : memref<10240x32xf32, #tpu.memory_space<vmem_shared>> -> memref<640x32xf32, #tpu.memory_space<vmem_shared>>
      %dma_wait3A_783 = arith.constant 0 : i32
      %dma_wait3A_784 = tpu.memref_slice %arg11[%mul3A_8, %dma_wait3A_783] : memref<10240x32xf32, #tpu.memory_space<vmem_shared>> -> memref<640x32xf32, #tpu.memory_space<vmem_shared>>
      tpu.wait_dma2 semaphore(%run_scoped3A : memref<!tpu.dma_semaphore, #tpu.memory_space<semaphore_mem>>) src(%arg10 : memref<640x32xf32, #tpu.memory_space<vmem>>) dst(%dma_wait3A_784 : memref<640x32xf32, #tpu.memory_space<vmem_shared>>)
      tpu.yield
    }) : () -> ()
    %scan3A = arith.constant 0 : i32
    %scan3A_9 = arith.constant 0 : i32
    %scan3A_10 = arith.constant 128 : i32
    %scan3A_11 = arith.addi %scan3A_9, %scan3A_10 : i32
    %scan3A_12 = arith.constant 1 : i32
    scf.for %scan3A_777 = %scan3A_9 to %scan3A_11 step %scan3A_12  : i32 {
      %broadcast_in_dim3A = arith.constant 0.000000e+00 : f32
      %broadcast_in_dim3A_778 = vector.broadcast %broadcast_in_dim3A : f32 to vector<16xf32>
      %swap3A = arith.index_cast %scan3A_777 : i32 to index
      %swap3A_779 = arith.constant 0 : index
      %swap3A_780 = tpu.vector_load %arg9[%swap3A, %swap3A_779] {strides = array<i32>} : memref<128x32xf32, #tpu.memory_space<vmem>>, vector<1x16xf32>,
      %swap3A_781 = vector.shape_cast %swap3A_780 : vector<1x16xf32> to vector<16xf32>
      %swap3A_782 = vector.shape_cast %broadcast_in_dim3A_778 : vector<16xf32> to vector<1x16xf32>
      tpu.vector_store %arg9[%swap3A, %swap3A_779], %swap3A_782 {strides = array<i32>} : memref<128x32xf32, #tpu.memory_space<vmem>>, vector<1x16xf32>,
      %broadcast_in_dim3A_783 = arith.constant 0.000000e+00 : f32
      %broadcast_in_dim3A_784 = vector.broadcast %broadcast_in_dim3A_783 : f32 to vector<16xf32>
      %swap3A_785 = arith.index_cast %scan3A_777 : i32 to index
      %swap3A_786 = arith.constant 16 : index
      %swap3A_787 = tpu.vector_load %arg9[%swap3A_785, %swap3A_786] {strides = array<i32>} : memref<128x32xf32, #tpu.memory_space<vmem>>, vector<1x16xf32>,
      %swap3A_788 = vector.shape_cast %swap3A_787 : vector<1x16xf32> to vector<16xf32>
      %swap3A_789 = vector.shape_cast %broadcast_in_dim3A_784 : vector<16xf32> to vector<1x16xf32>
      tpu.vector_store %arg9[%swap3A_785, %swap3A_786], %swap3A_789 {strides = array<i32>} : memref<128x32xf32, #tpu.memory_space<vmem>>, vector<1x16xf32>,
    }
    %scan3A_13 = arith.constant 128 : i32
    %mul3A_14 = arith.constant 640 : i32
    %mul3A_15 = arith.muli %arg1, %mul3A_14 : i32
    %add3A_16 = arith.constant 0 : i32
    %add3A_17 = arith.addi %mul3A_15, %add3A_16 : i32
    "tpu.region"() ({
      %run_scoped3A = tpu.sem_alloc : memref<!tpu.dma_semaphore, #tpu.memory_space<semaphore_mem>>
      %dma_start3A_777 = arith.constant 0 : i32
      %dma_start3A_778 = tpu.memref_slice %arg12[%add3A_17, %dma_start3A_777] : memref<10240x32xf32, #tpu.memory_space<vmem_shared>> -> memref<128x32xf32, #tpu.memory_space<vmem_shared>>
      %dma_start3A_779 = arith.constant 0 : i32
      %dma_start3A_780 = tpu.memref_slice %arg12[%add3A_17, %dma_start3A_779] : memref<10240x32xf32, #tpu.memory_space<vmem_shared>> -> memref<128x32xf32, #tpu.memory_space<vmem_shared>>
      tpu.enqueue_dma source(%arg9 : memref<128x32xf32, #tpu.memory_space<vmem>>) target(%dma_start3A_780 : memref<128x32xf32, #tpu.memory_space<vmem_shared>>) target_semaphore(%run_scoped3A : memref<!tpu.dma_semaphore, #tpu.memory_space<semaphore_mem>>)
      %dma_wait3A_781 = arith.constant 0 : i32
      %dma_wait3A_782 = tpu.memref_slice %arg12[%add3A_17, %dma_wait3A_781] : memref<10240x32xf32, #tpu.memory_space<vmem_shared>> -> memref<128x32xf32, #tpu.memory_space<vmem_shared>>
      %dma_wait3A_783 = arith.constant 0 : i32
      %dma_wait3A_784 = tpu.memref_slice %arg12[%add3A_17, %dma_wait3A_783] : memref<10240x32xf32, #tpu.memory_space<vmem_shared>> -> memref<128x32xf32, #tpu.memory_space<vmem_shared>>
      tpu.wait_dma2 semaphore(%run_scoped3A : memref<!tpu.dma_semaphore, #tpu.memory_space<semaphore_mem>>) src(%arg9 : memref<128x32xf32, #tpu.memory_space<vmem>>) dst(%dma_wait3A_784 : memref<128x32xf32, #tpu.memory_space<vmem_shared>>)
      tpu.yield
    }) : () -> ()
    %mul3A_18 = arith.constant 640 : i32
    %mul3A_19 = arith.muli %arg1, %mul3A_18 : i32
    %add3A_20 = arith.constant 128 : i32
    %add3A_21 = arith.addi %mul3A_19, %add3A_20 : i32
    "tpu.region"() ({
      %run_scoped3A = tpu.sem_alloc : memref<!tpu.dma_semaphore, #tpu.memory_space<semaphore_mem>>
      %dma_start3A_777 = arith.constant 0 : i32
      %dma_start3A_778 = tpu.memref_slice %arg12[%add3A_21, %dma_start3A_777] : memref<10240x32xf32, #tpu.memory_space<vmem_shared>> -> memref<128x32xf32, #tpu.memory_space<vmem_shared>>
      %dma_start3A_779 = arith.constant 0 : i32
      %dma_start3A_780 = tpu.memref_slice %arg12[%add3A_21, %dma_start3A_779] : memref<10240x32xf32, #tpu.memory_space<vmem_shared>> -> memref<128x32xf32, #tpu.memory_space<vmem_shared>>
      tpu.enqueue_dma source(%arg9 : memref<128x32xf32, #tpu.memory_space<vmem>>) target(%dma_start3A_780 : memref<128x32xf32, #tpu.memory_space<vmem_shared>>) target_semaphore(%run_scoped3A : memref<!tpu.dma_semaphore, #tpu.memory_space<semaphore_mem>>)
      %dma_wait3A_781 = arith.constant 0 : i32
      %dma_wait3A_782 = tpu.memref_slice %arg12[%add3A_21, %dma_wait3A_781] : memref<10240x32xf32, #tpu.memory_space<vmem_shared>> -> memref<128x32xf32, #tpu.memory_space<vmem_shared>>
      %dma_wait3A_783 = arith.constant 0 : i32
      %dma_wait3A_784 = tpu.memref_slice %arg12[%add3A_21, %dma_wait3A_783] : memref<10240x32xf32, #tpu.memory_space<vmem_shared>> -> memref<128x32xf32, #tpu.memory_space<vmem_shared>>
      tpu.wait_dma2 semaphore(%run_scoped3A : memref<!tpu.dma_semaphore, #tpu.memory_space<semaphore_mem>>) src(%arg9 : memref<128x32xf32, #tpu.memory_space<vmem>>) dst(%dma_wait3A_784 : memref<128x32xf32, #tpu.memory_space<vmem_shared>>)
      tpu.yield
    }) : () -> ()
    %mul3A_22 = arith.constant 640 : i32
    %mul3A_23 = arith.muli %arg1, %mul3A_22 : i32
    %add3A_24 = arith.constant 256 : i32
    %add3A_25 = arith.addi %mul3A_23, %add3A_24 : i32
    "tpu.region"() ({
      %run_scoped3A = tpu.sem_alloc : memref<!tpu.dma_semaphore, #tpu.memory_space<semaphore_mem>>
      %dma_start3A_777 = arith.constant 0 : i32
      %dma_start3A_778 = tpu.memref_slice %arg12[%add3A_25, %dma_start3A_777] : memref<10240x32xf32, #tpu.memory_space<vmem_shared>> -> memref<128x32xf32, #tpu.memory_space<vmem_shared>>
      %dma_start3A_779 = arith.constant 0 : i32
      %dma_start3A_780 = tpu.memref_slice %arg12[%add3A_25, %dma_start3A_779] : memref<10240x32xf32, #tpu.memory_space<vmem_shared>> -> memref<128x32xf32, #tpu.memory_space<vmem_shared>>
      tpu.enqueue_dma source(%arg9 : memref<128x32xf32, #tpu.memory_space<vmem>>) target(%dma_start3A_780 : memref<128x32xf32, #tpu.memory_space<vmem_shared>>) target_semaphore(%run_scoped3A : memref<!tpu.dma_semaphore, #tpu.memory_space<semaphore_mem>>)
      %dma_wait3A_781 = arith.constant 0 : i32
      %dma_wait3A_782 = tpu.memref_slice %arg12[%add3A_25, %dma_wait3A_781] : memref<10240x32xf32, #tpu.memory_space<vmem_shared>> -> memref<128x32xf32, #tpu.memory_space<vmem_shared>>
      %dma_wait3A_783 = arith.constant 0 : i32
      %dma_wait3A_784 = tpu.memref_slice %arg12[%add3A_25, %dma_wait3A_783] : memref<10240x32xf32, #tpu.memory_space<vmem_shared>> -> memref<128x32xf32, #tpu.memory_space<vmem_shared>>
      tpu.wait_dma2 semaphore(%run_scoped3A : memref<!tpu.dma_semaphore, #tpu.memory_space<semaphore_mem>>) src(%arg9 : memref<128x32xf32, #tpu.memory_space<vmem>>) dst(%dma_wait3A_784 : memref<128x32xf32, #tpu.memory_space<vmem_shared>>)
      tpu.yield
    }) : () -> ()
    %mul3A_26 = arith.constant 640 : i32
    %mul3A_27 = arith.muli %arg1, %mul3A_26 : i32
    %add3A_28 = arith.constant 384 : i32
    %add3A_29 = arith.addi %mul3A_27, %add3A_28 : i32
    "tpu.region"() ({
      %run_scoped3A = tpu.sem_alloc : memref<!tpu.dma_semaphore, #tpu.memory_space<semaphore_mem>>
      %dma_start3A_777 = arith.constant 0 : i32
      %dma_start3A_778 = tpu.memref_slice %arg12[%add3A_29, %dma_start3A_777] : memref<10240x32xf32, #tpu.memory_space<vmem_shared>> -> memref<128x32xf32, #tpu.memory_space<vmem_shared>>
      %dma_start3A_779 = arith.constant 0 : i32
      %dma_start3A_780 = tpu.memref_slice %arg12[%add3A_29, %dma_start3A_779] : memref<10240x32xf32, #tpu.memory_space<vmem_shared>> -> memref<128x32xf32, #tpu.memory_space<vmem_shared>>
      tpu.enqueue_dma source(%arg9 : memref<128x32xf32, #tpu.memory_space<vmem>>) target(%dma_start3A_780 : memref<128x32xf32, #tpu.memory_space<vmem_shared>>) target_semaphore(%run_scoped3A : memref<!tpu.dma_semaphore, #tpu.memory_space<semaphore_mem>>)
      %dma_wait3A_781 = arith.constant 0 : i32
      %dma_wait3A_782 = tpu.memref_slice %arg12[%add3A_29, %dma_wait3A_781] : memref<10240x32xf32, #tpu.memory_space<vmem_shared>> -> memref<128x32xf32, #tpu.memory_space<vmem_shared>>
      %dma_wait3A_783 = arith.constant 0 : i32
      %dma_wait3A_784 = tpu.memref_slice %arg12[%add3A_29, %dma_wait3A_783] : memref<10240x32xf32, #tpu.memory_space<vmem_shared>> -> memref<128x32xf32, #tpu.memory_space<vmem_shared>>
      tpu.wait_dma2 semaphore(%run_scoped3A : memref<!tpu.dma_semaphore, #tpu.memory_space<semaphore_mem>>) src(%arg9 : memref<128x32xf32, #tpu.memory_space<vmem>>) dst(%dma_wait3A_784 : memref<128x32xf32, #tpu.memory_space<vmem_shared>>)
      tpu.yield
    }) : () -> ()
    %mul3A_30 = arith.constant 640 : i32
    %mul3A_31 = arith.muli %arg1, %mul3A_30 : i32
    %add3A_32 = arith.constant 512 : i32
    %add3A_33 = arith.addi %mul3A_31, %add3A_32 : i32
    "tpu.region"() ({
      %run_scoped3A = tpu.sem_alloc : memref<!tpu.dma_semaphore, #tpu.memory_space<semaphore_mem>>
      %dma_start3A_777 = arith.constant 0 : i32
      %dma_start3A_778 = tpu.memref_slice %arg12[%add3A_33, %dma_start3A_777] : memref<10240x32xf32, #tpu.memory_space<vmem_shared>> -> memref<128x32xf32, #tpu.memory_space<vmem_shared>>
      %dma_start3A_779 = arith.constant 0 : i32
      %dma_start3A_780 = tpu.memref_slice %arg12[%add3A_33, %dma_start3A_779] : memref<10240x32xf32, #tpu.memory_space<vmem_shared>> -> memref<128x32xf32, #tpu.memory_space<vmem_shared>>
      tpu.enqueue_dma source(%arg9 : memref<128x32xf32, #tpu.memory_space<vmem>>) target(%dma_start3A_780 : memref<128x32xf32, #tpu.memory_space<vmem_shared>>) target_semaphore(%run_scoped3A : memref<!tpu.dma_semaphore, #tpu.memory_space<semaphore_mem>>)
      %dma_wait3A_781 = arith.constant 0 : i32
      %dma_wait3A_782 = tpu.memref_slice %arg12[%add3A_33, %dma_wait3A_781] : memref<10240x32xf32, #tpu.memory_space<vmem_shared>> -> memref<128x32xf32, #tpu.memory_space<vmem_shared>>
      %dma_wait3A_783 = arith.constant 0 : i32
      %dma_wait3A_784 = tpu.memref_slice %arg12[%add3A_33, %dma_wait3A_783] : memref<10240x32xf32, #tpu.memory_space<vmem_shared>> -> memref<128x32xf32, #tpu.memory_space<vmem_shared>>
      tpu.wait_dma2 semaphore(%run_scoped3A : memref<!tpu.dma_semaphore, #tpu.memory_space<semaphore_mem>>) src(%arg9 : memref<128x32xf32, #tpu.memory_space<vmem>>) dst(%dma_wait3A_784 : memref<128x32xf32, #tpu.memory_space<vmem_shared>>)
      tpu.yield
    }) : () -> ()
    %barrier3A = arith.constant 0 : index
    tpu.barrier barrier_id(%barrier3A)
    %dma_start3A = arith.constant 0 : i32
    %dma_start3A_34 = arith.constant 0 : i32
    %dma_start3A_35 = arith.constant 0 : i32
    %dma_start3A_36 = arith.constant 0 : i32
    %dma_start3A_37 = arith.constant 0 : i32
    %dma_start3A_38 = tpu.memref_slice %arg8[%dma_start3A_34, %dma_start3A_36, %dma_start3A_37] : memref<8x128x32xf32, #tpu.memory_space<vmem>> -> memref<1x128x32xf32, #tpu.memory_space<vmem>>
    %dma_start3A_39 = tpu.memref_squeeze %dma_start3A_38 : memref<1x128x32xf32, #tpu.memory_space<vmem>> -> memref<128x32xf32, #tpu.memory_space<vmem>>
    %dma_start3A_40 = arith.constant 0 : i32
    %dma_start3A_41 = tpu.memref_slice %arg6[%dma_start3A, %dma_start3A_40] : memref<80x128xi32, #tpu.memory_space<vmem>> -> memref<1x128xi32, #tpu.memory_space<vmem>>
    %dma_start3A_42 = tpu.memref_squeeze %dma_start3A_41 : memref<1x128xi32, #tpu.memory_space<vmem>> -> memref<128xi32, #tpu.memory_space<vmem>>
    %dma_start3A_43 = arith.constant 0 : i32
    %dma_start3A_44 = arith.constant 0 : i32
    %dma_start3A_45 = tpu.memref_slice %arg11[%dma_start3A_43, %dma_start3A_44] : memref<10240x32xf32, #tpu.memory_space<vmem_shared>> -> memref<10240x32xf32, #tpu.memory_space<vmem_shared>>
    %dma_start3A_46 = tpu.memref_slice %arg13[%dma_start3A_35] : memref<8x!tpu.dma_semaphore, #tpu.memory_space<semaphore_mem>> -> memref<1x!tpu.dma_semaphore, #tpu.memory_space<semaphore_mem>>
    %dma_start3A_47 = tpu.memref_squeeze %dma_start3A_46 : memref<1x!tpu.dma_semaphore, #tpu.memory_space<semaphore_mem>> -> memref<!tpu.dma_semaphore, #tpu.memory_space<semaphore_mem>>
    tpu.enqueue_indirect_dma source(%dma_start3A_45 : memref<10240x32xf32, #tpu.memory_space<vmem_shared>>) target(%dma_start3A_39 : memref<128x32xf32, #tpu.memory_space<vmem>>) offsets(%dma_start3A_42 : memref<128xi32, #tpu.memory_space<vmem>>) semaphore(%dma_start3A_47 : memref<!tpu.dma_semaphore, #tpu.memory_space<semaphore_mem>>)
    %dma_start3A_48 = arith.constant 1 : i32
    %dma_start3A_49 = arith.constant 1 : i32
    %dma_start3A_50 = arith.constant 1 : i32
    %dma_start3A_51 = arith.constant 0 : i32
    %dma_start3A_52 = arith.constant 0 : i32
    %dma_start3A_53 = tpu.memref_slice %arg8[%dma_start3A_49, %dma_start3A_51, %dma_start3A_52] : memref<8x128x32xf32, #tpu.memory_space<vmem>> -> memref<1x128x32xf32, #tpu.memory_space<vmem>>
    %dma_start3A_54 = tpu.memref_squeeze %dma_start3A_53 : memref<1x128x32xf32, #tpu.memory_space<vmem>> -> memref<128x32xf32, #tpu.memory_space<vmem>>
    %dma_start3A_55 = arith.constant 0 : i32
    %dma_start3A_56 = tpu.memref_slice %arg6[%dma_start3A_48, %dma_start3A_55] : memref<80x128xi32, #tpu.memory_space<vmem>> -> memref<1x128xi32, #tpu.memory_space<vmem>>
    %dma_start3A_57 = tpu.memref_squeeze %dma_start3A_56 : memref<1x128xi32, #tpu.memory_space<vmem>> -> memref<128xi32, #tpu.memory_space<vmem>>
    %dma_start3A_58 = arith.constant 0 : i32
    %dma_start3A_59 = arith.constant 0 : i32
    %dma_start3A_60 = tpu.memref_slice %arg11[%dma_start3A_58, %dma_start3A_59] : memref<10240x32xf32, #tpu.memory_space<vmem_shared>> -> memref<10240x32xf32, #tpu.memory_space<vmem_shared>>
    %dma_start3A_61 = tpu.memref_slice %arg13[%dma_start3A_50] : memref<8x!tpu.dma_semaphore, #tpu.memory_space<semaphore_mem>> -> memref<1x!tpu.dma_semaphore, #tpu.memory_space<semaphore_mem>>
    %dma_start3A_62 = tpu.memref_squeeze %dma_start3A_61 : memref<1x!tpu.dma_semaphore, #tpu.memory_space<semaphore_mem>> -> memref<!tpu.dma_semaphore, #tpu.memory_space<semaphore_mem>>
    tpu.enqueue_indirect_dma source(%dma_start3A_60 : memref<10240x32xf32, #tpu.memory_space<vmem_shared>>) target(%dma_start3A_54 : memref<128x32xf32, #tpu.memory_space<vmem>>) offsets(%dma_start3A_57 : memref<128xi32, #tpu.memory_space<vmem>>) semaphore(%dma_start3A_62 : memref<!tpu.dma_semaphore, #tpu.memory_space<semaphore_mem>>)
    %dma_start3A_63 = arith.constant 2 : i32
    %dma_start3A_64 = arith.constant 2 : i32
    %dma_start3A_65 = arith.constant 2 : i32
    %dma_start3A_66 = arith.constant 0 : i32
    %dma_start3A_67 = arith.constant 0 : i32
    %dma_start3A_68 = tpu.memref_slice %arg8[%dma_start3A_64, %dma_start3A_66, %dma_start3A_67] : memref<8x128x32xf32, #tpu.memory_space<vmem>> -> memref<1x128x32xf32, #tpu.memory_space<vmem>>
    %dma_start3A_69 = tpu.memref_squeeze %dma_start3A_68 : memref<1x128x32xf32, #tpu.memory_space<vmem>> -> memref<128x32xf32, #tpu.memory_space<vmem>>
    %dma_start3A_70 = arith.constant 0 : i32
    %dma_start3A_71 = tpu.memref_slice %arg6[%dma_start3A_63, %dma_start3A_70] : memref<80x128xi32, #tpu.memory_space<vmem>> -> memref<1x128xi32, #tpu.memory_space<vmem>>
    %dma_start3A_72 = tpu.memref_squeeze %dma_start3A_71 : memref<1x128xi32, #tpu.memory_space<vmem>> -> memref<128xi32, #tpu.memory_space<vmem>>
    %dma_start3A_73 = arith.constant 0 : i32
    %dma_start3A_74 = arith.constant 0 : i32
    %dma_start3A_75 = tpu.memref_slice %arg11[%dma_start3A_73, %dma_start3A_74] : memref<10240x32xf32, #tpu.memory_space<vmem_shared>> -> memref<10240x32xf32, #tpu.memory_space<vmem_shared>>
    %dma_start3A_76 = tpu.memref_slice %arg13[%dma_start3A_65] : memref<8x!tpu.dma_semaphore, #tpu.memory_space<semaphore_mem>> -> memref<1x!tpu.dma_semaphore, #tpu.memory_space<semaphore_mem>>
    %dma_start3A_77 = tpu.memref_squeeze %dma_start3A_76 : memref<1x!tpu.dma_semaphore, #tpu.memory_space<semaphore_mem>> -> memref<!tpu.dma_semaphore, #tpu.memory_space<semaphore_mem>>
    tpu.enqueue_indirect_dma source(%dma_start3A_75 : memref<10240x32xf32, #tpu.memory_space<vmem_shared>>) target(%dma_start3A_69 : memref<128x32xf32, #tpu.memory_space<vmem>>) offsets(%dma_start3A_72 : memref<128xi32, #tpu.memory_space<vmem>>) semaphore(%dma_start3A_77 : memref<!tpu.dma_semaphore, #tpu.memory_space<semaphore_mem>>)
    %dma_start3A_78 = arith.constant 3 : i32
    %dma_start3A_79 = arith.constant 3 : i32
    %dma_start3A_80 = arith.constant 3 : i32
    %dma_start3A_81 = arith.constant 0 : i32
    %dma_start3A_82 = arith.constant 0 : i32
    %dma_start3A_83 = tpu.memref_slice %arg8[%dma_start3A_79, %dma_start3A_81, %dma_start3A_82] : memref<8x128x32xf32, #tpu.memory_space<vmem>> -> memref<1x128x32xf32, #tpu.memory_space<vmem>>
    %dma_start3A_84 = tpu.memref_squeeze %dma_start3A_83 : memref<1x128x32xf32, #tpu.memory_space<vmem>> -> memref<128x32xf32, #tpu.memory_space<vmem>>
    %dma_start3A_85 = arith.constant 0 : i32
    %dma_start3A_86 = tpu.memref_slice %arg6[%dma_start3A_78, %dma_start3A_85] : memref<80x128xi32, #tpu.memory_space<vmem>> -> memref<1x128xi32, #tpu.memory_space<vmem>>
    %dma_start3A_87 = tpu.memref_squeeze %dma_start3A_86 : memref<1x128xi32, #tpu.memory_space<vmem>> -> memref<128xi32, #tpu.memory_space<vmem>>
    %dma_start3A_88 = arith.constant 0 : i32
    %dma_start3A_89 = arith.constant 0 : i32
    %dma_start3A_90 = tpu.memref_slice %arg11[%dma_start3A_88, %dma_start3A_89] : memref<10240x32xf32, #tpu.memory_space<vmem_shared>> -> memref<10240x32xf32, #tpu.memory_space<vmem_shared>>
    %dma_start3A_91 = tpu.memref_slice %arg13[%dma_start3A_80] : memref<8x!tpu.dma_semaphore, #tpu.memory_space<semaphore_mem>> -> memref<1x!tpu.dma_semaphore, #tpu.memory_space<semaphore_mem>>
    %dma_start3A_92 = tpu.memref_squeeze %dma_start3A_91 : memref<1x!tpu.dma_semaphore, #tpu.memory_space<semaphore_mem>> -> memref<!tpu.dma_semaphore, #tpu.memory_space<semaphore_mem>>
    tpu.enqueue_indirect_dma source(%dma_start3A_90 : memref<10240x32xf32, #tpu.memory_space<vmem_shared>>) target(%dma_start3A_84 : memref<128x32xf32, #tpu.memory_space<vmem>>) offsets(%dma_start3A_87 : memref<128xi32, #tpu.memory_space<vmem>>) semaphore(%dma_start3A_92 : memref<!tpu.dma_semaphore, #tpu.memory_space<semaphore_mem>>)
    %dma_start3A_93 = arith.constant 4 : i32
    %dma_start3A_94 = arith.constant 4 : i32
    %dma_start3A_95 = arith.constant 4 : i32
    %dma_start3A_96 = arith.constant 0 : i32
    %dma_start3A_97 = arith.constant 0 : i32
    %dma_start3A_98 = tpu.memref_slice %arg8[%dma_start3A_94, %dma_start3A_96, %dma_start3A_97] : memref<8x128x32xf32, #tpu.memory_space<vmem>> -> memref<1x128x32xf32, #tpu.memory_space<vmem>>
    %dma_start3A_99 = tpu.memref_squeeze %dma_start3A_98 : memref<1x128x32xf32, #tpu.memory_space<vmem>> -> memref<128x32xf32, #tpu.memory_space<vmem>>
    %dma_start3A_100 = arith.constant 0 : i32
    %dma_start3A_101 = tpu.memref_slice %arg6[%dma_start3A_93, %dma_start3A_100] : memref<80x128xi32, #tpu.memory_space<vmem>> -> memref<1x128xi32, #tpu.memory_space<vmem>>
    %dma_start3A_102 = tpu.memref_squeeze %dma_start3A_101 : memref<1x128xi32, #tpu.memory_space<vmem>> -> memref<128xi32, #tpu.memory_space<vmem>>
    %dma_start3A_103 = arith.constant 0 : i32
    %dma_start3A_104 = arith.constant 0 : i32
    %dma_start3A_105 = tpu.memref_slice %arg11[%dma_start3A_103, %dma_start3A_104] : memref<10240x32xf32, #tpu.memory_space<vmem_shared>> -> memref<10240x32xf32, #tpu.memory_space<vmem_shared>>
    %dma_start3A_106 = tpu.memref_slice %arg13[%dma_start3A_95] : memref<8x!tpu.dma_semaphore, #tpu.memory_space<semaphore_mem>> -> memref<1x!tpu.dma_semaphore, #tpu.memory_space<semaphore_mem>>
    %dma_start3A_107 = tpu.memref_squeeze %dma_start3A_106 : memref<1x!tpu.dma_semaphore, #tpu.memory_space<semaphore_mem>> -> memref<!tpu.dma_semaphore, #tpu.memory_space<semaphore_mem>>
    tpu.enqueue_indirect_dma source(%dma_start3A_105 : memref<10240x32xf32, #tpu.memory_space<vmem_shared>>) target(%dma_start3A_99 : memref<128x32xf32, #tpu.memory_space<vmem>>) offsets(%dma_start3A_102 : memref<128xi32, #tpu.memory_space<vmem>>) semaphore(%dma_start3A_107 : memref<!tpu.dma_semaphore, #tpu.memory_space<semaphore_mem>>)
    %dma_start3A_108 = arith.constant 5 : i32
    %dma_start3A_109 = arith.constant 5 : i32
    %dma_start3A_110 = arith.constant 5 : i32
    %dma_start3A_111 = arith.constant 0 : i32
    %dma_start3A_112 = arith.constant 0 : i32
    %dma_start3A_113 = tpu.memref_slice %arg8[%dma_start3A_109, %dma_start3A_111, %dma_start3A_112] : memref<8x128x32xf32, #tpu.memory_space<vmem>> -> memref<1x128x32xf32, #tpu.memory_space<vmem>>
    %dma_start3A_114 = tpu.memref_squeeze %dma_start3A_113 : memref<1x128x32xf32, #tpu.memory_space<vmem>> -> memref<128x32xf32, #tpu.memory_space<vmem>>
    %dma_start3A_115 = arith.constant 0 : i32
    %dma_start3A_116 = tpu.memref_slice %arg6[%dma_start3A_108, %dma_start3A_115] : memref<80x128xi32, #tpu.memory_space<vmem>> -> memref<1x128xi32, #tpu.memory_space<vmem>>
    %dma_start3A_117 = tpu.memref_squeeze %dma_start3A_116 : memref<1x128xi32, #tpu.memory_space<vmem>> -> memref<128xi32, #tpu.memory_space<vmem>>
    %dma_start3A_118 = arith.constant 0 : i32
    %dma_start3A_119 = arith.constant 0 : i32
    %dma_start3A_120 = tpu.memref_slice %arg11[%dma_start3A_118, %dma_start3A_119] : memref<10240x32xf32, #tpu.memory_space<vmem_shared>> -> memref<10240x32xf32, #tpu.memory_space<vmem_shared>>
    %dma_start3A_121 = tpu.memref_slice %arg13[%dma_start3A_110] : memref<8x!tpu.dma_semaphore, #tpu.memory_space<semaphore_mem>> -> memref<1x!tpu.dma_semaphore, #tpu.memory_space<semaphore_mem>>
    %dma_start3A_122 = tpu.memref_squeeze %dma_start3A_121 : memref<1x!tpu.dma_semaphore, #tpu.memory_space<semaphore_mem>> -> memref<!tpu.dma_semaphore, #tpu.memory_space<semaphore_mem>>
    tpu.enqueue_indirect_dma source(%dma_start3A_120 : memref<10240x32xf32, #tpu.memory_space<vmem_shared>>) target(%dma_start3A_114 : memref<128x32xf32, #tpu.memory_space<vmem>>) offsets(%dma_start3A_117 : memref<128xi32, #tpu.memory_space<vmem>>) semaphore(%dma_start3A_122 : memref<!tpu.dma_semaphore, #tpu.memory_space<semaphore_mem>>)
    %scan3A_123 = arith.constant 0 : i32
    %scan3A_124 = arith.constant 0 : i32
    %scan3A_125 = arith.constant 80 : i32
    %scan3A_126 = arith.addi %scan3A_124, %scan3A_125 : i32
    %scan3A_127 = arith.constant 1 : i32
    scf.for %scan3A_777 = %scan3A_124 to %scan3A_126 step %scan3A_127  : i32 {
      %jit3A = arith.constant 8 : i32
      %eq3A = arith.constant 0 : i32
      %eq3A_778 = arith.cmpi eq, %jit3A, %eq3A : i32
      %jit3A_779 = arith.constant 1 : i32
      %select_n3A = arith.select %eq3A_778, %jit3A_779, %jit3A : i32
      %rem3A = arith.remsi %scan3A_777, %select_n3A : i32
      %ne3A = arith.constant 0 : i32
      %ne3A_780 = arith.cmpi ne, %rem3A, %ne3A : i32
      %lt3A = arith.constant 0 : i32
      %lt3A_781 = arith.cmpi slt, %rem3A, %lt3A : i32
      %lt3A_782 = arith.constant 0 : i32
      %lt3A_783 = arith.cmpi slt, %select_n3A, %lt3A_782 : i32
      %ne3A_784 = arith.xori %lt3A_781, %lt3A_783 : i1
      %and3A = arith.andi %ne3A_784, %ne3A_780 : i1
      %add3A_785 = arith.addi %rem3A, %select_n3A : i32
      %select_n3A_786 = arith.select %and3A, %add3A_785, %rem3A : i32
      %dma_wait3A_787 = arith.constant 0 : i32
      %dma_wait3A_788 = arith.constant 0 : i32
      %dma_wait3A_789 = tpu.memref_slice %arg8[%select_n3A_786, %dma_wait3A_787, %dma_wait3A_788] : memref<8x128x32xf32, #tpu.memory_space<vmem>> -> memref<1x128x32xf32, #tpu.memory_space<vmem>>
      %dma_wait3A_790 = tpu.memref_squeeze %dma_wait3A_789 : memref<1x128x32xf32, #tpu.memory_space<vmem>> -> memref<128x32xf32, #tpu.memory_space<vmem>>
      %dma_wait3A_791 = arith.constant 0 : i32
      %dma_wait3A_792 = tpu.memref_slice %arg6[%scan3A_777, %dma_wait3A_791] : memref<80x128xi32, #tpu.memory_space<vmem>> -> memref<1x128xi32, #tpu.memory_space<vmem>>
      %dma_wait3A_793 = tpu.memref_squeeze %dma_wait3A_792 : memref<1x128xi32, #tpu.memory_space<vmem>> -> memref<128xi32, #tpu.memory_space<vmem>>
      %dma_wait3A_794 = arith.constant 0 : i32
      %dma_wait3A_795 = arith.constant 0 : i32
      %dma_wait3A_796 = tpu.memref_slice %arg11[%dma_wait3A_794, %dma_wait3A_795] : memref<10240x32xf32, #tpu.memory_space<vmem_shared>> -> memref<10240x32xf32, #tpu.memory_space<vmem_shared>>
      %dma_wait3A_797 = tpu.memref_slice %arg13[%select_n3A_786] : memref<8x!tpu.dma_semaphore, #tpu.memory_space<semaphore_mem>> -> memref<1x!tpu.dma_semaphore, #tpu.memory_space<semaphore_mem>>
      %dma_wait3A_798 = tpu.memref_squeeze %dma_wait3A_797 : memref<1x!tpu.dma_semaphore, #tpu.memory_space<semaphore_mem>> -> memref<!tpu.dma_semaphore, #tpu.memory_space<semaphore_mem>>
      tpu.wait_indirect_dma semaphore(%dma_wait3A_798 : memref<!tpu.dma_semaphore, #tpu.memory_space<semaphore_mem>>) src(%dma_wait3A_796 : memref<10240x32xf32, #tpu.memory_space<vmem_shared>>) dst(%dma_wait3A_790 : memref<128x32xf32, #tpu.memory_space<vmem>>)
      %dma_start3A_799 = arith.constant 0 : i32
      %dma_start3A_800 = arith.constant 0 : i32
      %dma_start3A_801 = tpu.memref_slice %arg8[%select_n3A_786, %dma_start3A_799, %dma_start3A_800] : memref<8x128x32xf32, #tpu.memory_space<vmem>> -> memref<1x128x32xf32, #tpu.memory_space<vmem>>
      %dma_start3A_802 = tpu.memref_squeeze %dma_start3A_801 : memref<1x128x32xf32, #tpu.memory_space<vmem>> -> memref<128x32xf32, #tpu.memory_space<vmem>>
      %dma_start3A_803 = arith.constant 0 : i32
      %dma_start3A_804 = tpu.memref_slice %arg7[%scan3A_777, %dma_start3A_803] : memref<80x128xi32, #tpu.memory_space<vmem>> -> memref<1x128xi32, #tpu.memory_space<vmem>>
      %dma_start3A_805 = tpu.memref_squeeze %dma_start3A_804 : memref<1x128xi32, #tpu.memory_space<vmem>> -> memref<128xi32, #tpu.memory_space<vmem>>
      %dma_start3A_806 = arith.constant 0 : i32
      %dma_start3A_807 = arith.constant 0 : i32
      %dma_start3A_808 = tpu.memref_slice %arg12[%dma_start3A_806, %dma_start3A_807] : memref<10240x32xf32, #tpu.memory_space<vmem_shared>> -> memref<10240x32xf32, #tpu.memory_space<vmem_shared>>
      %dma_start3A_809 = tpu.memref_slice %arg14[%select_n3A_786] : memref<8x!tpu.dma_semaphore, #tpu.memory_space<semaphore_mem>> -> memref<1x!tpu.dma_semaphore, #tpu.memory_space<semaphore_mem>>
      %dma_start3A_810 = tpu.memref_squeeze %dma_start3A_809 : memref<1x!tpu.dma_semaphore, #tpu.memory_space<semaphore_mem>> -> memref<!tpu.dma_semaphore, #tpu.memory_space<semaphore_mem>>
      tpu.enqueue_indirect_dma source(%dma_start3A_802 : memref<128x32xf32, #tpu.memory_space<vmem>>) target(%dma_start3A_808 : memref<10240x32xf32, #tpu.memory_space<vmem_shared>>) offsets(%dma_start3A_805 : memref<128xi32, #tpu.memory_space<vmem>>) semaphore(%dma_start3A_810 : memref<!tpu.dma_semaphore, #tpu.memory_space<semaphore_mem>>) {add = true}
      %ge3A = arith.constant 2 : i32
      %ge3A_811 = arith.cmpi sge, %scan3A_777, %ge3A : i32
      %convert_element_type3A = arith.extui %ge3A_811 : i1 to i32
      %cond3A = arith.constant 0 : i32
      %cond3A_812 = arith.cmpi ne, %convert_element_type3A, %cond3A : i32
      scf.if %cond3A_812 {
        %sub3A = arith.constant 2 : i32
        %sub3A_820 = arith.subi %scan3A_777, %sub3A : i32
        %sub3A_821 = arith.constant 2 : i32
        %sub3A_822 = arith.subi %scan3A_777, %sub3A_821 : i32
        %jit3A_823 = arith.constant 8 : i32
        %eq3A_824 = arith.constant 0 : i32
        %eq3A_825 = arith.cmpi eq, %jit3A_823, %eq3A_824 : i32
        %jit3A_826 = arith.constant 1 : i32
        %select_n3A_827 = arith.select %eq3A_825, %jit3A_826, %jit3A_823 : i32
        %rem3A_828 = arith.remsi %sub3A_822, %select_n3A_827 : i32
        %ne3A_829 = arith.constant 0 : i32
        %ne3A_830 = arith.cmpi ne, %rem3A_828, %ne3A_829 : i32
        %lt3A_831 = arith.constant 0 : i32
        %lt3A_832 = arith.cmpi slt, %rem3A_828, %lt3A_831 : i32
        %lt3A_833 = arith.constant 0 : i32
        %lt3A_834 = arith.cmpi slt, %select_n3A_827, %lt3A_833 : i32
        %ne3A_835 = arith.xori %lt3A_832, %lt3A_834 : i1
        %and3A_836 = arith.andi %ne3A_835, %ne3A_830 : i1
        %add3A_837 = arith.addi %rem3A_828, %select_n3A_827 : i32
        %select_n3A_838 = arith.select %and3A_836, %add3A_837, %rem3A_828 : i32
        %dma_wait3A_839 = arith.constant 0 : i32
        %dma_wait3A_840 = arith.constant 0 : i32
        %dma_wait3A_841 = tpu.memref_slice %arg8[%select_n3A_838, %dma_wait3A_839, %dma_wait3A_840] : memref<8x128x32xf32, #tpu.memory_space<vmem>> -> memref<1x128x32xf32, #tpu.memory_space<vmem>>
        %dma_wait3A_842 = tpu.memref_squeeze %dma_wait3A_841 : memref<1x128x32xf32, #tpu.memory_space<vmem>> -> memref<128x32xf32, #tpu.memory_space<vmem>>
        %dma_wait3A_843 = arith.constant 0 : i32
        %dma_wait3A_844 = tpu.memref_slice %arg7[%sub3A_820, %dma_wait3A_843] : memref<80x128xi32, #tpu.memory_space<vmem>> -> memref<1x128xi32, #tpu.memory_space<vmem>>
        %dma_wait3A_845 = tpu.memref_squeeze %dma_wait3A_844 : memref<1x128xi32, #tpu.memory_space<vmem>> -> memref<128xi32, #tpu.memory_space<vmem>>
        %dma_wait3A_846 = arith.constant 0 : i32
        %dma_wait3A_847 = arith.constant 0 : i32
        %dma_wait3A_848 = tpu.memref_slice %arg12[%dma_wait3A_846, %dma_wait3A_847] : memref<10240x32xf32, #tpu.memory_space<vmem_shared>> -> memref<10240x32xf32, #tpu.memory_space<vmem_shared>>
        %dma_wait3A_849 = tpu.memref_slice %arg14[%select_n3A_838] : memref<8x!tpu.dma_semaphore, #tpu.memory_space<semaphore_mem>> -> memref<1x!tpu.dma_semaphore, #tpu.memory_space<semaphore_mem>>
        %dma_wait3A_850 = tpu.memref_squeeze %dma_wait3A_849 : memref<1x!tpu.dma_semaphore, #tpu.memory_space<semaphore_mem>> -> memref<!tpu.dma_semaphore, #tpu.memory_space<semaphore_mem>>
        tpu.wait_indirect_dma semaphore(%dma_wait3A_850 : memref<!tpu.dma_semaphore, #tpu.memory_space<semaphore_mem>>) src(%dma_wait3A_842 : memref<128x32xf32, #tpu.memory_space<vmem>>) dst(%dma_wait3A_848 : memref<10240x32xf32, #tpu.memory_space<vmem_shared>>)
      } else {
      }
      %add3A_813 = arith.constant 6 : i32
      %add3A_814 = arith.addi %scan3A_777, %add3A_813 : i32
      %lt3A_815 = arith.constant 80 : i32
      %lt3A_816 = arith.cmpi slt, %add3A_814, %lt3A_815 : i32
      %convert_element_type3A_817 = arith.extui %lt3A_816 : i1 to i32
      %cond3A_818 = arith.constant 0 : i32
      %cond3A_819 = arith.cmpi ne, %convert_element_type3A_817, %cond3A_818 : i32
      scf.if %cond3A_819 {
        %add3A_820 = arith.constant 6 : i32
        %add3A_821 = arith.addi %scan3A_777, %add3A_820 : i32
        %add3A_822 = arith.constant 6 : i32
        %add3A_823 = arith.addi %scan3A_777, %add3A_822 : i32
        %jit3A_824 = arith.constant 8 : i32
        %eq3A_825 = arith.constant 0 : i32
        %eq3A_826 = arith.cmpi eq, %jit3A_824, %eq3A_825 : i32
        %jit3A_827 = arith.constant 1 : i32
        %select_n3A_828 = arith.select %eq3A_826, %jit3A_827, %jit3A_824 : i32
        %rem3A_829 = arith.remsi %add3A_823, %select_n3A_828 : i32
        %ne3A_830 = arith.constant 0 : i32
        %ne3A_831 = arith.cmpi ne, %rem3A_829, %ne3A_830 : i32
        %lt3A_832 = arith.constant 0 : i32
        %lt3A_833 = arith.cmpi slt, %rem3A_829, %lt3A_832 : i32
        %lt3A_834 = arith.constant 0 : i32
        %lt3A_835 = arith.cmpi slt, %select_n3A_828, %lt3A_834 : i32
        %ne3A_836 = arith.xori %lt3A_833, %lt3A_835 : i1
        %and3A_837 = arith.andi %ne3A_836, %ne3A_831 : i1
        %add3A_838 = arith.addi %rem3A_829, %select_n3A_828 : i32
        %select_n3A_839 = arith.select %and3A_837, %add3A_838, %rem3A_829 : i32
        %dma_start3A_840 = arith.constant 0 : i32
        %dma_start3A_841 = arith.constant 0 : i32
        %dma_start3A_842 = tpu.memref_slice %arg8[%select_n3A_839, %dma_start3A_840, %dma_start3A_841] : memref<8x128x32xf32, #tpu.memory_space<vmem>> -> memref<1x128x32xf32, #tpu.memory_space<vmem>>
        %dma_start3A_843 = tpu.memref_squeeze %dma_start3A_842 : memref<1x128x32xf32, #tpu.memory_space<vmem>> -> memref<128x32xf32, #tpu.memory_space<vmem>>
        %dma_start3A_844 = arith.constant 0 : i32
        %dma_start3A_845 = tpu.memref_slice %arg6[%add3A_821, %dma_start3A_844] : memref<80x128xi32, #tpu.memory_space<vmem>> -> memref<1x128xi32, #tpu.memory_space<vmem>>
        %dma_start3A_846 = tpu.memref_squeeze %dma_start3A_845 : memref<1x128xi32, #tpu.memory_space<vmem>> -> memref<128xi32, #tpu.memory_space<vmem>>
        %dma_start3A_847 = arith.constant 0 : i32
        %dma_start3A_848 = arith.constant 0 : i32
        %dma_start3A_849 = tpu.memref_slice %arg11[%dma_start3A_847, %dma_start3A_848] : memref<10240x32xf32, #tpu.memory_space<vmem_shared>> -> memref<10240x32xf32, #tpu.memory_space<vmem_shared>>
        %dma_start3A_850 = tpu.memref_slice %arg13[%select_n3A_839] : memref<8x!tpu.dma_semaphore, #tpu.memory_space<semaphore_mem>> -> memref<1x!tpu.dma_semaphore, #tpu.memory_space<semaphore_mem>>
        %dma_start3A_851 = tpu.memref_squeeze %dma_start3A_850 : memref<1x!tpu.dma_semaphore, #tpu.memory_space<semaphore_mem>> -> memref<!tpu.dma_semaphore, #tpu.memory_space<semaphore_mem>>
        tpu.enqueue_indirect_dma source(%dma_start3A_849 : memref<10240x32xf32, #tpu.memory_space<vmem_shared>>) target(%dma_start3A_843 : memref<128x32xf32, #tpu.memory_space<vmem>>) offsets(%dma_start3A_846 : memref<128xi32, #tpu.memory_space<vmem>>) semaphore(%dma_start3A_851 : memref<!tpu.dma_semaphore, #tpu.memory_space<semaphore_mem>>)
      } else {
      }
    }
    %scan3A_128 = arith.constant 80 : i32
    %dma_wait3A = arith.constant 6 : i32
    %dma_wait3A_129 = arith.constant 78 : i32
    %dma_wait3A_130 = arith.constant 6 : i32
    %dma_wait3A_131 = arith.constant 0 : i32
    %dma_wait3A_132 = arith.constant 0 : i32
    %dma_wait3A_133 = tpu.memref_slice %arg8[%dma_wait3A, %dma_wait3A_131, %dma_wait3A_132] : memref<8x128x32xf32, #tpu.memory_space<vmem>> -> memref<1x128x32xf32, #tpu.memory_space<vmem>>
    %dma_wait3A_134 = tpu.memref_squeeze %dma_wait3A_133 : memref<1x128x32xf32, #tpu.memory_space<vmem>> -> memref<128x32xf32, #tpu.memory_space<vmem>>
    %dma_wait3A_135 = arith.constant 0 : i32
    %dma_wait3A_136 = tpu.memref_slice %arg7[%dma_wait3A_129, %dma_wait3A_135] : memref<80x128xi32, #tpu.memory_space<vmem>> -> memref<1x128xi32, #tpu.memory_space<vmem>>
    %dma_wait3A_137 = tpu.memref_squeeze %dma_wait3A_136 : memref<1x128xi32, #tpu.memory_space<vmem>> -> memref<128xi32, #tpu.memory_space<vmem>>
    %dma_wait3A_138 = arith.constant 0 : i32
    %dma_wait3A_139 = arith.constant 0 : i32
    %dma_wait3A_140 = tpu.memref_slice %arg12[%dma_wait3A_138, %dma_wait3A_139] : memref<10240x32xf32, #tpu.memory_space<vmem_shared>> -> memref<10240x32xf32, #tpu.memory_space<vmem_shared>>
    %dma_wait3A_141 = tpu.memref_slice %arg14[%dma_wait3A_130] : memref<8x!tpu.dma_semaphore, #tpu.memory_space<semaphore_mem>> -> memref<1x!tpu.dma_semaphore, #tpu.memory_space<semaphore_mem>>
    %dma_wait3A_142 = tpu.memref_squeeze %dma_wait3A_141 : memref<1x!tpu.dma_semaphore, #tpu.memory_space<semaphore_mem>> -> memref<!tpu.dma_semaphore, #tpu.memory_space<semaphore_mem>>
    tpu.wait_indirect_dma semaphore(%dma_wait3A_142 : memref<!tpu.dma_semaphore, #tpu.memory_space<semaphore_mem>>) src(%dma_wait3A_134 : memref<128x32xf32, #tpu.memory_space<vmem>>) dst(%dma_wait3A_140 : memref<10240x32xf32, #tpu.memory_space<vmem_shared>>)
    %dma_wait3A_143 = arith.constant 7 : i32
    %dma_wait3A_144 = arith.constant 79 : i32
    %dma_wait3A_145 = arith.constant 7 : i32
    %dma_wait3A_146 = arith.constant 0 : i32
    %dma_wait3A_147 = arith.constant 0 : i32
    %dma_wait3A_148 = tpu.memref_slice %arg8[%dma_wait3A_143, %dma_wait3A_146, %dma_wait3A_147] : memref<8x128x32xf32, #tpu.memory_space<vmem>> -> memref<1x128x32xf32, #tpu.memory_space<vmem>>
    %dma_wait3A_149 = tpu.memref_squeeze %dma_wait3A_148 : memref<1x128x32xf32, #tpu.memory_space<vmem>> -> memref<128x32xf32, #tpu.memory_space<vmem>>
    %dma_wait3A_150 = arith.constant 0 : i32
    %dma_wait3A_151 = tpu.memref_slice %arg7[%dma_wait3A_144, %dma_wait3A_150] : memref<80x128xi32, #tpu.memory_space<vmem>> -> memref<1x128xi32, #tpu.memory_space<vmem>>
    %dma_wait3A_152 = tpu.memref_squeeze %dma_wait3A_151 : memref<1x128xi32, #tpu.memory_space<vmem>> -> memref<128xi32, #tpu.memory_space<vmem>>
    %dma_wait3A_153 = arith.constant 0 : i32
    %dma_wait3A_154 = arith.constant 0 : i32
    %dma_wait3A_155 = tpu.memref_slice %arg12[%dma_wait3A_153, %dma_wait3A_154] : memref<10240x32xf32, #tpu.memory_space<vmem_shared>> -> memref<10240x32xf32, #tpu.memory_space<vmem_shared>>
    %dma_wait3A_156 = tpu.memref_slice %arg14[%dma_wait3A_145] : memref<8x!tpu.dma_semaphore, #tpu.memory_space<semaphore_mem>> -> memref<1x!tpu.dma_semaphore, #tpu.memory_space<semaphore_mem>>
    %dma_wait3A_157 = tpu.memref_squeeze %dma_wait3A_156 : memref<1x!tpu.dma_semaphore, #tpu.memory_space<semaphore_mem>> -> memref<!tpu.dma_semaphore, #tpu.memory_space<semaphore_mem>>
    tpu.wait_indirect_dma semaphore(%dma_wait3A_157 : memref<!tpu.dma_semaphore, #tpu.memory_space<semaphore_mem>>) src(%dma_wait3A_149 : memref<128x32xf32, #tpu.memory_space<vmem>>) dst(%dma_wait3A_155 : memref<10240x32xf32, #tpu.memory_space<vmem_shared>>)
    %barrier3A_158 = arith.constant 0 : index
    tpu.barrier barrier_id(%barrier3A_158)
    %mul3A_159 = arith.constant 640 : i32
    %mul3A_160 = arith.muli %arg1, %mul3A_159 : i32
    %add3A_161 = arith.constant 0 : i32
    %add3A_162 = arith.addi %mul3A_160, %add3A_161 : i32
    "tpu.region"() ({
      %run_scoped3A = tpu.sem_alloc : memref<!tpu.dma_semaphore, #tpu.memory_space<semaphore_mem>>
      %dma_start3A_777 = arith.constant 0 : i32
      %dma_start3A_778 = tpu.memref_slice %arg12[%add3A_162, %dma_start3A_777] : memref<10240x32xf32, #tpu.memory_space<vmem_shared>> -> memref<128x32xf32, #tpu.memory_space<vmem_shared>>
      %dma_start3A_779 = arith.constant 0 : i32
      %dma_start3A_780 = tpu.memref_slice %arg12[%add3A_162, %dma_start3A_779] : memref<10240x32xf32, #tpu.memory_space<vmem_shared>> -> memref<128x32xf32, #tpu.memory_space<vmem_shared>>
      tpu.enqueue_dma source(%dma_start3A_780 : memref<128x32xf32, #tpu.memory_space<vmem_shared>>) target(%arg9 : memref<128x32xf32, #tpu.memory_space<vmem>>) target_semaphore(%run_scoped3A : memref<!tpu.dma_semaphore, #tpu.memory_space<semaphore_mem>>)
      %dma_wait3A_781 = arith.constant 0 : i32
      %dma_wait3A_782 = tpu.memref_slice %arg12[%add3A_162, %dma_wait3A_781] : memref<10240x32xf32, #tpu.memory_space<vmem_shared>> -> memref<128x32xf32, #tpu.memory_space<vmem_shared>>
      %dma_wait3A_783 = arith.constant 0 : i32
      %dma_wait3A_784 = tpu.memref_slice %arg12[%add3A_162, %dma_wait3A_783] : memref<10240x32xf32, #tpu.memory_space<vmem_shared>> -> memref<128x32xf32, #tpu.memory_space<vmem_shared>>
      tpu.wait_dma2 semaphore(%run_scoped3A : memref<!tpu.dma_semaphore, #tpu.memory_space<semaphore_mem>>) src(%dma_wait3A_784 : memref<128x32xf32, #tpu.memory_space<vmem_shared>>) dst(%arg9 : memref<128x32xf32, #tpu.memory_space<vmem>>)
      tpu.yield
    }) : () -> ()
    %add3A_163 = arith.addi %multiple_of3A, %add3A_162 : i32
    %multiple_of3A_164 = tpu.assume_multiple %add3A_163, 8 : i32
    "tpu.region"() ({
      %run_scoped3A = tpu.sem_alloc : memref<!tpu.dma_semaphore, #tpu.memory_space<semaphore_mem>>
      %dma_start3A_777 = arith.constant 0 : i32
      %dma_start3A_778 = tpu.memref_slice %arg5[%multiple_of3A_164, %dma_start3A_777] : memref<81920x32xf32, #tpu.memory_space<hbm>> -> memref<128x32xf32, #tpu.memory_space<hbm>>
      %dma_start3A_779 = arith.constant 0 : i32
      %dma_start3A_780 = tpu.memref_slice %arg5[%multiple_of3A_164, %dma_start3A_779] : memref<81920x32xf32, #tpu.memory_space<hbm>> -> memref<128x32xf32, #tpu.memory_space<hbm>>
      tpu.enqueue_dma source(%arg9 : memref<128x32xf32, #tpu.memory_space<vmem>>) target(%dma_start3A_780 : memref<128x32xf32, #tpu.memory_space<hbm>>) target_semaphore(%run_scoped3A : memref<!tpu.dma_semaphore, #tpu.memory_space<semaphore_mem>>)
      %dma_wait3A_781 = arith.constant 0 : i32
      %dma_wait3A_782 = tpu.memref_slice %arg5[%multiple_of3A_164, %dma_wait3A_781] : memref<81920x32xf32, #tpu.memory_space<hbm>> -> memref<128x32xf32, #tpu.memory_space<hbm>>
      %dma_wait3A_783 = arith.constant 0 : i32
      %dma_wait3A_784 = tpu.memref_slice %arg5[%multiple_of3A_164, %dma_wait3A_783] : memref<81920x32xf32, #tpu.memory_space<hbm>> -> memref<128x32xf32, #tpu.memory_space<hbm>>
      tpu.wait_dma2 semaphore(%run_scoped3A : memref<!tpu.dma_semaphore, #tpu.memory_space<semaphore_mem>>) src(%arg9 : memref<128x32xf32, #tpu.memory_space<vmem>>) dst(%dma_wait3A_784 : memref<128x32xf32, #tpu.memory_space<hbm>>)
      tpu.yield
    }) : () -> ()
    %mul3A_165 = arith.constant 640 : i32
    %mul3A_166 = arith.muli %arg1, %mul3A_165 : i32
    %add3A_167 = arith.constant 128 : i32
    %add3A_168 = arith.addi %mul3A_166, %add3A_167 : i32
    "tpu.region"() ({
      %run_scoped3A = tpu.sem_alloc : memref<!tpu.dma_semaphore, #tpu.memory_space<semaphore_mem>>
      %dma_start3A_777 = arith.constant 0 : i32
      %dma_start3A_778 = tpu.memref_slice %arg12[%add3A_168, %dma_start3A_777] : memref<10240x32xf32, #tpu.memory_space<vmem_shared>> -> memref<128x32xf32, #tpu.memory_space<vmem_shared>>
      %dma_start3A_779 = arith.constant 0 : i32
      %dma_start3A_780 = tpu.memref_slice %arg12[%add3A_168, %dma_start3A_779] : memref<10240x32xf32, #tpu.memory_space<vmem_shared>> -> memref<128x32xf32, #tpu.memory_space<vmem_shared>>
      tpu.enqueue_dma source(%dma_start3A_780 : memref<128x32xf32, #tpu.memory_space<vmem_shared>>) target(%arg9 : memref<128x32xf32, #tpu.memory_space<vmem>>) target_semaphore(%run_scoped3A : memref<!tpu.dma_semaphore, #tpu.memory_space<semaphore_mem>>)
      %dma_wait3A_781 = arith.constant 0 : i32
      %dma_wait3A_782 = tpu.memref_slice %arg12[%add3A_168, %dma_wait3A_781] : memref<10240x32xf32, #tpu.memory_space<vmem_shared>> -> memref<128x32xf32, #tpu.memory_space<vmem_shared>>
      %dma_wait3A_783 = arith.constant 0 : i32
      %dma_wait3A_784 = tpu.memref_slice %arg12[%add3A_168, %dma_wait3A_783] : memref<10240x32xf32, #tpu.memory_space<vmem_shared>> -> memref<128x32xf32, #tpu.memory_space<vmem_shared>>
      tpu.wait_dma2 semaphore(%run_scoped3A : memref<!tpu.dma_semaphore, #tpu.memory_space<semaphore_mem>>) src(%dma_wait3A_784 : memref<128x32xf32, #tpu.memory_space<vmem_shared>>) dst(%arg9 : memref<128x32xf32, #tpu.memory_space<vmem>>)
      tpu.yield
    }) : () -> ()
    %add3A_169 = arith.addi %multiple_of3A, %add3A_168 : i32
    %multiple_of3A_170 = tpu.assume_multiple %add3A_169, 8 : i32
    "tpu.region"() ({
      %run_scoped3A = tpu.sem_alloc : memref<!tpu.dma_semaphore, #tpu.memory_space<semaphore_mem>>
      %dma_start3A_777 = arith.constant 0 : i32
      %dma_start3A_778 = tpu.memref_slice %arg5[%multiple_of3A_170, %dma_start3A_777] : memref<81920x32xf32, #tpu.memory_space<hbm>> -> memref<128x32xf32, #tpu.memory_space<hbm>>
      %dma_start3A_779 = arith.constant 0 : i32
      %dma_start3A_780 = tpu.memref_slice %arg5[%multiple_of3A_170, %dma_start3A_779] : memref<81920x32xf32, #tpu.memory_space<hbm>> -> memref<128x32xf32, #tpu.memory_space<hbm>>
      tpu.enqueue_dma source(%arg9 : memref<128x32xf32, #tpu.memory_space<vmem>>) target(%dma_start3A_780 : memref<128x32xf32, #tpu.memory_space<hbm>>) target_semaphore(%run_scoped3A : memref<!tpu.dma_semaphore, #tpu.memory_space<semaphore_mem>>)
      %dma_wait3A_781 = arith.constant 0 : i32
      %dma_wait3A_782 = tpu.memref_slice %arg5[%multiple_of3A_170, %dma_wait3A_781] : memref<81920x32xf32, #tpu.memory_space<hbm>> -> memref<128x32xf32, #tpu.memory_space<hbm>>
      %dma_wait3A_783 = arith.constant 0 : i32
      %dma_wait3A_784 = tpu.memref_slice %arg5[%multiple_of3A_170, %dma_wait3A_783] : memref<81920x32xf32, #tpu.memory_space<hbm>> -> memref<128x32xf32, #tpu.memory_space<hbm>>
      tpu.wait_dma2 semaphore(%run_scoped3A : memref<!tpu.dma_semaphore, #tpu.memory_space<semaphore_mem>>) src(%arg9 : memref<128x32xf32, #tpu.memory_space<vmem>>) dst(%dma_wait3A_784 : memref<128x32xf32, #tpu.memory_space<hbm>>)
      tpu.yield
    }) : () -> ()
    %mul3A_171 = arith.constant 640 : i32
    %mul3A_172 = arith.muli %arg1, %mul3A_171 : i32
    %add3A_173 = arith.constant 256 : i32
    %add3A_174 = arith.addi %mul3A_172, %add3A_173 : i32
    "tpu.region"() ({
      %run_scoped3A = tpu.sem_alloc : memref<!tpu.dma_semaphore, #tpu.memory_space<semaphore_mem>>
      %dma_start3A_777 = arith.constant 0 : i32
      %dma_start3A_778 = tpu.memref_slice %arg12[%add3A_174, %dma_start3A_777] : memref<10240x32xf32, #tpu.memory_space<vmem_shared>> -> memref<128x32xf32, #tpu.memory_space<vmem_shared>>
      %dma_start3A_779 = arith.constant 0 : i32
      %dma_start3A_780 = tpu.memref_slice %arg12[%add3A_174, %dma_start3A_779] : memref<10240x32xf32, #tpu.memory_space<vmem_shared>> -> memref<128x32xf32, #tpu.memory_space<vmem_shared>>
      tpu.enqueue_dma source(%dma_start3A_780 : memref<128x32xf32, #tpu.memory_space<vmem_shared>>) target(%arg9 : memref<128x32xf32, #tpu.memory_space<vmem>>) target_semaphore(%run_scoped3A : memref<!tpu.dma_semaphore, #tpu.memory_space<semaphore_mem>>)
      %dma_wait3A_781 = arith.constant 0 : i32
      %dma_wait3A_782 = tpu.memref_slice %arg12[%add3A_174, %dma_wait3A_781] : memref<10240x32xf32, #tpu.memory_space<vmem_shared>> -> memref<128x32xf32, #tpu.memory_space<vmem_shared>>
      %dma_wait3A_783 = arith.constant 0 : i32
      %dma_wait3A_784 = tpu.memref_slice %arg12[%add3A_174, %dma_wait3A_783] : memref<10240x32xf32, #tpu.memory_space<vmem_shared>> -> memref<128x32xf32, #tpu.memory_space<vmem_shared>>
      tpu.wait_dma2 semaphore(%run_scoped3A : memref<!tpu.dma_semaphore, #tpu.memory_space<semaphore_mem>>) src(%dma_wait3A_784 : memref<128x32xf32, #tpu.memory_space<vmem_shared>>) dst(%arg9 : memref<128x32xf32, #tpu.memory_space<vmem>>)
      tpu.yield
    }) : () -> ()
    %add3A_175 = arith.addi %multiple_of3A, %add3A_174 : i32
    %multiple_of3A_176 = tpu.assume_multiple %add3A_175, 8 : i32
    "tpu.region"() ({
      %run_scoped3A = tpu.sem_alloc : memref<!tpu.dma_semaphore, #tpu.memory_space<semaphore_mem>>
      %dma_start3A_777 = arith.constant 0 : i32
      %dma_start3A_778 = tpu.memref_slice %arg5[%multiple_of3A_176, %dma_start3A_777] : memref<81920x32xf32, #tpu.memory_space<hbm>> -> memref<128x32xf32, #tpu.memory_space<hbm>>
      %dma_start3A_779 = arith.constant 0 : i32
      %dma_start3A_780 = tpu.memref_slice %arg5[%multiple_of3A_176, %dma_start3A_779] : memref<81920x32xf32, #tpu.memory_space<hbm>> -> memref<128x32xf32, #tpu.memory_space<hbm>>
      tpu.enqueue_dma source(%arg9 : memref<128x32xf32, #tpu.memory_space<vmem>>) target(%dma_start3A_780 : memref<128x32xf32, #tpu.memory_space<hbm>>) target_semaphore(%run_scoped3A : memref<!tpu.dma_semaphore, #tpu.memory_space<semaphore_mem>>)
      %dma_wait3A_781 = arith.constant 0 : i32
      %dma_wait3A_782 = tpu.memref_slice %arg5[%multiple_of3A_176, %dma_wait3A_781] : memref<81920x32xf32, #tpu.memory_space<hbm>> -> memref<128x32xf32, #tpu.memory_space<hbm>>
      %dma_wait3A_783 = arith.constant 0 : i32
      %dma_wait3A_784 = tpu.memref_slice %arg5[%multiple_of3A_176, %dma_wait3A_783] : memref<81920x32xf32, #tpu.memory_space<hbm>> -> memref<128x32xf32, #tpu.memory_space<hbm>>
      tpu.wait_dma2 semaphore(%run_scoped3A : memref<!tpu.dma_semaphore, #tpu.memory_space<semaphore_mem>>) src(%arg9 : memref<128x32xf32, #tpu.memory_space<vmem>>) dst(%dma_wait3A_784 : memref<128x32xf32, #tpu.memory_space<hbm>>)
      tpu.yield
    }) : () -> ()
    %mul3A_177 = arith.constant 640 : i32
    %mul3A_178 = arith.muli %arg1, %mul3A_177 : i32
    %add3A_179 = arith.constant 384 : i32
    %add3A_180 = arith.addi %mul3A_178, %add3A_179 : i32
    "tpu.region"() ({
      %run_scoped3A = tpu.sem_alloc : memref<!tpu.dma_semaphore, #tpu.memory_space<semaphore_mem>>
      %dma_start3A_777 = arith.constant 0 : i32
      %dma_start3A_778 = tpu.memref_slice %arg12[%add3A_180, %dma_start3A_777] : memref<10240x32xf32, #tpu.memory_space<vmem_shared>> -> memref<128x32xf32, #tpu.memory_space<vmem_shared>>
      %dma_start3A_779 = arith.constant 0 : i32
      %dma_start3A_780 = tpu.memref_slice %arg12[%add3A_180, %dma_start3A_779] : memref<10240x32xf32, #tpu.memory_space<vmem_shared>> -> memref<128x32xf32, #tpu.memory_space<vmem_shared>>
      tpu.enqueue_dma source(%dma_start3A_780 : memref<128x32xf32, #tpu.memory_space<vmem_shared>>) target(%arg9 : memref<128x32xf32, #tpu.memory_space<vmem>>) target_semaphore(%run_scoped3A : memref<!tpu.dma_semaphore, #tpu.memory_space<semaphore_mem>>)
      %dma_wait3A_781 = arith.constant 0 : i32
      %dma_wait3A_782 = tpu.memref_slice %arg12[%add3A_180, %dma_wait3A_781] : memref<10240x32xf32, #tpu.memory_space<vmem_shared>> -> memref<128x32xf32, #tpu.memory_space<vmem_shared>>
      %dma_wait3A_783 = arith.constant 0 : i32
      %dma_wait3A_784 = tpu.memref_slice %arg12[%add3A_180, %dma_wait3A_783] : memref<10240x32xf32, #tpu.memory_space<vmem_shared>> -> memref<128x32xf32, #tpu.memory_space<vmem_shared>>
      tpu.wait_dma2 semaphore(%run_scoped3A : memref<!tpu.dma_semaphore, #tpu.memory_space<semaphore_mem>>) src(%dma_wait3A_784 : memref<128x32xf32, #tpu.memory_space<vmem_shared>>) dst(%arg9 : memref<128x32xf32, #tpu.memory_space<vmem>>)
      tpu.yield
    }) : () -> ()
    %add3A_181 = arith.addi %multiple_of3A, %add3A_180 : i32
    %multiple_of3A_182 = tpu.assume_multiple %add3A_181, 8 : i32
    "tpu.region"() ({
      %run_scoped3A = tpu.sem_alloc : memref<!tpu.dma_semaphore, #tpu.memory_space<semaphore_mem>>
      %dma_start3A_777 = arith.constant 0 : i32
      %dma_start3A_778 = tpu.memref_slice %arg5[%multiple_of3A_182, %dma_start3A_777] : memref<81920x32xf32, #tpu.memory_space<hbm>> -> memref<128x32xf32, #tpu.memory_space<hbm>>
      %dma_start3A_779 = arith.constant 0 : i32
      %dma_start3A_780 = tpu.memref_slice %arg5[%multiple_of3A_182, %dma_start3A_779] : memref<81920x32xf32, #tpu.memory_space<hbm>> -> memref<128x32xf32, #tpu.memory_space<hbm>>
      tpu.enqueue_dma source(%arg9 : memref<128x32xf32, #tpu.memory_space<vmem>>) target(%dma_start3A_780 : memref<128x32xf32, #tpu.memory_space<hbm>>) target_semaphore(%run_scoped3A : memref<!tpu.dma_semaphore, #tpu.memory_space<semaphore_mem>>)
      %dma_wait3A_781 = arith.constant 0 : i32
      %dma_wait3A_782 = tpu.memref_slice %arg5[%multiple_of3A_182, %dma_wait3A_781] : memref<81920x32xf32, #tpu.memory_space<hbm>> -> memref<128x32xf32, #tpu.memory_space<hbm>>
      %dma_wait3A_783 = arith.constant 0 : i32
      %dma_wait3A_784 = tpu.memref_slice %arg5[%multiple_of3A_182, %dma_wait3A_783] : memref<81920x32xf32, #tpu.memory_space<hbm>> -> memref<128x32xf32, #tpu.memory_space<hbm>>
      tpu.wait_dma2 semaphore(%run_scoped3A : memref<!tpu.dma_semaphore, #tpu.memory_space<semaphore_mem>>) src(%arg9 : memref<128x32xf32, #tpu.memory_space<vmem>>) dst(%dma_wait3A_784 : memref<128x32xf32, #tpu.memory_space<hbm>>)
      tpu.yield
    }) : () -> ()
    %mul3A_183 = arith.constant 640 : i32
    %mul3A_184 = arith.muli %arg1, %mul3A_183 : i32
    %add3A_185 = arith.constant 512 : i32
    %add3A_186 = arith.addi %mul3A_184, %add3A_185 : i32
    "tpu.region"() ({
      %run_scoped3A = tpu.sem_alloc : memref<!tpu.dma_semaphore, #tpu.memory_space<semaphore_mem>>
      %dma_start3A_777 = arith.constant 0 : i32
      %dma_start3A_778 = tpu.memref_slice %arg12[%add3A_186, %dma_start3A_777] : memref<10240x32xf32, #tpu.memory_space<vmem_shared>> -> memref<128x32xf32, #tpu.memory_space<vmem_shared>>
      %dma_start3A_779 = arith.constant 0 : i32
      %dma_start3A_780 = tpu.memref_slice %arg12[%add3A_186, %dma_start3A_779] : memref<10240x32xf32, #tpu.memory_space<vmem_shared>> -> memref<128x32xf32, #tpu.memory_space<vmem_shared>>
      tpu.enqueue_dma source(%dma_start3A_780 : memref<128x32xf32, #tpu.memory_space<vmem_shared>>) target(%arg9 : memref<128x32xf32, #tpu.memory_space<vmem>>) target_semaphore(%run_scoped3A : memref<!tpu.dma_semaphore, #tpu.memory_space<semaphore_mem>>)
      %dma_wait3A_781 = arith.constant 0 : i32
      %dma_wait3A_782 = tpu.memref_slice %arg12[%add3A_186, %dma_wait3A_781] : memref<10240x32xf32, #tpu.memory_space<vmem_shared>> -> memref<128x32xf32, #tpu.memory_space<vmem_shared>>
      %dma_wait3A_783 = arith.constant 0 : i32
      %dma_wait3A_784 = tpu.memref_slice %arg12[%add3A_186, %dma_wait3A_783] : memref<10240x32xf32, #tpu.memory_space<vmem_shared>> -> memref<128x32xf32, #tpu.memory_space<vmem_shared>>
      tpu.wait_dma2 semaphore(%run_scoped3A : memref<!tpu.dma_semaphore, #tpu.memory_space<semaphore_mem>>) src(%dma_wait3A_784 : memref<128x32xf32, #tpu.memory_space<vmem_shared>>) dst(%arg9 : memref<128x32xf32, #tpu.memory_space<vmem>>)
      tpu.yield
    }) : () -> ()
    %add3A_187 = arith.addi %multiple_of3A, %add3A_186 : i32
    %multiple_of3A_188 = tpu.assume_multiple %add3A_187, 8 : i32
    "tpu.region"() ({
      %run_scoped3A = tpu.sem_alloc : memref<!tpu.dma_semaphore, #tpu.memory_space<semaphore_mem>>
      %dma_start3A_777 = arith.constant 0 : i32
      %dma_start3A_778 = tpu.memref_slice %arg5[%multiple_of3A_188, %dma_start3A_777] : memref<81920x32xf32, #tpu.memory_space<hbm>> -> memref<128x32xf32, #tpu.memory_space<hbm>>
      %dma_start3A_779 = arith.constant 0 : i32
      %dma_start3A_780 = tpu.memref_slice %arg5[%multiple_of3A_188, %dma_start3A_779] : memref<81920x32xf32, #tpu.memory_space<hbm>> -> memref<128x32xf32, #tpu.memory_space<hbm>>
      tpu.enqueue_dma source(%arg9 : memref<128x32xf32, #tpu.memory_space<vmem>>) target(%dma_start3A_780 : memref<128x32xf32, #tpu.memory_space<hbm>>) target_semaphore(%run_scoped3A : memref<!tpu.dma_semaphore, #tpu.memory_space<semaphore_mem>>)
      %dma_wait3A_781 = arith.constant 0 : i32
      %dma_wait3A_782 = tpu.memref_slice %arg5[%multiple_of3A_188, %dma_wait3A_781] : memref<81920x32xf32, #tpu.memory_space<hbm>> -> memref<128x32xf32, #tpu.memory_space<hbm>>
      %dma_wait3A_783 = arith.constant 0 : i32
      %dma_wait3A_784 = tpu.memref_slice %arg5[%multiple_of3A_188, %dma_wait3A_783] : memref<81920x32xf32, #tpu.memory_space<hbm>> -> memref<128x32xf32, #tpu.memory_space<hbm>>
      tpu.wait_dma2 semaphore(%run_scoped3A : memref<!tpu.dma_semaphore, #tpu.memory_space<semaphore_mem>>) src(%arg9 : memref<128x32xf32, #tpu.memory_space<vmem>>) dst(%dma_wait3A_784 : memref<128x32xf32, #tpu.memory_space<hbm>>)
      tpu.yield
    }) : () -> ()
    %mul3A_189 = arith.constant 4 : i32
    %mul3A_190 = arith.muli %arg0, %mul3A_189 : i32
    %add3A_191 = arith.constant 1 : i32
    %add3A_192 = arith.addi %mul3A_190, %add3A_191 : i32
    %mul3A_193 = arith.constant 10240 : i32
    %mul3A_194 = arith.muli %add3A_192, %mul3A_193 : i32
    %multiple_of3A_195 = tpu.assume_multiple %mul3A_194, 8 : i32
    %mul3A_196 = arith.constant 640 : i32
    %mul3A_197 = arith.muli %arg1, %mul3A_196 : i32
    %add3A_198 = arith.addi %multiple_of3A_195, %mul3A_197 : i32
    "tpu.region"() ({
      %run_scoped3A = tpu.sem_alloc : memref<!tpu.dma_semaphore, #tpu.memory_space<semaphore_mem>>
      %dma_start3A_777 = arith.constant 0 : i32
      %dma_start3A_778 = tpu.memref_slice %arg4[%add3A_198, %dma_start3A_777] : memref<81920x32xf32, #tpu.memory_space<hbm>> -> memref<640x32xf32, #tpu.memory_space<hbm>>
      %dma_start3A_779 = arith.constant 0 : i32
      %dma_start3A_780 = tpu.memref_slice %arg4[%add3A_198, %dma_start3A_779] : memref<81920x32xf32, #tpu.memory_space<hbm>> -> memref<640x32xf32, #tpu.memory_space<hbm>>
      tpu.enqueue_dma source(%dma_start3A_780 : memref<640x32xf32, #tpu.memory_space<hbm>>) target(%arg10 : memref<640x32xf32, #tpu.memory_space<vmem>>) target_semaphore(%run_scoped3A : memref<!tpu.dma_semaphore, #tpu.memory_space<semaphore_mem>>)
      %dma_wait3A_781 = arith.constant 0 : i32
      %dma_wait3A_782 = tpu.memref_slice %arg4[%add3A_198, %dma_wait3A_781] : memref<81920x32xf32, #tpu.memory_space<hbm>> -> memref<640x32xf32, #tpu.memory_space<hbm>>
      %dma_wait3A_783 = arith.constant 0 : i32
      %dma_wait3A_784 = tpu.memref_slice %arg4[%add3A_198, %dma_wait3A_783] : memref<81920x32xf32, #tpu.memory_space<hbm>> -> memref<640x32xf32, #tpu.memory_space<hbm>>
      tpu.wait_dma2 semaphore(%run_scoped3A : memref<!tpu.dma_semaphore, #tpu.memory_space<semaphore_mem>>) src(%dma_wait3A_784 : memref<640x32xf32, #tpu.memory_space<hbm>>) dst(%arg10 : memref<640x32xf32, #tpu.memory_space<vmem>>)
      tpu.yield
    }) : () -> ()
    %mul3A_199 = arith.constant 640 : i32
    %mul3A_200 = arith.muli %arg1, %mul3A_199 : i32
    "tpu.region"() ({
      %run_scoped3A = tpu.sem_alloc : memref<!tpu.dma_semaphore, #tpu.memory_space<semaphore_mem>>
      %dma_start3A_777 = arith.constant 0 : i32
      %dma_start3A_778 = tpu.memref_slice %arg11[%mul3A_200, %dma_start3A_777] : memref<10240x32xf32, #tpu.memory_space<vmem_shared>> -> memref<640x32xf32, #tpu.memory_space<vmem_shared>>
      %dma_start3A_779 = arith.constant 0 : i32
      %dma_start3A_780 = tpu.memref_slice %arg11[%mul3A_200, %dma_start3A_779] : memref<10240x32xf32, #tpu.memory_space<vmem_shared>> -> memref<640x32xf32, #tpu.memory_space<vmem_shared>>
      tpu.enqueue_dma source(%arg10 : memref<640x32xf32, #tpu.memory_space<vmem>>) target(%dma_start3A_780 : memref<640x32xf32, #tpu.memory_space<vmem_shared>>) target_semaphore(%run_scoped3A : memref<!tpu.dma_semaphore, #tpu.memory_space<semaphore_mem>>)
      %dma_wait3A_781 = arith.constant 0 : i32
      %dma_wait3A_782 = tpu.memref_slice %arg11[%mul3A_200, %dma_wait3A_781] : memref<10240x32xf32, #tpu.memory_space<vmem_shared>> -> memref<640x32xf32, #tpu.memory_space<vmem_shared>>
      %dma_wait3A_783 = arith.constant 0 : i32
      %dma_wait3A_784 = tpu.memref_slice %arg11[%mul3A_200, %dma_wait3A_783] : memref<10240x32xf32, #tpu.memory_space<vmem_shared>> -> memref<640x32xf32, #tpu.memory_space<vmem_shared>>
      tpu.wait_dma2 semaphore(%run_scoped3A : memref<!tpu.dma_semaphore, #tpu.memory_space<semaphore_mem>>) src(%arg10 : memref<640x32xf32, #tpu.memory_space<vmem>>) dst(%dma_wait3A_784 : memref<640x32xf32, #tpu.memory_space<vmem_shared>>)
      tpu.yield
    }) : () -> ()
    %scan3A_201 = arith.constant 0 : i32
    %scan3A_202 = arith.constant 0 : i32
    %scan3A_203 = arith.constant 128 : i32
    %scan3A_204 = arith.addi %scan3A_202, %scan3A_203 : i32
    %scan3A_205 = arith.constant 1 : i32
    scf.for %scan3A_777 = %scan3A_202 to %scan3A_204 step %scan3A_205  : i32 {
      %broadcast_in_dim3A = arith.constant 0.000000e+00 : f32
      %broadcast_in_dim3A_778 = vector.broadcast %broadcast_in_dim3A : f32 to vector<16xf32>
      %swap3A = arith.index_cast %scan3A_777 : i32 to index
      %swap3A_779 = arith.constant 0 : index
      %swap3A_780 = tpu.vector_load %arg9[%swap3A, %swap3A_779] {strides = array<i32>} : memref<128x32xf32, #tpu.memory_space<vmem>>, vector<1x16xf32>,
      %swap3A_781 = vector.shape_cast %swap3A_780 : vector<1x16xf32> to vector<16xf32>
      %swap3A_782 = vector.shape_cast %broadcast_in_dim3A_778 : vector<16xf32> to vector<1x16xf32>
      tpu.vector_store %arg9[%swap3A, %swap3A_779], %swap3A_782 {strides = array<i32>} : memref<128x32xf32, #tpu.memory_space<vmem>>, vector<1x16xf32>,
      %broadcast_in_dim3A_783 = arith.constant 0.000000e+00 : f32
      %broadcast_in_dim3A_784 = vector.broadcast %broadcast_in_dim3A_783 : f32 to vector<16xf32>
      %swap3A_785 = arith.index_cast %scan3A_777 : i32 to index
      %swap3A_786 = arith.constant 16 : index
      %swap3A_787 = tpu.vector_load %arg9[%swap3A_785, %swap3A_786] {strides = array<i32>} : memref<128x32xf32, #tpu.memory_space<vmem>>, vector<1x16xf32>,
      %swap3A_788 = vector.shape_cast %swap3A_787 : vector<1x16xf32> to vector<16xf32>
      %swap3A_789 = vector.shape_cast %broadcast_in_dim3A_784 : vector<16xf32> to vector<1x16xf32>
      tpu.vector_store %arg9[%swap3A_785, %swap3A_786], %swap3A_789 {strides = array<i32>} : memref<128x32xf32, #tpu.memory_space<vmem>>, vector<1x16xf32>,
    }
    %scan3A_206 = arith.constant 128 : i32
    %mul3A_207 = arith.constant 640 : i32
    %mul3A_208 = arith.muli %arg1, %mul3A_207 : i32
    %add3A_209 = arith.constant 0 : i32
    %add3A_210 = arith.addi %mul3A_208, %add3A_209 : i32
    "tpu.region"() ({
      %run_scoped3A = tpu.sem_alloc : memref<!tpu.dma_semaphore, #tpu.memory_space<semaphore_mem>>
      %dma_start3A_777 = arith.constant 0 : i32
      %dma_start3A_778 = tpu.memref_slice %arg12[%add3A_210, %dma_start3A_777] : memref<10240x32xf32, #tpu.memory_space<vmem_shared>> -> memref<128x32xf32, #tpu.memory_space<vmem_shared>>
      %dma_start3A_779 = arith.constant 0 : i32
      %dma_start3A_780 = tpu.memref_slice %arg12[%add3A_210, %dma_start3A_779] : memref<10240x32xf32, #tpu.memory_space<vmem_shared>> -> memref<128x32xf32, #tpu.memory_space<vmem_shared>>
      tpu.enqueue_dma source(%arg9 : memref<128x32xf32, #tpu.memory_space<vmem>>) target(%dma_start3A_780 : memref<128x32xf32, #tpu.memory_space<vmem_shared>>) target_semaphore(%run_scoped3A : memref<!tpu.dma_semaphore, #tpu.memory_space<semaphore_mem>>)
      %dma_wait3A_781 = arith.constant 0 : i32
      %dma_wait3A_782 = tpu.memref_slice %arg12[%add3A_210, %dma_wait3A_781] : memref<10240x32xf32, #tpu.memory_space<vmem_shared>> -> memref<128x32xf32, #tpu.memory_space<vmem_shared>>
      %dma_wait3A_783 = arith.constant 0 : i32
      %dma_wait3A_784 = tpu.memref_slice %arg12[%add3A_210, %dma_wait3A_783] : memref<10240x32xf32, #tpu.memory_space<vmem_shared>> -> memref<128x32xf32, #tpu.memory_space<vmem_shared>>
      tpu.wait_dma2 semaphore(%run_scoped3A : memref<!tpu.dma_semaphore, #tpu.memory_space<semaphore_mem>>) src(%arg9 : memref<128x32xf32, #tpu.memory_space<vmem>>) dst(%dma_wait3A_784 : memref<128x32xf32, #tpu.memory_space<vmem_shared>>)
      tpu.yield
    }) : () -> ()
    %mul3A_211 = arith.constant 640 : i32
    %mul3A_212 = arith.muli %arg1, %mul3A_211 : i32
    %add3A_213 = arith.constant 128 : i32
    %add3A_214 = arith.addi %mul3A_212, %add3A_213 : i32
    "tpu.region"() ({
      %run_scoped3A = tpu.sem_alloc : memref<!tpu.dma_semaphore, #tpu.memory_space<semaphore_mem>>
      %dma_start3A_777 = arith.constant 0 : i32
      %dma_start3A_778 = tpu.memref_slice %arg12[%add3A_214, %dma_start3A_777] : memref<10240x32xf32, #tpu.memory_space<vmem_shared>> -> memref<128x32xf32, #tpu.memory_space<vmem_shared>>
      %dma_start3A_779 = arith.constant 0 : i32
      %dma_start3A_780 = tpu.memref_slice %arg12[%add3A_214, %dma_start3A_779] : memref<10240x32xf32, #tpu.memory_space<vmem_shared>> -> memref<128x32xf32, #tpu.memory_space<vmem_shared>>
      tpu.enqueue_dma source(%arg9 : memref<128x32xf32, #tpu.memory_space<vmem>>) target(%dma_start3A_780 : memref<128x32xf32, #tpu.memory_space<vmem_shared>>) target_semaphore(%run_scoped3A : memref<!tpu.dma_semaphore, #tpu.memory_space<semaphore_mem>>)
      %dma_wait3A_781 = arith.constant 0 : i32
      %dma_wait3A_782 = tpu.memref_slice %arg12[%add3A_214, %dma_wait3A_781] : memref<10240x32xf32, #tpu.memory_space<vmem_shared>> -> memref<128x32xf32, #tpu.memory_space<vmem_shared>>
      %dma_wait3A_783 = arith.constant 0 : i32
      %dma_wait3A_784 = tpu.memref_slice %arg12[%add3A_214, %dma_wait3A_783] : memref<10240x32xf32, #tpu.memory_space<vmem_shared>> -> memref<128x32xf32, #tpu.memory_space<vmem_shared>>
      tpu.wait_dma2 semaphore(%run_scoped3A : memref<!tpu.dma_semaphore, #tpu.memory_space<semaphore_mem>>) src(%arg9 : memref<128x32xf32, #tpu.memory_space<vmem>>) dst(%dma_wait3A_784 : memref<128x32xf32, #tpu.memory_space<vmem_shared>>)
      tpu.yield
    }) : () -> ()
    %mul3A_215 = arith.constant 640 : i32
    %mul3A_216 = arith.muli %arg1, %mul3A_215 : i32
    %add3A_217 = arith.constant 256 : i32
    %add3A_218 = arith.addi %mul3A_216, %add3A_217 : i32
    "tpu.region"() ({
      %run_scoped3A = tpu.sem_alloc : memref<!tpu.dma_semaphore, #tpu.memory_space<semaphore_mem>>
      %dma_start3A_777 = arith.constant 0 : i32
      %dma_start3A_778 = tpu.memref_slice %arg12[%add3A_218, %dma_start3A_777] : memref<10240x32xf32, #tpu.memory_space<vmem_shared>> -> memref<128x32xf32, #tpu.memory_space<vmem_shared>>
      %dma_start3A_779 = arith.constant 0 : i32
      %dma_start3A_780 = tpu.memref_slice %arg12[%add3A_218, %dma_start3A_779] : memref<10240x32xf32, #tpu.memory_space<vmem_shared>> -> memref<128x32xf32, #tpu.memory_space<vmem_shared>>
      tpu.enqueue_dma source(%arg9 : memref<128x32xf32, #tpu.memory_space<vmem>>) target(%dma_start3A_780 : memref<128x32xf32, #tpu.memory_space<vmem_shared>>) target_semaphore(%run_scoped3A : memref<!tpu.dma_semaphore, #tpu.memory_space<semaphore_mem>>)
      %dma_wait3A_781 = arith.constant 0 : i32
      %dma_wait3A_782 = tpu.memref_slice %arg12[%add3A_218, %dma_wait3A_781] : memref<10240x32xf32, #tpu.memory_space<vmem_shared>> -> memref<128x32xf32, #tpu.memory_space<vmem_shared>>
      %dma_wait3A_783 = arith.constant 0 : i32
      %dma_wait3A_784 = tpu.memref_slice %arg12[%add3A_218, %dma_wait3A_783] : memref<10240x32xf32, #tpu.memory_space<vmem_shared>> -> memref<128x32xf32, #tpu.memory_space<vmem_shared>>
      tpu.wait_dma2 semaphore(%run_scoped3A : memref<!tpu.dma_semaphore, #tpu.memory_space<semaphore_mem>>) src(%arg9 : memref<128x32xf32, #tpu.memory_space<vmem>>) dst(%dma_wait3A_784 : memref<128x32xf32, #tpu.memory_space<vmem_shared>>)
      tpu.yield
    }) : () -> ()
    %mul3A_219 = arith.constant 640 : i32
    %mul3A_220 = arith.muli %arg1, %mul3A_219 : i32
    %add3A_221 = arith.constant 384 : i32
    %add3A_222 = arith.addi %mul3A_220, %add3A_221 : i32
    "tpu.region"() ({
      %run_scoped3A = tpu.sem_alloc : memref<!tpu.dma_semaphore, #tpu.memory_space<semaphore_mem>>
      %dma_start3A_777 = arith.constant 0 : i32
      %dma_start3A_778 = tpu.memref_slice %arg12[%add3A_222, %dma_start3A_777] : memref<10240x32xf32, #tpu.memory_space<vmem_shared>> -> memref<128x32xf32, #tpu.memory_space<vmem_shared>>
      %dma_start3A_779 = arith.constant 0 : i32
      %dma_start3A_780 = tpu.memref_slice %arg12[%add3A_222, %dma_start3A_779] : memref<10240x32xf32, #tpu.memory_space<vmem_shared>> -> memref<128x32xf32, #tpu.memory_space<vmem_shared>>
      tpu.enqueue_dma source(%arg9 : memref<128x32xf32, #tpu.memory_space<vmem>>) target(%dma_start3A_780 : memref<128x32xf32, #tpu.memory_space<vmem_shared>>) target_semaphore(%run_scoped3A : memref<!tpu.dma_semaphore, #tpu.memory_space<semaphore_mem>>)
      %dma_wait3A_781 = arith.constant 0 : i32
      %dma_wait3A_782 = tpu.memref_slice %arg12[%add3A_222, %dma_wait3A_781] : memref<10240x32xf32, #tpu.memory_space<vmem_shared>> -> memref<128x32xf32, #tpu.memory_space<vmem_shared>>
      %dma_wait3A_783 = arith.constant 0 : i32
      %dma_wait3A_784 = tpu.memref_slice %arg12[%add3A_222, %dma_wait3A_783] : memref<10240x32xf32, #tpu.memory_space<vmem_shared>> -> memref<128x32xf32, #tpu.memory_space<vmem_shared>>
      tpu.wait_dma2 semaphore(%run_scoped3A : memref<!tpu.dma_semaphore, #tpu.memory_space<semaphore_mem>>) src(%arg9 : memref<128x32xf32, #tpu.memory_space<vmem>>) dst(%dma_wait3A_784 : memref<128x32xf32, #tpu.memory_space<vmem_shared>>)
      tpu.yield
    }) : () -> ()
    %mul3A_223 = arith.constant 640 : i32
    %mul3A_224 = arith.muli %arg1, %mul3A_223 : i32
    %add3A_225 = arith.constant 512 : i32
    %add3A_226 = arith.addi %mul3A_224, %add3A_225 : i32
    "tpu.region"() ({
      %run_scoped3A = tpu.sem_alloc : memref<!tpu.dma_semaphore, #tpu.memory_space<semaphore_mem>>
      %dma_start3A_777 = arith.constant 0 : i32
      %dma_start3A_778 = tpu.memref_slice %arg12[%add3A_226, %dma_start3A_777] : memref<10240x32xf32, #tpu.memory_space<vmem_shared>> -> memref<128x32xf32, #tpu.memory_space<vmem_shared>>
      %dma_start3A_779 = arith.constant 0 : i32
      %dma_start3A_780 = tpu.memref_slice %arg12[%add3A_226, %dma_start3A_779] : memref<10240x32xf32, #tpu.memory_space<vmem_shared>> -> memref<128x32xf32, #tpu.memory_space<vmem_shared>>
      tpu.enqueue_dma source(%arg9 : memref<128x32xf32, #tpu.memory_space<vmem>>) target(%dma_start3A_780 : memref<128x32xf32, #tpu.memory_space<vmem_shared>>) target_semaphore(%run_scoped3A : memref<!tpu.dma_semaphore, #tpu.memory_space<semaphore_mem>>)
      %dma_wait3A_781 = arith.constant 0 : i32
      %dma_wait3A_782 = tpu.memref_slice %arg12[%add3A_226, %dma_wait3A_781] : memref<10240x32xf32, #tpu.memory_space<vmem_shared>> -> memref<128x32xf32, #tpu.memory_space<vmem_shared>>
      %dma_wait3A_783 = arith.constant 0 : i32
      %dma_wait3A_784 = tpu.memref_slice %arg12[%add3A_226, %dma_wait3A_783] : memref<10240x32xf32, #tpu.memory_space<vmem_shared>> -> memref<128x32xf32, #tpu.memory_space<vmem_shared>>
      tpu.wait_dma2 semaphore(%run_scoped3A : memref<!tpu.dma_semaphore, #tpu.memory_space<semaphore_mem>>) src(%arg9 : memref<128x32xf32, #tpu.memory_space<vmem>>) dst(%dma_wait3A_784 : memref<128x32xf32, #tpu.memory_space<vmem_shared>>)
      tpu.yield
    }) : () -> ()
    %barrier3A_227 = arith.constant 0 : index
    tpu.barrier barrier_id(%barrier3A_227)
    %dma_start3A_228 = arith.constant 0 : i32
    %dma_start3A_229 = arith.constant 0 : i32
    %dma_start3A_230 = arith.constant 0 : i32
    %dma_start3A_231 = arith.constant 0 : i32
    %dma_start3A_232 = arith.constant 0 : i32
    %dma_start3A_233 = tpu.memref_slice %arg8[%dma_start3A_229, %dma_start3A_231, %dma_start3A_232] : memref<8x128x32xf32, #tpu.memory_space<vmem>> -> memref<1x128x32xf32, #tpu.memory_space<vmem>>
    %dma_start3A_234 = tpu.memref_squeeze %dma_start3A_233 : memref<1x128x32xf32, #tpu.memory_space<vmem>> -> memref<128x32xf32, #tpu.memory_space<vmem>>
    %dma_start3A_235 = arith.constant 0 : i32
    %dma_start3A_236 = tpu.memref_slice %arg6[%dma_start3A_228, %dma_start3A_235] : memref<80x128xi32, #tpu.memory_space<vmem>> -> memref<1x128xi32, #tpu.memory_space<vmem>>
    %dma_start3A_237 = tpu.memref_squeeze %dma_start3A_236 : memref<1x128xi32, #tpu.memory_space<vmem>> -> memref<128xi32, #tpu.memory_space<vmem>>
    %dma_start3A_238 = arith.constant 0 : i32
    %dma_start3A_239 = arith.constant 0 : i32
    %dma_start3A_240 = tpu.memref_slice %arg11[%dma_start3A_238, %dma_start3A_239] : memref<10240x32xf32, #tpu.memory_space<vmem_shared>> -> memref<10240x32xf32, #tpu.memory_space<vmem_shared>>
    %dma_start3A_241 = tpu.memref_slice %arg13[%dma_start3A_230] : memref<8x!tpu.dma_semaphore, #tpu.memory_space<semaphore_mem>> -> memref<1x!tpu.dma_semaphore, #tpu.memory_space<semaphore_mem>>
    %dma_start3A_242 = tpu.memref_squeeze %dma_start3A_241 : memref<1x!tpu.dma_semaphore, #tpu.memory_space<semaphore_mem>> -> memref<!tpu.dma_semaphore, #tpu.memory_space<semaphore_mem>>
    tpu.enqueue_indirect_dma source(%dma_start3A_240 : memref<10240x32xf32, #tpu.memory_space<vmem_shared>>) target(%dma_start3A_234 : memref<128x32xf32, #tpu.memory_space<vmem>>) offsets(%dma_start3A_237 : memref<128xi32, #tpu.memory_space<vmem>>) semaphore(%dma_start3A_242 : memref<!tpu.dma_semaphore, #tpu.memory_space<semaphore_mem>>)
    %dma_start3A_243 = arith.constant 1 : i32
    %dma_start3A_244 = arith.constant 1 : i32
    %dma_start3A_245 = arith.constant 1 : i32
    %dma_start3A_246 = arith.constant 0 : i32
    %dma_start3A_247 = arith.constant 0 : i32
    %dma_start3A_248 = tpu.memref_slice %arg8[%dma_start3A_244, %dma_start3A_246, %dma_start3A_247] : memref<8x128x32xf32, #tpu.memory_space<vmem>> -> memref<1x128x32xf32, #tpu.memory_space<vmem>>
    %dma_start3A_249 = tpu.memref_squeeze %dma_start3A_248 : memref<1x128x32xf32, #tpu.memory_space<vmem>> -> memref<128x32xf32, #tpu.memory_space<vmem>>
    %dma_start3A_250 = arith.constant 0 : i32
    %dma_start3A_251 = tpu.memref_slice %arg6[%dma_start3A_243, %dma_start3A_250] : memref<80x128xi32, #tpu.memory_space<vmem>> -> memref<1x128xi32, #tpu.memory_space<vmem>>
    %dma_start3A_252 = tpu.memref_squeeze %dma_start3A_251 : memref<1x128xi32, #tpu.memory_space<vmem>> -> memref<128xi32, #tpu.memory_space<vmem>>
    %dma_start3A_253 = arith.constant 0 : i32
    %dma_start3A_254 = arith.constant 0 : i32
    %dma_start3A_255 = tpu.memref_slice %arg11[%dma_start3A_253, %dma_start3A_254] : memref<10240x32xf32, #tpu.memory_space<vmem_shared>> -> memref<10240x32xf32, #tpu.memory_space<vmem_shared>>
    %dma_start3A_256 = tpu.memref_slice %arg13[%dma_start3A_245] : memref<8x!tpu.dma_semaphore, #tpu.memory_space<semaphore_mem>> -> memref<1x!tpu.dma_semaphore, #tpu.memory_space<semaphore_mem>>
    %dma_start3A_257 = tpu.memref_squeeze %dma_start3A_256 : memref<1x!tpu.dma_semaphore, #tpu.memory_space<semaphore_mem>> -> memref<!tpu.dma_semaphore, #tpu.memory_space<semaphore_mem>>
    tpu.enqueue_indirect_dma source(%dma_start3A_255 : memref<10240x32xf32, #tpu.memory_space<vmem_shared>>) target(%dma_start3A_249 : memref<128x32xf32, #tpu.memory_space<vmem>>) offsets(%dma_start3A_252 : memref<128xi32, #tpu.memory_space<vmem>>) semaphore(%dma_start3A_257 : memref<!tpu.dma_semaphore, #tpu.memory_space<semaphore_mem>>)
    %dma_start3A_258 = arith.constant 2 : i32
    %dma_start3A_259 = arith.constant 2 : i32
    %dma_start3A_260 = arith.constant 2 : i32
    %dma_start3A_261 = arith.constant 0 : i32
    %dma_start3A_262 = arith.constant 0 : i32
    %dma_start3A_263 = tpu.memref_slice %arg8[%dma_start3A_259, %dma_start3A_261, %dma_start3A_262] : memref<8x128x32xf32, #tpu.memory_space<vmem>> -> memref<1x128x32xf32, #tpu.memory_space<vmem>>
    %dma_start3A_264 = tpu.memref_squeeze %dma_start3A_263 : memref<1x128x32xf32, #tpu.memory_space<vmem>> -> memref<128x32xf32, #tpu.memory_space<vmem>>
    %dma_start3A_265 = arith.constant 0 : i32
    %dma_start3A_266 = tpu.memref_slice %arg6[%dma_start3A_258, %dma_start3A_265] : memref<80x128xi32, #tpu.memory_space<vmem>> -> memref<1x128xi32, #tpu.memory_space<vmem>>
    %dma_start3A_267 = tpu.memref_squeeze %dma_start3A_266 : memref<1x128xi32, #tpu.memory_space<vmem>> -> memref<128xi32, #tpu.memory_space<vmem>>
    %dma_start3A_268 = arith.constant 0 : i32
    %dma_start3A_269 = arith.constant 0 : i32
    %dma_start3A_270 = tpu.memref_slice %arg11[%dma_start3A_268, %dma_start3A_269] : memref<10240x32xf32, #tpu.memory_space<vmem_shared>> -> memref<10240x32xf32, #tpu.memory_space<vmem_shared>>
    %dma_start3A_271 = tpu.memref_slice %arg13[%dma_start3A_260] : memref<8x!tpu.dma_semaphore, #tpu.memory_space<semaphore_mem>> -> memref<1x!tpu.dma_semaphore, #tpu.memory_space<semaphore_mem>>
    %dma_start3A_272 = tpu.memref_squeeze %dma_start3A_271 : memref<1x!tpu.dma_semaphore, #tpu.memory_space<semaphore_mem>> -> memref<!tpu.dma_semaphore, #tpu.memory_space<semaphore_mem>>
    tpu.enqueue_indirect_dma source(%dma_start3A_270 : memref<10240x32xf32, #tpu.memory_space<vmem_shared>>) target(%dma_start3A_264 : memref<128x32xf32, #tpu.memory_space<vmem>>) offsets(%dma_start3A_267 : memref<128xi32, #tpu.memory_space<vmem>>) semaphore(%dma_start3A_272 : memref<!tpu.dma_semaphore, #tpu.memory_space<semaphore_mem>>)
    %dma_start3A_273 = arith.constant 3 : i32
    %dma_start3A_274 = arith.constant 3 : i32
    %dma_start3A_275 = arith.constant 3 : i32
    %dma_start3A_276 = arith.constant 0 : i32
    %dma_start3A_277 = arith.constant 0 : i32
    %dma_start3A_278 = tpu.memref_slice %arg8[%dma_start3A_274, %dma_start3A_276, %dma_start3A_277] : memref<8x128x32xf32, #tpu.memory_space<vmem>> -> memref<1x128x32xf32, #tpu.memory_space<vmem>>
    %dma_start3A_279 = tpu.memref_squeeze %dma_start3A_278 : memref<1x128x32xf32, #tpu.memory_space<vmem>> -> memref<128x32xf32, #tpu.memory_space<vmem>>
    %dma_start3A_280 = arith.constant 0 : i32
    %dma_start3A_281 = tpu.memref_slice %arg6[%dma_start3A_273, %dma_start3A_280] : memref<80x128xi32, #tpu.memory_space<vmem>> -> memref<1x128xi32, #tpu.memory_space<vmem>>
    %dma_start3A_282 = tpu.memref_squeeze %dma_start3A_281 : memref<1x128xi32, #tpu.memory_space<vmem>> -> memref<128xi32, #tpu.memory_space<vmem>>
    %dma_start3A_283 = arith.constant 0 : i32
    %dma_start3A_284 = arith.constant 0 : i32
    %dma_start3A_285 = tpu.memref_slice %arg11[%dma_start3A_283, %dma_start3A_284] : memref<10240x32xf32, #tpu.memory_space<vmem_shared>> -> memref<10240x32xf32, #tpu.memory_space<vmem_shared>>
    %dma_start3A_286 = tpu.memref_slice %arg13[%dma_start3A_275] : memref<8x!tpu.dma_semaphore, #tpu.memory_space<semaphore_mem>> -> memref<1x!tpu.dma_semaphore, #tpu.memory_space<semaphore_mem>>
    %dma_start3A_287 = tpu.memref_squeeze %dma_start3A_286 : memref<1x!tpu.dma_semaphore, #tpu.memory_space<semaphore_mem>> -> memref<!tpu.dma_semaphore, #tpu.memory_space<semaphore_mem>>
    tpu.enqueue_indirect_dma source(%dma_start3A_285 : memref<10240x32xf32, #tpu.memory_space<vmem_shared>>) target(%dma_start3A_279 : memref<128x32xf32, #tpu.memory_space<vmem>>) offsets(%dma_start3A_282 : memref<128xi32, #tpu.memory_space<vmem>>) semaphore(%dma_start3A_287 : memref<!tpu.dma_semaphore, #tpu.memory_space<semaphore_mem>>)
    %dma_start3A_288 = arith.constant 4 : i32
    %dma_start3A_289 = arith.constant 4 : i32
    %dma_start3A_290 = arith.constant 4 : i32
    %dma_start3A_291 = arith.constant 0 : i32
    %dma_start3A_292 = arith.constant 0 : i32
    %dma_start3A_293 = tpu.memref_slice %arg8[%dma_start3A_289, %dma_start3A_291, %dma_start3A_292] : memref<8x128x32xf32, #tpu.memory_space<vmem>> -> memref<1x128x32xf32, #tpu.memory_space<vmem>>
    %dma_start3A_294 = tpu.memref_squeeze %dma_start3A_293 : memref<1x128x32xf32, #tpu.memory_space<vmem>> -> memref<128x32xf32, #tpu.memory_space<vmem>>
    %dma_start3A_295 = arith.constant 0 : i32
    %dma_start3A_296 = tpu.memref_slice %arg6[%dma_start3A_288, %dma_start3A_295] : memref<80x128xi32, #tpu.memory_space<vmem>> -> memref<1x128xi32, #tpu.memory_space<vmem>>
    %dma_start3A_297 = tpu.memref_squeeze %dma_start3A_296 : memref<1x128xi32, #tpu.memory_space<vmem>> -> memref<128xi32, #tpu.memory_space<vmem>>
    %dma_start3A_298 = arith.constant 0 : i32
    %dma_start3A_299 = arith.constant 0 : i32
    %dma_start3A_300 = tpu.memref_slice %arg11[%dma_start3A_298, %dma_start3A_299] : memref<10240x32xf32, #tpu.memory_space<vmem_shared>> -> memref<10240x32xf32, #tpu.memory_space<vmem_shared>>
    %dma_start3A_301 = tpu.memref_slice %arg13[%dma_start3A_290] : memref<8x!tpu.dma_semaphore, #tpu.memory_space<semaphore_mem>> -> memref<1x!tpu.dma_semaphore, #tpu.memory_space<semaphore_mem>>
    %dma_start3A_302 = tpu.memref_squeeze %dma_start3A_301 : memref<1x!tpu.dma_semaphore, #tpu.memory_space<semaphore_mem>> -> memref<!tpu.dma_semaphore, #tpu.memory_space<semaphore_mem>>
    tpu.enqueue_indirect_dma source(%dma_start3A_300 : memref<10240x32xf32, #tpu.memory_space<vmem_shared>>) target(%dma_start3A_294 : memref<128x32xf32, #tpu.memory_space<vmem>>) offsets(%dma_start3A_297 : memref<128xi32, #tpu.memory_space<vmem>>) semaphore(%dma_start3A_302 : memref<!tpu.dma_semaphore, #tpu.memory_space<semaphore_mem>>)
    %dma_start3A_303 = arith.constant 5 : i32
    %dma_start3A_304 = arith.constant 5 : i32
    %dma_start3A_305 = arith.constant 5 : i32
    %dma_start3A_306 = arith.constant 0 : i32
    %dma_start3A_307 = arith.constant 0 : i32
    %dma_start3A_308 = tpu.memref_slice %arg8[%dma_start3A_304, %dma_start3A_306, %dma_start3A_307] : memref<8x128x32xf32, #tpu.memory_space<vmem>> -> memref<1x128x32xf32, #tpu.memory_space<vmem>>
    %dma_start3A_309 = tpu.memref_squeeze %dma_start3A_308 : memref<1x128x32xf32, #tpu.memory_space<vmem>> -> memref<128x32xf32, #tpu.memory_space<vmem>>
    %dma_start3A_310 = arith.constant 0 : i32
    %dma_start3A_311 = tpu.memref_slice %arg6[%dma_start3A_303, %dma_start3A_310] : memref<80x128xi32, #tpu.memory_space<vmem>> -> memref<1x128xi32, #tpu.memory_space<vmem>>
    %dma_start3A_312 = tpu.memref_squeeze %dma_start3A_311 : memref<1x128xi32, #tpu.memory_space<vmem>> -> memref<128xi32, #tpu.memory_space<vmem>>
    %dma_start3A_313 = arith.constant 0 : i32
    %dma_start3A_314 = arith.constant 0 : i32
    %dma_start3A_315 = tpu.memref_slice %arg11[%dma_start3A_313, %dma_start3A_314] : memref<10240x32xf32, #tpu.memory_space<vmem_shared>> -> memref<10240x32xf32, #tpu.memory_space<vmem_shared>>
    %dma_start3A_316 = tpu.memref_slice %arg13[%dma_start3A_305] : memref<8x!tpu.dma_semaphore, #tpu.memory_space<semaphore_mem>> -> memref<1x!tpu.dma_semaphore, #tpu.memory_space<semaphore_mem>>
    %dma_start3A_317 = tpu.memref_squeeze %dma_start3A_316 : memref<1x!tpu.dma_semaphore, #tpu.memory_space<semaphore_mem>> -> memref<!tpu.dma_semaphore, #tpu.memory_space<semaphore_mem>>
    tpu.enqueue_indirect_dma source(%dma_start3A_315 : memref<10240x32xf32, #tpu.memory_space<vmem_shared>>) target(%dma_start3A_309 : memref<128x32xf32, #tpu.memory_space<vmem>>) offsets(%dma_start3A_312 : memref<128xi32, #tpu.memory_space<vmem>>) semaphore(%dma_start3A_317 : memref<!tpu.dma_semaphore, #tpu.memory_space<semaphore_mem>>)
    %scan3A_318 = arith.constant 0 : i32
    %scan3A_319 = arith.constant 0 : i32
    %scan3A_320 = arith.constant 80 : i32
    %scan3A_321 = arith.addi %scan3A_319, %scan3A_320 : i32
    %scan3A_322 = arith.constant 1 : i32
    scf.for %scan3A_777 = %scan3A_319 to %scan3A_321 step %scan3A_322  : i32 {
      %jit3A = arith.constant 8 : i32
      %eq3A = arith.constant 0 : i32
      %eq3A_778 = arith.cmpi eq, %jit3A, %eq3A : i32
      %jit3A_779 = arith.constant 1 : i32
      %select_n3A = arith.select %eq3A_778, %jit3A_779, %jit3A : i32
      %rem3A = arith.remsi %scan3A_777, %select_n3A : i32
      %ne3A = arith.constant 0 : i32
      %ne3A_780 = arith.cmpi ne, %rem3A, %ne3A : i32
      %lt3A = arith.constant 0 : i32
      %lt3A_781 = arith.cmpi slt, %rem3A, %lt3A : i32
      %lt3A_782 = arith.constant 0 : i32
      %lt3A_783 = arith.cmpi slt, %select_n3A, %lt3A_782 : i32
      %ne3A_784 = arith.xori %lt3A_781, %lt3A_783 : i1
      %and3A = arith.andi %ne3A_784, %ne3A_780 : i1
      %add3A_785 = arith.addi %rem3A, %select_n3A : i32
      %select_n3A_786 = arith.select %and3A, %add3A_785, %rem3A : i32
      %dma_wait3A_787 = arith.constant 0 : i32
      %dma_wait3A_788 = arith.constant 0 : i32
      %dma_wait3A_789 = tpu.memref_slice %arg8[%select_n3A_786, %dma_wait3A_787, %dma_wait3A_788] : memref<8x128x32xf32, #tpu.memory_space<vmem>> -> memref<1x128x32xf32, #tpu.memory_space<vmem>>
      %dma_wait3A_790 = tpu.memref_squeeze %dma_wait3A_789 : memref<1x128x32xf32, #tpu.memory_space<vmem>> -> memref<128x32xf32, #tpu.memory_space<vmem>>
      %dma_wait3A_791 = arith.constant 0 : i32
      %dma_wait3A_792 = tpu.memref_slice %arg6[%scan3A_777, %dma_wait3A_791] : memref<80x128xi32, #tpu.memory_space<vmem>> -> memref<1x128xi32, #tpu.memory_space<vmem>>
      %dma_wait3A_793 = tpu.memref_squeeze %dma_wait3A_792 : memref<1x128xi32, #tpu.memory_space<vmem>> -> memref<128xi32, #tpu.memory_space<vmem>>
      %dma_wait3A_794 = arith.constant 0 : i32
      %dma_wait3A_795 = arith.constant 0 : i32
      %dma_wait3A_796 = tpu.memref_slice %arg11[%dma_wait3A_794, %dma_wait3A_795] : memref<10240x32xf32, #tpu.memory_space<vmem_shared>> -> memref<10240x32xf32, #tpu.memory_space<vmem_shared>>
      %dma_wait3A_797 = tpu.memref_slice %arg13[%select_n3A_786] : memref<8x!tpu.dma_semaphore, #tpu.memory_space<semaphore_mem>> -> memref<1x!tpu.dma_semaphore, #tpu.memory_space<semaphore_mem>>
      %dma_wait3A_798 = tpu.memref_squeeze %dma_wait3A_797 : memref<1x!tpu.dma_semaphore, #tpu.memory_space<semaphore_mem>> -> memref<!tpu.dma_semaphore, #tpu.memory_space<semaphore_mem>>
      tpu.wait_indirect_dma semaphore(%dma_wait3A_798 : memref<!tpu.dma_semaphore, #tpu.memory_space<semaphore_mem>>) src(%dma_wait3A_796 : memref<10240x32xf32, #tpu.memory_space<vmem_shared>>) dst(%dma_wait3A_790 : memref<128x32xf32, #tpu.memory_space<vmem>>)
      %dma_start3A_799 = arith.constant 0 : i32
      %dma_start3A_800 = arith.constant 0 : i32
      %dma_start3A_801 = tpu.memref_slice %arg8[%select_n3A_786, %dma_start3A_799, %dma_start3A_800] : memref<8x128x32xf32, #tpu.memory_space<vmem>> -> memref<1x128x32xf32, #tpu.memory_space<vmem>>
      %dma_start3A_802 = tpu.memref_squeeze %dma_start3A_801 : memref<1x128x32xf32, #tpu.memory_space<vmem>> -> memref<128x32xf32, #tpu.memory_space<vmem>>
      %dma_start3A_803 = arith.constant 0 : i32
      %dma_start3A_804 = tpu.memref_slice %arg7[%scan3A_777, %dma_start3A_803] : memref<80x128xi32, #tpu.memory_space<vmem>> -> memref<1x128xi32, #tpu.memory_space<vmem>>
      %dma_start3A_805 = tpu.memref_squeeze %dma_start3A_804 : memref<1x128xi32, #tpu.memory_space<vmem>> -> memref<128xi32, #tpu.memory_space<vmem>>
      %dma_start3A_806 = arith.constant 0 : i32
      %dma_start3A_807 = arith.constant 0 : i32
      %dma_start3A_808 = tpu.memref_slice %arg12[%dma_start3A_806, %dma_start3A_807] : memref<10240x32xf32, #tpu.memory_space<vmem_shared>> -> memref<10240x32xf32, #tpu.memory_space<vmem_shared>>
      %dma_start3A_809 = tpu.memref_slice %arg14[%select_n3A_786] : memref<8x!tpu.dma_semaphore, #tpu.memory_space<semaphore_mem>> -> memref<1x!tpu.dma_semaphore, #tpu.memory_space<semaphore_mem>>
      %dma_start3A_810 = tpu.memref_squeeze %dma_start3A_809 : memref<1x!tpu.dma_semaphore, #tpu.memory_space<semaphore_mem>> -> memref<!tpu.dma_semaphore, #tpu.memory_space<semaphore_mem>>
      tpu.enqueue_indirect_dma source(%dma_start3A_802 : memref<128x32xf32, #tpu.memory_space<vmem>>) target(%dma_start3A_808 : memref<10240x32xf32, #tpu.memory_space<vmem_shared>>) offsets(%dma_start3A_805 : memref<128xi32, #tpu.memory_space<vmem>>) semaphore(%dma_start3A_810 : memref<!tpu.dma_semaphore, #tpu.memory_space<semaphore_mem>>) {add = true}
      %ge3A = arith.constant 2 : i32
      %ge3A_811 = arith.cmpi sge, %scan3A_777, %ge3A : i32
      %convert_element_type3A = arith.extui %ge3A_811 : i1 to i32
      %cond3A = arith.constant 0 : i32
      %cond3A_812 = arith.cmpi ne, %convert_element_type3A, %cond3A : i32
      scf.if %cond3A_812 {
        %sub3A = arith.constant 2 : i32
        %sub3A_820 = arith.subi %scan3A_777, %sub3A : i32
        %sub3A_821 = arith.constant 2 : i32
        %sub3A_822 = arith.subi %scan3A_777, %sub3A_821 : i32
        %jit3A_823 = arith.constant 8 : i32
        %eq3A_824 = arith.constant 0 : i32
        %eq3A_825 = arith.cmpi eq, %jit3A_823, %eq3A_824 : i32
        %jit3A_826 = arith.constant 1 : i32
        %select_n3A_827 = arith.select %eq3A_825, %jit3A_826, %jit3A_823 : i32
        %rem3A_828 = arith.remsi %sub3A_822, %select_n3A_827 : i32
        %ne3A_829 = arith.constant 0 : i32
        %ne3A_830 = arith.cmpi ne, %rem3A_828, %ne3A_829 : i32
        %lt3A_831 = arith.constant 0 : i32
        %lt3A_832 = arith.cmpi slt, %rem3A_828, %lt3A_831 : i32
        %lt3A_833 = arith.constant 0 : i32
        %lt3A_834 = arith.cmpi slt, %select_n3A_827, %lt3A_833 : i32
        %ne3A_835 = arith.xori %lt3A_832, %lt3A_834 : i1
        %and3A_836 = arith.andi %ne3A_835, %ne3A_830 : i1
        %add3A_837 = arith.addi %rem3A_828, %select_n3A_827 : i32
        %select_n3A_838 = arith.select %and3A_836, %add3A_837, %rem3A_828 : i32
        %dma_wait3A_839 = arith.constant 0 : i32
        %dma_wait3A_840 = arith.constant 0 : i32
        %dma_wait3A_841 = tpu.memref_slice %arg8[%select_n3A_838, %dma_wait3A_839, %dma_wait3A_840] : memref<8x128x32xf32, #tpu.memory_space<vmem>> -> memref<1x128x32xf32, #tpu.memory_space<vmem>>
        %dma_wait3A_842 = tpu.memref_squeeze %dma_wait3A_841 : memref<1x128x32xf32, #tpu.memory_space<vmem>> -> memref<128x32xf32, #tpu.memory_space<vmem>>
        %dma_wait3A_843 = arith.constant 0 : i32
        %dma_wait3A_844 = tpu.memref_slice %arg7[%sub3A_820, %dma_wait3A_843] : memref<80x128xi32, #tpu.memory_space<vmem>> -> memref<1x128xi32, #tpu.memory_space<vmem>>
        %dma_wait3A_845 = tpu.memref_squeeze %dma_wait3A_844 : memref<1x128xi32, #tpu.memory_space<vmem>> -> memref<128xi32, #tpu.memory_space<vmem>>
        %dma_wait3A_846 = arith.constant 0 : i32
        %dma_wait3A_847 = arith.constant 0 : i32
        %dma_wait3A_848 = tpu.memref_slice %arg12[%dma_wait3A_846, %dma_wait3A_847] : memref<10240x32xf32, #tpu.memory_space<vmem_shared>> -> memref<10240x32xf32, #tpu.memory_space<vmem_shared>>
        %dma_wait3A_849 = tpu.memref_slice %arg14[%select_n3A_838] : memref<8x!tpu.dma_semaphore, #tpu.memory_space<semaphore_mem>> -> memref<1x!tpu.dma_semaphore, #tpu.memory_space<semaphore_mem>>
        %dma_wait3A_850 = tpu.memref_squeeze %dma_wait3A_849 : memref<1x!tpu.dma_semaphore, #tpu.memory_space<semaphore_mem>> -> memref<!tpu.dma_semaphore, #tpu.memory_space<semaphore_mem>>
        tpu.wait_indirect_dma semaphore(%dma_wait3A_850 : memref<!tpu.dma_semaphore, #tpu.memory_space<semaphore_mem>>) src(%dma_wait3A_842 : memref<128x32xf32, #tpu.memory_space<vmem>>) dst(%dma_wait3A_848 : memref<10240x32xf32, #tpu.memory_space<vmem_shared>>)
      } else {
      }
      %add3A_813 = arith.constant 6 : i32
      %add3A_814 = arith.addi %scan3A_777, %add3A_813 : i32
      %lt3A_815 = arith.constant 80 : i32
      %lt3A_816 = arith.cmpi slt, %add3A_814, %lt3A_815 : i32
      %convert_element_type3A_817 = arith.extui %lt3A_816 : i1 to i32
      %cond3A_818 = arith.constant 0 : i32
      %cond3A_819 = arith.cmpi ne, %convert_element_type3A_817, %cond3A_818 : i32
      scf.if %cond3A_819 {
        %add3A_820 = arith.constant 6 : i32
        %add3A_821 = arith.addi %scan3A_777, %add3A_820 : i32
        %add3A_822 = arith.constant 6 : i32
        %add3A_823 = arith.addi %scan3A_777, %add3A_822 : i32
        %jit3A_824 = arith.constant 8 : i32
        %eq3A_825 = arith.constant 0 : i32
        %eq3A_826 = arith.cmpi eq, %jit3A_824, %eq3A_825 : i32
        %jit3A_827 = arith.constant 1 : i32
        %select_n3A_828 = arith.select %eq3A_826, %jit3A_827, %jit3A_824 : i32
        %rem3A_829 = arith.remsi %add3A_823, %select_n3A_828 : i32
        %ne3A_830 = arith.constant 0 : i32
        %ne3A_831 = arith.cmpi ne, %rem3A_829, %ne3A_830 : i32
        %lt3A_832 = arith.constant 0 : i32
        %lt3A_833 = arith.cmpi slt, %rem3A_829, %lt3A_832 : i32
        %lt3A_834 = arith.constant 0 : i32
        %lt3A_835 = arith.cmpi slt, %select_n3A_828, %lt3A_834 : i32
        %ne3A_836 = arith.xori %lt3A_833, %lt3A_835 : i1
        %and3A_837 = arith.andi %ne3A_836, %ne3A_831 : i1
        %add3A_838 = arith.addi %rem3A_829, %select_n3A_828 : i32
        %select_n3A_839 = arith.select %and3A_837, %add3A_838, %rem3A_829 : i32
        %dma_start3A_840 = arith.constant 0 : i32
        %dma_start3A_841 = arith.constant 0 : i32
        %dma_start3A_842 = tpu.memref_slice %arg8[%select_n3A_839, %dma_start3A_840, %dma_start3A_841] : memref<8x128x32xf32, #tpu.memory_space<vmem>> -> memref<1x128x32xf32, #tpu.memory_space<vmem>>
        %dma_start3A_843 = tpu.memref_squeeze %dma_start3A_842 : memref<1x128x32xf32, #tpu.memory_space<vmem>> -> memref<128x32xf32, #tpu.memory_space<vmem>>
        %dma_start3A_844 = arith.constant 0 : i32
        %dma_start3A_845 = tpu.memref_slice %arg6[%add3A_821, %dma_start3A_844] : memref<80x128xi32, #tpu.memory_space<vmem>> -> memref<1x128xi32, #tpu.memory_space<vmem>>
        %dma_start3A_846 = tpu.memref_squeeze %dma_start3A_845 : memref<1x128xi32, #tpu.memory_space<vmem>> -> memref<128xi32, #tpu.memory_space<vmem>>
        %dma_start3A_847 = arith.constant 0 : i32
        %dma_start3A_848 = arith.constant 0 : i32
        %dma_start3A_849 = tpu.memref_slice %arg11[%dma_start3A_847, %dma_start3A_848] : memref<10240x32xf32, #tpu.memory_space<vmem_shared>> -> memref<10240x32xf32, #tpu.memory_space<vmem_shared>>
        %dma_start3A_850 = tpu.memref_slice %arg13[%select_n3A_839] : memref<8x!tpu.dma_semaphore, #tpu.memory_space<semaphore_mem>> -> memref<1x!tpu.dma_semaphore, #tpu.memory_space<semaphore_mem>>
        %dma_start3A_851 = tpu.memref_squeeze %dma_start3A_850 : memref<1x!tpu.dma_semaphore, #tpu.memory_space<semaphore_mem>> -> memref<!tpu.dma_semaphore, #tpu.memory_space<semaphore_mem>>
        tpu.enqueue_indirect_dma source(%dma_start3A_849 : memref<10240x32xf32, #tpu.memory_space<vmem_shared>>) target(%dma_start3A_843 : memref<128x32xf32, #tpu.memory_space<vmem>>) offsets(%dma_start3A_846 : memref<128xi32, #tpu.memory_space<vmem>>) semaphore(%dma_start3A_851 : memref<!tpu.dma_semaphore, #tpu.memory_space<semaphore_mem>>)
      } else {
      }
    }
    %scan3A_323 = arith.constant 80 : i32
    %dma_wait3A_324 = arith.constant 6 : i32
    %dma_wait3A_325 = arith.constant 78 : i32
    %dma_wait3A_326 = arith.constant 6 : i32
    %dma_wait3A_327 = arith.constant 0 : i32
    %dma_wait3A_328 = arith.constant 0 : i32
    %dma_wait3A_329 = tpu.memref_slice %arg8[%dma_wait3A_324, %dma_wait3A_327, %dma_wait3A_328] : memref<8x128x32xf32, #tpu.memory_space<vmem>> -> memref<1x128x32xf32, #tpu.memory_space<vmem>>
    %dma_wait3A_330 = tpu.memref_squeeze %dma_wait3A_329 : memref<1x128x32xf32, #tpu.memory_space<vmem>> -> memref<128x32xf32, #tpu.memory_space<vmem>>
    %dma_wait3A_331 = arith.constant 0 : i32
    %dma_wait3A_332 = tpu.memref_slice %arg7[%dma_wait3A_325, %dma_wait3A_331] : memref<80x128xi32, #tpu.memory_space<vmem>> -> memref<1x128xi32, #tpu.memory_space<vmem>>
    %dma_wait3A_333 = tpu.memref_squeeze %dma_wait3A_332 : memref<1x128xi32, #tpu.memory_space<vmem>> -> memref<128xi32, #tpu.memory_space<vmem>>
    %dma_wait3A_334 = arith.constant 0 : i32
    %dma_wait3A_335 = arith.constant 0 : i32
    %dma_wait3A_336 = tpu.memref_slice %arg12[%dma_wait3A_334, %dma_wait3A_335] : memref<10240x32xf32, #tpu.memory_space<vmem_shared>> -> memref<10240x32xf32, #tpu.memory_space<vmem_shared>>
    %dma_wait3A_337 = tpu.memref_slice %arg14[%dma_wait3A_326] : memref<8x!tpu.dma_semaphore, #tpu.memory_space<semaphore_mem>> -> memref<1x!tpu.dma_semaphore, #tpu.memory_space<semaphore_mem>>
    %dma_wait3A_338 = tpu.memref_squeeze %dma_wait3A_337 : memref<1x!tpu.dma_semaphore, #tpu.memory_space<semaphore_mem>> -> memref<!tpu.dma_semaphore, #tpu.memory_space<semaphore_mem>>
    tpu.wait_indirect_dma semaphore(%dma_wait3A_338 : memref<!tpu.dma_semaphore, #tpu.memory_space<semaphore_mem>>) src(%dma_wait3A_330 : memref<128x32xf32, #tpu.memory_space<vmem>>) dst(%dma_wait3A_336 : memref<10240x32xf32, #tpu.memory_space<vmem_shared>>)
    %dma_wait3A_339 = arith.constant 7 : i32
    %dma_wait3A_340 = arith.constant 79 : i32
    %dma_wait3A_341 = arith.constant 7 : i32
    %dma_wait3A_342 = arith.constant 0 : i32
    %dma_wait3A_343 = arith.constant 0 : i32
    %dma_wait3A_344 = tpu.memref_slice %arg8[%dma_wait3A_339, %dma_wait3A_342, %dma_wait3A_343] : memref<8x128x32xf32, #tpu.memory_space<vmem>> -> memref<1x128x32xf32, #tpu.memory_space<vmem>>
    %dma_wait3A_345 = tpu.memref_squeeze %dma_wait3A_344 : memref<1x128x32xf32, #tpu.memory_space<vmem>> -> memref<128x32xf32, #tpu.memory_space<vmem>>
    %dma_wait3A_346 = arith.constant 0 : i32
    %dma_wait3A_347 = tpu.memref_slice %arg7[%dma_wait3A_340, %dma_wait3A_346] : memref<80x128xi32, #tpu.memory_space<vmem>> -> memref<1x128xi32, #tpu.memory_space<vmem>>
    %dma_wait3A_348 = tpu.memref_squeeze %dma_wait3A_347 : memref<1x128xi32, #tpu.memory_space<vmem>> -> memref<128xi32, #tpu.memory_space<vmem>>
    %dma_wait3A_349 = arith.constant 0 : i32
    %dma_wait3A_350 = arith.constant 0 : i32
    %dma_wait3A_351 = tpu.memref_slice %arg12[%dma_wait3A_349, %dma_wait3A_350] : memref<10240x32xf32, #tpu.memory_space<vmem_shared>> -> memref<10240x32xf32, #tpu.memory_space<vmem_shared>>
    %dma_wait3A_352 = tpu.memref_slice %arg14[%dma_wait3A_341] : memref<8x!tpu.dma_semaphore, #tpu.memory_space<semaphore_mem>> -> memref<1x!tpu.dma_semaphore, #tpu.memory_space<semaphore_mem>>
    %dma_wait3A_353 = tpu.memref_squeeze %dma_wait3A_352 : memref<1x!tpu.dma_semaphore, #tpu.memory_space<semaphore_mem>> -> memref<!tpu.dma_semaphore, #tpu.memory_space<semaphore_mem>>
    tpu.wait_indirect_dma semaphore(%dma_wait3A_353 : memref<!tpu.dma_semaphore, #tpu.memory_space<semaphore_mem>>) src(%dma_wait3A_345 : memref<128x32xf32, #tpu.memory_space<vmem>>) dst(%dma_wait3A_351 : memref<10240x32xf32, #tpu.memory_space<vmem_shared>>)
    %barrier3A_354 = arith.constant 0 : index
    tpu.barrier barrier_id(%barrier3A_354)
    %mul3A_355 = arith.constant 640 : i32
    %mul3A_356 = arith.muli %arg1, %mul3A_355 : i32
    %add3A_357 = arith.constant 0 : i32
    %add3A_358 = arith.addi %mul3A_356, %add3A_357 : i32
    "tpu.region"() ({
      %run_scoped3A = tpu.sem_alloc : memref<!tpu.dma_semaphore, #tpu.memory_space<semaphore_mem>>
      %dma_start3A_777 = arith.constant 0 : i32
      %dma_start3A_778 = tpu.memref_slice %arg12[%add3A_358, %dma_start3A_777] : memref<10240x32xf32, #tpu.memory_space<vmem_shared>> -> memref<128x32xf32, #tpu.memory_space<vmem_shared>>
      %dma_start3A_779 = arith.constant 0 : i32
      %dma_start3A_780 = tpu.memref_slice %arg12[%add3A_358, %dma_start3A_779] : memref<10240x32xf32, #tpu.memory_space<vmem_shared>> -> memref<128x32xf32, #tpu.memory_space<vmem_shared>>
      tpu.enqueue_dma source(%dma_start3A_780 : memref<128x32xf32, #tpu.memory_space<vmem_shared>>) target(%arg9 : memref<128x32xf32, #tpu.memory_space<vmem>>) target_semaphore(%run_scoped3A : memref<!tpu.dma_semaphore, #tpu.memory_space<semaphore_mem>>)
      %dma_wait3A_781 = arith.constant 0 : i32
      %dma_wait3A_782 = tpu.memref_slice %arg12[%add3A_358, %dma_wait3A_781] : memref<10240x32xf32, #tpu.memory_space<vmem_shared>> -> memref<128x32xf32, #tpu.memory_space<vmem_shared>>
      %dma_wait3A_783 = arith.constant 0 : i32
      %dma_wait3A_784 = tpu.memref_slice %arg12[%add3A_358, %dma_wait3A_783] : memref<10240x32xf32, #tpu.memory_space<vmem_shared>> -> memref<128x32xf32, #tpu.memory_space<vmem_shared>>
      tpu.wait_dma2 semaphore(%run_scoped3A : memref<!tpu.dma_semaphore, #tpu.memory_space<semaphore_mem>>) src(%dma_wait3A_784 : memref<128x32xf32, #tpu.memory_space<vmem_shared>>) dst(%arg9 : memref<128x32xf32, #tpu.memory_space<vmem>>)
      tpu.yield
    }) : () -> ()
    %add3A_359 = arith.addi %multiple_of3A_195, %add3A_358 : i32
    %multiple_of3A_360 = tpu.assume_multiple %add3A_359, 8 : i32
    "tpu.region"() ({
      %run_scoped3A = tpu.sem_alloc : memref<!tpu.dma_semaphore, #tpu.memory_space<semaphore_mem>>
      %dma_start3A_777 = arith.constant 0 : i32
      %dma_start3A_778 = tpu.memref_slice %arg5[%multiple_of3A_360, %dma_start3A_777] : memref<81920x32xf32, #tpu.memory_space<hbm>> -> memref<128x32xf32, #tpu.memory_space<hbm>>
      %dma_start3A_779 = arith.constant 0 : i32
      %dma_start3A_780 = tpu.memref_slice %arg5[%multiple_of3A_360, %dma_start3A_779] : memref<81920x32xf32, #tpu.memory_space<hbm>> -> memref<128x32xf32, #tpu.memory_space<hbm>>
      tpu.enqueue_dma source(%arg9 : memref<128x32xf32, #tpu.memory_space<vmem>>) target(%dma_start3A_780 : memref<128x32xf32, #tpu.memory_space<hbm>>) target_semaphore(%run_scoped3A : memref<!tpu.dma_semaphore, #tpu.memory_space<semaphore_mem>>)
      %dma_wait3A_781 = arith.constant 0 : i32
      %dma_wait3A_782 = tpu.memref_slice %arg5[%multiple_of3A_360, %dma_wait3A_781] : memref<81920x32xf32, #tpu.memory_space<hbm>> -> memref<128x32xf32, #tpu.memory_space<hbm>>
      %dma_wait3A_783 = arith.constant 0 : i32
      %dma_wait3A_784 = tpu.memref_slice %arg5[%multiple_of3A_360, %dma_wait3A_783] : memref<81920x32xf32, #tpu.memory_space<hbm>> -> memref<128x32xf32, #tpu.memory_space<hbm>>
      tpu.wait_dma2 semaphore(%run_scoped3A : memref<!tpu.dma_semaphore, #tpu.memory_space<semaphore_mem>>) src(%arg9 : memref<128x32xf32, #tpu.memory_space<vmem>>) dst(%dma_wait3A_784 : memref<128x32xf32, #tpu.memory_space<hbm>>)
      tpu.yield
    }) : () -> ()
    %mul3A_361 = arith.constant 640 : i32
    %mul3A_362 = arith.muli %arg1, %mul3A_361 : i32
    %add3A_363 = arith.constant 128 : i32
    %add3A_364 = arith.addi %mul3A_362, %add3A_363 : i32
    "tpu.region"() ({
      %run_scoped3A = tpu.sem_alloc : memref<!tpu.dma_semaphore, #tpu.memory_space<semaphore_mem>>
      %dma_start3A_777 = arith.constant 0 : i32
      %dma_start3A_778 = tpu.memref_slice %arg12[%add3A_364, %dma_start3A_777] : memref<10240x32xf32, #tpu.memory_space<vmem_shared>> -> memref<128x32xf32, #tpu.memory_space<vmem_shared>>
      %dma_start3A_779 = arith.constant 0 : i32
      %dma_start3A_780 = tpu.memref_slice %arg12[%add3A_364, %dma_start3A_779] : memref<10240x32xf32, #tpu.memory_space<vmem_shared>> -> memref<128x32xf32, #tpu.memory_space<vmem_shared>>
      tpu.enqueue_dma source(%dma_start3A_780 : memref<128x32xf32, #tpu.memory_space<vmem_shared>>) target(%arg9 : memref<128x32xf32, #tpu.memory_space<vmem>>) target_semaphore(%run_scoped3A : memref<!tpu.dma_semaphore, #tpu.memory_space<semaphore_mem>>)
      %dma_wait3A_781 = arith.constant 0 : i32
      %dma_wait3A_782 = tpu.memref_slice %arg12[%add3A_364, %dma_wait3A_781] : memref<10240x32xf32, #tpu.memory_space<vmem_shared>> -> memref<128x32xf32, #tpu.memory_space<vmem_shared>>
      %dma_wait3A_783 = arith.constant 0 : i32
      %dma_wait3A_784 = tpu.memref_slice %arg12[%add3A_364, %dma_wait3A_783] : memref<10240x32xf32, #tpu.memory_space<vmem_shared>> -> memref<128x32xf32, #tpu.memory_space<vmem_shared>>
      tpu.wait_dma2 semaphore(%run_scoped3A : memref<!tpu.dma_semaphore, #tpu.memory_space<semaphore_mem>>) src(%dma_wait3A_784 : memref<128x32xf32, #tpu.memory_space<vmem_shared>>) dst(%arg9 : memref<128x32xf32, #tpu.memory_space<vmem>>)
      tpu.yield
    }) : () -> ()
    %add3A_365 = arith.addi %multiple_of3A_195, %add3A_364 : i32
    %multiple_of3A_366 = tpu.assume_multiple %add3A_365, 8 : i32
    "tpu.region"() ({
      %run_scoped3A = tpu.sem_alloc : memref<!tpu.dma_semaphore, #tpu.memory_space<semaphore_mem>>
      %dma_start3A_777 = arith.constant 0 : i32
      %dma_start3A_778 = tpu.memref_slice %arg5[%multiple_of3A_366, %dma_start3A_777] : memref<81920x32xf32, #tpu.memory_space<hbm>> -> memref<128x32xf32, #tpu.memory_space<hbm>>
      %dma_start3A_779 = arith.constant 0 : i32
      %dma_start3A_780 = tpu.memref_slice %arg5[%multiple_of3A_366, %dma_start3A_779] : memref<81920x32xf32, #tpu.memory_space<hbm>> -> memref<128x32xf32, #tpu.memory_space<hbm>>
      tpu.enqueue_dma source(%arg9 : memref<128x32xf32, #tpu.memory_space<vmem>>) target(%dma_start3A_780 : memref<128x32xf32, #tpu.memory_space<hbm>>) target_semaphore(%run_scoped3A : memref<!tpu.dma_semaphore, #tpu.memory_space<semaphore_mem>>)
      %dma_wait3A_781 = arith.constant 0 : i32
      %dma_wait3A_782 = tpu.memref_slice %arg5[%multiple_of3A_366, %dma_wait3A_781] : memref<81920x32xf32, #tpu.memory_space<hbm>> -> memref<128x32xf32, #tpu.memory_space<hbm>>
      %dma_wait3A_783 = arith.constant 0 : i32
      %dma_wait3A_784 = tpu.memref_slice %arg5[%multiple_of3A_366, %dma_wait3A_783] : memref<81920x32xf32, #tpu.memory_space<hbm>> -> memref<128x32xf32, #tpu.memory_space<hbm>>
      tpu.wait_dma2 semaphore(%run_scoped3A : memref<!tpu.dma_semaphore, #tpu.memory_space<semaphore_mem>>) src(%arg9 : memref<128x32xf32, #tpu.memory_space<vmem>>) dst(%dma_wait3A_784 : memref<128x32xf32, #tpu.memory_space<hbm>>)
      tpu.yield
    }) : () -> ()
    %mul3A_367 = arith.constant 640 : i32
    %mul3A_368 = arith.muli %arg1, %mul3A_367 : i32
    %add3A_369 = arith.constant 256 : i32
    %add3A_370 = arith.addi %mul3A_368, %add3A_369 : i32
    "tpu.region"() ({
      %run_scoped3A = tpu.sem_alloc : memref<!tpu.dma_semaphore, #tpu.memory_space<semaphore_mem>>
      %dma_start3A_777 = arith.constant 0 : i32
      %dma_start3A_778 = tpu.memref_slice %arg12[%add3A_370, %dma_start3A_777] : memref<10240x32xf32, #tpu.memory_space<vmem_shared>> -> memref<128x32xf32, #tpu.memory_space<vmem_shared>>
      %dma_start3A_779 = arith.constant 0 : i32
      %dma_start3A_780 = tpu.memref_slice %arg12[%add3A_370, %dma_start3A_779] : memref<10240x32xf32, #tpu.memory_space<vmem_shared>> -> memref<128x32xf32, #tpu.memory_space<vmem_shared>>
      tpu.enqueue_dma source(%dma_start3A_780 : memref<128x32xf32, #tpu.memory_space<vmem_shared>>) target(%arg9 : memref<128x32xf32, #tpu.memory_space<vmem>>) target_semaphore(%run_scoped3A : memref<!tpu.dma_semaphore, #tpu.memory_space<semaphore_mem>>)
      %dma_wait3A_781 = arith.constant 0 : i32
      %dma_wait3A_782 = tpu.memref_slice %arg12[%add3A_370, %dma_wait3A_781] : memref<10240x32xf32, #tpu.memory_space<vmem_shared>> -> memref<128x32xf32, #tpu.memory_space<vmem_shared>>
      %dma_wait3A_783 = arith.constant 0 : i32
      %dma_wait3A_784 = tpu.memref_slice %arg12[%add3A_370, %dma_wait3A_783] : memref<10240x32xf32, #tpu.memory_space<vmem_shared>> -> memref<128x32xf32, #tpu.memory_space<vmem_shared>>
      tpu.wait_dma2 semaphore(%run_scoped3A : memref<!tpu.dma_semaphore, #tpu.memory_space<semaphore_mem>>) src(%dma_wait3A_784 : memref<128x32xf32, #tpu.memory_space<vmem_shared>>) dst(%arg9 : memref<128x32xf32, #tpu.memory_space<vmem>>)
      tpu.yield
    }) : () -> ()
    %add3A_371 = arith.addi %multiple_of3A_195, %add3A_370 : i32
    %multiple_of3A_372 = tpu.assume_multiple %add3A_371, 8 : i32
    "tpu.region"() ({
      %run_scoped3A = tpu.sem_alloc : memref<!tpu.dma_semaphore, #tpu.memory_space<semaphore_mem>>
      %dma_start3A_777 = arith.constant 0 : i32
      %dma_start3A_778 = tpu.memref_slice %arg5[%multiple_of3A_372, %dma_start3A_777] : memref<81920x32xf32, #tpu.memory_space<hbm>> -> memref<128x32xf32, #tpu.memory_space<hbm>>
      %dma_start3A_779 = arith.constant 0 : i32
      %dma_start3A_780 = tpu.memref_slice %arg5[%multiple_of3A_372, %dma_start3A_779] : memref<81920x32xf32, #tpu.memory_space<hbm>> -> memref<128x32xf32, #tpu.memory_space<hbm>>
      tpu.enqueue_dma source(%arg9 : memref<128x32xf32, #tpu.memory_space<vmem>>) target(%dma_start3A_780 : memref<128x32xf32, #tpu.memory_space<hbm>>) target_semaphore(%run_scoped3A : memref<!tpu.dma_semaphore, #tpu.memory_space<semaphore_mem>>)
      %dma_wait3A_781 = arith.constant 0 : i32
      %dma_wait3A_782 = tpu.memref_slice %arg5[%multiple_of3A_372, %dma_wait3A_781] : memref<81920x32xf32, #tpu.memory_space<hbm>> -> memref<128x32xf32, #tpu.memory_space<hbm>>
      %dma_wait3A_783 = arith.constant 0 : i32
      %dma_wait3A_784 = tpu.memref_slice %arg5[%multiple_of3A_372, %dma_wait3A_783] : memref<81920x32xf32, #tpu.memory_space<hbm>> -> memref<128x32xf32, #tpu.memory_space<hbm>>
      tpu.wait_dma2 semaphore(%run_scoped3A : memref<!tpu.dma_semaphore, #tpu.memory_space<semaphore_mem>>) src(%arg9 : memref<128x32xf32, #tpu.memory_space<vmem>>) dst(%dma_wait3A_784 : memref<128x32xf32, #tpu.memory_space<hbm>>)
      tpu.yield
    }) : () -> ()
    %mul3A_373 = arith.constant 640 : i32
    %mul3A_374 = arith.muli %arg1, %mul3A_373 : i32
    %add3A_375 = arith.constant 384 : i32
    %add3A_376 = arith.addi %mul3A_374, %add3A_375 : i32
    "tpu.region"() ({
      %run_scoped3A = tpu.sem_alloc : memref<!tpu.dma_semaphore, #tpu.memory_space<semaphore_mem>>
      %dma_start3A_777 = arith.constant 0 : i32
      %dma_start3A_778 = tpu.memref_slice %arg12[%add3A_376, %dma_start3A_777] : memref<10240x32xf32, #tpu.memory_space<vmem_shared>> -> memref<128x32xf32, #tpu.memory_space<vmem_shared>>
      %dma_start3A_779 = arith.constant 0 : i32
      %dma_start3A_780 = tpu.memref_slice %arg12[%add3A_376, %dma_start3A_779] : memref<10240x32xf32, #tpu.memory_space<vmem_shared>> -> memref<128x32xf32, #tpu.memory_space<vmem_shared>>
      tpu.enqueue_dma source(%dma_start3A_780 : memref<128x32xf32, #tpu.memory_space<vmem_shared>>) target(%arg9 : memref<128x32xf32, #tpu.memory_space<vmem>>) target_semaphore(%run_scoped3A : memref<!tpu.dma_semaphore, #tpu.memory_space<semaphore_mem>>)
      %dma_wait3A_781 = arith.constant 0 : i32
      %dma_wait3A_782 = tpu.memref_slice %arg12[%add3A_376, %dma_wait3A_781] : memref<10240x32xf32, #tpu.memory_space<vmem_shared>> -> memref<128x32xf32, #tpu.memory_space<vmem_shared>>
      %dma_wait3A_783 = arith.constant 0 : i32
      %dma_wait3A_784 = tpu.memref_slice %arg12[%add3A_376, %dma_wait3A_783] : memref<10240x32xf32, #tpu.memory_space<vmem_shared>> -> memref<128x32xf32, #tpu.memory_space<vmem_shared>>
      tpu.wait_dma2 semaphore(%run_scoped3A : memref<!tpu.dma_semaphore, #tpu.memory_space<semaphore_mem>>) src(%dma_wait3A_784 : memref<128x32xf32, #tpu.memory_space<vmem_shared>>) dst(%arg9 : memref<128x32xf32, #tpu.memory_space<vmem>>)
      tpu.yield
    }) : () -> ()
    %add3A_377 = arith.addi %multiple_of3A_195, %add3A_376 : i32
    %multiple_of3A_378 = tpu.assume_multiple %add3A_377, 8 : i32
    "tpu.region"() ({
      %run_scoped3A = tpu.sem_alloc : memref<!tpu.dma_semaphore, #tpu.memory_space<semaphore_mem>>
      %dma_start3A_777 = arith.constant 0 : i32
      %dma_start3A_778 = tpu.memref_slice %arg5[%multiple_of3A_378, %dma_start3A_777] : memref<81920x32xf32, #tpu.memory_space<hbm>> -> memref<128x32xf32, #tpu.memory_space<hbm>>
      %dma_start3A_779 = arith.constant 0 : i32
      %dma_start3A_780 = tpu.memref_slice %arg5[%multiple_of3A_378, %dma_start3A_779] : memref<81920x32xf32, #tpu.memory_space<hbm>> -> memref<128x32xf32, #tpu.memory_space<hbm>>
      tpu.enqueue_dma source(%arg9 : memref<128x32xf32, #tpu.memory_space<vmem>>) target(%dma_start3A_780 : memref<128x32xf32, #tpu.memory_space<hbm>>) target_semaphore(%run_scoped3A : memref<!tpu.dma_semaphore, #tpu.memory_space<semaphore_mem>>)
      %dma_wait3A_781 = arith.constant 0 : i32
      %dma_wait3A_782 = tpu.memref_slice %arg5[%multiple_of3A_378, %dma_wait3A_781] : memref<81920x32xf32, #tpu.memory_space<hbm>> -> memref<128x32xf32, #tpu.memory_space<hbm>>
      %dma_wait3A_783 = arith.constant 0 : i32
      %dma_wait3A_784 = tpu.memref_slice %arg5[%multiple_of3A_378, %dma_wait3A_783] : memref<81920x32xf32, #tpu.memory_space<hbm>> -> memref<128x32xf32, #tpu.memory_space<hbm>>
      tpu.wait_dma2 semaphore(%run_scoped3A : memref<!tpu.dma_semaphore, #tpu.memory_space<semaphore_mem>>) src(%arg9 : memref<128x32xf32, #tpu.memory_space<vmem>>) dst(%dma_wait3A_784 : memref<128x32xf32, #tpu.memory_space<hbm>>)
      tpu.yield
    }) : () -> ()
    %mul3A_379 = arith.constant 640 : i32
    %mul3A_380 = arith.muli %arg1, %mul3A_379 : i32
    %add3A_381 = arith.constant 512 : i32
    %add3A_382 = arith.addi %mul3A_380, %add3A_381 : i32
    "tpu.region"() ({
      %run_scoped3A = tpu.sem_alloc : memref<!tpu.dma_semaphore, #tpu.memory_space<semaphore_mem>>
      %dma_start3A_777 = arith.constant 0 : i32
      %dma_start3A_778 = tpu.memref_slice %arg12[%add3A_382, %dma_start3A_777] : memref<10240x32xf32, #tpu.memory_space<vmem_shared>> -> memref<128x32xf32, #tpu.memory_space<vmem_shared>>
      %dma_start3A_779 = arith.constant 0 : i32
      %dma_start3A_780 = tpu.memref_slice %arg12[%add3A_382, %dma_start3A_779] : memref<10240x32xf32, #tpu.memory_space<vmem_shared>> -> memref<128x32xf32, #tpu.memory_space<vmem_shared>>
      tpu.enqueue_dma source(%dma_start3A_780 : memref<128x32xf32, #tpu.memory_space<vmem_shared>>) target(%arg9 : memref<128x32xf32, #tpu.memory_space<vmem>>) target_semaphore(%run_scoped3A : memref<!tpu.dma_semaphore, #tpu.memory_space<semaphore_mem>>)
      %dma_wait3A_781 = arith.constant 0 : i32
      %dma_wait3A_782 = tpu.memref_slice %arg12[%add3A_382, %dma_wait3A_781] : memref<10240x32xf32, #tpu.memory_space<vmem_shared>> -> memref<128x32xf32, #tpu.memory_space<vmem_shared>>
      %dma_wait3A_783 = arith.constant 0 : i32
      %dma_wait3A_784 = tpu.memref_slice %arg12[%add3A_382, %dma_wait3A_783] : memref<10240x32xf32, #tpu.memory_space<vmem_shared>> -> memref<128x32xf32, #tpu.memory_space<vmem_shared>>
      tpu.wait_dma2 semaphore(%run_scoped3A : memref<!tpu.dma_semaphore, #tpu.memory_space<semaphore_mem>>) src(%dma_wait3A_784 : memref<128x32xf32, #tpu.memory_space<vmem_shared>>) dst(%arg9 : memref<128x32xf32, #tpu.memory_space<vmem>>)
      tpu.yield
    }) : () -> ()
    %add3A_383 = arith.addi %multiple_of3A_195, %add3A_382 : i32
    %multiple_of3A_384 = tpu.assume_multiple %add3A_383, 8 : i32
    "tpu.region"() ({
      %run_scoped3A = tpu.sem_alloc : memref<!tpu.dma_semaphore, #tpu.memory_space<semaphore_mem>>
      %dma_start3A_777 = arith.constant 0 : i32
      %dma_start3A_778 = tpu.memref_slice %arg5[%multiple_of3A_384, %dma_start3A_777] : memref<81920x32xf32, #tpu.memory_space<hbm>> -> memref<128x32xf32, #tpu.memory_space<hbm>>
      %dma_start3A_779 = arith.constant 0 : i32
      %dma_start3A_780 = tpu.memref_slice %arg5[%multiple_of3A_384, %dma_start3A_779] : memref<81920x32xf32, #tpu.memory_space<hbm>> -> memref<128x32xf32, #tpu.memory_space<hbm>>
      tpu.enqueue_dma source(%arg9 : memref<128x32xf32, #tpu.memory_space<vmem>>) target(%dma_start3A_780 : memref<128x32xf32, #tpu.memory_space<hbm>>) target_semaphore(%run_scoped3A : memref<!tpu.dma_semaphore, #tpu.memory_space<semaphore_mem>>)
      %dma_wait3A_781 = arith.constant 0 : i32
      %dma_wait3A_782 = tpu.memref_slice %arg5[%multiple_of3A_384, %dma_wait3A_781] : memref<81920x32xf32, #tpu.memory_space<hbm>> -> memref<128x32xf32, #tpu.memory_space<hbm>>
      %dma_wait3A_783 = arith.constant 0 : i32
      %dma_wait3A_784 = tpu.memref_slice %arg5[%multiple_of3A_384, %dma_wait3A_783] : memref<81920x32xf32, #tpu.memory_space<hbm>> -> memref<128x32xf32, #tpu.memory_space<hbm>>
      tpu.wait_dma2 semaphore(%run_scoped3A : memref<!tpu.dma_semaphore, #tpu.memory_space<semaphore_mem>>) src(%arg9 : memref<128x32xf32, #tpu.memory_space<vmem>>) dst(%dma_wait3A_784 : memref<128x32xf32, #tpu.memory_space<hbm>>)
      tpu.yield
    }) : () -> ()
    %mul3A_385 = arith.constant 4 : i32
    %mul3A_386 = arith.muli %arg0, %mul3A_385 : i32
    %add3A_387 = arith.constant 2 : i32
    %add3A_388 = arith.addi %mul3A_386, %add3A_387 : i32
    %mul3A_389 = arith.constant 10240 : i32
    %mul3A_390 = arith.muli %add3A_388, %mul3A_389 : i32
    %multiple_of3A_391 = tpu.assume_multiple %mul3A_390, 8 : i32
    %mul3A_392 = arith.constant 640 : i32
    %mul3A_393 = arith.muli %arg1, %mul3A_392 : i32
    %add3A_394 = arith.addi %multiple_of3A_391, %mul3A_393 : i32
    "tpu.region"() ({
      %run_scoped3A = tpu.sem_alloc : memref<!tpu.dma_semaphore, #tpu.memory_space<semaphore_mem>>
      %dma_start3A_777 = arith.constant 0 : i32
      %dma_start3A_778 = tpu.memref_slice %arg4[%add3A_394, %dma_start3A_777] : memref<81920x32xf32, #tpu.memory_space<hbm>> -> memref<640x32xf32, #tpu.memory_space<hbm>>
      %dma_start3A_779 = arith.constant 0 : i32
      %dma_start3A_780 = tpu.memref_slice %arg4[%add3A_394, %dma_start3A_779] : memref<81920x32xf32, #tpu.memory_space<hbm>> -> memref<640x32xf32, #tpu.memory_space<hbm>>
      tpu.enqueue_dma source(%dma_start3A_780 : memref<640x32xf32, #tpu.memory_space<hbm>>) target(%arg10 : memref<640x32xf32, #tpu.memory_space<vmem>>) target_semaphore(%run_scoped3A : memref<!tpu.dma_semaphore, #tpu.memory_space<semaphore_mem>>)
      %dma_wait3A_781 = arith.constant 0 : i32
      %dma_wait3A_782 = tpu.memref_slice %arg4[%add3A_394, %dma_wait3A_781] : memref<81920x32xf32, #tpu.memory_space<hbm>> -> memref<640x32xf32, #tpu.memory_space<hbm>>
      %dma_wait3A_783 = arith.constant 0 : i32
      %dma_wait3A_784 = tpu.memref_slice %arg4[%add3A_394, %dma_wait3A_783] : memref<81920x32xf32, #tpu.memory_space<hbm>> -> memref<640x32xf32, #tpu.memory_space<hbm>>
      tpu.wait_dma2 semaphore(%run_scoped3A : memref<!tpu.dma_semaphore, #tpu.memory_space<semaphore_mem>>) src(%dma_wait3A_784 : memref<640x32xf32, #tpu.memory_space<hbm>>) dst(%arg10 : memref<640x32xf32, #tpu.memory_space<vmem>>)
      tpu.yield
    }) : () -> ()
    %mul3A_395 = arith.constant 640 : i32
    %mul3A_396 = arith.muli %arg1, %mul3A_395 : i32
    "tpu.region"() ({
      %run_scoped3A = tpu.sem_alloc : memref<!tpu.dma_semaphore, #tpu.memory_space<semaphore_mem>>
      %dma_start3A_777 = arith.constant 0 : i32
      %dma_start3A_778 = tpu.memref_slice %arg11[%mul3A_396, %dma_start3A_777] : memref<10240x32xf32, #tpu.memory_space<vmem_shared>> -> memref<640x32xf32, #tpu.memory_space<vmem_shared>>
      %dma_start3A_779 = arith.constant 0 : i32
      %dma_start3A_780 = tpu.memref_slice %arg11[%mul3A_396, %dma_start3A_779] : memref<10240x32xf32, #tpu.memory_space<vmem_shared>> -> memref<640x32xf32, #tpu.memory_space<vmem_shared>>
      tpu.enqueue_dma source(%arg10 : memref<640x32xf32, #tpu.memory_space<vmem>>) target(%dma_start3A_780 : memref<640x32xf32, #tpu.memory_space<vmem_shared>>) target_semaphore(%run_scoped3A : memref<!tpu.dma_semaphore, #tpu.memory_space<semaphore_mem>>)
      %dma_wait3A_781 = arith.constant 0 : i32
      %dma_wait3A_782 = tpu.memref_slice %arg11[%mul3A_396, %dma_wait3A_781] : memref<10240x32xf32, #tpu.memory_space<vmem_shared>> -> memref<640x32xf32, #tpu.memory_space<vmem_shared>>
      %dma_wait3A_783 = arith.constant 0 : i32
      %dma_wait3A_784 = tpu.memref_slice %arg11[%mul3A_396, %dma_wait3A_783] : memref<10240x32xf32, #tpu.memory_space<vmem_shared>> -> memref<640x32xf32, #tpu.memory_space<vmem_shared>>
      tpu.wait_dma2 semaphore(%run_scoped3A : memref<!tpu.dma_semaphore, #tpu.memory_space<semaphore_mem>>) src(%arg10 : memref<640x32xf32, #tpu.memory_space<vmem>>) dst(%dma_wait3A_784 : memref<640x32xf32, #tpu.memory_space<vmem_shared>>)
      tpu.yield
    }) : () -> ()
    %scan3A_397 = arith.constant 0 : i32
    %scan3A_398 = arith.constant 0 : i32
    %scan3A_399 = arith.constant 128 : i32
    %scan3A_400 = arith.addi %scan3A_398, %scan3A_399 : i32
    %scan3A_401 = arith.constant 1 : i32
    scf.for %scan3A_777 = %scan3A_398 to %scan3A_400 step %scan3A_401  : i32 {
      %broadcast_in_dim3A = arith.constant 0.000000e+00 : f32
      %broadcast_in_dim3A_778 = vector.broadcast %broadcast_in_dim3A : f32 to vector<16xf32>
      %swap3A = arith.index_cast %scan3A_777 : i32 to index
      %swap3A_779 = arith.constant 0 : index
      %swap3A_780 = tpu.vector_load %arg9[%swap3A, %swap3A_779] {strides = array<i32>} : memref<128x32xf32, #tpu.memory_space<vmem>>, vector<1x16xf32>,
      %swap3A_781 = vector.shape_cast %swap3A_780 : vector<1x16xf32> to vector<16xf32>
      %swap3A_782 = vector.shape_cast %broadcast_in_dim3A_778 : vector<16xf32> to vector<1x16xf32>
      tpu.vector_store %arg9[%swap3A, %swap3A_779], %swap3A_782 {strides = array<i32>} : memref<128x32xf32, #tpu.memory_space<vmem>>, vector<1x16xf32>,
      %broadcast_in_dim3A_783 = arith.constant 0.000000e+00 : f32
      %broadcast_in_dim3A_784 = vector.broadcast %broadcast_in_dim3A_783 : f32 to vector<16xf32>
      %swap3A_785 = arith.index_cast %scan3A_777 : i32 to index
      %swap3A_786 = arith.constant 16 : index
      %swap3A_787 = tpu.vector_load %arg9[%swap3A_785, %swap3A_786] {strides = array<i32>} : memref<128x32xf32, #tpu.memory_space<vmem>>, vector<1x16xf32>,
      %swap3A_788 = vector.shape_cast %swap3A_787 : vector<1x16xf32> to vector<16xf32>
      %swap3A_789 = vector.shape_cast %broadcast_in_dim3A_784 : vector<16xf32> to vector<1x16xf32>
      tpu.vector_store %arg9[%swap3A_785, %swap3A_786], %swap3A_789 {strides = array<i32>} : memref<128x32xf32, #tpu.memory_space<vmem>>, vector<1x16xf32>,
    }
    %scan3A_402 = arith.constant 128 : i32
    %mul3A_403 = arith.constant 640 : i32
    %mul3A_404 = arith.muli %arg1, %mul3A_403 : i32
    %add3A_405 = arith.constant 0 : i32
    %add3A_406 = arith.addi %mul3A_404, %add3A_405 : i32
    "tpu.region"() ({
      %run_scoped3A = tpu.sem_alloc : memref<!tpu.dma_semaphore, #tpu.memory_space<semaphore_mem>>
      %dma_start3A_777 = arith.constant 0 : i32
      %dma_start3A_778 = tpu.memref_slice %arg12[%add3A_406, %dma_start3A_777] : memref<10240x32xf32, #tpu.memory_space<vmem_shared>> -> memref<128x32xf32, #tpu.memory_space<vmem_shared>>
      %dma_start3A_779 = arith.constant 0 : i32
      %dma_start3A_780 = tpu.memref_slice %arg12[%add3A_406, %dma_start3A_779] : memref<10240x32xf32, #tpu.memory_space<vmem_shared>> -> memref<128x32xf32, #tpu.memory_space<vmem_shared>>
      tpu.enqueue_dma source(%arg9 : memref<128x32xf32, #tpu.memory_space<vmem>>) target(%dma_start3A_780 : memref<128x32xf32, #tpu.memory_space<vmem_shared>>) target_semaphore(%run_scoped3A : memref<!tpu.dma_semaphore, #tpu.memory_space<semaphore_mem>>)
      %dma_wait3A_781 = arith.constant 0 : i32
      %dma_wait3A_782 = tpu.memref_slice %arg12[%add3A_406, %dma_wait3A_781] : memref<10240x32xf32, #tpu.memory_space<vmem_shared>> -> memref<128x32xf32, #tpu.memory_space<vmem_shared>>
      %dma_wait3A_783 = arith.constant 0 : i32
      %dma_wait3A_784 = tpu.memref_slice %arg12[%add3A_406, %dma_wait3A_783] : memref<10240x32xf32, #tpu.memory_space<vmem_shared>> -> memref<128x32xf32, #tpu.memory_space<vmem_shared>>
      tpu.wait_dma2 semaphore(%run_scoped3A : memref<!tpu.dma_semaphore, #tpu.memory_space<semaphore_mem>>) src(%arg9 : memref<128x32xf32, #tpu.memory_space<vmem>>) dst(%dma_wait3A_784 : memref<128x32xf32, #tpu.memory_space<vmem_shared>>)
      tpu.yield
    }) : () -> ()
    %mul3A_407 = arith.constant 640 : i32
    %mul3A_408 = arith.muli %arg1, %mul3A_407 : i32
    %add3A_409 = arith.constant 128 : i32
    %add3A_410 = arith.addi %mul3A_408, %add3A_409 : i32
    "tpu.region"() ({
      %run_scoped3A = tpu.sem_alloc : memref<!tpu.dma_semaphore, #tpu.memory_space<semaphore_mem>>
      %dma_start3A_777 = arith.constant 0 : i32
      %dma_start3A_778 = tpu.memref_slice %arg12[%add3A_410, %dma_start3A_777] : memref<10240x32xf32, #tpu.memory_space<vmem_shared>> -> memref<128x32xf32, #tpu.memory_space<vmem_shared>>
      %dma_start3A_779 = arith.constant 0 : i32
      %dma_start3A_780 = tpu.memref_slice %arg12[%add3A_410, %dma_start3A_779] : memref<10240x32xf32, #tpu.memory_space<vmem_shared>> -> memref<128x32xf32, #tpu.memory_space<vmem_shared>>
      tpu.enqueue_dma source(%arg9 : memref<128x32xf32, #tpu.memory_space<vmem>>) target(%dma_start3A_780 : memref<128x32xf32, #tpu.memory_space<vmem_shared>>) target_semaphore(%run_scoped3A : memref<!tpu.dma_semaphore, #tpu.memory_space<semaphore_mem>>)
      %dma_wait3A_781 = arith.constant 0 : i32
      %dma_wait3A_782 = tpu.memref_slice %arg12[%add3A_410, %dma_wait3A_781] : memref<10240x32xf32, #tpu.memory_space<vmem_shared>> -> memref<128x32xf32, #tpu.memory_space<vmem_shared>>
      %dma_wait3A_783 = arith.constant 0 : i32
      %dma_wait3A_784 = tpu.memref_slice %arg12[%add3A_410, %dma_wait3A_783] : memref<10240x32xf32, #tpu.memory_space<vmem_shared>> -> memref<128x32xf32, #tpu.memory_space<vmem_shared>>
      tpu.wait_dma2 semaphore(%run_scoped3A : memref<!tpu.dma_semaphore, #tpu.memory_space<semaphore_mem>>) src(%arg9 : memref<128x32xf32, #tpu.memory_space<vmem>>) dst(%dma_wait3A_784 : memref<128x32xf32, #tpu.memory_space<vmem_shared>>)
      tpu.yield
    }) : () -> ()
    %mul3A_411 = arith.constant 640 : i32
    %mul3A_412 = arith.muli %arg1, %mul3A_411 : i32
    %add3A_413 = arith.constant 256 : i32
    %add3A_414 = arith.addi %mul3A_412, %add3A_413 : i32
    "tpu.region"() ({
      %run_scoped3A = tpu.sem_alloc : memref<!tpu.dma_semaphore, #tpu.memory_space<semaphore_mem>>
      %dma_start3A_777 = arith.constant 0 : i32
      %dma_start3A_778 = tpu.memref_slice %arg12[%add3A_414, %dma_start3A_777] : memref<10240x32xf32, #tpu.memory_space<vmem_shared>> -> memref<128x32xf32, #tpu.memory_space<vmem_shared>>
      %dma_start3A_779 = arith.constant 0 : i32
      %dma_start3A_780 = tpu.memref_slice %arg12[%add3A_414, %dma_start3A_779] : memref<10240x32xf32, #tpu.memory_space<vmem_shared>> -> memref<128x32xf32, #tpu.memory_space<vmem_shared>>
      tpu.enqueue_dma source(%arg9 : memref<128x32xf32, #tpu.memory_space<vmem>>) target(%dma_start3A_780 : memref<128x32xf32, #tpu.memory_space<vmem_shared>>) target_semaphore(%run_scoped3A : memref<!tpu.dma_semaphore, #tpu.memory_space<semaphore_mem>>)
      %dma_wait3A_781 = arith.constant 0 : i32
      %dma_wait3A_782 = tpu.memref_slice %arg12[%add3A_414, %dma_wait3A_781] : memref<10240x32xf32, #tpu.memory_space<vmem_shared>> -> memref<128x32xf32, #tpu.memory_space<vmem_shared>>
      %dma_wait3A_783 = arith.constant 0 : i32
      %dma_wait3A_784 = tpu.memref_slice %arg12[%add3A_414, %dma_wait3A_783] : memref<10240x32xf32, #tpu.memory_space<vmem_shared>> -> memref<128x32xf32, #tpu.memory_space<vmem_shared>>
      tpu.wait_dma2 semaphore(%run_scoped3A : memref<!tpu.dma_semaphore, #tpu.memory_space<semaphore_mem>>) src(%arg9 : memref<128x32xf32, #tpu.memory_space<vmem>>) dst(%dma_wait3A_784 : memref<128x32xf32, #tpu.memory_space<vmem_shared>>)
      tpu.yield
    }) : () -> ()
    %mul3A_415 = arith.constant 640 : i32
    %mul3A_416 = arith.muli %arg1, %mul3A_415 : i32
    %add3A_417 = arith.constant 384 : i32
    %add3A_418 = arith.addi %mul3A_416, %add3A_417 : i32
    "tpu.region"() ({
      %run_scoped3A = tpu.sem_alloc : memref<!tpu.dma_semaphore, #tpu.memory_space<semaphore_mem>>
      %dma_start3A_777 = arith.constant 0 : i32
      %dma_start3A_778 = tpu.memref_slice %arg12[%add3A_418, %dma_start3A_777] : memref<10240x32xf32, #tpu.memory_space<vmem_shared>> -> memref<128x32xf32, #tpu.memory_space<vmem_shared>>
      %dma_start3A_779 = arith.constant 0 : i32
      %dma_start3A_780 = tpu.memref_slice %arg12[%add3A_418, %dma_start3A_779] : memref<10240x32xf32, #tpu.memory_space<vmem_shared>> -> memref<128x32xf32, #tpu.memory_space<vmem_shared>>
      tpu.enqueue_dma source(%arg9 : memref<128x32xf32, #tpu.memory_space<vmem>>) target(%dma_start3A_780 : memref<128x32xf32, #tpu.memory_space<vmem_shared>>) target_semaphore(%run_scoped3A : memref<!tpu.dma_semaphore, #tpu.memory_space<semaphore_mem>>)
      %dma_wait3A_781 = arith.constant 0 : i32
      %dma_wait3A_782 = tpu.memref_slice %arg12[%add3A_418, %dma_wait3A_781] : memref<10240x32xf32, #tpu.memory_space<vmem_shared>> -> memref<128x32xf32, #tpu.memory_space<vmem_shared>>
      %dma_wait3A_783 = arith.constant 0 : i32
      %dma_wait3A_784 = tpu.memref_slice %arg12[%add3A_418, %dma_wait3A_783] : memref<10240x32xf32, #tpu.memory_space<vmem_shared>> -> memref<128x32xf32, #tpu.memory_space<vmem_shared>>
      tpu.wait_dma2 semaphore(%run_scoped3A : memref<!tpu.dma_semaphore, #tpu.memory_space<semaphore_mem>>) src(%arg9 : memref<128x32xf32, #tpu.memory_space<vmem>>) dst(%dma_wait3A_784 : memref<128x32xf32, #tpu.memory_space<vmem_shared>>)
      tpu.yield
    }) : () -> ()
    %mul3A_419 = arith.constant 640 : i32
    %mul3A_420 = arith.muli %arg1, %mul3A_419 : i32
    %add3A_421 = arith.constant 512 : i32
    %add3A_422 = arith.addi %mul3A_420, %add3A_421 : i32
    "tpu.region"() ({
      %run_scoped3A = tpu.sem_alloc : memref<!tpu.dma_semaphore, #tpu.memory_space<semaphore_mem>>
      %dma_start3A_777 = arith.constant 0 : i32
      %dma_start3A_778 = tpu.memref_slice %arg12[%add3A_422, %dma_start3A_777] : memref<10240x32xf32, #tpu.memory_space<vmem_shared>> -> memref<128x32xf32, #tpu.memory_space<vmem_shared>>
      %dma_start3A_779 = arith.constant 0 : i32
      %dma_start3A_780 = tpu.memref_slice %arg12[%add3A_422, %dma_start3A_779] : memref<10240x32xf32, #tpu.memory_space<vmem_shared>> -> memref<128x32xf32, #tpu.memory_space<vmem_shared>>
      tpu.enqueue_dma source(%arg9 : memref<128x32xf32, #tpu.memory_space<vmem>>) target(%dma_start3A_780 : memref<128x32xf32, #tpu.memory_space<vmem_shared>>) target_semaphore(%run_scoped3A : memref<!tpu.dma_semaphore, #tpu.memory_space<semaphore_mem>>)
      %dma_wait3A_781 = arith.constant 0 : i32
      %dma_wait3A_782 = tpu.memref_slice %arg12[%add3A_422, %dma_wait3A_781] : memref<10240x32xf32, #tpu.memory_space<vmem_shared>> -> memref<128x32xf32, #tpu.memory_space<vmem_shared>>
      %dma_wait3A_783 = arith.constant 0 : i32
      %dma_wait3A_784 = tpu.memref_slice %arg12[%add3A_422, %dma_wait3A_783] : memref<10240x32xf32, #tpu.memory_space<vmem_shared>> -> memref<128x32xf32, #tpu.memory_space<vmem_shared>>
      tpu.wait_dma2 semaphore(%run_scoped3A : memref<!tpu.dma_semaphore, #tpu.memory_space<semaphore_mem>>) src(%arg9 : memref<128x32xf32, #tpu.memory_space<vmem>>) dst(%dma_wait3A_784 : memref<128x32xf32, #tpu.memory_space<vmem_shared>>)
      tpu.yield
    }) : () -> ()
    %barrier3A_423 = arith.constant 0 : index
    tpu.barrier barrier_id(%barrier3A_423)
    %dma_start3A_424 = arith.constant 0 : i32
    %dma_start3A_425 = arith.constant 0 : i32
    %dma_start3A_426 = arith.constant 0 : i32
    %dma_start3A_427 = arith.constant 0 : i32
    %dma_start3A_428 = arith.constant 0 : i32
    %dma_start3A_429 = tpu.memref_slice %arg8[%dma_start3A_425, %dma_start3A_427, %dma_start3A_428] : memref<8x128x32xf32, #tpu.memory_space<vmem>> -> memref<1x128x32xf32, #tpu.memory_space<vmem>>
    %dma_start3A_430 = tpu.memref_squeeze %dma_start3A_429 : memref<1x128x32xf32, #tpu.memory_space<vmem>> -> memref<128x32xf32, #tpu.memory_space<vmem>>
    %dma_start3A_431 = arith.constant 0 : i32
    %dma_start3A_432 = tpu.memref_slice %arg6[%dma_start3A_424, %dma_start3A_431] : memref<80x128xi32, #tpu.memory_space<vmem>> -> memref<1x128xi32, #tpu.memory_space<vmem>>
    %dma_start3A_433 = tpu.memref_squeeze %dma_start3A_432 : memref<1x128xi32, #tpu.memory_space<vmem>> -> memref<128xi32, #tpu.memory_space<vmem>>
    %dma_start3A_434 = arith.constant 0 : i32
    %dma_start3A_435 = arith.constant 0 : i32
    %dma_start3A_436 = tpu.memref_slice %arg11[%dma_start3A_434, %dma_start3A_435] : memref<10240x32xf32, #tpu.memory_space<vmem_shared>> -> memref<10240x32xf32, #tpu.memory_space<vmem_shared>>
    %dma_start3A_437 = tpu.memref_slice %arg13[%dma_start3A_426] : memref<8x!tpu.dma_semaphore, #tpu.memory_space<semaphore_mem>> -> memref<1x!tpu.dma_semaphore, #tpu.memory_space<semaphore_mem>>
    %dma_start3A_438 = tpu.memref_squeeze %dma_start3A_437 : memref<1x!tpu.dma_semaphore, #tpu.memory_space<semaphore_mem>> -> memref<!tpu.dma_semaphore, #tpu.memory_space<semaphore_mem>>
    tpu.enqueue_indirect_dma source(%dma_start3A_436 : memref<10240x32xf32, #tpu.memory_space<vmem_shared>>) target(%dma_start3A_430 : memref<128x32xf32, #tpu.memory_space<vmem>>) offsets(%dma_start3A_433 : memref<128xi32, #tpu.memory_space<vmem>>) semaphore(%dma_start3A_438 : memref<!tpu.dma_semaphore, #tpu.memory_space<semaphore_mem>>)
    %dma_start3A_439 = arith.constant 1 : i32
    %dma_start3A_440 = arith.constant 1 : i32
    %dma_start3A_441 = arith.constant 1 : i32
    %dma_start3A_442 = arith.constant 0 : i32
    %dma_start3A_443 = arith.constant 0 : i32
    %dma_start3A_444 = tpu.memref_slice %arg8[%dma_start3A_440, %dma_start3A_442, %dma_start3A_443] : memref<8x128x32xf32, #tpu.memory_space<vmem>> -> memref<1x128x32xf32, #tpu.memory_space<vmem>>
    %dma_start3A_445 = tpu.memref_squeeze %dma_start3A_444 : memref<1x128x32xf32, #tpu.memory_space<vmem>> -> memref<128x32xf32, #tpu.memory_space<vmem>>
    %dma_start3A_446 = arith.constant 0 : i32
    %dma_start3A_447 = tpu.memref_slice %arg6[%dma_start3A_439, %dma_start3A_446] : memref<80x128xi32, #tpu.memory_space<vmem>> -> memref<1x128xi32, #tpu.memory_space<vmem>>
    %dma_start3A_448 = tpu.memref_squeeze %dma_start3A_447 : memref<1x128xi32, #tpu.memory_space<vmem>> -> memref<128xi32, #tpu.memory_space<vmem>>
    %dma_start3A_449 = arith.constant 0 : i32
    %dma_start3A_450 = arith.constant 0 : i32
    %dma_start3A_451 = tpu.memref_slice %arg11[%dma_start3A_449, %dma_start3A_450] : memref<10240x32xf32, #tpu.memory_space<vmem_shared>> -> memref<10240x32xf32, #tpu.memory_space<vmem_shared>>
    %dma_start3A_452 = tpu.memref_slice %arg13[%dma_start3A_441] : memref<8x!tpu.dma_semaphore, #tpu.memory_space<semaphore_mem>> -> memref<1x!tpu.dma_semaphore, #tpu.memory_space<semaphore_mem>>
    %dma_start3A_453 = tpu.memref_squeeze %dma_start3A_452 : memref<1x!tpu.dma_semaphore, #tpu.memory_space<semaphore_mem>> -> memref<!tpu.dma_semaphore, #tpu.memory_space<semaphore_mem>>
    tpu.enqueue_indirect_dma source(%dma_start3A_451 : memref<10240x32xf32, #tpu.memory_space<vmem_shared>>) target(%dma_start3A_445 : memref<128x32xf32, #tpu.memory_space<vmem>>) offsets(%dma_start3A_448 : memref<128xi32, #tpu.memory_space<vmem>>) semaphore(%dma_start3A_453 : memref<!tpu.dma_semaphore, #tpu.memory_space<semaphore_mem>>)
    %dma_start3A_454 = arith.constant 2 : i32
    %dma_start3A_455 = arith.constant 2 : i32
    %dma_start3A_456 = arith.constant 2 : i32
    %dma_start3A_457 = arith.constant 0 : i32
    %dma_start3A_458 = arith.constant 0 : i32
    %dma_start3A_459 = tpu.memref_slice %arg8[%dma_start3A_455, %dma_start3A_457, %dma_start3A_458] : memref<8x128x32xf32, #tpu.memory_space<vmem>> -> memref<1x128x32xf32, #tpu.memory_space<vmem>>
    %dma_start3A_460 = tpu.memref_squeeze %dma_start3A_459 : memref<1x128x32xf32, #tpu.memory_space<vmem>> -> memref<128x32xf32, #tpu.memory_space<vmem>>
    %dma_start3A_461 = arith.constant 0 : i32
    %dma_start3A_462 = tpu.memref_slice %arg6[%dma_start3A_454, %dma_start3A_461] : memref<80x128xi32, #tpu.memory_space<vmem>> -> memref<1x128xi32, #tpu.memory_space<vmem>>
    %dma_start3A_463 = tpu.memref_squeeze %dma_start3A_462 : memref<1x128xi32, #tpu.memory_space<vmem>> -> memref<128xi32, #tpu.memory_space<vmem>>
    %dma_start3A_464 = arith.constant 0 : i32
    %dma_start3A_465 = arith.constant 0 : i32
    %dma_start3A_466 = tpu.memref_slice %arg11[%dma_start3A_464, %dma_start3A_465] : memref<10240x32xf32, #tpu.memory_space<vmem_shared>> -> memref<10240x32xf32, #tpu.memory_space<vmem_shared>>
    %dma_start3A_467 = tpu.memref_slice %arg13[%dma_start3A_456] : memref<8x!tpu.dma_semaphore, #tpu.memory_space<semaphore_mem>> -> memref<1x!tpu.dma_semaphore, #tpu.memory_space<semaphore_mem>>
    %dma_start3A_468 = tpu.memref_squeeze %dma_start3A_467 : memref<1x!tpu.dma_semaphore, #tpu.memory_space<semaphore_mem>> -> memref<!tpu.dma_semaphore, #tpu.memory_space<semaphore_mem>>
    tpu.enqueue_indirect_dma source(%dma_start3A_466 : memref<10240x32xf32, #tpu.memory_space<vmem_shared>>) target(%dma_start3A_460 : memref<128x32xf32, #tpu.memory_space<vmem>>) offsets(%dma_start3A_463 : memref<128xi32, #tpu.memory_space<vmem>>) semaphore(%dma_start3A_468 : memref<!tpu.dma_semaphore, #tpu.memory_space<semaphore_mem>>)
    %dma_start3A_469 = arith.constant 3 : i32
    %dma_start3A_470 = arith.constant 3 : i32
    %dma_start3A_471 = arith.constant 3 : i32
    %dma_start3A_472 = arith.constant 0 : i32
    %dma_start3A_473 = arith.constant 0 : i32
    %dma_start3A_474 = tpu.memref_slice %arg8[%dma_start3A_470, %dma_start3A_472, %dma_start3A_473] : memref<8x128x32xf32, #tpu.memory_space<vmem>> -> memref<1x128x32xf32, #tpu.memory_space<vmem>>
    %dma_start3A_475 = tpu.memref_squeeze %dma_start3A_474 : memref<1x128x32xf32, #tpu.memory_space<vmem>> -> memref<128x32xf32, #tpu.memory_space<vmem>>
    %dma_start3A_476 = arith.constant 0 : i32
    %dma_start3A_477 = tpu.memref_slice %arg6[%dma_start3A_469, %dma_start3A_476] : memref<80x128xi32, #tpu.memory_space<vmem>> -> memref<1x128xi32, #tpu.memory_space<vmem>>
    %dma_start3A_478 = tpu.memref_squeeze %dma_start3A_477 : memref<1x128xi32, #tpu.memory_space<vmem>> -> memref<128xi32, #tpu.memory_space<vmem>>
    %dma_start3A_479 = arith.constant 0 : i32
    %dma_start3A_480 = arith.constant 0 : i32
    %dma_start3A_481 = tpu.memref_slice %arg11[%dma_start3A_479, %dma_start3A_480] : memref<10240x32xf32, #tpu.memory_space<vmem_shared>> -> memref<10240x32xf32, #tpu.memory_space<vmem_shared>>
    %dma_start3A_482 = tpu.memref_slice %arg13[%dma_start3A_471] : memref<8x!tpu.dma_semaphore, #tpu.memory_space<semaphore_mem>> -> memref<1x!tpu.dma_semaphore, #tpu.memory_space<semaphore_mem>>
    %dma_start3A_483 = tpu.memref_squeeze %dma_start3A_482 : memref<1x!tpu.dma_semaphore, #tpu.memory_space<semaphore_mem>> -> memref<!tpu.dma_semaphore, #tpu.memory_space<semaphore_mem>>
    tpu.enqueue_indirect_dma source(%dma_start3A_481 : memref<10240x32xf32, #tpu.memory_space<vmem_shared>>) target(%dma_start3A_475 : memref<128x32xf32, #tpu.memory_space<vmem>>) offsets(%dma_start3A_478 : memref<128xi32, #tpu.memory_space<vmem>>) semaphore(%dma_start3A_483 : memref<!tpu.dma_semaphore, #tpu.memory_space<semaphore_mem>>)
    %dma_start3A_484 = arith.constant 4 : i32
    %dma_start3A_485 = arith.constant 4 : i32
    %dma_start3A_486 = arith.constant 4 : i32
    %dma_start3A_487 = arith.constant 0 : i32
    %dma_start3A_488 = arith.constant 0 : i32
    %dma_start3A_489 = tpu.memref_slice %arg8[%dma_start3A_485, %dma_start3A_487, %dma_start3A_488] : memref<8x128x32xf32, #tpu.memory_space<vmem>> -> memref<1x128x32xf32, #tpu.memory_space<vmem>>
    %dma_start3A_490 = tpu.memref_squeeze %dma_start3A_489 : memref<1x128x32xf32, #tpu.memory_space<vmem>> -> memref<128x32xf32, #tpu.memory_space<vmem>>
    %dma_start3A_491 = arith.constant 0 : i32
    %dma_start3A_492 = tpu.memref_slice %arg6[%dma_start3A_484, %dma_start3A_491] : memref<80x128xi32, #tpu.memory_space<vmem>> -> memref<1x128xi32, #tpu.memory_space<vmem>>
    %dma_start3A_493 = tpu.memref_squeeze %dma_start3A_492 : memref<1x128xi32, #tpu.memory_space<vmem>> -> memref<128xi32, #tpu.memory_space<vmem>>
    %dma_start3A_494 = arith.constant 0 : i32
    %dma_start3A_495 = arith.constant 0 : i32
    %dma_start3A_496 = tpu.memref_slice %arg11[%dma_start3A_494, %dma_start3A_495] : memref<10240x32xf32, #tpu.memory_space<vmem_shared>> -> memref<10240x32xf32, #tpu.memory_space<vmem_shared>>
    %dma_start3A_497 = tpu.memref_slice %arg13[%dma_start3A_486] : memref<8x!tpu.dma_semaphore, #tpu.memory_space<semaphore_mem>> -> memref<1x!tpu.dma_semaphore, #tpu.memory_space<semaphore_mem>>
    %dma_start3A_498 = tpu.memref_squeeze %dma_start3A_497 : memref<1x!tpu.dma_semaphore, #tpu.memory_space<semaphore_mem>> -> memref<!tpu.dma_semaphore, #tpu.memory_space<semaphore_mem>>
    tpu.enqueue_indirect_dma source(%dma_start3A_496 : memref<10240x32xf32, #tpu.memory_space<vmem_shared>>) target(%dma_start3A_490 : memref<128x32xf32, #tpu.memory_space<vmem>>) offsets(%dma_start3A_493 : memref<128xi32, #tpu.memory_space<vmem>>) semaphore(%dma_start3A_498 : memref<!tpu.dma_semaphore, #tpu.memory_space<semaphore_mem>>)
    %dma_start3A_499 = arith.constant 5 : i32
    %dma_start3A_500 = arith.constant 5 : i32
    %dma_start3A_501 = arith.constant 5 : i32
    %dma_start3A_502 = arith.constant 0 : i32
    %dma_start3A_503 = arith.constant 0 : i32
    %dma_start3A_504 = tpu.memref_slice %arg8[%dma_start3A_500, %dma_start3A_502, %dma_start3A_503] : memref<8x128x32xf32, #tpu.memory_space<vmem>> -> memref<1x128x32xf32, #tpu.memory_space<vmem>>
    %dma_start3A_505 = tpu.memref_squeeze %dma_start3A_504 : memref<1x128x32xf32, #tpu.memory_space<vmem>> -> memref<128x32xf32, #tpu.memory_space<vmem>>
    %dma_start3A_506 = arith.constant 0 : i32
    %dma_start3A_507 = tpu.memref_slice %arg6[%dma_start3A_499, %dma_start3A_506] : memref<80x128xi32, #tpu.memory_space<vmem>> -> memref<1x128xi32, #tpu.memory_space<vmem>>
    %dma_start3A_508 = tpu.memref_squeeze %dma_start3A_507 : memref<1x128xi32, #tpu.memory_space<vmem>> -> memref<128xi32, #tpu.memory_space<vmem>>
    %dma_start3A_509 = arith.constant 0 : i32
    %dma_start3A_510 = arith.constant 0 : i32
    %dma_start3A_511 = tpu.memref_slice %arg11[%dma_start3A_509, %dma_start3A_510] : memref<10240x32xf32, #tpu.memory_space<vmem_shared>> -> memref<10240x32xf32, #tpu.memory_space<vmem_shared>>
    %dma_start3A_512 = tpu.memref_slice %arg13[%dma_start3A_501] : memref<8x!tpu.dma_semaphore, #tpu.memory_space<semaphore_mem>> -> memref<1x!tpu.dma_semaphore, #tpu.memory_space<semaphore_mem>>
    %dma_start3A_513 = tpu.memref_squeeze %dma_start3A_512 : memref<1x!tpu.dma_semaphore, #tpu.memory_space<semaphore_mem>> -> memref<!tpu.dma_semaphore, #tpu.memory_space<semaphore_mem>>
    tpu.enqueue_indirect_dma source(%dma_start3A_511 : memref<10240x32xf32, #tpu.memory_space<vmem_shared>>) target(%dma_start3A_505 : memref<128x32xf32, #tpu.memory_space<vmem>>) offsets(%dma_start3A_508 : memref<128xi32, #tpu.memory_space<vmem>>) semaphore(%dma_start3A_513 : memref<!tpu.dma_semaphore, #tpu.memory_space<semaphore_mem>>)
    %scan3A_514 = arith.constant 0 : i32
    %scan3A_515 = arith.constant 0 : i32
    %scan3A_516 = arith.constant 80 : i32
    %scan3A_517 = arith.addi %scan3A_515, %scan3A_516 : i32
    %scan3A_518 = arith.constant 1 : i32
    scf.for %scan3A_777 = %scan3A_515 to %scan3A_517 step %scan3A_518  : i32 {
      %jit3A = arith.constant 8 : i32
      %eq3A = arith.constant 0 : i32
      %eq3A_778 = arith.cmpi eq, %jit3A, %eq3A : i32
      %jit3A_779 = arith.constant 1 : i32
      %select_n3A = arith.select %eq3A_778, %jit3A_779, %jit3A : i32
      %rem3A = arith.remsi %scan3A_777, %select_n3A : i32
      %ne3A = arith.constant 0 : i32
      %ne3A_780 = arith.cmpi ne, %rem3A, %ne3A : i32
      %lt3A = arith.constant 0 : i32
      %lt3A_781 = arith.cmpi slt, %rem3A, %lt3A : i32
      %lt3A_782 = arith.constant 0 : i32
      %lt3A_783 = arith.cmpi slt, %select_n3A, %lt3A_782 : i32
      %ne3A_784 = arith.xori %lt3A_781, %lt3A_783 : i1
      %and3A = arith.andi %ne3A_784, %ne3A_780 : i1
      %add3A_785 = arith.addi %rem3A, %select_n3A : i32
      %select_n3A_786 = arith.select %and3A, %add3A_785, %rem3A : i32
      %dma_wait3A_787 = arith.constant 0 : i32
      %dma_wait3A_788 = arith.constant 0 : i32
      %dma_wait3A_789 = tpu.memref_slice %arg8[%select_n3A_786, %dma_wait3A_787, %dma_wait3A_788] : memref<8x128x32xf32, #tpu.memory_space<vmem>> -> memref<1x128x32xf32, #tpu.memory_space<vmem>>
      %dma_wait3A_790 = tpu.memref_squeeze %dma_wait3A_789 : memref<1x128x32xf32, #tpu.memory_space<vmem>> -> memref<128x32xf32, #tpu.memory_space<vmem>>
      %dma_wait3A_791 = arith.constant 0 : i32
      %dma_wait3A_792 = tpu.memref_slice %arg6[%scan3A_777, %dma_wait3A_791] : memref<80x128xi32, #tpu.memory_space<vmem>> -> memref<1x128xi32, #tpu.memory_space<vmem>>
      %dma_wait3A_793 = tpu.memref_squeeze %dma_wait3A_792 : memref<1x128xi32, #tpu.memory_space<vmem>> -> memref<128xi32, #tpu.memory_space<vmem>>
      %dma_wait3A_794 = arith.constant 0 : i32
      %dma_wait3A_795 = arith.constant 0 : i32
      %dma_wait3A_796 = tpu.memref_slice %arg11[%dma_wait3A_794, %dma_wait3A_795] : memref<10240x32xf32, #tpu.memory_space<vmem_shared>> -> memref<10240x32xf32, #tpu.memory_space<vmem_shared>>
      %dma_wait3A_797 = tpu.memref_slice %arg13[%select_n3A_786] : memref<8x!tpu.dma_semaphore, #tpu.memory_space<semaphore_mem>> -> memref<1x!tpu.dma_semaphore, #tpu.memory_space<semaphore_mem>>
      %dma_wait3A_798 = tpu.memref_squeeze %dma_wait3A_797 : memref<1x!tpu.dma_semaphore, #tpu.memory_space<semaphore_mem>> -> memref<!tpu.dma_semaphore, #tpu.memory_space<semaphore_mem>>
      tpu.wait_indirect_dma semaphore(%dma_wait3A_798 : memref<!tpu.dma_semaphore, #tpu.memory_space<semaphore_mem>>) src(%dma_wait3A_796 : memref<10240x32xf32, #tpu.memory_space<vmem_shared>>) dst(%dma_wait3A_790 : memref<128x32xf32, #tpu.memory_space<vmem>>)
      %dma_start3A_799 = arith.constant 0 : i32
      %dma_start3A_800 = arith.constant 0 : i32
      %dma_start3A_801 = tpu.memref_slice %arg8[%select_n3A_786, %dma_start3A_799, %dma_start3A_800] : memref<8x128x32xf32, #tpu.memory_space<vmem>> -> memref<1x128x32xf32, #tpu.memory_space<vmem>>
      %dma_start3A_802 = tpu.memref_squeeze %dma_start3A_801 : memref<1x128x32xf32, #tpu.memory_space<vmem>> -> memref<128x32xf32, #tpu.memory_space<vmem>>
      %dma_start3A_803 = arith.constant 0 : i32
      %dma_start3A_804 = tpu.memref_slice %arg7[%scan3A_777, %dma_start3A_803] : memref<80x128xi32, #tpu.memory_space<vmem>> -> memref<1x128xi32, #tpu.memory_space<vmem>>
      %dma_start3A_805 = tpu.memref_squeeze %dma_start3A_804 : memref<1x128xi32, #tpu.memory_space<vmem>> -> memref<128xi32, #tpu.memory_space<vmem>>
      %dma_start3A_806 = arith.constant 0 : i32
      %dma_start3A_807 = arith.constant 0 : i32
      %dma_start3A_808 = tpu.memref_slice %arg12[%dma_start3A_806, %dma_start3A_807] : memref<10240x32xf32, #tpu.memory_space<vmem_shared>> -> memref<10240x32xf32, #tpu.memory_space<vmem_shared>>
      %dma_start3A_809 = tpu.memref_slice %arg14[%select_n3A_786] : memref<8x!tpu.dma_semaphore, #tpu.memory_space<semaphore_mem>> -> memref<1x!tpu.dma_semaphore, #tpu.memory_space<semaphore_mem>>
      %dma_start3A_810 = tpu.memref_squeeze %dma_start3A_809 : memref<1x!tpu.dma_semaphore, #tpu.memory_space<semaphore_mem>> -> memref<!tpu.dma_semaphore, #tpu.memory_space<semaphore_mem>>
      tpu.enqueue_indirect_dma source(%dma_start3A_802 : memref<128x32xf32, #tpu.memory_space<vmem>>) target(%dma_start3A_808 : memref<10240x32xf32, #tpu.memory_space<vmem_shared>>) offsets(%dma_start3A_805 : memref<128xi32, #tpu.memory_space<vmem>>) semaphore(%dma_start3A_810 : memref<!tpu.dma_semaphore, #tpu.memory_space<semaphore_mem>>) {add = true}
      %ge3A = arith.constant 2 : i32
      %ge3A_811 = arith.cmpi sge, %scan3A_777, %ge3A : i32
      %convert_element_type3A = arith.extui %ge3A_811 : i1 to i32
      %cond3A = arith.constant 0 : i32
      %cond3A_812 = arith.cmpi ne, %convert_element_type3A, %cond3A : i32
      scf.if %cond3A_812 {
        %sub3A = arith.constant 2 : i32
        %sub3A_820 = arith.subi %scan3A_777, %sub3A : i32
        %sub3A_821 = arith.constant 2 : i32
        %sub3A_822 = arith.subi %scan3A_777, %sub3A_821 : i32
        %jit3A_823 = arith.constant 8 : i32
        %eq3A_824 = arith.constant 0 : i32
        %eq3A_825 = arith.cmpi eq, %jit3A_823, %eq3A_824 : i32
        %jit3A_826 = arith.constant 1 : i32
        %select_n3A_827 = arith.select %eq3A_825, %jit3A_826, %jit3A_823 : i32
        %rem3A_828 = arith.remsi %sub3A_822, %select_n3A_827 : i32
        %ne3A_829 = arith.constant 0 : i32
        %ne3A_830 = arith.cmpi ne, %rem3A_828, %ne3A_829 : i32
        %lt3A_831 = arith.constant 0 : i32
        %lt3A_832 = arith.cmpi slt, %rem3A_828, %lt3A_831 : i32
        %lt3A_833 = arith.constant 0 : i32
        %lt3A_834 = arith.cmpi slt, %select_n3A_827, %lt3A_833 : i32
        %ne3A_835 = arith.xori %lt3A_832, %lt3A_834 : i1
        %and3A_836 = arith.andi %ne3A_835, %ne3A_830 : i1
        %add3A_837 = arith.addi %rem3A_828, %select_n3A_827 : i32
        %select_n3A_838 = arith.select %and3A_836, %add3A_837, %rem3A_828 : i32
        %dma_wait3A_839 = arith.constant 0 : i32
        %dma_wait3A_840 = arith.constant 0 : i32
        %dma_wait3A_841 = tpu.memref_slice %arg8[%select_n3A_838, %dma_wait3A_839, %dma_wait3A_840] : memref<8x128x32xf32, #tpu.memory_space<vmem>> -> memref<1x128x32xf32, #tpu.memory_space<vmem>>
        %dma_wait3A_842 = tpu.memref_squeeze %dma_wait3A_841 : memref<1x128x32xf32, #tpu.memory_space<vmem>> -> memref<128x32xf32, #tpu.memory_space<vmem>>
        %dma_wait3A_843 = arith.constant 0 : i32
        %dma_wait3A_844 = tpu.memref_slice %arg7[%sub3A_820, %dma_wait3A_843] : memref<80x128xi32, #tpu.memory_space<vmem>> -> memref<1x128xi32, #tpu.memory_space<vmem>>
        %dma_wait3A_845 = tpu.memref_squeeze %dma_wait3A_844 : memref<1x128xi32, #tpu.memory_space<vmem>> -> memref<128xi32, #tpu.memory_space<vmem>>
        %dma_wait3A_846 = arith.constant 0 : i32
        %dma_wait3A_847 = arith.constant 0 : i32
        %dma_wait3A_848 = tpu.memref_slice %arg12[%dma_wait3A_846, %dma_wait3A_847] : memref<10240x32xf32, #tpu.memory_space<vmem_shared>> -> memref<10240x32xf32, #tpu.memory_space<vmem_shared>>
        %dma_wait3A_849 = tpu.memref_slice %arg14[%select_n3A_838] : memref<8x!tpu.dma_semaphore, #tpu.memory_space<semaphore_mem>> -> memref<1x!tpu.dma_semaphore, #tpu.memory_space<semaphore_mem>>
        %dma_wait3A_850 = tpu.memref_squeeze %dma_wait3A_849 : memref<1x!tpu.dma_semaphore, #tpu.memory_space<semaphore_mem>> -> memref<!tpu.dma_semaphore, #tpu.memory_space<semaphore_mem>>
        tpu.wait_indirect_dma semaphore(%dma_wait3A_850 : memref<!tpu.dma_semaphore, #tpu.memory_space<semaphore_mem>>) src(%dma_wait3A_842 : memref<128x32xf32, #tpu.memory_space<vmem>>) dst(%dma_wait3A_848 : memref<10240x32xf32, #tpu.memory_space<vmem_shared>>)
      } else {
      }
      %add3A_813 = arith.constant 6 : i32
      %add3A_814 = arith.addi %scan3A_777, %add3A_813 : i32
      %lt3A_815 = arith.constant 80 : i32
      %lt3A_816 = arith.cmpi slt, %add3A_814, %lt3A_815 : i32
      %convert_element_type3A_817 = arith.extui %lt3A_816 : i1 to i32
      %cond3A_818 = arith.constant 0 : i32
      %cond3A_819 = arith.cmpi ne, %convert_element_type3A_817, %cond3A_818 : i32
      scf.if %cond3A_819 {
        %add3A_820 = arith.constant 6 : i32
        %add3A_821 = arith.addi %scan3A_777, %add3A_820 : i32
        %add3A_822 = arith.constant 6 : i32
        %add3A_823 = arith.addi %scan3A_777, %add3A_822 : i32
        %jit3A_824 = arith.constant 8 : i32
        %eq3A_825 = arith.constant 0 : i32
        %eq3A_826 = arith.cmpi eq, %jit3A_824, %eq3A_825 : i32
        %jit3A_827 = arith.constant 1 : i32
        %select_n3A_828 = arith.select %eq3A_826, %jit3A_827, %jit3A_824 : i32
        %rem3A_829 = arith.remsi %add3A_823, %select_n3A_828 : i32
        %ne3A_830 = arith.constant 0 : i32
        %ne3A_831 = arith.cmpi ne, %rem3A_829, %ne3A_830 : i32
        %lt3A_832 = arith.constant 0 : i32
        %lt3A_833 = arith.cmpi slt, %rem3A_829, %lt3A_832 : i32
        %lt3A_834 = arith.constant 0 : i32
        %lt3A_835 = arith.cmpi slt, %select_n3A_828, %lt3A_834 : i32
        %ne3A_836 = arith.xori %lt3A_833, %lt3A_835 : i1
        %and3A_837 = arith.andi %ne3A_836, %ne3A_831 : i1
        %add3A_838 = arith.addi %rem3A_829, %select_n3A_828 : i32
        %select_n3A_839 = arith.select %and3A_837, %add3A_838, %rem3A_829 : i32
        %dma_start3A_840 = arith.constant 0 : i32
        %dma_start3A_841 = arith.constant 0 : i32
        %dma_start3A_842 = tpu.memref_slice %arg8[%select_n3A_839, %dma_start3A_840, %dma_start3A_841] : memref<8x128x32xf32, #tpu.memory_space<vmem>> -> memref<1x128x32xf32, #tpu.memory_space<vmem>>
        %dma_start3A_843 = tpu.memref_squeeze %dma_start3A_842 : memref<1x128x32xf32, #tpu.memory_space<vmem>> -> memref<128x32xf32, #tpu.memory_space<vmem>>
        %dma_start3A_844 = arith.constant 0 : i32
        %dma_start3A_845 = tpu.memref_slice %arg6[%add3A_821, %dma_start3A_844] : memref<80x128xi32, #tpu.memory_space<vmem>> -> memref<1x128xi32, #tpu.memory_space<vmem>>
        %dma_start3A_846 = tpu.memref_squeeze %dma_start3A_845 : memref<1x128xi32, #tpu.memory_space<vmem>> -> memref<128xi32, #tpu.memory_space<vmem>>
        %dma_start3A_847 = arith.constant 0 : i32
        %dma_start3A_848 = arith.constant 0 : i32
        %dma_start3A_849 = tpu.memref_slice %arg11[%dma_start3A_847, %dma_start3A_848] : memref<10240x32xf32, #tpu.memory_space<vmem_shared>> -> memref<10240x32xf32, #tpu.memory_space<vmem_shared>>
        %dma_start3A_850 = tpu.memref_slice %arg13[%select_n3A_839] : memref<8x!tpu.dma_semaphore, #tpu.memory_space<semaphore_mem>> -> memref<1x!tpu.dma_semaphore, #tpu.memory_space<semaphore_mem>>
        %dma_start3A_851 = tpu.memref_squeeze %dma_start3A_850 : memref<1x!tpu.dma_semaphore, #tpu.memory_space<semaphore_mem>> -> memref<!tpu.dma_semaphore, #tpu.memory_space<semaphore_mem>>
        tpu.enqueue_indirect_dma source(%dma_start3A_849 : memref<10240x32xf32, #tpu.memory_space<vmem_shared>>) target(%dma_start3A_843 : memref<128x32xf32, #tpu.memory_space<vmem>>) offsets(%dma_start3A_846 : memref<128xi32, #tpu.memory_space<vmem>>) semaphore(%dma_start3A_851 : memref<!tpu.dma_semaphore, #tpu.memory_space<semaphore_mem>>)
      } else {
      }
    }
    %scan3A_519 = arith.constant 80 : i32
    %dma_wait3A_520 = arith.constant 6 : i32
    %dma_wait3A_521 = arith.constant 78 : i32
    %dma_wait3A_522 = arith.constant 6 : i32
    %dma_wait3A_523 = arith.constant 0 : i32
    %dma_wait3A_524 = arith.constant 0 : i32
    %dma_wait3A_525 = tpu.memref_slice %arg8[%dma_wait3A_520, %dma_wait3A_523, %dma_wait3A_524] : memref<8x128x32xf32, #tpu.memory_space<vmem>> -> memref<1x128x32xf32, #tpu.memory_space<vmem>>
    %dma_wait3A_526 = tpu.memref_squeeze %dma_wait3A_525 : memref<1x128x32xf32, #tpu.memory_space<vmem>> -> memref<128x32xf32, #tpu.memory_space<vmem>>
    %dma_wait3A_527 = arith.constant 0 : i32
    %dma_wait3A_528 = tpu.memref_slice %arg7[%dma_wait3A_521, %dma_wait3A_527] : memref<80x128xi32, #tpu.memory_space<vmem>> -> memref<1x128xi32, #tpu.memory_space<vmem>>
    %dma_wait3A_529 = tpu.memref_squeeze %dma_wait3A_528 : memref<1x128xi32, #tpu.memory_space<vmem>> -> memref<128xi32, #tpu.memory_space<vmem>>
    %dma_wait3A_530 = arith.constant 0 : i32
    %dma_wait3A_531 = arith.constant 0 : i32
    %dma_wait3A_532 = tpu.memref_slice %arg12[%dma_wait3A_530, %dma_wait3A_531] : memref<10240x32xf32, #tpu.memory_space<vmem_shared>> -> memref<10240x32xf32, #tpu.memory_space<vmem_shared>>
    %dma_wait3A_533 = tpu.memref_slice %arg14[%dma_wait3A_522] : memref<8x!tpu.dma_semaphore, #tpu.memory_space<semaphore_mem>> -> memref<1x!tpu.dma_semaphore, #tpu.memory_space<semaphore_mem>>
    %dma_wait3A_534 = tpu.memref_squeeze %dma_wait3A_533 : memref<1x!tpu.dma_semaphore, #tpu.memory_space<semaphore_mem>> -> memref<!tpu.dma_semaphore, #tpu.memory_space<semaphore_mem>>
    tpu.wait_indirect_dma semaphore(%dma_wait3A_534 : memref<!tpu.dma_semaphore, #tpu.memory_space<semaphore_mem>>) src(%dma_wait3A_526 : memref<128x32xf32, #tpu.memory_space<vmem>>) dst(%dma_wait3A_532 : memref<10240x32xf32, #tpu.memory_space<vmem_shared>>)
    %dma_wait3A_535 = arith.constant 7 : i32
    %dma_wait3A_536 = arith.constant 79 : i32
    %dma_wait3A_537 = arith.constant 7 : i32
    %dma_wait3A_538 = arith.constant 0 : i32
    %dma_wait3A_539 = arith.constant 0 : i32
    %dma_wait3A_540 = tpu.memref_slice %arg8[%dma_wait3A_535, %dma_wait3A_538, %dma_wait3A_539] : memref<8x128x32xf32, #tpu.memory_space<vmem>> -> memref<1x128x32xf32, #tpu.memory_space<vmem>>
    %dma_wait3A_541 = tpu.memref_squeeze %dma_wait3A_540 : memref<1x128x32xf32, #tpu.memory_space<vmem>> -> memref<128x32xf32, #tpu.memory_space<vmem>>
    %dma_wait3A_542 = arith.constant 0 : i32
    %dma_wait3A_543 = tpu.memref_slice %arg7[%dma_wait3A_536, %dma_wait3A_542] : memref<80x128xi32, #tpu.memory_space<vmem>> -> memref<1x128xi32, #tpu.memory_space<vmem>>
    %dma_wait3A_544 = tpu.memref_squeeze %dma_wait3A_543 : memref<1x128xi32, #tpu.memory_space<vmem>> -> memref<128xi32, #tpu.memory_space<vmem>>
    %dma_wait3A_545 = arith.constant 0 : i32
    %dma_wait3A_546 = arith.constant 0 : i32
    %dma_wait3A_547 = tpu.memref_slice %arg12[%dma_wait3A_545, %dma_wait3A_546] : memref<10240x32xf32, #tpu.memory_space<vmem_shared>> -> memref<10240x32xf32, #tpu.memory_space<vmem_shared>>
    %dma_wait3A_548 = tpu.memref_slice %arg14[%dma_wait3A_537] : memref<8x!tpu.dma_semaphore, #tpu.memory_space<semaphore_mem>> -> memref<1x!tpu.dma_semaphore, #tpu.memory_space<semaphore_mem>>
    %dma_wait3A_549 = tpu.memref_squeeze %dma_wait3A_548 : memref<1x!tpu.dma_semaphore, #tpu.memory_space<semaphore_mem>> -> memref<!tpu.dma_semaphore, #tpu.memory_space<semaphore_mem>>
    tpu.wait_indirect_dma semaphore(%dma_wait3A_549 : memref<!tpu.dma_semaphore, #tpu.memory_space<semaphore_mem>>) src(%dma_wait3A_541 : memref<128x32xf32, #tpu.memory_space<vmem>>) dst(%dma_wait3A_547 : memref<10240x32xf32, #tpu.memory_space<vmem_shared>>)
    %barrier3A_550 = arith.constant 0 : index
    tpu.barrier barrier_id(%barrier3A_550)
    %mul3A_551 = arith.constant 640 : i32
    %mul3A_552 = arith.muli %arg1, %mul3A_551 : i32
    %add3A_553 = arith.constant 0 : i32
    %add3A_554 = arith.addi %mul3A_552, %add3A_553 : i32
    "tpu.region"() ({
      %run_scoped3A = tpu.sem_alloc : memref<!tpu.dma_semaphore, #tpu.memory_space<semaphore_mem>>
      %dma_start3A_777 = arith.constant 0 : i32
      %dma_start3A_778 = tpu.memref_slice %arg12[%add3A_554, %dma_start3A_777] : memref<10240x32xf32, #tpu.memory_space<vmem_shared>> -> memref<128x32xf32, #tpu.memory_space<vmem_shared>>
      %dma_start3A_779 = arith.constant 0 : i32
      %dma_start3A_780 = tpu.memref_slice %arg12[%add3A_554, %dma_start3A_779] : memref<10240x32xf32, #tpu.memory_space<vmem_shared>> -> memref<128x32xf32, #tpu.memory_space<vmem_shared>>
      tpu.enqueue_dma source(%dma_start3A_780 : memref<128x32xf32, #tpu.memory_space<vmem_shared>>) target(%arg9 : memref<128x32xf32, #tpu.memory_space<vmem>>) target_semaphore(%run_scoped3A : memref<!tpu.dma_semaphore, #tpu.memory_space<semaphore_mem>>)
      %dma_wait3A_781 = arith.constant 0 : i32
      %dma_wait3A_782 = tpu.memref_slice %arg12[%add3A_554, %dma_wait3A_781] : memref<10240x32xf32, #tpu.memory_space<vmem_shared>> -> memref<128x32xf32, #tpu.memory_space<vmem_shared>>
      %dma_wait3A_783 = arith.constant 0 : i32
      %dma_wait3A_784 = tpu.memref_slice %arg12[%add3A_554, %dma_wait3A_783] : memref<10240x32xf32, #tpu.memory_space<vmem_shared>> -> memref<128x32xf32, #tpu.memory_space<vmem_shared>>
      tpu.wait_dma2 semaphore(%run_scoped3A : memref<!tpu.dma_semaphore, #tpu.memory_space<semaphore_mem>>) src(%dma_wait3A_784 : memref<128x32xf32, #tpu.memory_space<vmem_shared>>) dst(%arg9 : memref<128x32xf32, #tpu.memory_space<vmem>>)
      tpu.yield
    }) : () -> ()
    %add3A_555 = arith.addi %multiple_of3A_391, %add3A_554 : i32
    %multiple_of3A_556 = tpu.assume_multiple %add3A_555, 8 : i32
    "tpu.region"() ({
      %run_scoped3A = tpu.sem_alloc : memref<!tpu.dma_semaphore, #tpu.memory_space<semaphore_mem>>
      %dma_start3A_777 = arith.constant 0 : i32
      %dma_start3A_778 = tpu.memref_slice %arg5[%multiple_of3A_556, %dma_start3A_777] : memref<81920x32xf32, #tpu.memory_space<hbm>> -> memref<128x32xf32, #tpu.memory_space<hbm>>
      %dma_start3A_779 = arith.constant 0 : i32
      %dma_start3A_780 = tpu.memref_slice %arg5[%multiple_of3A_556, %dma_start3A_779] : memref<81920x32xf32, #tpu.memory_space<hbm>> -> memref<128x32xf32, #tpu.memory_space<hbm>>
      tpu.enqueue_dma source(%arg9 : memref<128x32xf32, #tpu.memory_space<vmem>>) target(%dma_start3A_780 : memref<128x32xf32, #tpu.memory_space<hbm>>) target_semaphore(%run_scoped3A : memref<!tpu.dma_semaphore, #tpu.memory_space<semaphore_mem>>)
      %dma_wait3A_781 = arith.constant 0 : i32
      %dma_wait3A_782 = tpu.memref_slice %arg5[%multiple_of3A_556, %dma_wait3A_781] : memref<81920x32xf32, #tpu.memory_space<hbm>> -> memref<128x32xf32, #tpu.memory_space<hbm>>
      %dma_wait3A_783 = arith.constant 0 : i32
      %dma_wait3A_784 = tpu.memref_slice %arg5[%multiple_of3A_556, %dma_wait3A_783] : memref<81920x32xf32, #tpu.memory_space<hbm>> -> memref<128x32xf32, #tpu.memory_space<hbm>>
      tpu.wait_dma2 semaphore(%run_scoped3A : memref<!tpu.dma_semaphore, #tpu.memory_space<semaphore_mem>>) src(%arg9 : memref<128x32xf32, #tpu.memory_space<vmem>>) dst(%dma_wait3A_784 : memref<128x32xf32, #tpu.memory_space<hbm>>)
      tpu.yield
    }) : () -> ()
    %mul3A_557 = arith.constant 640 : i32
    %mul3A_558 = arith.muli %arg1, %mul3A_557 : i32
    %add3A_559 = arith.constant 128 : i32
    %add3A_560 = arith.addi %mul3A_558, %add3A_559 : i32
    "tpu.region"() ({
      %run_scoped3A = tpu.sem_alloc : memref<!tpu.dma_semaphore, #tpu.memory_space<semaphore_mem>>
      %dma_start3A_777 = arith.constant 0 : i32
      %dma_start3A_778 = tpu.memref_slice %arg12[%add3A_560, %dma_start3A_777] : memref<10240x32xf32, #tpu.memory_space<vmem_shared>> -> memref<128x32xf32, #tpu.memory_space<vmem_shared>>
      %dma_start3A_779 = arith.constant 0 : i32
      %dma_start3A_780 = tpu.memref_slice %arg12[%add3A_560, %dma_start3A_779] : memref<10240x32xf32, #tpu.memory_space<vmem_shared>> -> memref<128x32xf32, #tpu.memory_space<vmem_shared>>
      tpu.enqueue_dma source(%dma_start3A_780 : memref<128x32xf32, #tpu.memory_space<vmem_shared>>) target(%arg9 : memref<128x32xf32, #tpu.memory_space<vmem>>) target_semaphore(%run_scoped3A : memref<!tpu.dma_semaphore, #tpu.memory_space<semaphore_mem>>)
      %dma_wait3A_781 = arith.constant 0 : i32
      %dma_wait3A_782 = tpu.memref_slice %arg12[%add3A_560, %dma_wait3A_781] : memref<10240x32xf32, #tpu.memory_space<vmem_shared>> -> memref<128x32xf32, #tpu.memory_space<vmem_shared>>
      %dma_wait3A_783 = arith.constant 0 : i32
      %dma_wait3A_784 = tpu.memref_slice %arg12[%add3A_560, %dma_wait3A_783] : memref<10240x32xf32, #tpu.memory_space<vmem_shared>> -> memref<128x32xf32, #tpu.memory_space<vmem_shared>>
      tpu.wait_dma2 semaphore(%run_scoped3A : memref<!tpu.dma_semaphore, #tpu.memory_space<semaphore_mem>>) src(%dma_wait3A_784 : memref<128x32xf32, #tpu.memory_space<vmem_shared>>) dst(%arg9 : memref<128x32xf32, #tpu.memory_space<vmem>>)
      tpu.yield
    }) : () -> ()
    %add3A_561 = arith.addi %multiple_of3A_391, %add3A_560 : i32
    %multiple_of3A_562 = tpu.assume_multiple %add3A_561, 8 : i32
    "tpu.region"() ({
      %run_scoped3A = tpu.sem_alloc : memref<!tpu.dma_semaphore, #tpu.memory_space<semaphore_mem>>
      %dma_start3A_777 = arith.constant 0 : i32
      %dma_start3A_778 = tpu.memref_slice %arg5[%multiple_of3A_562, %dma_start3A_777] : memref<81920x32xf32, #tpu.memory_space<hbm>> -> memref<128x32xf32, #tpu.memory_space<hbm>>
      %dma_start3A_779 = arith.constant 0 : i32
      %dma_start3A_780 = tpu.memref_slice %arg5[%multiple_of3A_562, %dma_start3A_779] : memref<81920x32xf32, #tpu.memory_space<hbm>> -> memref<128x32xf32, #tpu.memory_space<hbm>>
      tpu.enqueue_dma source(%arg9 : memref<128x32xf32, #tpu.memory_space<vmem>>) target(%dma_start3A_780 : memref<128x32xf32, #tpu.memory_space<hbm>>) target_semaphore(%run_scoped3A : memref<!tpu.dma_semaphore, #tpu.memory_space<semaphore_mem>>)
      %dma_wait3A_781 = arith.constant 0 : i32
      %dma_wait3A_782 = tpu.memref_slice %arg5[%multiple_of3A_562, %dma_wait3A_781] : memref<81920x32xf32, #tpu.memory_space<hbm>> -> memref<128x32xf32, #tpu.memory_space<hbm>>
      %dma_wait3A_783 = arith.constant 0 : i32
      %dma_wait3A_784 = tpu.memref_slice %arg5[%multiple_of3A_562, %dma_wait3A_783] : memref<81920x32xf32, #tpu.memory_space<hbm>> -> memref<128x32xf32, #tpu.memory_space<hbm>>
      tpu.wait_dma2 semaphore(%run_scoped3A : memref<!tpu.dma_semaphore, #tpu.memory_space<semaphore_mem>>) src(%arg9 : memref<128x32xf32, #tpu.memory_space<vmem>>) dst(%dma_wait3A_784 : memref<128x32xf32, #tpu.memory_space<hbm>>)
      tpu.yield
    }) : () -> ()
    %mul3A_563 = arith.constant 640 : i32
    %mul3A_564 = arith.muli %arg1, %mul3A_563 : i32
    %add3A_565 = arith.constant 256 : i32
    %add3A_566 = arith.addi %mul3A_564, %add3A_565 : i32
    "tpu.region"() ({
      %run_scoped3A = tpu.sem_alloc : memref<!tpu.dma_semaphore, #tpu.memory_space<semaphore_mem>>
      %dma_start3A_777 = arith.constant 0 : i32
      %dma_start3A_778 = tpu.memref_slice %arg12[%add3A_566, %dma_start3A_777] : memref<10240x32xf32, #tpu.memory_space<vmem_shared>> -> memref<128x32xf32, #tpu.memory_space<vmem_shared>>
      %dma_start3A_779 = arith.constant 0 : i32
      %dma_start3A_780 = tpu.memref_slice %arg12[%add3A_566, %dma_start3A_779] : memref<10240x32xf32, #tpu.memory_space<vmem_shared>> -> memref<128x32xf32, #tpu.memory_space<vmem_shared>>
      tpu.enqueue_dma source(%dma_start3A_780 : memref<128x32xf32, #tpu.memory_space<vmem_shared>>) target(%arg9 : memref<128x32xf32, #tpu.memory_space<vmem>>) target_semaphore(%run_scoped3A : memref<!tpu.dma_semaphore, #tpu.memory_space<semaphore_mem>>)
      %dma_wait3A_781 = arith.constant 0 : i32
      %dma_wait3A_782 = tpu.memref_slice %arg12[%add3A_566, %dma_wait3A_781] : memref<10240x32xf32, #tpu.memory_space<vmem_shared>> -> memref<128x32xf32, #tpu.memory_space<vmem_shared>>
      %dma_wait3A_783 = arith.constant 0 : i32
      %dma_wait3A_784 = tpu.memref_slice %arg12[%add3A_566, %dma_wait3A_783] : memref<10240x32xf32, #tpu.memory_space<vmem_shared>> -> memref<128x32xf32, #tpu.memory_space<vmem_shared>>
      tpu.wait_dma2 semaphore(%run_scoped3A : memref<!tpu.dma_semaphore, #tpu.memory_space<semaphore_mem>>) src(%dma_wait3A_784 : memref<128x32xf32, #tpu.memory_space<vmem_shared>>) dst(%arg9 : memref<128x32xf32, #tpu.memory_space<vmem>>)
      tpu.yield
    }) : () -> ()
    %add3A_567 = arith.addi %multiple_of3A_391, %add3A_566 : i32
    %multiple_of3A_568 = tpu.assume_multiple %add3A_567, 8 : i32
    "tpu.region"() ({
      %run_scoped3A = tpu.sem_alloc : memref<!tpu.dma_semaphore, #tpu.memory_space<semaphore_mem>>
      %dma_start3A_777 = arith.constant 0 : i32
      %dma_start3A_778 = tpu.memref_slice %arg5[%multiple_of3A_568, %dma_start3A_777] : memref<81920x32xf32, #tpu.memory_space<hbm>> -> memref<128x32xf32, #tpu.memory_space<hbm>>
      %dma_start3A_779 = arith.constant 0 : i32
      %dma_start3A_780 = tpu.memref_slice %arg5[%multiple_of3A_568, %dma_start3A_779] : memref<81920x32xf32, #tpu.memory_space<hbm>> -> memref<128x32xf32, #tpu.memory_space<hbm>>
      tpu.enqueue_dma source(%arg9 : memref<128x32xf32, #tpu.memory_space<vmem>>) target(%dma_start3A_780 : memref<128x32xf32, #tpu.memory_space<hbm>>) target_semaphore(%run_scoped3A : memref<!tpu.dma_semaphore, #tpu.memory_space<semaphore_mem>>)
      %dma_wait3A_781 = arith.constant 0 : i32
      %dma_wait3A_782 = tpu.memref_slice %arg5[%multiple_of3A_568, %dma_wait3A_781] : memref<81920x32xf32, #tpu.memory_space<hbm>> -> memref<128x32xf32, #tpu.memory_space<hbm>>
      %dma_wait3A_783 = arith.constant 0 : i32
      %dma_wait3A_784 = tpu.memref_slice %arg5[%multiple_of3A_568, %dma_wait3A_783] : memref<81920x32xf32, #tpu.memory_space<hbm>> -> memref<128x32xf32, #tpu.memory_space<hbm>>
      tpu.wait_dma2 semaphore(%run_scoped3A : memref<!tpu.dma_semaphore, #tpu.memory_space<semaphore_mem>>) src(%arg9 : memref<128x32xf32, #tpu.memory_space<vmem>>) dst(%dma_wait3A_784 : memref<128x32xf32, #tpu.memory_space<hbm>>)
      tpu.yield
    }) : () -> ()
    %mul3A_569 = arith.constant 640 : i32
    %mul3A_570 = arith.muli %arg1, %mul3A_569 : i32
    %add3A_571 = arith.constant 384 : i32
    %add3A_572 = arith.addi %mul3A_570, %add3A_571 : i32
    "tpu.region"() ({
      %run_scoped3A = tpu.sem_alloc : memref<!tpu.dma_semaphore, #tpu.memory_space<semaphore_mem>>
      %dma_start3A_777 = arith.constant 0 : i32
      %dma_start3A_778 = tpu.memref_slice %arg12[%add3A_572, %dma_start3A_777] : memref<10240x32xf32, #tpu.memory_space<vmem_shared>> -> memref<128x32xf32, #tpu.memory_space<vmem_shared>>
      %dma_start3A_779 = arith.constant 0 : i32
      %dma_start3A_780 = tpu.memref_slice %arg12[%add3A_572, %dma_start3A_779] : memref<10240x32xf32, #tpu.memory_space<vmem_shared>> -> memref<128x32xf32, #tpu.memory_space<vmem_shared>>
      tpu.enqueue_dma source(%dma_start3A_780 : memref<128x32xf32, #tpu.memory_space<vmem_shared>>) target(%arg9 : memref<128x32xf32, #tpu.memory_space<vmem>>) target_semaphore(%run_scoped3A : memref<!tpu.dma_semaphore, #tpu.memory_space<semaphore_mem>>)
      %dma_wait3A_781 = arith.constant 0 : i32
      %dma_wait3A_782 = tpu.memref_slice %arg12[%add3A_572, %dma_wait3A_781] : memref<10240x32xf32, #tpu.memory_space<vmem_shared>> -> memref<128x32xf32, #tpu.memory_space<vmem_shared>>
      %dma_wait3A_783 = arith.constant 0 : i32
      %dma_wait3A_784 = tpu.memref_slice %arg12[%add3A_572, %dma_wait3A_783] : memref<10240x32xf32, #tpu.memory_space<vmem_shared>> -> memref<128x32xf32, #tpu.memory_space<vmem_shared>>
      tpu.wait_dma2 semaphore(%run_scoped3A : memref<!tpu.dma_semaphore, #tpu.memory_space<semaphore_mem>>) src(%dma_wait3A_784 : memref<128x32xf32, #tpu.memory_space<vmem_shared>>) dst(%arg9 : memref<128x32xf32, #tpu.memory_space<vmem>>)
      tpu.yield
    }) : () -> ()
    %add3A_573 = arith.addi %multiple_of3A_391, %add3A_572 : i32
    %multiple_of3A_574 = tpu.assume_multiple %add3A_573, 8 : i32
    "tpu.region"() ({
      %run_scoped3A = tpu.sem_alloc : memref<!tpu.dma_semaphore, #tpu.memory_space<semaphore_mem>>
      %dma_start3A_777 = arith.constant 0 : i32
      %dma_start3A_778 = tpu.memref_slice %arg5[%multiple_of3A_574, %dma_start3A_777] : memref<81920x32xf32, #tpu.memory_space<hbm>> -> memref<128x32xf32, #tpu.memory_space<hbm>>
      %dma_start3A_779 = arith.constant 0 : i32
      %dma_start3A_780 = tpu.memref_slice %arg5[%multiple_of3A_574, %dma_start3A_779] : memref<81920x32xf32, #tpu.memory_space<hbm>> -> memref<128x32xf32, #tpu.memory_space<hbm>>
      tpu.enqueue_dma source(%arg9 : memref<128x32xf32, #tpu.memory_space<vmem>>) target(%dma_start3A_780 : memref<128x32xf32, #tpu.memory_space<hbm>>) target_semaphore(%run_scoped3A : memref<!tpu.dma_semaphore, #tpu.memory_space<semaphore_mem>>)
      %dma_wait3A_781 = arith.constant 0 : i32
      %dma_wait3A_782 = tpu.memref_slice %arg5[%multiple_of3A_574, %dma_wait3A_781] : memref<81920x32xf32, #tpu.memory_space<hbm>> -> memref<128x32xf32, #tpu.memory_space<hbm>>
      %dma_wait3A_783 = arith.constant 0 : i32
      %dma_wait3A_784 = tpu.memref_slice %arg5[%multiple_of3A_574, %dma_wait3A_783] : memref<81920x32xf32, #tpu.memory_space<hbm>> -> memref<128x32xf32, #tpu.memory_space<hbm>>
      tpu.wait_dma2 semaphore(%run_scoped3A : memref<!tpu.dma_semaphore, #tpu.memory_space<semaphore_mem>>) src(%arg9 : memref<128x32xf32, #tpu.memory_space<vmem>>) dst(%dma_wait3A_784 : memref<128x32xf32, #tpu.memory_space<hbm>>)
      tpu.yield
    }) : () -> ()
    %mul3A_575 = arith.constant 640 : i32
    %mul3A_576 = arith.muli %arg1, %mul3A_575 : i32
    %add3A_577 = arith.constant 512 : i32
    %add3A_578 = arith.addi %mul3A_576, %add3A_577 : i32
    "tpu.region"() ({
      %run_scoped3A = tpu.sem_alloc : memref<!tpu.dma_semaphore, #tpu.memory_space<semaphore_mem>>
      %dma_start3A_777 = arith.constant 0 : i32
      %dma_start3A_778 = tpu.memref_slice %arg12[%add3A_578, %dma_start3A_777] : memref<10240x32xf32, #tpu.memory_space<vmem_shared>> -> memref<128x32xf32, #tpu.memory_space<vmem_shared>>
      %dma_start3A_779 = arith.constant 0 : i32
      %dma_start3A_780 = tpu.memref_slice %arg12[%add3A_578, %dma_start3A_779] : memref<10240x32xf32, #tpu.memory_space<vmem_shared>> -> memref<128x32xf32, #tpu.memory_space<vmem_shared>>
      tpu.enqueue_dma source(%dma_start3A_780 : memref<128x32xf32, #tpu.memory_space<vmem_shared>>) target(%arg9 : memref<128x32xf32, #tpu.memory_space<vmem>>) target_semaphore(%run_scoped3A : memref<!tpu.dma_semaphore, #tpu.memory_space<semaphore_mem>>)
      %dma_wait3A_781 = arith.constant 0 : i32
      %dma_wait3A_782 = tpu.memref_slice %arg12[%add3A_578, %dma_wait3A_781] : memref<10240x32xf32, #tpu.memory_space<vmem_shared>> -> memref<128x32xf32, #tpu.memory_space<vmem_shared>>
      %dma_wait3A_783 = arith.constant 0 : i32
      %dma_wait3A_784 = tpu.memref_slice %arg12[%add3A_578, %dma_wait3A_783] : memref<10240x32xf32, #tpu.memory_space<vmem_shared>> -> memref<128x32xf32, #tpu.memory_space<vmem_shared>>
      tpu.wait_dma2 semaphore(%run_scoped3A : memref<!tpu.dma_semaphore, #tpu.memory_space<semaphore_mem>>) src(%dma_wait3A_784 : memref<128x32xf32, #tpu.memory_space<vmem_shared>>) dst(%arg9 : memref<128x32xf32, #tpu.memory_space<vmem>>)
      tpu.yield
    }) : () -> ()
    %add3A_579 = arith.addi %multiple_of3A_391, %add3A_578 : i32
    %multiple_of3A_580 = tpu.assume_multiple %add3A_579, 8 : i32
    "tpu.region"() ({
      %run_scoped3A = tpu.sem_alloc : memref<!tpu.dma_semaphore, #tpu.memory_space<semaphore_mem>>
      %dma_start3A_777 = arith.constant 0 : i32
      %dma_start3A_778 = tpu.memref_slice %arg5[%multiple_of3A_580, %dma_start3A_777] : memref<81920x32xf32, #tpu.memory_space<hbm>> -> memref<128x32xf32, #tpu.memory_space<hbm>>
      %dma_start3A_779 = arith.constant 0 : i32
      %dma_start3A_780 = tpu.memref_slice %arg5[%multiple_of3A_580, %dma_start3A_779] : memref<81920x32xf32, #tpu.memory_space<hbm>> -> memref<128x32xf32, #tpu.memory_space<hbm>>
      tpu.enqueue_dma source(%arg9 : memref<128x32xf32, #tpu.memory_space<vmem>>) target(%dma_start3A_780 : memref<128x32xf32, #tpu.memory_space<hbm>>) target_semaphore(%run_scoped3A : memref<!tpu.dma_semaphore, #tpu.memory_space<semaphore_mem>>)
      %dma_wait3A_781 = arith.constant 0 : i32
      %dma_wait3A_782 = tpu.memref_slice %arg5[%multiple_of3A_580, %dma_wait3A_781] : memref<81920x32xf32, #tpu.memory_space<hbm>> -> memref<128x32xf32, #tpu.memory_space<hbm>>
      %dma_wait3A_783 = arith.constant 0 : i32
      %dma_wait3A_784 = tpu.memref_slice %arg5[%multiple_of3A_580, %dma_wait3A_783] : memref<81920x32xf32, #tpu.memory_space<hbm>> -> memref<128x32xf32, #tpu.memory_space<hbm>>
      tpu.wait_dma2 semaphore(%run_scoped3A : memref<!tpu.dma_semaphore, #tpu.memory_space<semaphore_mem>>) src(%arg9 : memref<128x32xf32, #tpu.memory_space<vmem>>) dst(%dma_wait3A_784 : memref<128x32xf32, #tpu.memory_space<hbm>>)
      tpu.yield
    }) : () -> ()
    %mul3A_581 = arith.constant 4 : i32
    %mul3A_582 = arith.muli %arg0, %mul3A_581 : i32
    %add3A_583 = arith.constant 3 : i32
    %add3A_584 = arith.addi %mul3A_582, %add3A_583 : i32
    %mul3A_585 = arith.constant 10240 : i32
    %mul3A_586 = arith.muli %add3A_584, %mul3A_585 : i32
    %multiple_of3A_587 = tpu.assume_multiple %mul3A_586, 8 : i32
    %mul3A_588 = arith.constant 640 : i32
    %mul3A_589 = arith.muli %arg1, %mul3A_588 : i32
    %add3A_590 = arith.addi %multiple_of3A_587, %mul3A_589 : i32
    "tpu.region"() ({
      %run_scoped3A = tpu.sem_alloc : memref<!tpu.dma_semaphore, #tpu.memory_space<semaphore_mem>>
      %dma_start3A_777 = arith.constant 0 : i32
      %dma_start3A_778 = tpu.memref_slice %arg4[%add3A_590, %dma_start3A_777] : memref<81920x32xf32, #tpu.memory_space<hbm>> -> memref<640x32xf32, #tpu.memory_space<hbm>>
      %dma_start3A_779 = arith.constant 0 : i32
      %dma_start3A_780 = tpu.memref_slice %arg4[%add3A_590, %dma_start3A_779] : memref<81920x32xf32, #tpu.memory_space<hbm>> -> memref<640x32xf32, #tpu.memory_space<hbm>>
      tpu.enqueue_dma source(%dma_start3A_780 : memref<640x32xf32, #tpu.memory_space<hbm>>) target(%arg10 : memref<640x32xf32, #tpu.memory_space<vmem>>) target_semaphore(%run_scoped3A : memref<!tpu.dma_semaphore, #tpu.memory_space<semaphore_mem>>)
      %dma_wait3A_781 = arith.constant 0 : i32
      %dma_wait3A_782 = tpu.memref_slice %arg4[%add3A_590, %dma_wait3A_781] : memref<81920x32xf32, #tpu.memory_space<hbm>> -> memref<640x32xf32, #tpu.memory_space<hbm>>
      %dma_wait3A_783 = arith.constant 0 : i32
      %dma_wait3A_784 = tpu.memref_slice %arg4[%add3A_590, %dma_wait3A_783] : memref<81920x32xf32, #tpu.memory_space<hbm>> -> memref<640x32xf32, #tpu.memory_space<hbm>>
      tpu.wait_dma2 semaphore(%run_scoped3A : memref<!tpu.dma_semaphore, #tpu.memory_space<semaphore_mem>>) src(%dma_wait3A_784 : memref<640x32xf32, #tpu.memory_space<hbm>>) dst(%arg10 : memref<640x32xf32, #tpu.memory_space<vmem>>)
      tpu.yield
    }) : () -> ()
    %mul3A_591 = arith.constant 640 : i32
    %mul3A_592 = arith.muli %arg1, %mul3A_591 : i32
    "tpu.region"() ({
      %run_scoped3A = tpu.sem_alloc : memref<!tpu.dma_semaphore, #tpu.memory_space<semaphore_mem>>
      %dma_start3A_777 = arith.constant 0 : i32
      %dma_start3A_778 = tpu.memref_slice %arg11[%mul3A_592, %dma_start3A_777] : memref<10240x32xf32, #tpu.memory_space<vmem_shared>> -> memref<640x32xf32, #tpu.memory_space<vmem_shared>>
      %dma_start3A_779 = arith.constant 0 : i32
      %dma_start3A_780 = tpu.memref_slice %arg11[%mul3A_592, %dma_start3A_779] : memref<10240x32xf32, #tpu.memory_space<vmem_shared>> -> memref<640x32xf32, #tpu.memory_space<vmem_shared>>
      tpu.enqueue_dma source(%arg10 : memref<640x32xf32, #tpu.memory_space<vmem>>) target(%dma_start3A_780 : memref<640x32xf32, #tpu.memory_space<vmem_shared>>) target_semaphore(%run_scoped3A : memref<!tpu.dma_semaphore, #tpu.memory_space<semaphore_mem>>)
      %dma_wait3A_781 = arith.constant 0 : i32
      %dma_wait3A_782 = tpu.memref_slice %arg11[%mul3A_592, %dma_wait3A_781] : memref<10240x32xf32, #tpu.memory_space<vmem_shared>> -> memref<640x32xf32, #tpu.memory_space<vmem_shared>>
      %dma_wait3A_783 = arith.constant 0 : i32
      %dma_wait3A_784 = tpu.memref_slice %arg11[%mul3A_592, %dma_wait3A_783] : memref<10240x32xf32, #tpu.memory_space<vmem_shared>> -> memref<640x32xf32, #tpu.memory_space<vmem_shared>>
      tpu.wait_dma2 semaphore(%run_scoped3A : memref<!tpu.dma_semaphore, #tpu.memory_space<semaphore_mem>>) src(%arg10 : memref<640x32xf32, #tpu.memory_space<vmem>>) dst(%dma_wait3A_784 : memref<640x32xf32, #tpu.memory_space<vmem_shared>>)
      tpu.yield
    }) : () -> ()
    %scan3A_593 = arith.constant 0 : i32
    %scan3A_594 = arith.constant 0 : i32
    %scan3A_595 = arith.constant 128 : i32
    %scan3A_596 = arith.addi %scan3A_594, %scan3A_595 : i32
    %scan3A_597 = arith.constant 1 : i32
    scf.for %scan3A_777 = %scan3A_594 to %scan3A_596 step %scan3A_597  : i32 {
      %broadcast_in_dim3A = arith.constant 0.000000e+00 : f32
      %broadcast_in_dim3A_778 = vector.broadcast %broadcast_in_dim3A : f32 to vector<16xf32>
      %swap3A = arith.index_cast %scan3A_777 : i32 to index
      %swap3A_779 = arith.constant 0 : index
      %swap3A_780 = tpu.vector_load %arg9[%swap3A, %swap3A_779] {strides = array<i32>} : memref<128x32xf32, #tpu.memory_space<vmem>>, vector<1x16xf32>,
      %swap3A_781 = vector.shape_cast %swap3A_780 : vector<1x16xf32> to vector<16xf32>
      %swap3A_782 = vector.shape_cast %broadcast_in_dim3A_778 : vector<16xf32> to vector<1x16xf32>
      tpu.vector_store %arg9[%swap3A, %swap3A_779], %swap3A_782 {strides = array<i32>} : memref<128x32xf32, #tpu.memory_space<vmem>>, vector<1x16xf32>,
      %broadcast_in_dim3A_783 = arith.constant 0.000000e+00 : f32
      %broadcast_in_dim3A_784 = vector.broadcast %broadcast_in_dim3A_783 : f32 to vector<16xf32>
      %swap3A_785 = arith.index_cast %scan3A_777 : i32 to index
      %swap3A_786 = arith.constant 16 : index
      %swap3A_787 = tpu.vector_load %arg9[%swap3A_785, %swap3A_786] {strides = array<i32>} : memref<128x32xf32, #tpu.memory_space<vmem>>, vector<1x16xf32>,
      %swap3A_788 = vector.shape_cast %swap3A_787 : vector<1x16xf32> to vector<16xf32>
      %swap3A_789 = vector.shape_cast %broadcast_in_dim3A_784 : vector<16xf32> to vector<1x16xf32>
      tpu.vector_store %arg9[%swap3A_785, %swap3A_786], %swap3A_789 {strides = array<i32>} : memref<128x32xf32, #tpu.memory_space<vmem>>, vector<1x16xf32>,
    }
    %scan3A_598 = arith.constant 128 : i32
    %mul3A_599 = arith.constant 640 : i32
    %mul3A_600 = arith.muli %arg1, %mul3A_599 : i32
    %add3A_601 = arith.constant 0 : i32
    %add3A_602 = arith.addi %mul3A_600, %add3A_601 : i32
    "tpu.region"() ({
      %run_scoped3A = tpu.sem_alloc : memref<!tpu.dma_semaphore, #tpu.memory_space<semaphore_mem>>
      %dma_start3A_777 = arith.constant 0 : i32
      %dma_start3A_778 = tpu.memref_slice %arg12[%add3A_602, %dma_start3A_777] : memref<10240x32xf32, #tpu.memory_space<vmem_shared>> -> memref<128x32xf32, #tpu.memory_space<vmem_shared>>
      %dma_start3A_779 = arith.constant 0 : i32
      %dma_start3A_780 = tpu.memref_slice %arg12[%add3A_602, %dma_start3A_779] : memref<10240x32xf32, #tpu.memory_space<vmem_shared>> -> memref<128x32xf32, #tpu.memory_space<vmem_shared>>
      tpu.enqueue_dma source(%arg9 : memref<128x32xf32, #tpu.memory_space<vmem>>) target(%dma_start3A_780 : memref<128x32xf32, #tpu.memory_space<vmem_shared>>) target_semaphore(%run_scoped3A : memref<!tpu.dma_semaphore, #tpu.memory_space<semaphore_mem>>)
      %dma_wait3A_781 = arith.constant 0 : i32
      %dma_wait3A_782 = tpu.memref_slice %arg12[%add3A_602, %dma_wait3A_781] : memref<10240x32xf32, #tpu.memory_space<vmem_shared>> -> memref<128x32xf32, #tpu.memory_space<vmem_shared>>
      %dma_wait3A_783 = arith.constant 0 : i32
      %dma_wait3A_784 = tpu.memref_slice %arg12[%add3A_602, %dma_wait3A_783] : memref<10240x32xf32, #tpu.memory_space<vmem_shared>> -> memref<128x32xf32, #tpu.memory_space<vmem_shared>>
      tpu.wait_dma2 semaphore(%run_scoped3A : memref<!tpu.dma_semaphore, #tpu.memory_space<semaphore_mem>>) src(%arg9 : memref<128x32xf32, #tpu.memory_space<vmem>>) dst(%dma_wait3A_784 : memref<128x32xf32, #tpu.memory_space<vmem_shared>>)
      tpu.yield
    }) : () -> ()
    %mul3A_603 = arith.constant 640 : i32
    %mul3A_604 = arith.muli %arg1, %mul3A_603 : i32
    %add3A_605 = arith.constant 128 : i32
    %add3A_606 = arith.addi %mul3A_604, %add3A_605 : i32
    "tpu.region"() ({
      %run_scoped3A = tpu.sem_alloc : memref<!tpu.dma_semaphore, #tpu.memory_space<semaphore_mem>>
      %dma_start3A_777 = arith.constant 0 : i32
      %dma_start3A_778 = tpu.memref_slice %arg12[%add3A_606, %dma_start3A_777] : memref<10240x32xf32, #tpu.memory_space<vmem_shared>> -> memref<128x32xf32, #tpu.memory_space<vmem_shared>>
      %dma_start3A_779 = arith.constant 0 : i32
      %dma_start3A_780 = tpu.memref_slice %arg12[%add3A_606, %dma_start3A_779] : memref<10240x32xf32, #tpu.memory_space<vmem_shared>> -> memref<128x32xf32, #tpu.memory_space<vmem_shared>>
      tpu.enqueue_dma source(%arg9 : memref<128x32xf32, #tpu.memory_space<vmem>>) target(%dma_start3A_780 : memref<128x32xf32, #tpu.memory_space<vmem_shared>>) target_semaphore(%run_scoped3A : memref<!tpu.dma_semaphore, #tpu.memory_space<semaphore_mem>>)
      %dma_wait3A_781 = arith.constant 0 : i32
      %dma_wait3A_782 = tpu.memref_slice %arg12[%add3A_606, %dma_wait3A_781] : memref<10240x32xf32, #tpu.memory_space<vmem_shared>> -> memref<128x32xf32, #tpu.memory_space<vmem_shared>>
      %dma_wait3A_783 = arith.constant 0 : i32
      %dma_wait3A_784 = tpu.memref_slice %arg12[%add3A_606, %dma_wait3A_783] : memref<10240x32xf32, #tpu.memory_space<vmem_shared>> -> memref<128x32xf32, #tpu.memory_space<vmem_shared>>
      tpu.wait_dma2 semaphore(%run_scoped3A : memref<!tpu.dma_semaphore, #tpu.memory_space<semaphore_mem>>) src(%arg9 : memref<128x32xf32, #tpu.memory_space<vmem>>) dst(%dma_wait3A_784 : memref<128x32xf32, #tpu.memory_space<vmem_shared>>)
      tpu.yield
    }) : () -> ()
    %mul3A_607 = arith.constant 640 : i32
    %mul3A_608 = arith.muli %arg1, %mul3A_607 : i32
    %add3A_609 = arith.constant 256 : i32
    %add3A_610 = arith.addi %mul3A_608, %add3A_609 : i32
    "tpu.region"() ({
      %run_scoped3A = tpu.sem_alloc : memref<!tpu.dma_semaphore, #tpu.memory_space<semaphore_mem>>
      %dma_start3A_777 = arith.constant 0 : i32
      %dma_start3A_778 = tpu.memref_slice %arg12[%add3A_610, %dma_start3A_777] : memref<10240x32xf32, #tpu.memory_space<vmem_shared>> -> memref<128x32xf32, #tpu.memory_space<vmem_shared>>
      %dma_start3A_779 = arith.constant 0 : i32
      %dma_start3A_780 = tpu.memref_slice %arg12[%add3A_610, %dma_start3A_779] : memref<10240x32xf32, #tpu.memory_space<vmem_shared>> -> memref<128x32xf32, #tpu.memory_space<vmem_shared>>
      tpu.enqueue_dma source(%arg9 : memref<128x32xf32, #tpu.memory_space<vmem>>) target(%dma_start3A_780 : memref<128x32xf32, #tpu.memory_space<vmem_shared>>) target_semaphore(%run_scoped3A : memref<!tpu.dma_semaphore, #tpu.memory_space<semaphore_mem>>)
      %dma_wait3A_781 = arith.constant 0 : i32
      %dma_wait3A_782 = tpu.memref_slice %arg12[%add3A_610, %dma_wait3A_781] : memref<10240x32xf32, #tpu.memory_space<vmem_shared>> -> memref<128x32xf32, #tpu.memory_space<vmem_shared>>
      %dma_wait3A_783 = arith.constant 0 : i32
      %dma_wait3A_784 = tpu.memref_slice %arg12[%add3A_610, %dma_wait3A_783] : memref<10240x32xf32, #tpu.memory_space<vmem_shared>> -> memref<128x32xf32, #tpu.memory_space<vmem_shared>>
      tpu.wait_dma2 semaphore(%run_scoped3A : memref<!tpu.dma_semaphore, #tpu.memory_space<semaphore_mem>>) src(%arg9 : memref<128x32xf32, #tpu.memory_space<vmem>>) dst(%dma_wait3A_784 : memref<128x32xf32, #tpu.memory_space<vmem_shared>>)
      tpu.yield
    }) : () -> ()
    %mul3A_611 = arith.constant 640 : i32
    %mul3A_612 = arith.muli %arg1, %mul3A_611 : i32
    %add3A_613 = arith.constant 384 : i32
    %add3A_614 = arith.addi %mul3A_612, %add3A_613 : i32
    "tpu.region"() ({
      %run_scoped3A = tpu.sem_alloc : memref<!tpu.dma_semaphore, #tpu.memory_space<semaphore_mem>>
      %dma_start3A_777 = arith.constant 0 : i32
      %dma_start3A_778 = tpu.memref_slice %arg12[%add3A_614, %dma_start3A_777] : memref<10240x32xf32, #tpu.memory_space<vmem_shared>> -> memref<128x32xf32, #tpu.memory_space<vmem_shared>>
      %dma_start3A_779 = arith.constant 0 : i32
      %dma_start3A_780 = tpu.memref_slice %arg12[%add3A_614, %dma_start3A_779] : memref<10240x32xf32, #tpu.memory_space<vmem_shared>> -> memref<128x32xf32, #tpu.memory_space<vmem_shared>>
      tpu.enqueue_dma source(%arg9 : memref<128x32xf32, #tpu.memory_space<vmem>>) target(%dma_start3A_780 : memref<128x32xf32, #tpu.memory_space<vmem_shared>>) target_semaphore(%run_scoped3A : memref<!tpu.dma_semaphore, #tpu.memory_space<semaphore_mem>>)
      %dma_wait3A_781 = arith.constant 0 : i32
      %dma_wait3A_782 = tpu.memref_slice %arg12[%add3A_614, %dma_wait3A_781] : memref<10240x32xf32, #tpu.memory_space<vmem_shared>> -> memref<128x32xf32, #tpu.memory_space<vmem_shared>>
      %dma_wait3A_783 = arith.constant 0 : i32
      %dma_wait3A_784 = tpu.memref_slice %arg12[%add3A_614, %dma_wait3A_783] : memref<10240x32xf32, #tpu.memory_space<vmem_shared>> -> memref<128x32xf32, #tpu.memory_space<vmem_shared>>
      tpu.wait_dma2 semaphore(%run_scoped3A : memref<!tpu.dma_semaphore, #tpu.memory_space<semaphore_mem>>) src(%arg9 : memref<128x32xf32, #tpu.memory_space<vmem>>) dst(%dma_wait3A_784 : memref<128x32xf32, #tpu.memory_space<vmem_shared>>)
      tpu.yield
    }) : () -> ()
    %mul3A_615 = arith.constant 640 : i32
    %mul3A_616 = arith.muli %arg1, %mul3A_615 : i32
    %add3A_617 = arith.constant 512 : i32
    %add3A_618 = arith.addi %mul3A_616, %add3A_617 : i32
    "tpu.region"() ({
      %run_scoped3A = tpu.sem_alloc : memref<!tpu.dma_semaphore, #tpu.memory_space<semaphore_mem>>
      %dma_start3A_777 = arith.constant 0 : i32
      %dma_start3A_778 = tpu.memref_slice %arg12[%add3A_618, %dma_start3A_777] : memref<10240x32xf32, #tpu.memory_space<vmem_shared>> -> memref<128x32xf32, #tpu.memory_space<vmem_shared>>
      %dma_start3A_779 = arith.constant 0 : i32
      %dma_start3A_780 = tpu.memref_slice %arg12[%add3A_618, %dma_start3A_779] : memref<10240x32xf32, #tpu.memory_space<vmem_shared>> -> memref<128x32xf32, #tpu.memory_space<vmem_shared>>
      tpu.enqueue_dma source(%arg9 : memref<128x32xf32, #tpu.memory_space<vmem>>) target(%dma_start3A_780 : memref<128x32xf32, #tpu.memory_space<vmem_shared>>) target_semaphore(%run_scoped3A : memref<!tpu.dma_semaphore, #tpu.memory_space<semaphore_mem>>)
      %dma_wait3A_781 = arith.constant 0 : i32
      %dma_wait3A_782 = tpu.memref_slice %arg12[%add3A_618, %dma_wait3A_781] : memref<10240x32xf32, #tpu.memory_space<vmem_shared>> -> memref<128x32xf32, #tpu.memory_space<vmem_shared>>
      %dma_wait3A_783 = arith.constant 0 : i32
      %dma_wait3A_784 = tpu.memref_slice %arg12[%add3A_618, %dma_wait3A_783] : memref<10240x32xf32, #tpu.memory_space<vmem_shared>> -> memref<128x32xf32, #tpu.memory_space<vmem_shared>>
      tpu.wait_dma2 semaphore(%run_scoped3A : memref<!tpu.dma_semaphore, #tpu.memory_space<semaphore_mem>>) src(%arg9 : memref<128x32xf32, #tpu.memory_space<vmem>>) dst(%dma_wait3A_784 : memref<128x32xf32, #tpu.memory_space<vmem_shared>>)
      tpu.yield
    }) : () -> ()
    %barrier3A_619 = arith.constant 0 : index
    tpu.barrier barrier_id(%barrier3A_619)
    %dma_start3A_620 = arith.constant 0 : i32
    %dma_start3A_621 = arith.constant 0 : i32
    %dma_start3A_622 = arith.constant 0 : i32
    %dma_start3A_623 = arith.constant 0 : i32
    %dma_start3A_624 = arith.constant 0 : i32
    %dma_start3A_625 = tpu.memref_slice %arg8[%dma_start3A_621, %dma_start3A_623, %dma_start3A_624] : memref<8x128x32xf32, #tpu.memory_space<vmem>> -> memref<1x128x32xf32, #tpu.memory_space<vmem>>
    %dma_start3A_626 = tpu.memref_squeeze %dma_start3A_625 : memref<1x128x32xf32, #tpu.memory_space<vmem>> -> memref<128x32xf32, #tpu.memory_space<vmem>>
    %dma_start3A_627 = arith.constant 0 : i32
    %dma_start3A_628 = tpu.memref_slice %arg6[%dma_start3A_620, %dma_start3A_627] : memref<80x128xi32, #tpu.memory_space<vmem>> -> memref<1x128xi32, #tpu.memory_space<vmem>>
    %dma_start3A_629 = tpu.memref_squeeze %dma_start3A_628 : memref<1x128xi32, #tpu.memory_space<vmem>> -> memref<128xi32, #tpu.memory_space<vmem>>
    %dma_start3A_630 = arith.constant 0 : i32
    %dma_start3A_631 = arith.constant 0 : i32
    %dma_start3A_632 = tpu.memref_slice %arg11[%dma_start3A_630, %dma_start3A_631] : memref<10240x32xf32, #tpu.memory_space<vmem_shared>> -> memref<10240x32xf32, #tpu.memory_space<vmem_shared>>
    %dma_start3A_633 = tpu.memref_slice %arg13[%dma_start3A_622] : memref<8x!tpu.dma_semaphore, #tpu.memory_space<semaphore_mem>> -> memref<1x!tpu.dma_semaphore, #tpu.memory_space<semaphore_mem>>
    %dma_start3A_634 = tpu.memref_squeeze %dma_start3A_633 : memref<1x!tpu.dma_semaphore, #tpu.memory_space<semaphore_mem>> -> memref<!tpu.dma_semaphore, #tpu.memory_space<semaphore_mem>>
    tpu.enqueue_indirect_dma source(%dma_start3A_632 : memref<10240x32xf32, #tpu.memory_space<vmem_shared>>) target(%dma_start3A_626 : memref<128x32xf32, #tpu.memory_space<vmem>>) offsets(%dma_start3A_629 : memref<128xi32, #tpu.memory_space<vmem>>) semaphore(%dma_start3A_634 : memref<!tpu.dma_semaphore, #tpu.memory_space<semaphore_mem>>)
    %dma_start3A_635 = arith.constant 1 : i32
    %dma_start3A_636 = arith.constant 1 : i32
    %dma_start3A_637 = arith.constant 1 : i32
    %dma_start3A_638 = arith.constant 0 : i32
    %dma_start3A_639 = arith.constant 0 : i32
    %dma_start3A_640 = tpu.memref_slice %arg8[%dma_start3A_636, %dma_start3A_638, %dma_start3A_639] : memref<8x128x32xf32, #tpu.memory_space<vmem>> -> memref<1x128x32xf32, #tpu.memory_space<vmem>>
    %dma_start3A_641 = tpu.memref_squeeze %dma_start3A_640 : memref<1x128x32xf32, #tpu.memory_space<vmem>> -> memref<128x32xf32, #tpu.memory_space<vmem>>
    %dma_start3A_642 = arith.constant 0 : i32
    %dma_start3A_643 = tpu.memref_slice %arg6[%dma_start3A_635, %dma_start3A_642] : memref<80x128xi32, #tpu.memory_space<vmem>> -> memref<1x128xi32, #tpu.memory_space<vmem>>
    %dma_start3A_644 = tpu.memref_squeeze %dma_start3A_643 : memref<1x128xi32, #tpu.memory_space<vmem>> -> memref<128xi32, #tpu.memory_space<vmem>>
    %dma_start3A_645 = arith.constant 0 : i32
    %dma_start3A_646 = arith.constant 0 : i32
    %dma_start3A_647 = tpu.memref_slice %arg11[%dma_start3A_645, %dma_start3A_646] : memref<10240x32xf32, #tpu.memory_space<vmem_shared>> -> memref<10240x32xf32, #tpu.memory_space<vmem_shared>>
    %dma_start3A_648 = tpu.memref_slice %arg13[%dma_start3A_637] : memref<8x!tpu.dma_semaphore, #tpu.memory_space<semaphore_mem>> -> memref<1x!tpu.dma_semaphore, #tpu.memory_space<semaphore_mem>>
    %dma_start3A_649 = tpu.memref_squeeze %dma_start3A_648 : memref<1x!tpu.dma_semaphore, #tpu.memory_space<semaphore_mem>> -> memref<!tpu.dma_semaphore, #tpu.memory_space<semaphore_mem>>
    tpu.enqueue_indirect_dma source(%dma_start3A_647 : memref<10240x32xf32, #tpu.memory_space<vmem_shared>>) target(%dma_start3A_641 : memref<128x32xf32, #tpu.memory_space<vmem>>) offsets(%dma_start3A_644 : memref<128xi32, #tpu.memory_space<vmem>>) semaphore(%dma_start3A_649 : memref<!tpu.dma_semaphore, #tpu.memory_space<semaphore_mem>>)
    %dma_start3A_650 = arith.constant 2 : i32
    %dma_start3A_651 = arith.constant 2 : i32
    %dma_start3A_652 = arith.constant 2 : i32
    %dma_start3A_653 = arith.constant 0 : i32
    %dma_start3A_654 = arith.constant 0 : i32
    %dma_start3A_655 = tpu.memref_slice %arg8[%dma_start3A_651, %dma_start3A_653, %dma_start3A_654] : memref<8x128x32xf32, #tpu.memory_space<vmem>> -> memref<1x128x32xf32, #tpu.memory_space<vmem>>
    %dma_start3A_656 = tpu.memref_squeeze %dma_start3A_655 : memref<1x128x32xf32, #tpu.memory_space<vmem>> -> memref<128x32xf32, #tpu.memory_space<vmem>>
    %dma_start3A_657 = arith.constant 0 : i32
    %dma_start3A_658 = tpu.memref_slice %arg6[%dma_start3A_650, %dma_start3A_657] : memref<80x128xi32, #tpu.memory_space<vmem>> -> memref<1x128xi32, #tpu.memory_space<vmem>>
    %dma_start3A_659 = tpu.memref_squeeze %dma_start3A_658 : memref<1x128xi32, #tpu.memory_space<vmem>> -> memref<128xi32, #tpu.memory_space<vmem>>
    %dma_start3A_660 = arith.constant 0 : i32
    %dma_start3A_661 = arith.constant 0 : i32
    %dma_start3A_662 = tpu.memref_slice %arg11[%dma_start3A_660, %dma_start3A_661] : memref<10240x32xf32, #tpu.memory_space<vmem_shared>> -> memref<10240x32xf32, #tpu.memory_space<vmem_shared>>
    %dma_start3A_663 = tpu.memref_slice %arg13[%dma_start3A_652] : memref<8x!tpu.dma_semaphore, #tpu.memory_space<semaphore_mem>> -> memref<1x!tpu.dma_semaphore, #tpu.memory_space<semaphore_mem>>
    %dma_start3A_664 = tpu.memref_squeeze %dma_start3A_663 : memref<1x!tpu.dma_semaphore, #tpu.memory_space<semaphore_mem>> -> memref<!tpu.dma_semaphore, #tpu.memory_space<semaphore_mem>>
    tpu.enqueue_indirect_dma source(%dma_start3A_662 : memref<10240x32xf32, #tpu.memory_space<vmem_shared>>) target(%dma_start3A_656 : memref<128x32xf32, #tpu.memory_space<vmem>>) offsets(%dma_start3A_659 : memref<128xi32, #tpu.memory_space<vmem>>) semaphore(%dma_start3A_664 : memref<!tpu.dma_semaphore, #tpu.memory_space<semaphore_mem>>)
    %dma_start3A_665 = arith.constant 3 : i32
    %dma_start3A_666 = arith.constant 3 : i32
    %dma_start3A_667 = arith.constant 3 : i32
    %dma_start3A_668 = arith.constant 0 : i32
    %dma_start3A_669 = arith.constant 0 : i32
    %dma_start3A_670 = tpu.memref_slice %arg8[%dma_start3A_666, %dma_start3A_668, %dma_start3A_669] : memref<8x128x32xf32, #tpu.memory_space<vmem>> -> memref<1x128x32xf32, #tpu.memory_space<vmem>>
    %dma_start3A_671 = tpu.memref_squeeze %dma_start3A_670 : memref<1x128x32xf32, #tpu.memory_space<vmem>> -> memref<128x32xf32, #tpu.memory_space<vmem>>
    %dma_start3A_672 = arith.constant 0 : i32
    %dma_start3A_673 = tpu.memref_slice %arg6[%dma_start3A_665, %dma_start3A_672] : memref<80x128xi32, #tpu.memory_space<vmem>> -> memref<1x128xi32, #tpu.memory_space<vmem>>
    %dma_start3A_674 = tpu.memref_squeeze %dma_start3A_673 : memref<1x128xi32, #tpu.memory_space<vmem>> -> memref<128xi32, #tpu.memory_space<vmem>>
    %dma_start3A_675 = arith.constant 0 : i32
    %dma_start3A_676 = arith.constant 0 : i32
    %dma_start3A_677 = tpu.memref_slice %arg11[%dma_start3A_675, %dma_start3A_676] : memref<10240x32xf32, #tpu.memory_space<vmem_shared>> -> memref<10240x32xf32, #tpu.memory_space<vmem_shared>>
    %dma_start3A_678 = tpu.memref_slice %arg13[%dma_start3A_667] : memref<8x!tpu.dma_semaphore, #tpu.memory_space<semaphore_mem>> -> memref<1x!tpu.dma_semaphore, #tpu.memory_space<semaphore_mem>>
    %dma_start3A_679 = tpu.memref_squeeze %dma_start3A_678 : memref<1x!tpu.dma_semaphore, #tpu.memory_space<semaphore_mem>> -> memref<!tpu.dma_semaphore, #tpu.memory_space<semaphore_mem>>
    tpu.enqueue_indirect_dma source(%dma_start3A_677 : memref<10240x32xf32, #tpu.memory_space<vmem_shared>>) target(%dma_start3A_671 : memref<128x32xf32, #tpu.memory_space<vmem>>) offsets(%dma_start3A_674 : memref<128xi32, #tpu.memory_space<vmem>>) semaphore(%dma_start3A_679 : memref<!tpu.dma_semaphore, #tpu.memory_space<semaphore_mem>>)
    %dma_start3A_680 = arith.constant 4 : i32
    %dma_start3A_681 = arith.constant 4 : i32
    %dma_start3A_682 = arith.constant 4 : i32
    %dma_start3A_683 = arith.constant 0 : i32
    %dma_start3A_684 = arith.constant 0 : i32
    %dma_start3A_685 = tpu.memref_slice %arg8[%dma_start3A_681, %dma_start3A_683, %dma_start3A_684] : memref<8x128x32xf32, #tpu.memory_space<vmem>> -> memref<1x128x32xf32, #tpu.memory_space<vmem>>
    %dma_start3A_686 = tpu.memref_squeeze %dma_start3A_685 : memref<1x128x32xf32, #tpu.memory_space<vmem>> -> memref<128x32xf32, #tpu.memory_space<vmem>>
    %dma_start3A_687 = arith.constant 0 : i32
    %dma_start3A_688 = tpu.memref_slice %arg6[%dma_start3A_680, %dma_start3A_687] : memref<80x128xi32, #tpu.memory_space<vmem>> -> memref<1x128xi32, #tpu.memory_space<vmem>>
    %dma_start3A_689 = tpu.memref_squeeze %dma_start3A_688 : memref<1x128xi32, #tpu.memory_space<vmem>> -> memref<128xi32, #tpu.memory_space<vmem>>
    %dma_start3A_690 = arith.constant 0 : i32
    %dma_start3A_691 = arith.constant 0 : i32
    %dma_start3A_692 = tpu.memref_slice %arg11[%dma_start3A_690, %dma_start3A_691] : memref<10240x32xf32, #tpu.memory_space<vmem_shared>> -> memref<10240x32xf32, #tpu.memory_space<vmem_shared>>
    %dma_start3A_693 = tpu.memref_slice %arg13[%dma_start3A_682] : memref<8x!tpu.dma_semaphore, #tpu.memory_space<semaphore_mem>> -> memref<1x!tpu.dma_semaphore, #tpu.memory_space<semaphore_mem>>
    %dma_start3A_694 = tpu.memref_squeeze %dma_start3A_693 : memref<1x!tpu.dma_semaphore, #tpu.memory_space<semaphore_mem>> -> memref<!tpu.dma_semaphore, #tpu.memory_space<semaphore_mem>>
    tpu.enqueue_indirect_dma source(%dma_start3A_692 : memref<10240x32xf32, #tpu.memory_space<vmem_shared>>) target(%dma_start3A_686 : memref<128x32xf32, #tpu.memory_space<vmem>>) offsets(%dma_start3A_689 : memref<128xi32, #tpu.memory_space<vmem>>) semaphore(%dma_start3A_694 : memref<!tpu.dma_semaphore, #tpu.memory_space<semaphore_mem>>)
    %dma_start3A_695 = arith.constant 5 : i32
    %dma_start3A_696 = arith.constant 5 : i32
    %dma_start3A_697 = arith.constant 5 : i32
    %dma_start3A_698 = arith.constant 0 : i32
    %dma_start3A_699 = arith.constant 0 : i32
    %dma_start3A_700 = tpu.memref_slice %arg8[%dma_start3A_696, %dma_start3A_698, %dma_start3A_699] : memref<8x128x32xf32, #tpu.memory_space<vmem>> -> memref<1x128x32xf32, #tpu.memory_space<vmem>>
    %dma_start3A_701 = tpu.memref_squeeze %dma_start3A_700 : memref<1x128x32xf32, #tpu.memory_space<vmem>> -> memref<128x32xf32, #tpu.memory_space<vmem>>
    %dma_start3A_702 = arith.constant 0 : i32
    %dma_start3A_703 = tpu.memref_slice %arg6[%dma_start3A_695, %dma_start3A_702] : memref<80x128xi32, #tpu.memory_space<vmem>> -> memref<1x128xi32, #tpu.memory_space<vmem>>
    %dma_start3A_704 = tpu.memref_squeeze %dma_start3A_703 : memref<1x128xi32, #tpu.memory_space<vmem>> -> memref<128xi32, #tpu.memory_space<vmem>>
    %dma_start3A_705 = arith.constant 0 : i32
    %dma_start3A_706 = arith.constant 0 : i32
    %dma_start3A_707 = tpu.memref_slice %arg11[%dma_start3A_705, %dma_start3A_706] : memref<10240x32xf32, #tpu.memory_space<vmem_shared>> -> memref<10240x32xf32, #tpu.memory_space<vmem_shared>>
    %dma_start3A_708 = tpu.memref_slice %arg13[%dma_start3A_697] : memref<8x!tpu.dma_semaphore, #tpu.memory_space<semaphore_mem>> -> memref<1x!tpu.dma_semaphore, #tpu.memory_space<semaphore_mem>>
    %dma_start3A_709 = tpu.memref_squeeze %dma_start3A_708 : memref<1x!tpu.dma_semaphore, #tpu.memory_space<semaphore_mem>> -> memref<!tpu.dma_semaphore, #tpu.memory_space<semaphore_mem>>
    tpu.enqueue_indirect_dma source(%dma_start3A_707 : memref<10240x32xf32, #tpu.memory_space<vmem_shared>>) target(%dma_start3A_701 : memref<128x32xf32, #tpu.memory_space<vmem>>) offsets(%dma_start3A_704 : memref<128xi32, #tpu.memory_space<vmem>>) semaphore(%dma_start3A_709 : memref<!tpu.dma_semaphore, #tpu.memory_space<semaphore_mem>>)
    %scan3A_710 = arith.constant 0 : i32
    %scan3A_711 = arith.constant 0 : i32
    %scan3A_712 = arith.constant 80 : i32
    %scan3A_713 = arith.addi %scan3A_711, %scan3A_712 : i32
    %scan3A_714 = arith.constant 1 : i32
    scf.for %scan3A_777 = %scan3A_711 to %scan3A_713 step %scan3A_714  : i32 {
      %jit3A = arith.constant 8 : i32
      %eq3A = arith.constant 0 : i32
      %eq3A_778 = arith.cmpi eq, %jit3A, %eq3A : i32
      %jit3A_779 = arith.constant 1 : i32
      %select_n3A = arith.select %eq3A_778, %jit3A_779, %jit3A : i32
      %rem3A = arith.remsi %scan3A_777, %select_n3A : i32
      %ne3A = arith.constant 0 : i32
      %ne3A_780 = arith.cmpi ne, %rem3A, %ne3A : i32
      %lt3A = arith.constant 0 : i32
      %lt3A_781 = arith.cmpi slt, %rem3A, %lt3A : i32
      %lt3A_782 = arith.constant 0 : i32
      %lt3A_783 = arith.cmpi slt, %select_n3A, %lt3A_782 : i32
      %ne3A_784 = arith.xori %lt3A_781, %lt3A_783 : i1
      %and3A = arith.andi %ne3A_784, %ne3A_780 : i1
      %add3A_785 = arith.addi %rem3A, %select_n3A : i32
      %select_n3A_786 = arith.select %and3A, %add3A_785, %rem3A : i32
      %dma_wait3A_787 = arith.constant 0 : i32
      %dma_wait3A_788 = arith.constant 0 : i32
      %dma_wait3A_789 = tpu.memref_slice %arg8[%select_n3A_786, %dma_wait3A_787, %dma_wait3A_788] : memref<8x128x32xf32, #tpu.memory_space<vmem>> -> memref<1x128x32xf32, #tpu.memory_space<vmem>>
      %dma_wait3A_790 = tpu.memref_squeeze %dma_wait3A_789 : memref<1x128x32xf32, #tpu.memory_space<vmem>> -> memref<128x32xf32, #tpu.memory_space<vmem>>
      %dma_wait3A_791 = arith.constant 0 : i32
      %dma_wait3A_792 = tpu.memref_slice %arg6[%scan3A_777, %dma_wait3A_791] : memref<80x128xi32, #tpu.memory_space<vmem>> -> memref<1x128xi32, #tpu.memory_space<vmem>>
      %dma_wait3A_793 = tpu.memref_squeeze %dma_wait3A_792 : memref<1x128xi32, #tpu.memory_space<vmem>> -> memref<128xi32, #tpu.memory_space<vmem>>
      %dma_wait3A_794 = arith.constant 0 : i32
      %dma_wait3A_795 = arith.constant 0 : i32
      %dma_wait3A_796 = tpu.memref_slice %arg11[%dma_wait3A_794, %dma_wait3A_795] : memref<10240x32xf32, #tpu.memory_space<vmem_shared>> -> memref<10240x32xf32, #tpu.memory_space<vmem_shared>>
      %dma_wait3A_797 = tpu.memref_slice %arg13[%select_n3A_786] : memref<8x!tpu.dma_semaphore, #tpu.memory_space<semaphore_mem>> -> memref<1x!tpu.dma_semaphore, #tpu.memory_space<semaphore_mem>>
      %dma_wait3A_798 = tpu.memref_squeeze %dma_wait3A_797 : memref<1x!tpu.dma_semaphore, #tpu.memory_space<semaphore_mem>> -> memref<!tpu.dma_semaphore, #tpu.memory_space<semaphore_mem>>
      tpu.wait_indirect_dma semaphore(%dma_wait3A_798 : memref<!tpu.dma_semaphore, #tpu.memory_space<semaphore_mem>>) src(%dma_wait3A_796 : memref<10240x32xf32, #tpu.memory_space<vmem_shared>>) dst(%dma_wait3A_790 : memref<128x32xf32, #tpu.memory_space<vmem>>)
      %dma_start3A_799 = arith.constant 0 : i32
      %dma_start3A_800 = arith.constant 0 : i32
      %dma_start3A_801 = tpu.memref_slice %arg8[%select_n3A_786, %dma_start3A_799, %dma_start3A_800] : memref<8x128x32xf32, #tpu.memory_space<vmem>> -> memref<1x128x32xf32, #tpu.memory_space<vmem>>
      %dma_start3A_802 = tpu.memref_squeeze %dma_start3A_801 : memref<1x128x32xf32, #tpu.memory_space<vmem>> -> memref<128x32xf32, #tpu.memory_space<vmem>>
      %dma_start3A_803 = arith.constant 0 : i32
      %dma_start3A_804 = tpu.memref_slice %arg7[%scan3A_777, %dma_start3A_803] : memref<80x128xi32, #tpu.memory_space<vmem>> -> memref<1x128xi32, #tpu.memory_space<vmem>>
      %dma_start3A_805 = tpu.memref_squeeze %dma_start3A_804 : memref<1x128xi32, #tpu.memory_space<vmem>> -> memref<128xi32, #tpu.memory_space<vmem>>
      %dma_start3A_806 = arith.constant 0 : i32
      %dma_start3A_807 = arith.constant 0 : i32
      %dma_start3A_808 = tpu.memref_slice %arg12[%dma_start3A_806, %dma_start3A_807] : memref<10240x32xf32, #tpu.memory_space<vmem_shared>> -> memref<10240x32xf32, #tpu.memory_space<vmem_shared>>
      %dma_start3A_809 = tpu.memref_slice %arg14[%select_n3A_786] : memref<8x!tpu.dma_semaphore, #tpu.memory_space<semaphore_mem>> -> memref<1x!tpu.dma_semaphore, #tpu.memory_space<semaphore_mem>>
      %dma_start3A_810 = tpu.memref_squeeze %dma_start3A_809 : memref<1x!tpu.dma_semaphore, #tpu.memory_space<semaphore_mem>> -> memref<!tpu.dma_semaphore, #tpu.memory_space<semaphore_mem>>
      tpu.enqueue_indirect_dma source(%dma_start3A_802 : memref<128x32xf32, #tpu.memory_space<vmem>>) target(%dma_start3A_808 : memref<10240x32xf32, #tpu.memory_space<vmem_shared>>) offsets(%dma_start3A_805 : memref<128xi32, #tpu.memory_space<vmem>>) semaphore(%dma_start3A_810 : memref<!tpu.dma_semaphore, #tpu.memory_space<semaphore_mem>>) {add = true}
      %ge3A = arith.constant 2 : i32
      %ge3A_811 = arith.cmpi sge, %scan3A_777, %ge3A : i32
      %convert_element_type3A = arith.extui %ge3A_811 : i1 to i32
      %cond3A = arith.constant 0 : i32
      %cond3A_812 = arith.cmpi ne, %convert_element_type3A, %cond3A : i32
      scf.if %cond3A_812 {
        %sub3A = arith.constant 2 : i32
        %sub3A_820 = arith.subi %scan3A_777, %sub3A : i32
        %sub3A_821 = arith.constant 2 : i32
        %sub3A_822 = arith.subi %scan3A_777, %sub3A_821 : i32
        %jit3A_823 = arith.constant 8 : i32
        %eq3A_824 = arith.constant 0 : i32
        %eq3A_825 = arith.cmpi eq, %jit3A_823, %eq3A_824 : i32
        %jit3A_826 = arith.constant 1 : i32
        %select_n3A_827 = arith.select %eq3A_825, %jit3A_826, %jit3A_823 : i32
        %rem3A_828 = arith.remsi %sub3A_822, %select_n3A_827 : i32
        %ne3A_829 = arith.constant 0 : i32
        %ne3A_830 = arith.cmpi ne, %rem3A_828, %ne3A_829 : i32
        %lt3A_831 = arith.constant 0 : i32
        %lt3A_832 = arith.cmpi slt, %rem3A_828, %lt3A_831 : i32
        %lt3A_833 = arith.constant 0 : i32
        %lt3A_834 = arith.cmpi slt, %select_n3A_827, %lt3A_833 : i32
        %ne3A_835 = arith.xori %lt3A_832, %lt3A_834 : i1
        %and3A_836 = arith.andi %ne3A_835, %ne3A_830 : i1
        %add3A_837 = arith.addi %rem3A_828, %select_n3A_827 : i32
        %select_n3A_838 = arith.select %and3A_836, %add3A_837, %rem3A_828 : i32
        %dma_wait3A_839 = arith.constant 0 : i32
        %dma_wait3A_840 = arith.constant 0 : i32
        %dma_wait3A_841 = tpu.memref_slice %arg8[%select_n3A_838, %dma_wait3A_839, %dma_wait3A_840] : memref<8x128x32xf32, #tpu.memory_space<vmem>> -> memref<1x128x32xf32, #tpu.memory_space<vmem>>
        %dma_wait3A_842 = tpu.memref_squeeze %dma_wait3A_841 : memref<1x128x32xf32, #tpu.memory_space<vmem>> -> memref<128x32xf32, #tpu.memory_space<vmem>>
        %dma_wait3A_843 = arith.constant 0 : i32
        %dma_wait3A_844 = tpu.memref_slice %arg7[%sub3A_820, %dma_wait3A_843] : memref<80x128xi32, #tpu.memory_space<vmem>> -> memref<1x128xi32, #tpu.memory_space<vmem>>
        %dma_wait3A_845 = tpu.memref_squeeze %dma_wait3A_844 : memref<1x128xi32, #tpu.memory_space<vmem>> -> memref<128xi32, #tpu.memory_space<vmem>>
        %dma_wait3A_846 = arith.constant 0 : i32
        %dma_wait3A_847 = arith.constant 0 : i32
        %dma_wait3A_848 = tpu.memref_slice %arg12[%dma_wait3A_846, %dma_wait3A_847] : memref<10240x32xf32, #tpu.memory_space<vmem_shared>> -> memref<10240x32xf32, #tpu.memory_space<vmem_shared>>
        %dma_wait3A_849 = tpu.memref_slice %arg14[%select_n3A_838] : memref<8x!tpu.dma_semaphore, #tpu.memory_space<semaphore_mem>> -> memref<1x!tpu.dma_semaphore, #tpu.memory_space<semaphore_mem>>
        %dma_wait3A_850 = tpu.memref_squeeze %dma_wait3A_849 : memref<1x!tpu.dma_semaphore, #tpu.memory_space<semaphore_mem>> -> memref<!tpu.dma_semaphore, #tpu.memory_space<semaphore_mem>>
        tpu.wait_indirect_dma semaphore(%dma_wait3A_850 : memref<!tpu.dma_semaphore, #tpu.memory_space<semaphore_mem>>) src(%dma_wait3A_842 : memref<128x32xf32, #tpu.memory_space<vmem>>) dst(%dma_wait3A_848 : memref<10240x32xf32, #tpu.memory_space<vmem_shared>>)
      } else {
      }
      %add3A_813 = arith.constant 6 : i32
      %add3A_814 = arith.addi %scan3A_777, %add3A_813 : i32
      %lt3A_815 = arith.constant 80 : i32
      %lt3A_816 = arith.cmpi slt, %add3A_814, %lt3A_815 : i32
      %convert_element_type3A_817 = arith.extui %lt3A_816 : i1 to i32
      %cond3A_818 = arith.constant 0 : i32
      %cond3A_819 = arith.cmpi ne, %convert_element_type3A_817, %cond3A_818 : i32
      scf.if %cond3A_819 {
        %add3A_820 = arith.constant 6 : i32
        %add3A_821 = arith.addi %scan3A_777, %add3A_820 : i32
        %add3A_822 = arith.constant 6 : i32
        %add3A_823 = arith.addi %scan3A_777, %add3A_822 : i32
        %jit3A_824 = arith.constant 8 : i32
        %eq3A_825 = arith.constant 0 : i32
        %eq3A_826 = arith.cmpi eq, %jit3A_824, %eq3A_825 : i32
        %jit3A_827 = arith.constant 1 : i32
        %select_n3A_828 = arith.select %eq3A_826, %jit3A_827, %jit3A_824 : i32
        %rem3A_829 = arith.remsi %add3A_823, %select_n3A_828 : i32
        %ne3A_830 = arith.constant 0 : i32
        %ne3A_831 = arith.cmpi ne, %rem3A_829, %ne3A_830 : i32
        %lt3A_832 = arith.constant 0 : i32
        %lt3A_833 = arith.cmpi slt, %rem3A_829, %lt3A_832 : i32
        %lt3A_834 = arith.constant 0 : i32
        %lt3A_835 = arith.cmpi slt, %select_n3A_828, %lt3A_834 : i32
        %ne3A_836 = arith.xori %lt3A_833, %lt3A_835 : i1
        %and3A_837 = arith.andi %ne3A_836, %ne3A_831 : i1
        %add3A_838 = arith.addi %rem3A_829, %select_n3A_828 : i32
        %select_n3A_839 = arith.select %and3A_837, %add3A_838, %rem3A_829 : i32
        %dma_start3A_840 = arith.constant 0 : i32
        %dma_start3A_841 = arith.constant 0 : i32
        %dma_start3A_842 = tpu.memref_slice %arg8[%select_n3A_839, %dma_start3A_840, %dma_start3A_841] : memref<8x128x32xf32, #tpu.memory_space<vmem>> -> memref<1x128x32xf32, #tpu.memory_space<vmem>>
        %dma_start3A_843 = tpu.memref_squeeze %dma_start3A_842 : memref<1x128x32xf32, #tpu.memory_space<vmem>> -> memref<128x32xf32, #tpu.memory_space<vmem>>
        %dma_start3A_844 = arith.constant 0 : i32
        %dma_start3A_845 = tpu.memref_slice %arg6[%add3A_821, %dma_start3A_844] : memref<80x128xi32, #tpu.memory_space<vmem>> -> memref<1x128xi32, #tpu.memory_space<vmem>>
        %dma_start3A_846 = tpu.memref_squeeze %dma_start3A_845 : memref<1x128xi32, #tpu.memory_space<vmem>> -> memref<128xi32, #tpu.memory_space<vmem>>
        %dma_start3A_847 = arith.constant 0 : i32
        %dma_start3A_848 = arith.constant 0 : i32
        %dma_start3A_849 = tpu.memref_slice %arg11[%dma_start3A_847, %dma_start3A_848] : memref<10240x32xf32, #tpu.memory_space<vmem_shared>> -> memref<10240x32xf32, #tpu.memory_space<vmem_shared>>
        %dma_start3A_850 = tpu.memref_slice %arg13[%select_n3A_839] : memref<8x!tpu.dma_semaphore, #tpu.memory_space<semaphore_mem>> -> memref<1x!tpu.dma_semaphore, #tpu.memory_space<semaphore_mem>>
        %dma_start3A_851 = tpu.memref_squeeze %dma_start3A_850 : memref<1x!tpu.dma_semaphore, #tpu.memory_space<semaphore_mem>> -> memref<!tpu.dma_semaphore, #tpu.memory_space<semaphore_mem>>
        tpu.enqueue_indirect_dma source(%dma_start3A_849 : memref<10240x32xf32, #tpu.memory_space<vmem_shared>>) target(%dma_start3A_843 : memref<128x32xf32, #tpu.memory_space<vmem>>) offsets(%dma_start3A_846 : memref<128xi32, #tpu.memory_space<vmem>>) semaphore(%dma_start3A_851 : memref<!tpu.dma_semaphore, #tpu.memory_space<semaphore_mem>>)
      } else {
      }
    }
    %scan3A_715 = arith.constant 80 : i32
    %dma_wait3A_716 = arith.constant 6 : i32
    %dma_wait3A_717 = arith.constant 78 : i32
    %dma_wait3A_718 = arith.constant 6 : i32
    %dma_wait3A_719 = arith.constant 0 : i32
    %dma_wait3A_720 = arith.constant 0 : i32
    %dma_wait3A_721 = tpu.memref_slice %arg8[%dma_wait3A_716, %dma_wait3A_719, %dma_wait3A_720] : memref<8x128x32xf32, #tpu.memory_space<vmem>> -> memref<1x128x32xf32, #tpu.memory_space<vmem>>
    %dma_wait3A_722 = tpu.memref_squeeze %dma_wait3A_721 : memref<1x128x32xf32, #tpu.memory_space<vmem>> -> memref<128x32xf32, #tpu.memory_space<vmem>>
    %dma_wait3A_723 = arith.constant 0 : i32
    %dma_wait3A_724 = tpu.memref_slice %arg7[%dma_wait3A_717, %dma_wait3A_723] : memref<80x128xi32, #tpu.memory_space<vmem>> -> memref<1x128xi32, #tpu.memory_space<vmem>>
    %dma_wait3A_725 = tpu.memref_squeeze %dma_wait3A_724 : memref<1x128xi32, #tpu.memory_space<vmem>> -> memref<128xi32, #tpu.memory_space<vmem>>
    %dma_wait3A_726 = arith.constant 0 : i32
    %dma_wait3A_727 = arith.constant 0 : i32
    %dma_wait3A_728 = tpu.memref_slice %arg12[%dma_wait3A_726, %dma_wait3A_727] : memref<10240x32xf32, #tpu.memory_space<vmem_shared>> -> memref<10240x32xf32, #tpu.memory_space<vmem_shared>>
    %dma_wait3A_729 = tpu.memref_slice %arg14[%dma_wait3A_718] : memref<8x!tpu.dma_semaphore, #tpu.memory_space<semaphore_mem>> -> memref<1x!tpu.dma_semaphore, #tpu.memory_space<semaphore_mem>>
    %dma_wait3A_730 = tpu.memref_squeeze %dma_wait3A_729 : memref<1x!tpu.dma_semaphore, #tpu.memory_space<semaphore_mem>> -> memref<!tpu.dma_semaphore, #tpu.memory_space<semaphore_mem>>
    tpu.wait_indirect_dma semaphore(%dma_wait3A_730 : memref<!tpu.dma_semaphore, #tpu.memory_space<semaphore_mem>>) src(%dma_wait3A_722 : memref<128x32xf32, #tpu.memory_space<vmem>>) dst(%dma_wait3A_728 : memref<10240x32xf32, #tpu.memory_space<vmem_shared>>)
    %dma_wait3A_731 = arith.constant 7 : i32
    %dma_wait3A_732 = arith.constant 79 : i32
    %dma_wait3A_733 = arith.constant 7 : i32
    %dma_wait3A_734 = arith.constant 0 : i32
    %dma_wait3A_735 = arith.constant 0 : i32
    %dma_wait3A_736 = tpu.memref_slice %arg8[%dma_wait3A_731, %dma_wait3A_734, %dma_wait3A_735] : memref<8x128x32xf32, #tpu.memory_space<vmem>> -> memref<1x128x32xf32, #tpu.memory_space<vmem>>
    %dma_wait3A_737 = tpu.memref_squeeze %dma_wait3A_736 : memref<1x128x32xf32, #tpu.memory_space<vmem>> -> memref<128x32xf32, #tpu.memory_space<vmem>>
    %dma_wait3A_738 = arith.constant 0 : i32
    %dma_wait3A_739 = tpu.memref_slice %arg7[%dma_wait3A_732, %dma_wait3A_738] : memref<80x128xi32, #tpu.memory_space<vmem>> -> memref<1x128xi32, #tpu.memory_space<vmem>>
    %dma_wait3A_740 = tpu.memref_squeeze %dma_wait3A_739 : memref<1x128xi32, #tpu.memory_space<vmem>> -> memref<128xi32, #tpu.memory_space<vmem>>
    %dma_wait3A_741 = arith.constant 0 : i32
    %dma_wait3A_742 = arith.constant 0 : i32
    %dma_wait3A_743 = tpu.memref_slice %arg12[%dma_wait3A_741, %dma_wait3A_742] : memref<10240x32xf32, #tpu.memory_space<vmem_shared>> -> memref<10240x32xf32, #tpu.memory_space<vmem_shared>>
    %dma_wait3A_744 = tpu.memref_slice %arg14[%dma_wait3A_733] : memref<8x!tpu.dma_semaphore, #tpu.memory_space<semaphore_mem>> -> memref<1x!tpu.dma_semaphore, #tpu.memory_space<semaphore_mem>>
    %dma_wait3A_745 = tpu.memref_squeeze %dma_wait3A_744 : memref<1x!tpu.dma_semaphore, #tpu.memory_space<semaphore_mem>> -> memref<!tpu.dma_semaphore, #tpu.memory_space<semaphore_mem>>
    tpu.wait_indirect_dma semaphore(%dma_wait3A_745 : memref<!tpu.dma_semaphore, #tpu.memory_space<semaphore_mem>>) src(%dma_wait3A_737 : memref<128x32xf32, #tpu.memory_space<vmem>>) dst(%dma_wait3A_743 : memref<10240x32xf32, #tpu.memory_space<vmem_shared>>)
    %barrier3A_746 = arith.constant 0 : index
    tpu.barrier barrier_id(%barrier3A_746)
    %mul3A_747 = arith.constant 640 : i32
    %mul3A_748 = arith.muli %arg1, %mul3A_747 : i32
    %add3A_749 = arith.constant 0 : i32
    %add3A_750 = arith.addi %mul3A_748, %add3A_749 : i32
    "tpu.region"() ({
      %run_scoped3A = tpu.sem_alloc : memref<!tpu.dma_semaphore, #tpu.memory_space<semaphore_mem>>
      %dma_start3A_777 = arith.constant 0 : i32
      %dma_start3A_778 = tpu.memref_slice %arg12[%add3A_750, %dma_start3A_777] : memref<10240x32xf32, #tpu.memory_space<vmem_shared>> -> memref<128x32xf32, #tpu.memory_space<vmem_shared>>
      %dma_start3A_779 = arith.constant 0 : i32
      %dma_start3A_780 = tpu.memref_slice %arg12[%add3A_750, %dma_start3A_779] : memref<10240x32xf32, #tpu.memory_space<vmem_shared>> -> memref<128x32xf32, #tpu.memory_space<vmem_shared>>
      tpu.enqueue_dma source(%dma_start3A_780 : memref<128x32xf32, #tpu.memory_space<vmem_shared>>) target(%arg9 : memref<128x32xf32, #tpu.memory_space<vmem>>) target_semaphore(%run_scoped3A : memref<!tpu.dma_semaphore, #tpu.memory_space<semaphore_mem>>)
      %dma_wait3A_781 = arith.constant 0 : i32
      %dma_wait3A_782 = tpu.memref_slice %arg12[%add3A_750, %dma_wait3A_781] : memref<10240x32xf32, #tpu.memory_space<vmem_shared>> -> memref<128x32xf32, #tpu.memory_space<vmem_shared>>
      %dma_wait3A_783 = arith.constant 0 : i32
      %dma_wait3A_784 = tpu.memref_slice %arg12[%add3A_750, %dma_wait3A_783] : memref<10240x32xf32, #tpu.memory_space<vmem_shared>> -> memref<128x32xf32, #tpu.memory_space<vmem_shared>>
      tpu.wait_dma2 semaphore(%run_scoped3A : memref<!tpu.dma_semaphore, #tpu.memory_space<semaphore_mem>>) src(%dma_wait3A_784 : memref<128x32xf32, #tpu.memory_space<vmem_shared>>) dst(%arg9 : memref<128x32xf32, #tpu.memory_space<vmem>>)
      tpu.yield
    }) : () -> ()
    %add3A_751 = arith.addi %multiple_of3A_587, %add3A_750 : i32
    %multiple_of3A_752 = tpu.assume_multiple %add3A_751, 8 : i32
    "tpu.region"() ({
      %run_scoped3A = tpu.sem_alloc : memref<!tpu.dma_semaphore, #tpu.memory_space<semaphore_mem>>
      %dma_start3A_777 = arith.constant 0 : i32
      %dma_start3A_778 = tpu.memref_slice %arg5[%multiple_of3A_752, %dma_start3A_777] : memref<81920x32xf32, #tpu.memory_space<hbm>> -> memref<128x32xf32, #tpu.memory_space<hbm>>
      %dma_start3A_779 = arith.constant 0 : i32
      %dma_start3A_780 = tpu.memref_slice %arg5[%multiple_of3A_752, %dma_start3A_779] : memref<81920x32xf32, #tpu.memory_space<hbm>> -> memref<128x32xf32, #tpu.memory_space<hbm>>
      tpu.enqueue_dma source(%arg9 : memref<128x32xf32, #tpu.memory_space<vmem>>) target(%dma_start3A_780 : memref<128x32xf32, #tpu.memory_space<hbm>>) target_semaphore(%run_scoped3A : memref<!tpu.dma_semaphore, #tpu.memory_space<semaphore_mem>>)
      %dma_wait3A_781 = arith.constant 0 : i32
      %dma_wait3A_782 = tpu.memref_slice %arg5[%multiple_of3A_752, %dma_wait3A_781] : memref<81920x32xf32, #tpu.memory_space<hbm>> -> memref<128x32xf32, #tpu.memory_space<hbm>>
      %dma_wait3A_783 = arith.constant 0 : i32
      %dma_wait3A_784 = tpu.memref_slice %arg5[%multiple_of3A_752, %dma_wait3A_783] : memref<81920x32xf32, #tpu.memory_space<hbm>> -> memref<128x32xf32, #tpu.memory_space<hbm>>
      tpu.wait_dma2 semaphore(%run_scoped3A : memref<!tpu.dma_semaphore, #tpu.memory_space<semaphore_mem>>) src(%arg9 : memref<128x32xf32, #tpu.memory_space<vmem>>) dst(%dma_wait3A_784 : memref<128x32xf32, #tpu.memory_space<hbm>>)
      tpu.yield
    }) : () -> ()
    %mul3A_753 = arith.constant 640 : i32
    %mul3A_754 = arith.muli %arg1, %mul3A_753 : i32
    %add3A_755 = arith.constant 128 : i32
    %add3A_756 = arith.addi %mul3A_754, %add3A_755 : i32
    "tpu.region"() ({
      %run_scoped3A = tpu.sem_alloc : memref<!tpu.dma_semaphore, #tpu.memory_space<semaphore_mem>>
      %dma_start3A_777 = arith.constant 0 : i32
      %dma_start3A_778 = tpu.memref_slice %arg12[%add3A_756, %dma_start3A_777] : memref<10240x32xf32, #tpu.memory_space<vmem_shared>> -> memref<128x32xf32, #tpu.memory_space<vmem_shared>>
      %dma_start3A_779 = arith.constant 0 : i32
      %dma_start3A_780 = tpu.memref_slice %arg12[%add3A_756, %dma_start3A_779] : memref<10240x32xf32, #tpu.memory_space<vmem_shared>> -> memref<128x32xf32, #tpu.memory_space<vmem_shared>>
      tpu.enqueue_dma source(%dma_start3A_780 : memref<128x32xf32, #tpu.memory_space<vmem_shared>>) target(%arg9 : memref<128x32xf32, #tpu.memory_space<vmem>>) target_semaphore(%run_scoped3A : memref<!tpu.dma_semaphore, #tpu.memory_space<semaphore_mem>>)
      %dma_wait3A_781 = arith.constant 0 : i32
      %dma_wait3A_782 = tpu.memref_slice %arg12[%add3A_756, %dma_wait3A_781] : memref<10240x32xf32, #tpu.memory_space<vmem_shared>> -> memref<128x32xf32, #tpu.memory_space<vmem_shared>>
      %dma_wait3A_783 = arith.constant 0 : i32
      %dma_wait3A_784 = tpu.memref_slice %arg12[%add3A_756, %dma_wait3A_783] : memref<10240x32xf32, #tpu.memory_space<vmem_shared>> -> memref<128x32xf32, #tpu.memory_space<vmem_shared>>
      tpu.wait_dma2 semaphore(%run_scoped3A : memref<!tpu.dma_semaphore, #tpu.memory_space<semaphore_mem>>) src(%dma_wait3A_784 : memref<128x32xf32, #tpu.memory_space<vmem_shared>>) dst(%arg9 : memref<128x32xf32, #tpu.memory_space<vmem>>)
      tpu.yield
    }) : () -> ()
    %add3A_757 = arith.addi %multiple_of3A_587, %add3A_756 : i32
    %multiple_of3A_758 = tpu.assume_multiple %add3A_757, 8 : i32
    "tpu.region"() ({
      %run_scoped3A = tpu.sem_alloc : memref<!tpu.dma_semaphore, #tpu.memory_space<semaphore_mem>>
      %dma_start3A_777 = arith.constant 0 : i32
      %dma_start3A_778 = tpu.memref_slice %arg5[%multiple_of3A_758, %dma_start3A_777] : memref<81920x32xf32, #tpu.memory_space<hbm>> -> memref<128x32xf32, #tpu.memory_space<hbm>>
      %dma_start3A_779 = arith.constant 0 : i32
      %dma_start3A_780 = tpu.memref_slice %arg5[%multiple_of3A_758, %dma_start3A_779] : memref<81920x32xf32, #tpu.memory_space<hbm>> -> memref<128x32xf32, #tpu.memory_space<hbm>>
      tpu.enqueue_dma source(%arg9 : memref<128x32xf32, #tpu.memory_space<vmem>>) target(%dma_start3A_780 : memref<128x32xf32, #tpu.memory_space<hbm>>) target_semaphore(%run_scoped3A : memref<!tpu.dma_semaphore, #tpu.memory_space<semaphore_mem>>)
      %dma_wait3A_781 = arith.constant 0 : i32
      %dma_wait3A_782 = tpu.memref_slice %arg5[%multiple_of3A_758, %dma_wait3A_781] : memref<81920x32xf32, #tpu.memory_space<hbm>> -> memref<128x32xf32, #tpu.memory_space<hbm>>
      %dma_wait3A_783 = arith.constant 0 : i32
      %dma_wait3A_784 = tpu.memref_slice %arg5[%multiple_of3A_758, %dma_wait3A_783] : memref<81920x32xf32, #tpu.memory_space<hbm>> -> memref<128x32xf32, #tpu.memory_space<hbm>>
      tpu.wait_dma2 semaphore(%run_scoped3A : memref<!tpu.dma_semaphore, #tpu.memory_space<semaphore_mem>>) src(%arg9 : memref<128x32xf32, #tpu.memory_space<vmem>>) dst(%dma_wait3A_784 : memref<128x32xf32, #tpu.memory_space<hbm>>)
      tpu.yield
    }) : () -> ()
    %mul3A_759 = arith.constant 640 : i32
    %mul3A_760 = arith.muli %arg1, %mul3A_759 : i32
    %add3A_761 = arith.constant 256 : i32
    %add3A_762 = arith.addi %mul3A_760, %add3A_761 : i32
    "tpu.region"() ({
      %run_scoped3A = tpu.sem_alloc : memref<!tpu.dma_semaphore, #tpu.memory_space<semaphore_mem>>
      %dma_start3A_777 = arith.constant 0 : i32
      %dma_start3A_778 = tpu.memref_slice %arg12[%add3A_762, %dma_start3A_777] : memref<10240x32xf32, #tpu.memory_space<vmem_shared>> -> memref<128x32xf32, #tpu.memory_space<vmem_shared>>
      %dma_start3A_779 = arith.constant 0 : i32
      %dma_start3A_780 = tpu.memref_slice %arg12[%add3A_762, %dma_start3A_779] : memref<10240x32xf32, #tpu.memory_space<vmem_shared>> -> memref<128x32xf32, #tpu.memory_space<vmem_shared>>
      tpu.enqueue_dma source(%dma_start3A_780 : memref<128x32xf32, #tpu.memory_space<vmem_shared>>) target(%arg9 : memref<128x32xf32, #tpu.memory_space<vmem>>) target_semaphore(%run_scoped3A : memref<!tpu.dma_semaphore, #tpu.memory_space<semaphore_mem>>)
      %dma_wait3A_781 = arith.constant 0 : i32
      %dma_wait3A_782 = tpu.memref_slice %arg12[%add3A_762, %dma_wait3A_781] : memref<10240x32xf32, #tpu.memory_space<vmem_shared>> -> memref<128x32xf32, #tpu.memory_space<vmem_shared>>
      %dma_wait3A_783 = arith.constant 0 : i32
      %dma_wait3A_784 = tpu.memref_slice %arg12[%add3A_762, %dma_wait3A_783] : memref<10240x32xf32, #tpu.memory_space<vmem_shared>> -> memref<128x32xf32, #tpu.memory_space<vmem_shared>>
      tpu.wait_dma2 semaphore(%run_scoped3A : memref<!tpu.dma_semaphore, #tpu.memory_space<semaphore_mem>>) src(%dma_wait3A_784 : memref<128x32xf32, #tpu.memory_space<vmem_shared>>) dst(%arg9 : memref<128x32xf32, #tpu.memory_space<vmem>>)
      tpu.yield
    }) : () -> ()
    %add3A_763 = arith.addi %multiple_of3A_587, %add3A_762 : i32
    %multiple_of3A_764 = tpu.assume_multiple %add3A_763, 8 : i32
    "tpu.region"() ({
      %run_scoped3A = tpu.sem_alloc : memref<!tpu.dma_semaphore, #tpu.memory_space<semaphore_mem>>
      %dma_start3A_777 = arith.constant 0 : i32
      %dma_start3A_778 = tpu.memref_slice %arg5[%multiple_of3A_764, %dma_start3A_777] : memref<81920x32xf32, #tpu.memory_space<hbm>> -> memref<128x32xf32, #tpu.memory_space<hbm>>
      %dma_start3A_779 = arith.constant 0 : i32
      %dma_start3A_780 = tpu.memref_slice %arg5[%multiple_of3A_764, %dma_start3A_779] : memref<81920x32xf32, #tpu.memory_space<hbm>> -> memref<128x32xf32, #tpu.memory_space<hbm>>
      tpu.enqueue_dma source(%arg9 : memref<128x32xf32, #tpu.memory_space<vmem>>) target(%dma_start3A_780 : memref<128x32xf32, #tpu.memory_space<hbm>>) target_semaphore(%run_scoped3A : memref<!tpu.dma_semaphore, #tpu.memory_space<semaphore_mem>>)
      %dma_wait3A_781 = arith.constant 0 : i32
      %dma_wait3A_782 = tpu.memref_slice %arg5[%multiple_of3A_764, %dma_wait3A_781] : memref<81920x32xf32, #tpu.memory_space<hbm>> -> memref<128x32xf32, #tpu.memory_space<hbm>>
      %dma_wait3A_783 = arith.constant 0 : i32
      %dma_wait3A_784 = tpu.memref_slice %arg5[%multiple_of3A_764, %dma_wait3A_783] : memref<81920x32xf32, #tpu.memory_space<hbm>> -> memref<128x32xf32, #tpu.memory_space<hbm>>
      tpu.wait_dma2 semaphore(%run_scoped3A : memref<!tpu.dma_semaphore, #tpu.memory_space<semaphore_mem>>) src(%arg9 : memref<128x32xf32, #tpu.memory_space<vmem>>) dst(%dma_wait3A_784 : memref<128x32xf32, #tpu.memory_space<hbm>>)
      tpu.yield
    }) : () -> ()
    %mul3A_765 = arith.constant 640 : i32
    %mul3A_766 = arith.muli %arg1, %mul3A_765 : i32
    %add3A_767 = arith.constant 384 : i32
    %add3A_768 = arith.addi %mul3A_766, %add3A_767 : i32
    "tpu.region"() ({
      %run_scoped3A = tpu.sem_alloc : memref<!tpu.dma_semaphore, #tpu.memory_space<semaphore_mem>>
      %dma_start3A_777 = arith.constant 0 : i32
      %dma_start3A_778 = tpu.memref_slice %arg12[%add3A_768, %dma_start3A_777] : memref<10240x32xf32, #tpu.memory_space<vmem_shared>> -> memref<128x32xf32, #tpu.memory_space<vmem_shared>>
      %dma_start3A_779 = arith.constant 0 : i32
      %dma_start3A_780 = tpu.memref_slice %arg12[%add3A_768, %dma_start3A_779] : memref<10240x32xf32, #tpu.memory_space<vmem_shared>> -> memref<128x32xf32, #tpu.memory_space<vmem_shared>>
      tpu.enqueue_dma source(%dma_start3A_780 : memref<128x32xf32, #tpu.memory_space<vmem_shared>>) target(%arg9 : memref<128x32xf32, #tpu.memory_space<vmem>>) target_semaphore(%run_scoped3A : memref<!tpu.dma_semaphore, #tpu.memory_space<semaphore_mem>>)
      %dma_wait3A_781 = arith.constant 0 : i32
      %dma_wait3A_782 = tpu.memref_slice %arg12[%add3A_768, %dma_wait3A_781] : memref<10240x32xf32, #tpu.memory_space<vmem_shared>> -> memref<128x32xf32, #tpu.memory_space<vmem_shared>>
      %dma_wait3A_783 = arith.constant 0 : i32
      %dma_wait3A_784 = tpu.memref_slice %arg12[%add3A_768, %dma_wait3A_783] : memref<10240x32xf32, #tpu.memory_space<vmem_shared>> -> memref<128x32xf32, #tpu.memory_space<vmem_shared>>
      tpu.wait_dma2 semaphore(%run_scoped3A : memref<!tpu.dma_semaphore, #tpu.memory_space<semaphore_mem>>) src(%dma_wait3A_784 : memref<128x32xf32, #tpu.memory_space<vmem_shared>>) dst(%arg9 : memref<128x32xf32, #tpu.memory_space<vmem>>)
      tpu.yield
    }) : () -> ()
    %add3A_769 = arith.addi %multiple_of3A_587, %add3A_768 : i32
    %multiple_of3A_770 = tpu.assume_multiple %add3A_769, 8 : i32
    "tpu.region"() ({
      %run_scoped3A = tpu.sem_alloc : memref<!tpu.dma_semaphore, #tpu.memory_space<semaphore_mem>>
      %dma_start3A_777 = arith.constant 0 : i32
      %dma_start3A_778 = tpu.memref_slice %arg5[%multiple_of3A_770, %dma_start3A_777] : memref<81920x32xf32, #tpu.memory_space<hbm>> -> memref<128x32xf32, #tpu.memory_space<hbm>>
      %dma_start3A_779 = arith.constant 0 : i32
      %dma_start3A_780 = tpu.memref_slice %arg5[%multiple_of3A_770, %dma_start3A_779] : memref<81920x32xf32, #tpu.memory_space<hbm>> -> memref<128x32xf32, #tpu.memory_space<hbm>>
      tpu.enqueue_dma source(%arg9 : memref<128x32xf32, #tpu.memory_space<vmem>>) target(%dma_start3A_780 : memref<128x32xf32, #tpu.memory_space<hbm>>) target_semaphore(%run_scoped3A : memref<!tpu.dma_semaphore, #tpu.memory_space<semaphore_mem>>)
      %dma_wait3A_781 = arith.constant 0 : i32
      %dma_wait3A_782 = tpu.memref_slice %arg5[%multiple_of3A_770, %dma_wait3A_781] : memref<81920x32xf32, #tpu.memory_space<hbm>> -> memref<128x32xf32, #tpu.memory_space<hbm>>
      %dma_wait3A_783 = arith.constant 0 : i32
      %dma_wait3A_784 = tpu.memref_slice %arg5[%multiple_of3A_770, %dma_wait3A_783] : memref<81920x32xf32, #tpu.memory_space<hbm>> -> memref<128x32xf32, #tpu.memory_space<hbm>>
      tpu.wait_dma2 semaphore(%run_scoped3A : memref<!tpu.dma_semaphore, #tpu.memory_space<semaphore_mem>>) src(%arg9 : memref<128x32xf32, #tpu.memory_space<vmem>>) dst(%dma_wait3A_784 : memref<128x32xf32, #tpu.memory_space<hbm>>)
      tpu.yield
    }) : () -> ()
    %mul3A_771 = arith.constant 640 : i32
    %mul3A_772 = arith.muli %arg1, %mul3A_771 : i32
    %add3A_773 = arith.constant 512 : i32
    %add3A_774 = arith.addi %mul3A_772, %add3A_773 : i32
    "tpu.region"() ({
      %run_scoped3A = tpu.sem_alloc : memref<!tpu.dma_semaphore, #tpu.memory_space<semaphore_mem>>
      %dma_start3A_777 = arith.constant 0 : i32
      %dma_start3A_778 = tpu.memref_slice %arg12[%add3A_774, %dma_start3A_777] : memref<10240x32xf32, #tpu.memory_space<vmem_shared>> -> memref<128x32xf32, #tpu.memory_space<vmem_shared>>
      %dma_start3A_779 = arith.constant 0 : i32
      %dma_start3A_780 = tpu.memref_slice %arg12[%add3A_774, %dma_start3A_779] : memref<10240x32xf32, #tpu.memory_space<vmem_shared>> -> memref<128x32xf32, #tpu.memory_space<vmem_shared>>
      tpu.enqueue_dma source(%dma_start3A_780 : memref<128x32xf32, #tpu.memory_space<vmem_shared>>) target(%arg9 : memref<128x32xf32, #tpu.memory_space<vmem>>) target_semaphore(%run_scoped3A : memref<!tpu.dma_semaphore, #tpu.memory_space<semaphore_mem>>)
      %dma_wait3A_781 = arith.constant 0 : i32
      %dma_wait3A_782 = tpu.memref_slice %arg12[%add3A_774, %dma_wait3A_781] : memref<10240x32xf32, #tpu.memory_space<vmem_shared>> -> memref<128x32xf32, #tpu.memory_space<vmem_shared>>
      %dma_wait3A_783 = arith.constant 0 : i32
      %dma_wait3A_784 = tpu.memref_slice %arg12[%add3A_774, %dma_wait3A_783] : memref<10240x32xf32, #tpu.memory_space<vmem_shared>> -> memref<128x32xf32, #tpu.memory_space<vmem_shared>>
      tpu.wait_dma2 semaphore(%run_scoped3A : memref<!tpu.dma_semaphore, #tpu.memory_space<semaphore_mem>>) src(%dma_wait3A_784 : memref<128x32xf32, #tpu.memory_space<vmem_shared>>) dst(%arg9 : memref<128x32xf32, #tpu.memory_space<vmem>>)
      tpu.yield
    }) : () -> ()
    %add3A_775 = arith.addi %multiple_of3A_587, %add3A_774 : i32
    %multiple_of3A_776 = tpu.assume_multiple %add3A_775, 8 : i32
    "tpu.region"() ({
      %run_scoped3A = tpu.sem_alloc : memref<!tpu.dma_semaphore, #tpu.memory_space<semaphore_mem>>
      %dma_start3A_777 = arith.constant 0 : i32
      %dma_start3A_778 = tpu.memref_slice %arg5[%multiple_of3A_776, %dma_start3A_777] : memref<81920x32xf32, #tpu.memory_space<hbm>> -> memref<128x32xf32, #tpu.memory_space<hbm>>
      %dma_start3A_779 = arith.constant 0 : i32
      %dma_start3A_780 = tpu.memref_slice %arg5[%multiple_of3A_776, %dma_start3A_779] : memref<81920x32xf32, #tpu.memory_space<hbm>> -> memref<128x32xf32, #tpu.memory_space<hbm>>
      tpu.enqueue_dma source(%arg9 : memref<128x32xf32, #tpu.memory_space<vmem>>) target(%dma_start3A_780 : memref<128x32xf32, #tpu.memory_space<hbm>>) target_semaphore(%run_scoped3A : memref<!tpu.dma_semaphore, #tpu.memory_space<semaphore_mem>>)
      %dma_wait3A_781 = arith.constant 0 : i32
      %dma_wait3A_782 = tpu.memref_slice %arg5[%multiple_of3A_776, %dma_wait3A_781] : memref<81920x32xf32, #tpu.memory_space<hbm>> -> memref<128x32xf32, #tpu.memory_space<hbm>>
      %dma_wait3A_783 = arith.constant 0 : i32
      %dma_wait3A_784 = tpu.memref_slice %arg5[%multiple_of3A_776, %dma_wait3A_783] : memref<81920x32xf32, #tpu.memory_space<hbm>> -> memref<128x32xf32, #tpu.memory_space<hbm>>
      tpu.wait_dma2 semaphore(%run_scoped3A : memref<!tpu.dma_semaphore, #tpu.memory_space<semaphore_mem>>) src(%arg9 : memref<128x32xf32, #tpu.memory_space<vmem>>) dst(%dma_wait3A_784 : memref<128x32xf32, #tpu.memory_space<hbm>>)
      tpu.yield
    }) : () -> ()
    return
  }
}

module attributes {stable_mosaic.version = 14 : i64} {
  func.func @_embs_body(%arg0: i32, %arg1: memref<2x1024xf32, #tpu.memory_space<vmem>>, %arg2: memref<1024x256xf32, #tpu.memory_space<vmem>>, %arg3: memref<8x256x128xf32, #tpu.memory_space<vmem>>) attributes {dimension_semantics = [#tpu.dimension_semantics<arbitrary>], iteration_bounds = array<i64: 10>, scalar_prefetch = 0 : i64, scratch_operands = 0 : i64, tpu.core_type = #tpu.core_type<tc>, window_params = [{transform_indices = @transform_0, window_bounds = array<i64: 2, 1024>}, {transform_indices = @transform_1, window_bounds = array<i64: 1024, 256>}, {transform_indices = @transform_2, window_bounds = array<i64: 8, 256, 128>}]} {
    %get3A = arith.constant 0 : index
    %get3A_0 = arith.constant 0 : index
    %get3A_1 = vector.load %arg1[%get3A, %get3A_0] : memref<2x1024xf32, #tpu.memory_space<vmem>>, vector<1x1024xf32>
    %get3A_2 = vector.shape_cast %get3A_1 : vector<1x1024xf32> to vector<1024xf32>
    %get3A_3 = arith.constant 1 : index
    %get3A_4 = arith.constant 0 : index
    %get3A_5 = vector.load %arg1[%get3A_3, %get3A_4] : memref<2x1024xf32, #tpu.memory_space<vmem>>, vector<1x1024xf32>
    %get3A_6 = vector.shape_cast %get3A_5 : vector<1x1024xf32> to vector<1024xf32>
    %add3A = arith.addf %get3A_2, %get3A_6 : vector<1024xf32>
    %add3A_7 = arith.constant 1.000000e+00 : f32
    %add3A_8 = vector.broadcast %add3A_7 : f32 to vector<1024xf32>
    %add3A_9 = arith.addf %add3A, %add3A_8 : vector<1024xf32>
    %rsqrt3A = math.rsqrt %add3A_9 : vector<1024xf32>
    %broadcast_in_dim3A = vector.shape_cast %rsqrt3A : vector<1024xf32> to vector<1024x1xf32>
    %get3A_10 = arith.constant 0 : index
    %get3A_11 = arith.constant 0 : index
    %get3A_12 = vector.load %arg2[%get3A_10, %get3A_11] : memref<1024x256xf32, #tpu.memory_space<vmem>>, vector<1024x256xf32>
    %mul3A = vector.broadcast %broadcast_in_dim3A : vector<1024x1xf32> to vector<1024x256xf32>
    %mul3A_13 = arith.mulf %mul3A, %get3A_12 : vector<1024x256xf32>
    %reshape3A = vector.shape_cast %mul3A_13 : vector<1024x256xf32> to vector<256x4x8x32xf32>
    %transpose3A = tpu.transpose %reshape3A, [2, 0, 1, 3] : vector<256x4x8x32xf32> -> vector<8x256x4x32xf32>
    %reshape3A_14 = vector.shape_cast %transpose3A : vector<8x256x4x32xf32> to vector<8x256x128xf32>
    %swap3A = arith.constant 0 : index
    %swap3A_15 = arith.constant 0 : index
    %swap3A_16 = arith.constant 0 : index
    %swap3A_17 = vector.load %arg3[%swap3A, %swap3A_15, %swap3A_16] : memref<8x256x128xf32, #tpu.memory_space<vmem>>, vector<8x256x128xf32>
    tpu.vector_store %arg3[%swap3A, %swap3A_15, %swap3A_16], %reshape3A_14 {strides = array<i32>} : memref<8x256x128xf32, #tpu.memory_space<vmem>>, vector<8x256x128xf32>,
    return
  }
  func.func @transform_0(%arg0: i32) -> (i32, i32) {
    %c0_i32 = arith.constant 0 : i32
    %c0_i32_0 = arith.constant 0 : i32
    return %c0_i32, %arg0 : i32, i32
  }
  func.func @transform_1(%arg0: i32) -> (i32, i32) {
    %c0_i32 = arith.constant 0 : i32
    %c0_i32_0 = arith.constant 0 : i32
    return %arg0, %c0_i32 : i32, i32
  }
  func.func @transform_2(%arg0: i32) -> (i32, i32, i32) {
    %c0_i32 = arith.constant 0 : i32
    %c0_i32_0 = arith.constant 0 : i32
    %c0_i32_1 = arith.constant 0 : i32
    return %c0_i32, %arg0, %c0_i32_0 : i32, i32, i32
  }
}

module attributes {stable_mosaic.version = 14 : i64} {
  func.func @_mix_body(%arg0: i32, %arg1: memref<256x128xf32, #tpu.memory_space<vmem>>, %arg2: memref<256x128xf32, #tpu.memory_space<vmem>>, %arg3: memref<256x128xf32, #tpu.memory_space<vmem>>, %arg4: memref<256x128xf32, #tpu.memory_space<vmem>>, %arg5: memref<256x128xf32, #tpu.memory_space<vmem>>, %arg6: memref<256x128xf32, #tpu.memory_space<vmem>>, %arg7: memref<256x128xf32, #tpu.memory_space<vmem>>, %arg8: memref<256x128xf32, #tpu.memory_space<vmem>>, %arg9: memref<2x256x4xf32, #tpu.memory_space<vmem>>, %arg10: memref<256x4x256xf32, #tpu.memory_space<vmem>>, %arg11: memref<256x512xf32, #tpu.memory_space<vmem>>, %arg12: memref<1x512xf32, #tpu.memory_space<vmem>>, %arg13: memref<256x4x512xf32, #tpu.memory_space<vmem>>) attributes {dimension_semantics = [#tpu.dimension_semantics<arbitrary>], iteration_bounds = array<i64: 10>, scalar_prefetch = 0 : i64, scratch_operands = 0 : i64, tpu.core_type = #tpu.core_type<tc>, window_params = [{transform_indices = @transform_0, window_bounds = array<i64: 256, 128>}, {transform_indices = @transform_1, window_bounds = array<i64: 256, 128>}, {transform_indices = @transform_2, window_bounds = array<i64: 256, 128>}, {transform_indices = @transform_3, window_bounds = array<i64: 256, 128>}, {transform_indices = @transform_4, window_bounds = array<i64: 256, 128>}, {transform_indices = @transform_5, window_bounds = array<i64: 256, 128>}, {transform_indices = @transform_6, window_bounds = array<i64: 256, 128>}, {transform_indices = @transform_7, window_bounds = array<i64: 256, 128>}, {transform_indices = @transform_8, window_bounds = array<i64: 2, 256, 4>}, {transform_indices = @transform_9, window_bounds = array<i64: 256, 4, 256>}, {pipeline_mode = #tpu.pipeline_mode<synchronous>, transform_indices = @transform_10, window_bounds = array<i64: 256, 512>}, {pipeline_mode = #tpu.pipeline_mode<synchronous>, transform_indices = @transform_11, window_bounds = array<i64: 1, 512>}, {transform_indices = @transform_12, window_bounds = array<i64: 256, 4, 512>}]} {
    %get3A = arith.constant 0 : index
    %get3A_0 = arith.constant 0 : index
    %get3A_1 = arith.constant 0 : index
    %get3A_2 = vector.load %arg9[%get3A, %get3A_0, %get3A_1] : memref<2x256x4xf32, #tpu.memory_space<vmem>>, vector<1x256x1xf32>
    %get3A_3 = vector.shape_cast %get3A_2 : vector<1x256x1xf32> to vector<256xf32>
    %get3A_4 = arith.constant 1 : index
    %get3A_5 = arith.constant 0 : index
    %get3A_6 = arith.constant 0 : index
    %get3A_7 = vector.load %arg9[%get3A_4, %get3A_5, %get3A_6] : memref<2x256x4xf32, #tpu.memory_space<vmem>>, vector<1x256x1xf32>
    %get3A_8 = vector.shape_cast %get3A_7 : vector<1x256x1xf32> to vector<256xf32>
    %add3A = arith.addf %get3A_3, %get3A_8 : vector<256xf32>
    %add3A_9 = arith.constant 1.000000e+00 : f32
    %add3A_10 = vector.broadcast %add3A_9 : f32 to vector<256xf32>
    %add3A_11 = arith.addf %add3A, %add3A_10 : vector<256xf32>
    %rsqrt3A = math.rsqrt %add3A_11 : vector<256xf32>
    %get3A_12 = arith.constant 0 : index
    %get3A_13 = arith.constant 0 : index
    %get3A_14 = vector.load %arg1[%get3A_12, %get3A_13] : memref<256x128xf32, #tpu.memory_space<vmem>>, vector<256x128xf32>
    %slice3A = vector.extract_strided_slice %get3A_14 {offsets = [0, 0], sizes = [256, 32], strides = [1, 1]} : vector<256x128xf32> to vector<256x32xf32>
    %get3A_15 = arith.constant 0 : index
    %get3A_16 = arith.constant 0 : index
    %get3A_17 = vector.load %arg2[%get3A_15, %get3A_16] : memref<256x128xf32, #tpu.memory_space<vmem>>, vector<256x128xf32>
    %slice3A_18 = vector.extract_strided_slice %get3A_17 {offsets = [0, 0], sizes = [256, 32], strides = [1, 1]} : vector<256x128xf32> to vector<256x32xf32>
    %get3A_19 = arith.constant 0 : index
    %get3A_20 = arith.constant 0 : index
    %get3A_21 = vector.load %arg3[%get3A_19, %get3A_20] : memref<256x128xf32, #tpu.memory_space<vmem>>, vector<256x128xf32>
    %slice3A_22 = vector.extract_strided_slice %get3A_21 {offsets = [0, 0], sizes = [256, 32], strides = [1, 1]} : vector<256x128xf32> to vector<256x32xf32>
    %get3A_23 = arith.constant 0 : index
    %get3A_24 = arith.constant 0 : index
    %get3A_25 = vector.load %arg4[%get3A_23, %get3A_24] : memref<256x128xf32, #tpu.memory_space<vmem>>, vector<256x128xf32>
    %slice3A_26 = vector.extract_strided_slice %get3A_25 {offsets = [0, 0], sizes = [256, 32], strides = [1, 1]} : vector<256x128xf32> to vector<256x32xf32>
    %get3A_27 = arith.constant 0 : index
    %get3A_28 = arith.constant 0 : index
    %get3A_29 = vector.load %arg5[%get3A_27, %get3A_28] : memref<256x128xf32, #tpu.memory_space<vmem>>, vector<256x128xf32>
    %slice3A_30 = vector.extract_strided_slice %get3A_29 {offsets = [0, 0], sizes = [256, 32], strides = [1, 1]} : vector<256x128xf32> to vector<256x32xf32>
    %get3A_31 = arith.constant 0 : index
    %get3A_32 = arith.constant 0 : index
    %get3A_33 = vector.load %arg6[%get3A_31, %get3A_32] : memref<256x128xf32, #tpu.memory_space<vmem>>, vector<256x128xf32>
    %slice3A_34 = vector.extract_strided_slice %get3A_33 {offsets = [0, 0], sizes = [256, 32], strides = [1, 1]} : vector<256x128xf32> to vector<256x32xf32>
    %get3A_35 = arith.constant 0 : index
    %get3A_36 = arith.constant 0 : index
    %get3A_37 = vector.load %arg7[%get3A_35, %get3A_36] : memref<256x128xf32, #tpu.memory_space<vmem>>, vector<256x128xf32>
    %slice3A_38 = vector.extract_strided_slice %get3A_37 {offsets = [0, 0], sizes = [256, 32], strides = [1, 1]} : vector<256x128xf32> to vector<256x32xf32>
    %get3A_39 = arith.constant 0 : index
    %get3A_40 = arith.constant 0 : index
    %get3A_41 = vector.load %arg8[%get3A_39, %get3A_40] : memref<256x128xf32, #tpu.memory_space<vmem>>, vector<256x128xf32>
    %slice3A_42 = vector.extract_strided_slice %get3A_41 {offsets = [0, 0], sizes = [256, 32], strides = [1, 1]} : vector<256x128xf32> to vector<256x32xf32>
    %concatenate3A = tpu.concatenate %slice3A, %slice3A_18, %slice3A_22, %slice3A_26, %slice3A_30, %slice3A_34, %slice3A_38, %slice3A_42 in 1 : vector<256x32xf32>, vector<256x32xf32>, vector<256x32xf32>, vector<256x32xf32>, vector<256x32xf32>, vector<256x32xf32>, vector<256x32xf32>, vector<256x32xf32> -> vector<256x256xf32>
    %get3A_43 = arith.constant 0 : index
    %get3A_44 = arith.constant 0 : index
    %get3A_45 = arith.constant 0 : index
    %get3A_46 = vector.load %arg10[%get3A_43, %get3A_44, %get3A_45] : memref<256x4x256xf32, #tpu.memory_space<vmem>>, vector<256x1x256xf32>
    %get3A_47 = vector.shape_cast %get3A_46 : vector<256x1x256xf32> to vector<256x256xf32>
    %mul3A = arith.constant 8.000000e-01 : f32
    %mul3A_48 = vector.broadcast %mul3A : f32 to vector<256xf32>
    %mul3A_49 = arith.mulf %mul3A_48, %rsqrt3A : vector<256xf32>
    %broadcast_in_dim3A = vector.shape_cast %mul3A_49 : vector<256xf32> to vector<256x1xf32>
    %mul3A_50 = vector.broadcast %broadcast_in_dim3A : vector<256x1xf32> to vector<256x256xf32>
    %mul3A_51 = arith.mulf %mul3A_50, %concatenate3A : vector<256x256xf32>
    %mul3A_52 = arith.constant 8.000000e-01 : f32
    %mul3A_53 = vector.broadcast %mul3A_52 : f32 to vector<256xf32>
    %mul3A_54 = arith.mulf %mul3A_53, %rsqrt3A : vector<256xf32>
    %mul3A_55 = arith.mulf %mul3A_54, %rsqrt3A : vector<256xf32>
    %add3A_56 = arith.constant 2.000000e-01 : f32
    %add3A_57 = vector.broadcast %add3A_56 : f32 to vector<256xf32>
    %add3A_58 = arith.addf %mul3A_55, %add3A_57 : vector<256xf32>
    %broadcast_in_dim3A_59 = vector.shape_cast %add3A_58 : vector<256xf32> to vector<256x1xf32>
    %mul3A_60 = vector.broadcast %broadcast_in_dim3A_59 : vector<256x1xf32> to vector<256x256xf32>
    %mul3A_61 = arith.mulf %mul3A_60, %get3A_47 : vector<256x256xf32>
    %add3A_62 = arith.addf %mul3A_51, %mul3A_61 : vector<256x256xf32>
    %get3A_63 = arith.constant 0 : index
    %get3A_64 = arith.constant 0 : index
    %get3A_65 = vector.load %arg11[%get3A_63, %get3A_64] : memref<256x512xf32, #tpu.memory_space<vmem>>, vector<256x512xf32>
    %dot_general3A = arith.constant dense<0.000000e+00> : vector<256x512xf32>
    %dot_general3A_66 = tpu.matmul %add3A_62, %get3A_65, %dot_general3A {dimension_numbers = #tpu.dot_dimension_numbers<[1], [0], [0], [1], [0, 0, 1, 1], [], []>, transpose_lhs_hint = false} : vector<256x256xf32>, vector<256x512xf32>, vector<256x512xf32> -> vector<256x512xf32>
    %get3A_67 = arith.constant 0 : index
    %get3A_68 = arith.constant 0 : index
    %get3A_69 = vector.load %arg12[%get3A_67, %get3A_68] : memref<1x512xf32, #tpu.memory_space<vmem>>, vector<1x512xf32>
    %add3A_70 = vector.broadcast %get3A_69 : vector<1x512xf32> to vector<256x512xf32>
    %add3A_71 = arith.addf %dot_general3A_66, %add3A_70 : vector<256x512xf32>
    %mul3A_72 = arith.mulf %add3A_71, %add3A_71 : vector<256x512xf32>
    %reduce_sum3A = arith.constant dense<0.000000e+00> : vector<256xf32>
    %reduce_sum3A_73 = vector.multi_reduction <add>, %mul3A_72, %reduce_sum3A [1] : vector<256x512xf32> to vector<256xf32>
    %broadcast_in_dim3A_74 = vector.shape_cast %reduce_sum3A_73 : vector<256xf32> to vector<256x1xf32>
    %sqrt3A = math.sqrt %broadcast_in_dim3A_74 : vector<256x1xf32>
    %max3A = arith.constant 9.99999996E-13 : f32
    %max3A_75 = vector.broadcast %max3A : f32 to vector<256x1xf32>
    %max3A_76 = arith.maximumf %sqrt3A, %max3A_75 : vector<256x1xf32>
    %div3A = arith.constant 1.000000e+00 : f32
    %div3A_77 = vector.broadcast %div3A : f32 to vector<256x1xf32>
    %div3A_78 = arith.divf %div3A_77, %max3A_76 : vector<256x1xf32>
    %mul3A_79 = vector.broadcast %div3A_78 : vector<256x1xf32> to vector<256x512xf32>
    %mul3A_80 = arith.mulf %add3A_71, %mul3A_79 : vector<256x512xf32>
    %swap3A = arith.constant 0 : index
    %swap3A_81 = arith.constant 0 : index
    %swap3A_82 = arith.constant 0 : index
    %swap3A_83 = vector.load %arg13[%swap3A, %swap3A_81, %swap3A_82] : memref<256x4x512xf32, #tpu.memory_space<vmem>>, vector<256x1x512xf32>
    %swap3A_84 = vector.shape_cast %swap3A_83 : vector<256x1x512xf32> to vector<256x512xf32>
    %swap3A_85 = vector.shape_cast %mul3A_80 : vector<256x512xf32> to vector<256x1x512xf32>
    tpu.vector_store %arg13[%swap3A, %swap3A_81, %swap3A_82], %swap3A_85 {strides = array<i32>} : memref<256x4x512xf32, #tpu.memory_space<vmem>>, vector<256x1x512xf32>,
    %get3A_86 = arith.constant 0 : index
    %get3A_87 = arith.constant 0 : index
    %get3A_88 = arith.constant 1 : index
    %get3A_89 = vector.load %arg9[%get3A_86, %get3A_87, %get3A_88] : memref<2x256x4xf32, #tpu.memory_space<vmem>>, vector<1x256x1xf32>
    %get3A_90 = vector.shape_cast %get3A_89 : vector<1x256x1xf32> to vector<256xf32>
    %get3A_91 = arith.constant 1 : index
    %get3A_92 = arith.constant 0 : index
    %get3A_93 = arith.constant 1 : index
    %get3A_94 = vector.load %arg9[%get3A_91, %get3A_92, %get3A_93] : memref<2x256x4xf32, #tpu.memory_space<vmem>>, vector<1x256x1xf32>
    %get3A_95 = vector.shape_cast %get3A_94 : vector<1x256x1xf32> to vector<256xf32>
    %add3A_96 = arith.addf %get3A_90, %get3A_95 : vector<256xf32>
    %add3A_97 = arith.constant 1.000000e+00 : f32
    %add3A_98 = vector.broadcast %add3A_97 : f32 to vector<256xf32>
    %add3A_99 = arith.addf %add3A_96, %add3A_98 : vector<256xf32>
    %rsqrt3A_100 = math.rsqrt %add3A_99 : vector<256xf32>
    %get3A_101 = arith.constant 0 : index
    %get3A_102 = arith.constant 0 : index
    %get3A_103 = vector.load %arg1[%get3A_101, %get3A_102] : memref<256x128xf32, #tpu.memory_space<vmem>>, vector<256x128xf32>
    %slice3A_104 = vector.extract_strided_slice %get3A_103 {offsets = [0, 32], sizes = [256, 32], strides = [1, 1]} : vector<256x128xf32> to vector<256x32xf32>
    %get3A_105 = arith.constant 0 : index
    %get3A_106 = arith.constant 0 : index
    %get3A_107 = vector.load %arg2[%get3A_105, %get3A_106] : memref<256x128xf32, #tpu.memory_space<vmem>>, vector<256x128xf32>
    %slice3A_108 = vector.extract_strided_slice %get3A_107 {offsets = [0, 32], sizes = [256, 32], strides = [1, 1]} : vector<256x128xf32> to vector<256x32xf32>
    %get3A_109 = arith.constant 0 : index
    %get3A_110 = arith.constant 0 : index
    %get3A_111 = vector.load %arg3[%get3A_109, %get3A_110] : memref<256x128xf32, #tpu.memory_space<vmem>>, vector<256x128xf32>
    %slice3A_112 = vector.extract_strided_slice %get3A_111 {offsets = [0, 32], sizes = [256, 32], strides = [1, 1]} : vector<256x128xf32> to vector<256x32xf32>
    %get3A_113 = arith.constant 0 : index
    %get3A_114 = arith.constant 0 : index
    %get3A_115 = vector.load %arg4[%get3A_113, %get3A_114] : memref<256x128xf32, #tpu.memory_space<vmem>>, vector<256x128xf32>
    %slice3A_116 = vector.extract_strided_slice %get3A_115 {offsets = [0, 32], sizes = [256, 32], strides = [1, 1]} : vector<256x128xf32> to vector<256x32xf32>
    %get3A_117 = arith.constant 0 : index
    %get3A_118 = arith.constant 0 : index
    %get3A_119 = vector.load %arg5[%get3A_117, %get3A_118] : memref<256x128xf32, #tpu.memory_space<vmem>>, vector<256x128xf32>
    %slice3A_120 = vector.extract_strided_slice %get3A_119 {offsets = [0, 32], sizes = [256, 32], strides = [1, 1]} : vector<256x128xf32> to vector<256x32xf32>
    %get3A_121 = arith.constant 0 : index
    %get3A_122 = arith.constant 0 : index
    %get3A_123 = vector.load %arg6[%get3A_121, %get3A_122] : memref<256x128xf32, #tpu.memory_space<vmem>>, vector<256x128xf32>
    %slice3A_124 = vector.extract_strided_slice %get3A_123 {offsets = [0, 32], sizes = [256, 32], strides = [1, 1]} : vector<256x128xf32> to vector<256x32xf32>
    %get3A_125 = arith.constant 0 : index
    %get3A_126 = arith.constant 0 : index
    %get3A_127 = vector.load %arg7[%get3A_125, %get3A_126] : memref<256x128xf32, #tpu.memory_space<vmem>>, vector<256x128xf32>
    %slice3A_128 = vector.extract_strided_slice %get3A_127 {offsets = [0, 32], sizes = [256, 32], strides = [1, 1]} : vector<256x128xf32> to vector<256x32xf32>
    %get3A_129 = arith.constant 0 : index
    %get3A_130 = arith.constant 0 : index
    %get3A_131 = vector.load %arg8[%get3A_129, %get3A_130] : memref<256x128xf32, #tpu.memory_space<vmem>>, vector<256x128xf32>
    %slice3A_132 = vector.extract_strided_slice %get3A_131 {offsets = [0, 32], sizes = [256, 32], strides = [1, 1]} : vector<256x128xf32> to vector<256x32xf32>
    %concatenate3A_133 = tpu.concatenate %slice3A_104, %slice3A_108, %slice3A_112, %slice3A_116, %slice3A_120, %slice3A_124, %slice3A_128, %slice3A_132 in 1 : vector<256x32xf32>, vector<256x32xf32>, vector<256x32xf32>, vector<256x32xf32>, vector<256x32xf32>, vector<256x32xf32>, vector<256x32xf32>, vector<256x32xf32> -> vector<256x256xf32>
    %get3A_134 = arith.constant 0 : index
    %get3A_135 = arith.constant 1 : index
    %get3A_136 = arith.constant 0 : index
    %get3A_137 = vector.load %arg10[%get3A_134, %get3A_135, %get3A_136] : memref<256x4x256xf32, #tpu.memory_space<vmem>>, vector<256x1x256xf32>
    %get3A_138 = vector.shape_cast %get3A_137 : vector<256x1x256xf32> to vector<256x256xf32>
    %mul3A_139 = arith.constant 8.000000e-01 : f32
    %mul3A_140 = vector.broadcast %mul3A_139 : f32 to vector<256xf32>
    %mul3A_141 = arith.mulf %mul3A_140, %rsqrt3A_100 : vector<256xf32>
    %broadcast_in_dim3A_142 = vector.shape_cast %mul3A_141 : vector<256xf32> to vector<256x1xf32>
    %mul3A_143 = vector.broadcast %broadcast_in_dim3A_142 : vector<256x1xf32> to vector<256x256xf32>
    %mul3A_144 = arith.mulf %mul3A_143, %concatenate3A_133 : vector<256x256xf32>
    %mul3A_145 = arith.constant 8.000000e-01 : f32
    %mul3A_146 = vector.broadcast %mul3A_145 : f32 to vector<256xf32>
    %mul3A_147 = arith.mulf %mul3A_146, %rsqrt3A_100 : vector<256xf32>
    %mul3A_148 = arith.mulf %mul3A_147, %rsqrt3A_100 : vector<256xf32>
    %add3A_149 = arith.constant 2.000000e-01 : f32
    %add3A_150 = vector.broadcast %add3A_149 : f32 to vector<256xf32>
    %add3A_151 = arith.addf %mul3A_148, %add3A_150 : vector<256xf32>
    %broadcast_in_dim3A_152 = vector.shape_cast %add3A_151 : vector<256xf32> to vector<256x1xf32>
    %mul3A_153 = vector.broadcast %broadcast_in_dim3A_152 : vector<256x1xf32> to vector<256x256xf32>
    %mul3A_154 = arith.mulf %mul3A_153, %get3A_138 : vector<256x256xf32>
    %add3A_155 = arith.addf %mul3A_144, %mul3A_154 : vector<256x256xf32>
    %get3A_156 = arith.constant 0 : index
    %get3A_157 = arith.constant 0 : index
    %get3A_158 = vector.load %arg11[%get3A_156, %get3A_157] : memref<256x512xf32, #tpu.memory_space<vmem>>, vector<256x512xf32>
    %dot_general3A_159 = arith.constant dense<0.000000e+00> : vector<256x512xf32>
    %dot_general3A_160 = tpu.matmul %add3A_155, %get3A_158, %dot_general3A_159 {dimension_numbers = #tpu.dot_dimension_numbers<[1], [0], [0], [1], [0, 0, 1, 1], [], []>, transpose_lhs_hint = false} : vector<256x256xf32>, vector<256x512xf32>, vector<256x512xf32> -> vector<256x512xf32>
    %get3A_161 = arith.constant 0 : index
    %get3A_162 = arith.constant 0 : index
    %get3A_163 = vector.load %arg12[%get3A_161, %get3A_162] : memref<1x512xf32, #tpu.memory_space<vmem>>, vector<1x512xf32>
    %add3A_164 = vector.broadcast %get3A_163 : vector<1x512xf32> to vector<256x512xf32>
    %add3A_165 = arith.addf %dot_general3A_160, %add3A_164 : vector<256x512xf32>
    %mul3A_166 = arith.mulf %add3A_165, %add3A_165 : vector<256x512xf32>
    %reduce_sum3A_167 = arith.constant dense<0.000000e+00> : vector<256xf32>
    %reduce_sum3A_168 = vector.multi_reduction <add>, %mul3A_166, %reduce_sum3A_167 [1] : vector<256x512xf32> to vector<256xf32>
    %broadcast_in_dim3A_169 = vector.shape_cast %reduce_sum3A_168 : vector<256xf32> to vector<256x1xf32>
    %sqrt3A_170 = math.sqrt %broadcast_in_dim3A_169 : vector<256x1xf32>
    %max3A_171 = arith.constant 9.99999996E-13 : f32
    %max3A_172 = vector.broadcast %max3A_171 : f32 to vector<256x1xf32>
    %max3A_173 = arith.maximumf %sqrt3A_170, %max3A_172 : vector<256x1xf32>
    %div3A_174 = arith.constant 1.000000e+00 : f32
    %div3A_175 = vector.broadcast %div3A_174 : f32 to vector<256x1xf32>
    %div3A_176 = arith.divf %div3A_175, %max3A_173 : vector<256x1xf32>
    %mul3A_177 = vector.broadcast %div3A_176 : vector<256x1xf32> to vector<256x512xf32>
    %mul3A_178 = arith.mulf %add3A_165, %mul3A_177 : vector<256x512xf32>
    %swap3A_179 = arith.constant 0 : index
    %swap3A_180 = arith.constant 1 : index
    %swap3A_181 = arith.constant 0 : index
    %swap3A_182 = vector.load %arg13[%swap3A_179, %swap3A_180, %swap3A_181] : memref<256x4x512xf32, #tpu.memory_space<vmem>>, vector<256x1x512xf32>
    %swap3A_183 = vector.shape_cast %swap3A_182 : vector<256x1x512xf32> to vector<256x512xf32>
    %swap3A_184 = vector.shape_cast %mul3A_178 : vector<256x512xf32> to vector<256x1x512xf32>
    tpu.vector_store %arg13[%swap3A_179, %swap3A_180, %swap3A_181], %swap3A_184 {strides = array<i32>} : memref<256x4x512xf32, #tpu.memory_space<vmem>>, vector<256x1x512xf32>,
    %get3A_185 = arith.constant 0 : index
    %get3A_186 = arith.constant 0 : index
    %get3A_187 = arith.constant 2 : index
    %get3A_188 = vector.load %arg9[%get3A_185, %get3A_186, %get3A_187] : memref<2x256x4xf32, #tpu.memory_space<vmem>>, vector<1x256x1xf32>
    %get3A_189 = vector.shape_cast %get3A_188 : vector<1x256x1xf32> to vector<256xf32>
    %get3A_190 = arith.constant 1 : index
    %get3A_191 = arith.constant 0 : index
    %get3A_192 = arith.constant 2 : index
    %get3A_193 = vector.load %arg9[%get3A_190, %get3A_191, %get3A_192] : memref<2x256x4xf32, #tpu.memory_space<vmem>>, vector<1x256x1xf32>
    %get3A_194 = vector.shape_cast %get3A_193 : vector<1x256x1xf32> to vector<256xf32>
    %add3A_195 = arith.addf %get3A_189, %get3A_194 : vector<256xf32>
    %add3A_196 = arith.constant 1.000000e+00 : f32
    %add3A_197 = vector.broadcast %add3A_196 : f32 to vector<256xf32>
    %add3A_198 = arith.addf %add3A_195, %add3A_197 : vector<256xf32>
    %rsqrt3A_199 = math.rsqrt %add3A_198 : vector<256xf32>
    %get3A_200 = arith.constant 0 : index
    %get3A_201 = arith.constant 0 : index
    %get3A_202 = vector.load %arg1[%get3A_200, %get3A_201] : memref<256x128xf32, #tpu.memory_space<vmem>>, vector<256x128xf32>
    %slice3A_203 = vector.extract_strided_slice %get3A_202 {offsets = [0, 64], sizes = [256, 32], strides = [1, 1]} : vector<256x128xf32> to vector<256x32xf32>
    %get3A_204 = arith.constant 0 : index
    %get3A_205 = arith.constant 0 : index
    %get3A_206 = vector.load %arg2[%get3A_204, %get3A_205] : memref<256x128xf32, #tpu.memory_space<vmem>>, vector<256x128xf32>
    %slice3A_207 = vector.extract_strided_slice %get3A_206 {offsets = [0, 64], sizes = [256, 32], strides = [1, 1]} : vector<256x128xf32> to vector<256x32xf32>
    %get3A_208 = arith.constant 0 : index
    %get3A_209 = arith.constant 0 : index
    %get3A_210 = vector.load %arg3[%get3A_208, %get3A_209] : memref<256x128xf32, #tpu.memory_space<vmem>>, vector<256x128xf32>
    %slice3A_211 = vector.extract_strided_slice %get3A_210 {offsets = [0, 64], sizes = [256, 32], strides = [1, 1]} : vector<256x128xf32> to vector<256x32xf32>
    %get3A_212 = arith.constant 0 : index
    %get3A_213 = arith.constant 0 : index
    %get3A_214 = vector.load %arg4[%get3A_212, %get3A_213] : memref<256x128xf32, #tpu.memory_space<vmem>>, vector<256x128xf32>
    %slice3A_215 = vector.extract_strided_slice %get3A_214 {offsets = [0, 64], sizes = [256, 32], strides = [1, 1]} : vector<256x128xf32> to vector<256x32xf32>
    %get3A_216 = arith.constant 0 : index
    %get3A_217 = arith.constant 0 : index
    %get3A_218 = vector.load %arg5[%get3A_216, %get3A_217] : memref<256x128xf32, #tpu.memory_space<vmem>>, vector<256x128xf32>
    %slice3A_219 = vector.extract_strided_slice %get3A_218 {offsets = [0, 64], sizes = [256, 32], strides = [1, 1]} : vector<256x128xf32> to vector<256x32xf32>
    %get3A_220 = arith.constant 0 : index
    %get3A_221 = arith.constant 0 : index
    %get3A_222 = vector.load %arg6[%get3A_220, %get3A_221] : memref<256x128xf32, #tpu.memory_space<vmem>>, vector<256x128xf32>
    %slice3A_223 = vector.extract_strided_slice %get3A_222 {offsets = [0, 64], sizes = [256, 32], strides = [1, 1]} : vector<256x128xf32> to vector<256x32xf32>
    %get3A_224 = arith.constant 0 : index
    %get3A_225 = arith.constant 0 : index
    %get3A_226 = vector.load %arg7[%get3A_224, %get3A_225] : memref<256x128xf32, #tpu.memory_space<vmem>>, vector<256x128xf32>
    %slice3A_227 = vector.extract_strided_slice %get3A_226 {offsets = [0, 64], sizes = [256, 32], strides = [1, 1]} : vector<256x128xf32> to vector<256x32xf32>
    %get3A_228 = arith.constant 0 : index
    %get3A_229 = arith.constant 0 : index
    %get3A_230 = vector.load %arg8[%get3A_228, %get3A_229] : memref<256x128xf32, #tpu.memory_space<vmem>>, vector<256x128xf32>
    %slice3A_231 = vector.extract_strided_slice %get3A_230 {offsets = [0, 64], sizes = [256, 32], strides = [1, 1]} : vector<256x128xf32> to vector<256x32xf32>
    %concatenate3A_232 = tpu.concatenate %slice3A_203, %slice3A_207, %slice3A_211, %slice3A_215, %slice3A_219, %slice3A_223, %slice3A_227, %slice3A_231 in 1 : vector<256x32xf32>, vector<256x32xf32>, vector<256x32xf32>, vector<256x32xf32>, vector<256x32xf32>, vector<256x32xf32>, vector<256x32xf32>, vector<256x32xf32> -> vector<256x256xf32>
    %get3A_233 = arith.constant 0 : index
    %get3A_234 = arith.constant 2 : index
    %get3A_235 = arith.constant 0 : index
    %get3A_236 = vector.load %arg10[%get3A_233, %get3A_234, %get3A_235] : memref<256x4x256xf32, #tpu.memory_space<vmem>>, vector<256x1x256xf32>
    %get3A_237 = vector.shape_cast %get3A_236 : vector<256x1x256xf32> to vector<256x256xf32>
    %mul3A_238 = arith.constant 8.000000e-01 : f32
    %mul3A_239 = vector.broadcast %mul3A_238 : f32 to vector<256xf32>
    %mul3A_240 = arith.mulf %mul3A_239, %rsqrt3A_199 : vector<256xf32>
    %broadcast_in_dim3A_241 = vector.shape_cast %mul3A_240 : vector<256xf32> to vector<256x1xf32>
    %mul3A_242 = vector.broadcast %broadcast_in_dim3A_241 : vector<256x1xf32> to vector<256x256xf32>
    %mul3A_243 = arith.mulf %mul3A_242, %concatenate3A_232 : vector<256x256xf32>
    %mul3A_244 = arith.constant 8.000000e-01 : f32
    %mul3A_245 = vector.broadcast %mul3A_244 : f32 to vector<256xf32>
    %mul3A_246 = arith.mulf %mul3A_245, %rsqrt3A_199 : vector<256xf32>
    %mul3A_247 = arith.mulf %mul3A_246, %rsqrt3A_199 : vector<256xf32>
    %add3A_248 = arith.constant 2.000000e-01 : f32
    %add3A_249 = vector.broadcast %add3A_248 : f32 to vector<256xf32>
    %add3A_250 = arith.addf %mul3A_247, %add3A_249 : vector<256xf32>
    %broadcast_in_dim3A_251 = vector.shape_cast %add3A_250 : vector<256xf32> to vector<256x1xf32>
    %mul3A_252 = vector.broadcast %broadcast_in_dim3A_251 : vector<256x1xf32> to vector<256x256xf32>
    %mul3A_253 = arith.mulf %mul3A_252, %get3A_237 : vector<256x256xf32>
    %add3A_254 = arith.addf %mul3A_243, %mul3A_253 : vector<256x256xf32>
    %get3A_255 = arith.constant 0 : index
    %get3A_256 = arith.constant 0 : index
    %get3A_257 = vector.load %arg11[%get3A_255, %get3A_256] : memref<256x512xf32, #tpu.memory_space<vmem>>, vector<256x512xf32>
    %dot_general3A_258 = arith.constant dense<0.000000e+00> : vector<256x512xf32>
    %dot_general3A_259 = tpu.matmul %add3A_254, %get3A_257, %dot_general3A_258 {dimension_numbers = #tpu.dot_dimension_numbers<[1], [0], [0], [1], [0, 0, 1, 1], [], []>, transpose_lhs_hint = false} : vector<256x256xf32>, vector<256x512xf32>, vector<256x512xf32> -> vector<256x512xf32>
    %get3A_260 = arith.constant 0 : index
    %get3A_261 = arith.constant 0 : index
    %get3A_262 = vector.load %arg12[%get3A_260, %get3A_261] : memref<1x512xf32, #tpu.memory_space<vmem>>, vector<1x512xf32>
    %add3A_263 = vector.broadcast %get3A_262 : vector<1x512xf32> to vector<256x512xf32>
    %add3A_264 = arith.addf %dot_general3A_259, %add3A_263 : vector<256x512xf32>
    %mul3A_265 = arith.mulf %add3A_264, %add3A_264 : vector<256x512xf32>
    %reduce_sum3A_266 = arith.constant dense<0.000000e+00> : vector<256xf32>
    %reduce_sum3A_267 = vector.multi_reduction <add>, %mul3A_265, %reduce_sum3A_266 [1] : vector<256x512xf32> to vector<256xf32>
    %broadcast_in_dim3A_268 = vector.shape_cast %reduce_sum3A_267 : vector<256xf32> to vector<256x1xf32>
    %sqrt3A_269 = math.sqrt %broadcast_in_dim3A_268 : vector<256x1xf32>
    %max3A_270 = arith.constant 9.99999996E-13 : f32
    %max3A_271 = vector.broadcast %max3A_270 : f32 to vector<256x1xf32>
    %max3A_272 = arith.maximumf %sqrt3A_269, %max3A_271 : vector<256x1xf32>
    %div3A_273 = arith.constant 1.000000e+00 : f32
    %div3A_274 = vector.broadcast %div3A_273 : f32 to vector<256x1xf32>
    %div3A_275 = arith.divf %div3A_274, %max3A_272 : vector<256x1xf32>
    %mul3A_276 = vector.broadcast %div3A_275 : vector<256x1xf32> to vector<256x512xf32>
    %mul3A_277 = arith.mulf %add3A_264, %mul3A_276 : vector<256x512xf32>
    %swap3A_278 = arith.constant 0 : index
    %swap3A_279 = arith.constant 2 : index
    %swap3A_280 = arith.constant 0 : index
    %swap3A_281 = vector.load %arg13[%swap3A_278, %swap3A_279, %swap3A_280] : memref<256x4x512xf32, #tpu.memory_space<vmem>>, vector<256x1x512xf32>
    %swap3A_282 = vector.shape_cast %swap3A_281 : vector<256x1x512xf32> to vector<256x512xf32>
    %swap3A_283 = vector.shape_cast %mul3A_277 : vector<256x512xf32> to vector<256x1x512xf32>
    tpu.vector_store %arg13[%swap3A_278, %swap3A_279, %swap3A_280], %swap3A_283 {strides = array<i32>} : memref<256x4x512xf32, #tpu.memory_space<vmem>>, vector<256x1x512xf32>,
    %get3A_284 = arith.constant 0 : index
    %get3A_285 = arith.constant 0 : index
    %get3A_286 = arith.constant 3 : index
    %get3A_287 = vector.load %arg9[%get3A_284, %get3A_285, %get3A_286] : memref<2x256x4xf32, #tpu.memory_space<vmem>>, vector<1x256x1xf32>
    %get3A_288 = vector.shape_cast %get3A_287 : vector<1x256x1xf32> to vector<256xf32>
    %get3A_289 = arith.constant 1 : index
    %get3A_290 = arith.constant 0 : index
    %get3A_291 = arith.constant 3 : index
    %get3A_292 = vector.load %arg9[%get3A_289, %get3A_290, %get3A_291] : memref<2x256x4xf32, #tpu.memory_space<vmem>>, vector<1x256x1xf32>
    %get3A_293 = vector.shape_cast %get3A_292 : vector<1x256x1xf32> to vector<256xf32>
    %add3A_294 = arith.addf %get3A_288, %get3A_293 : vector<256xf32>
    %add3A_295 = arith.constant 1.000000e+00 : f32
    %add3A_296 = vector.broadcast %add3A_295 : f32 to vector<256xf32>
    %add3A_297 = arith.addf %add3A_294, %add3A_296 : vector<256xf32>
    %rsqrt3A_298 = math.rsqrt %add3A_297 : vector<256xf32>
    %get3A_299 = arith.constant 0 : index
    %get3A_300 = arith.constant 0 : index
    %get3A_301 = vector.load %arg1[%get3A_299, %get3A_300] : memref<256x128xf32, #tpu.memory_space<vmem>>, vector<256x128xf32>
    %slice3A_302 = vector.extract_strided_slice %get3A_301 {offsets = [0, 96], sizes = [256, 32], strides = [1, 1]} : vector<256x128xf32> to vector<256x32xf32>
    %get3A_303 = arith.constant 0 : index
    %get3A_304 = arith.constant 0 : index
    %get3A_305 = vector.load %arg2[%get3A_303, %get3A_304] : memref<256x128xf32, #tpu.memory_space<vmem>>, vector<256x128xf32>
    %slice3A_306 = vector.extract_strided_slice %get3A_305 {offsets = [0, 96], sizes = [256, 32], strides = [1, 1]} : vector<256x128xf32> to vector<256x32xf32>
    %get3A_307 = arith.constant 0 : index
    %get3A_308 = arith.constant 0 : index
    %get3A_309 = vector.load %arg3[%get3A_307, %get3A_308] : memref<256x128xf32, #tpu.memory_space<vmem>>, vector<256x128xf32>
    %slice3A_310 = vector.extract_strided_slice %get3A_309 {offsets = [0, 96], sizes = [256, 32], strides = [1, 1]} : vector<256x128xf32> to vector<256x32xf32>
    %get3A_311 = arith.constant 0 : index
    %get3A_312 = arith.constant 0 : index
    %get3A_313 = vector.load %arg4[%get3A_311, %get3A_312] : memref<256x128xf32, #tpu.memory_space<vmem>>, vector<256x128xf32>
    %slice3A_314 = vector.extract_strided_slice %get3A_313 {offsets = [0, 96], sizes = [256, 32], strides = [1, 1]} : vector<256x128xf32> to vector<256x32xf32>
    %get3A_315 = arith.constant 0 : index
    %get3A_316 = arith.constant 0 : index
    %get3A_317 = vector.load %arg5[%get3A_315, %get3A_316] : memref<256x128xf32, #tpu.memory_space<vmem>>, vector<256x128xf32>
    %slice3A_318 = vector.extract_strided_slice %get3A_317 {offsets = [0, 96], sizes = [256, 32], strides = [1, 1]} : vector<256x128xf32> to vector<256x32xf32>
    %get3A_319 = arith.constant 0 : index
    %get3A_320 = arith.constant 0 : index
    %get3A_321 = vector.load %arg6[%get3A_319, %get3A_320] : memref<256x128xf32, #tpu.memory_space<vmem>>, vector<256x128xf32>
    %slice3A_322 = vector.extract_strided_slice %get3A_321 {offsets = [0, 96], sizes = [256, 32], strides = [1, 1]} : vector<256x128xf32> to vector<256x32xf32>
    %get3A_323 = arith.constant 0 : index
    %get3A_324 = arith.constant 0 : index
    %get3A_325 = vector.load %arg7[%get3A_323, %get3A_324] : memref<256x128xf32, #tpu.memory_space<vmem>>, vector<256x128xf32>
    %slice3A_326 = vector.extract_strided_slice %get3A_325 {offsets = [0, 96], sizes = [256, 32], strides = [1, 1]} : vector<256x128xf32> to vector<256x32xf32>
    %get3A_327 = arith.constant 0 : index
    %get3A_328 = arith.constant 0 : index
    %get3A_329 = vector.load %arg8[%get3A_327, %get3A_328] : memref<256x128xf32, #tpu.memory_space<vmem>>, vector<256x128xf32>
    %slice3A_330 = vector.extract_strided_slice %get3A_329 {offsets = [0, 96], sizes = [256, 32], strides = [1, 1]} : vector<256x128xf32> to vector<256x32xf32>
    %concatenate3A_331 = tpu.concatenate %slice3A_302, %slice3A_306, %slice3A_310, %slice3A_314, %slice3A_318, %slice3A_322, %slice3A_326, %slice3A_330 in 1 : vector<256x32xf32>, vector<256x32xf32>, vector<256x32xf32>, vector<256x32xf32>, vector<256x32xf32>, vector<256x32xf32>, vector<256x32xf32>, vector<256x32xf32> -> vector<256x256xf32>
    %get3A_332 = arith.constant 0 : index
    %get3A_333 = arith.constant 3 : index
    %get3A_334 = arith.constant 0 : index
    %get3A_335 = vector.load %arg10[%get3A_332, %get3A_333, %get3A_334] : memref<256x4x256xf32, #tpu.memory_space<vmem>>, vector<256x1x256xf32>
    %get3A_336 = vector.shape_cast %get3A_335 : vector<256x1x256xf32> to vector<256x256xf32>
    %mul3A_337 = arith.constant 8.000000e-01 : f32
    %mul3A_338 = vector.broadcast %mul3A_337 : f32 to vector<256xf32>
    %mul3A_339 = arith.mulf %mul3A_338, %rsqrt3A_298 : vector<256xf32>
    %broadcast_in_dim3A_340 = vector.shape_cast %mul3A_339 : vector<256xf32> to vector<256x1xf32>
    %mul3A_341 = vector.broadcast %broadcast_in_dim3A_340 : vector<256x1xf32> to vector<256x256xf32>
    %mul3A_342 = arith.mulf %mul3A_341, %concatenate3A_331 : vector<256x256xf32>
    %mul3A_343 = arith.constant 8.000000e-01 : f32
    %mul3A_344 = vector.broadcast %mul3A_343 : f32 to vector<256xf32>
    %mul3A_345 = arith.mulf %mul3A_344, %rsqrt3A_298 : vector<256xf32>
    %mul3A_346 = arith.mulf %mul3A_345, %rsqrt3A_298 : vector<256xf32>
    %add3A_347 = arith.constant 2.000000e-01 : f32
    %add3A_348 = vector.broadcast %add3A_347 : f32 to vector<256xf32>
    %add3A_349 = arith.addf %mul3A_346, %add3A_348 : vector<256xf32>
    %broadcast_in_dim3A_350 = vector.shape_cast %add3A_349 : vector<256xf32> to vector<256x1xf32>
    %mul3A_351 = vector.broadcast %broadcast_in_dim3A_350 : vector<256x1xf32> to vector<256x256xf32>
    %mul3A_352 = arith.mulf %mul3A_351, %get3A_336 : vector<256x256xf32>
    %add3A_353 = arith.addf %mul3A_342, %mul3A_352 : vector<256x256xf32>
    %get3A_354 = arith.constant 0 : index
    %get3A_355 = arith.constant 0 : index
    %get3A_356 = vector.load %arg11[%get3A_354, %get3A_355] : memref<256x512xf32, #tpu.memory_space<vmem>>, vector<256x512xf32>
    %dot_general3A_357 = arith.constant dense<0.000000e+00> : vector<256x512xf32>
    %dot_general3A_358 = tpu.matmul %add3A_353, %get3A_356, %dot_general3A_357 {dimension_numbers = #tpu.dot_dimension_numbers<[1], [0], [0], [1], [0, 0, 1, 1], [], []>, transpose_lhs_hint = false} : vector<256x256xf32>, vector<256x512xf32>, vector<256x512xf32> -> vector<256x512xf32>
    %get3A_359 = arith.constant 0 : index
    %get3A_360 = arith.constant 0 : index
    %get3A_361 = vector.load %arg12[%get3A_359, %get3A_360] : memref<1x512xf32, #tpu.memory_space<vmem>>, vector<1x512xf32>
    %add3A_362 = vector.broadcast %get3A_361 : vector<1x512xf32> to vector<256x512xf32>
    %add3A_363 = arith.addf %dot_general3A_358, %add3A_362 : vector<256x512xf32>
    %mul3A_364 = arith.mulf %add3A_363, %add3A_363 : vector<256x512xf32>
    %reduce_sum3A_365 = arith.constant dense<0.000000e+00> : vector<256xf32>
    %reduce_sum3A_366 = vector.multi_reduction <add>, %mul3A_364, %reduce_sum3A_365 [1] : vector<256x512xf32> to vector<256xf32>
    %broadcast_in_dim3A_367 = vector.shape_cast %reduce_sum3A_366 : vector<256xf32> to vector<256x1xf32>
    %sqrt3A_368 = math.sqrt %broadcast_in_dim3A_367 : vector<256x1xf32>
    %max3A_369 = arith.constant 9.99999996E-13 : f32
    %max3A_370 = vector.broadcast %max3A_369 : f32 to vector<256x1xf32>
    %max3A_371 = arith.maximumf %sqrt3A_368, %max3A_370 : vector<256x1xf32>
    %div3A_372 = arith.constant 1.000000e+00 : f32
    %div3A_373 = vector.broadcast %div3A_372 : f32 to vector<256x1xf32>
    %div3A_374 = arith.divf %div3A_373, %max3A_371 : vector<256x1xf32>
    %mul3A_375 = vector.broadcast %div3A_374 : vector<256x1xf32> to vector<256x512xf32>
    %mul3A_376 = arith.mulf %add3A_363, %mul3A_375 : vector<256x512xf32>
    %swap3A_377 = arith.constant 0 : index
    %swap3A_378 = arith.constant 3 : index
    %swap3A_379 = arith.constant 0 : index
    %swap3A_380 = vector.load %arg13[%swap3A_377, %swap3A_378, %swap3A_379] : memref<256x4x512xf32, #tpu.memory_space<vmem>>, vector<256x1x512xf32>
    %swap3A_381 = vector.shape_cast %swap3A_380 : vector<256x1x512xf32> to vector<256x512xf32>
    %swap3A_382 = vector.shape_cast %mul3A_376 : vector<256x512xf32> to vector<256x1x512xf32>
    tpu.vector_store %arg13[%swap3A_377, %swap3A_378, %swap3A_379], %swap3A_382 {strides = array<i32>} : memref<256x4x512xf32, #tpu.memory_space<vmem>>, vector<256x1x512xf32>,
    return
  }
  func.func @transform_0(%arg0: i32) -> (i32, i32) {
    %c0_i32 = arith.constant 0 : i32
    %c0_i32_0 = arith.constant 0 : i32
    return %arg0, %c0_i32 : i32, i32
  }
  func.func @transform_1(%arg0: i32) -> (i32, i32) {
    %add3A = arith.constant 10 : i32
    %add3A_0 = arith.addi %add3A, %arg0 : i32
    %c0_i32 = arith.constant 0 : i32
    %c0_i32_1 = arith.constant 0 : i32
    return %add3A_0, %c0_i32 : i32, i32
  }
  func.func @transform_2(%arg0: i32) -> (i32, i32) {
    %add3A = arith.constant 20 : i32
    %add3A_0 = arith.addi %add3A, %arg0 : i32
    %c0_i32 = arith.constant 0 : i32
    %c0_i32_1 = arith.constant 0 : i32
    return %add3A_0, %c0_i32 : i32, i32
  }
  func.func @transform_3(%arg0: i32) -> (i32, i32) {
    %add3A = arith.constant 30 : i32
    %add3A_0 = arith.addi %add3A, %arg0 : i32
    %c0_i32 = arith.constant 0 : i32
    %c0_i32_1 = arith.constant 0 : i32
    return %add3A_0, %c0_i32 : i32, i32
  }
  func.func @transform_4(%arg0: i32) -> (i32, i32) {
    %add3A = arith.constant 40 : i32
    %add3A_0 = arith.addi %add3A, %arg0 : i32
    %c0_i32 = arith.constant 0 : i32
    %c0_i32_1 = arith.constant 0 : i32
    return %add3A_0, %c0_i32 : i32, i32
  }
  func.func @transform_5(%arg0: i32) -> (i32, i32) {
    %add3A = arith.constant 50 : i32
    %add3A_0 = arith.addi %add3A, %arg0 : i32
    %c0_i32 = arith.constant 0 : i32
    %c0_i32_1 = arith.constant 0 : i32
    return %add3A_0, %c0_i32 : i32, i32
  }
  func.func @transform_6(%arg0: i32) -> (i32, i32) {
    %add3A = arith.constant 60 : i32
    %add3A_0 = arith.addi %add3A, %arg0 : i32
    %c0_i32 = arith.constant 0 : i32
    %c0_i32_1 = arith.constant 0 : i32
    return %add3A_0, %c0_i32 : i32, i32
  }
  func.func @transform_7(%arg0: i32) -> (i32, i32) {
    %add3A = arith.constant 70 : i32
    %add3A_0 = arith.addi %add3A, %arg0 : i32
    %c0_i32 = arith.constant 0 : i32
    %c0_i32_1 = arith.constant 0 : i32
    return %add3A_0, %c0_i32 : i32, i32
  }
  func.func @transform_8(%arg0: i32) -> (i32, i32, i32) {
    %c0_i32 = arith.constant 0 : i32
    %c0_i32_0 = arith.constant 0 : i32
    %c0_i32_1 = arith.constant 0 : i32
    return %c0_i32, %arg0, %c0_i32_0 : i32, i32, i32
  }
  func.func @transform_9(%arg0: i32) -> (i32, i32, i32) {
    %c0_i32 = arith.constant 0 : i32
    %c0_i32_0 = arith.constant 0 : i32
    %c0_i32_1 = arith.constant 0 : i32
    return %arg0, %c0_i32, %c0_i32_0 : i32, i32, i32
  }
  func.func @transform_10(%arg0: i32) -> (i32, i32) {
    %c0_i32 = arith.constant 0 : i32
    %c0_i32_0 = arith.constant 0 : i32
    %c0_i32_1 = arith.constant 0 : i32
    return %c0_i32, %c0_i32_0 : i32, i32
  }
  func.func @transform_11(%arg0: i32) -> (i32, i32) {
    %c0_i32 = arith.constant 0 : i32
    %c0_i32_0 = arith.constant 0 : i32
    %c0_i32_1 = arith.constant 0 : i32
    return %c0_i32, %c0_i32_0 : i32, i32
  }
  func.func @transform_12(%arg0: i32) -> (i32, i32, i32) {
    %c0_i32 = arith.constant 0 : i32
    %c0_i32_0 = arith.constant 0 : i32
    %c0_i32_1 = arith.constant 0 : i32
    return %arg0, %c0_i32, %c0_i32_0 : i32, i32, i32
  }
}

</mosaic_0001>

<sc_bundles>
// kernel: kernel.10.cloned.1.call-start
scs
__scs_entry_jumppad:
0x0: {  	(pc) =	sbr.rel $0x88, $3  }
0x1: {  	(tag) =	ssettag $0x0;
	lr =	simm.s32 $0x1  }
0x2: {  	[smem:$0x3F9C] =	sst lr;
	_ =	strace $0xD0000000  }
0x3: {  	_ = 	snop  }
0x4: {  	_ = 	snop  }
0x5: {  	_ = 	snop  }
0x6: {  	_ = 	snop  }
0x7: {  	_ = 	snop  }
__scs_overlays_trampoline_lowered:
0x8: {  	[smem:$0x3FAB] =	sst s0  }
0x9: {  	[smem:$0x3FAC] =	sst s1  }
0xa: {  	[smem:$0x3FAD] =	sst s2  }
0xb: {  	[smem:$0x3FAE] =	sst s3  }
0xc: {  	[smem:$0x3FAF] =	sst s4  }
0xd: {  	[smem:$0x3FB0] =	sst s5  }
0xe: {  	[smem:$0x3FB1] =	sst s6  }
0xf: {  	[smem:$0x3FB2] =	sst s7  }
0x10: {  	[smem:$0x3FB3] =	sst s8  }
0x11: {  	[smem:$0x3FB4] =	sst s9;
	s0 =	simm.s32 @!p0 $0x0  }
0x12: {  	s1 =	sld [smem:$0x3F9A];
	s0 =	simm.s32 @p0 $0x1  }
0x13: {  	[smem:$0x3FB5] =	sst s0;
	s0 =	simm.s32 @!p1 $0x0  }
0x14: {  	s2 =	sld [smem:$0x3F99];
	s0 =	simm.s32 @p1 $0x1  }
0x15: {  	[smem:$0x3FB6] =	sst s0;
	s0 =	simm.s32 @!p2 $0x0  }
0x16: {  	s3 =	sld [smem:$0x3FDB];
	s0 =	simm.s32 @p2 $0x1  }
0x17: {  	s4 =	simm.s32 $0x1BF5;
	[smem:$0x3FB8] =	sst s0  }
0x18: {  	s0 =	sld [smem:$0x3F9B];
	_ =	swait.ge [sflag:s4], $0x0  }
0x19: {  	s7 =	sld [smem:$0x3F9C]  }
0x1a: {  	s8 =	sadd.s32 $0xFFFFE003, lr  }
0x1b: {  	s9 =	sadd.s32 $0xFFFFFEF7, lr;
	s5 =	simm.s32 $0xFFFFFFFF;
	p2 =	slt.u32 s8, $0xFFFFF086  }
0x1c: {  	p1 =	slt.u32 s9, $0xF7A;
	s5 =	simm.s32 @!p2 $0x0  }
0x1d: {  	s5 =	simm.s32 @p1 $0x1;
	p0 =	seq.s32 s7, s2  }
0x1e: {  	s7 =	smul.u32 @!p0 $0xF7A, s2;
	p2 =	seq.s32 @!p0 s5, $0x0  }
0x1f: {  	s9 =	smul.u32 $0xF7A, s1;
	s8 =	simm.s32 @!p0 $0x1BF5;
	p2 =	por !p2, p0  }
0x20: {  	[sflag:s8] =	ssyncset.s32 @!p0 $0xFFFFF086;
	s6 =	sadd.s32 @!p0 s3, s7;
	s7 =	simm.s32 @!p0 $0x108  }
0x21: {  	s3 =	sadd.s32 s3, s9;
	s6 =	sadd.s32 @!p0 $0x88, s6;
	s7 =	simm.s32 @p2 $0x1082  }
0x22: {  	[simem:s7], [sflag:s8] =	dma.local @!p0 [hbm:s6], $0xF7A  }
0x23: {  	s9 =	sor.u32 $0xD0000000, s2;
	s6 =	simm.s32 $0x108;
	_ =	swait.ge @!p0 [sflag:s8], $0x0  }
0x24: {  	s3 =	sadd.s32 $0x88, s3;
	s6 =	simm.s32 @!p1 $0x1082;
	[sflag:s4] =	ssyncset.s32 $0xFFFFF086  }
0x25: {  	[simem:s6], [sflag:s4] =	dma.local [hbm:s3], $0xF7A  }
0x26: {  	[smem:$0x3F9C] =	sst s1;
	(tag) =	ssettag s2;
	_ =	strace s9  }
0x27: {  	s1 =	sld [smem:$0x3FAC]  }
0x28: {  	s2 =	sld [smem:$0x3FAD]  }
0x29: {  	s4 =	sld [smem:$0x3FAF]  }
0x2a: {  	p0 =	seq.s32 s5, $0x0;
	s5 =	sld [smem:$0x3FB0]  }
0x2b: {  	s6 =	sld [smem:$0x3FB1]  }
0x2c: {  	s7 =	sld [smem:$0x3FB2]  }
0x2d: {  	s3 =	simm.s32 $0x108;
	s8 =	sld [smem:$0x3FB3]  }
0x2e: {  	s3 =	simm.s32 @!p0 $0x1082;
	s9 =	sld [smem:$0x3FB4]  }
0x2f: {  	lr =	sadd.s32 s0, s3;
	s0 =	sld [smem:$0x3FAB]  }
0x30: {  	s3 =	sld [smem:$0x3FAE]  }
0x31: {  	[smem:$0x3FB7] =	sst s10  }
0x32: {  	s10 =	sld [smem:$0x3FB5];
	_ =	sdelay $0x3  }
0x33: {  	p0 =	seq.s32 s10, $0x1;
	s10 =	sld [smem:$0x3FB7];
	_ =	sdelay $0x3  }
0x34: {  	[smem:$0x3FB7] =	sst s10  }
0x35: {  	s10 =	sld [smem:$0x3FB6];
	_ =	sdelay $0x3  }
0x36: {  	p1 =	seq.s32 s10, $0x1;
	s10 =	sld [smem:$0x3FB7];
	_ =	sdelay $0x3  }
0x37: {  	[smem:$0x3FB7] =	sst s10  }
0x38: {  	s10 =	sld [smem:$0x3FB8]  }
0x39: {  	_ = 	snop;
	(pc) =	sbr.ind lr, $3  }
0x3a: {  	_ = 	snop  }
0x3b: {  	_ = 	snop  }
0x3c: {  	p2 =	seq.s32 s10, $0x1;
	s10 =	sld [smem:$0x3FB7]  }
0x3d: {  	_ =	shalt  }
0x3e: {  	_ =	shalt  }
0x3f: {  	_ =	shalt  }
0x40: {  	_ =	shalt  }
0x41: {  	_ =	shalt  }
0x42: {  	_ =	shalt  }
0x43: {  	_ =	shalt  }
0x44: {  	_ =	shalt  }
0x45: {  	_ =	shalt  }
0x46: {  	_ =	shalt  }
0x47: {  	_ =	shalt  }
0x48: {  	_ =	shalt  }
0x49: {  	_ =	shalt  }
0x4a: {  	_ =	shalt  }
0x4b: {  	_ =	shalt  }
0x4c: {  	_ =	shalt  }
0x4d: {  	_ =	shalt  }
0x4e: {  	_ =	shalt  }
0x4f: {  	_ =	shalt  }
0x50: {  	_ =	shalt  }
0x51: {  	_ =	shalt  }
0x52: {  	_ =	shalt  }
0x53: {  	_ =	shalt  }
0x54: {  	_ =	shalt  }
0x55: {  	_ =	shalt  }
0x56: {  	_ =	shalt  }
0x57: {  	_ =	shalt  }
0x58: {  	_ =	shalt  }
0x59: {  	_ =	shalt  }
0x5a: {  	_ =	shalt  }
0x5b: {  	_ =	shalt  }
0x5c: {  	_ =	shalt  }
0x5d: {  	_ =	shalt  }
0x5e: {  	_ =	shalt  }
0x5f: {  	_ =	shalt  }
0x60: {  	_ =	shalt  }
0x61: {  	_ =	shalt  }
0x62: {  	_ =	shalt  }
0x63: {  	_ =	shalt  }
0x64: {  	_ =	shalt  }
0x65: {  	_ =	shalt  }
0x66: {  	_ =	shalt  }
0x67: {  	_ =	shalt  }
0x68: {  	_ =	shalt  }
0x69: {  	_ =	shalt  }
0x6a: {  	_ =	shalt  }
0x6b: {  	_ =	shalt  }
0x6c: {  	_ =	shalt  }
0x6d: {  	_ =	shalt  }
0x6e: {  	_ =	shalt  }
0x6f: {  	_ =	shalt  }
0x70: {  	_ =	shalt  }
0x71: {  	_ =	shalt  }
0x72: {  	_ =	shalt  }
0x73: {  	_ =	shalt  }
0x74: {  	_ =	shalt  }
0x75: {  	_ =	shalt  }
0x76: {  	_ =	shalt  }
0x77: {  	_ =	shalt  }
0x78: {  	_ =	shalt  }
0x79: {  	_ =	shalt  }
0x7a: {  	_ =	shalt  }
0x7b: {  	_ =	shalt  }
0x7c: {  	_ =	shalt  }
0x7d: {  	_ =	shalt  }
0x7e: {  	_ =	shalt  }
0x7f: {  	_ =	shalt  }
0x80: {  	_ =	shalt  }
0x81: {  	_ =	shalt  }
0x82: {  	_ =	shalt  }
0x83: {  	_ =	shalt  }
0x84: {  	_ =	shalt  }
0x85: {  	_ =	shalt  }
0x86: {  	_ =	shalt  }
0x87: {  	_ =	shalt  }
.Lfunc_end0:
.L_simem_size_0:
called_computation.1_lowered:
.L_overlay_start_0:
0x88: {  	s2 =	sld [smem:$0x3FD9]  }
0x89: {  	s3 =	sld [smem:$0x3FFE];
	_ =	sdelay $0x1  }
0x8a: {  	s1 =	srdreg.scid  }
0x8b: {  	s0 =	sand.u32 $0x1, s1  }
0x8c: {  	s14 =	sshll.u32 s0, $0xA;
	s2 =	sadd.s32 s3, s2  }
0x8d: {  	s2 =	sadd.s32 s2, s14  }
0x8e: {  	[smem:$0x3FC3] =	sst s2  }
0x8f: {  	_ = 	snop  }
0x90: {  	s2 =	sld [smem:$0x3FD0];
	_ =	sdelay $0x2  }
0x91: {  	s15 =	simm.s32 $0xA;
	s4 =	simm.s32 $0x10  }
0x92: {  	[smem:s4], [sflag:s15] =	dma.local [hbm:s2], $0x1  }
0x93: {  	_ =	swait.eq [sflag:s15], $0x1  }
0x94: {  	[sflag:s15] =	ssyncset.done $0x0  }
0x95: {  	s16 =	sld [smem:$0x10];
	[sflag:s15] =	ssyncadd.s32 $0xFFFFFFFF  }
0x96: {  	s17 =	sld [smem:$0x11];
	(tm) =	ssettm $0x1  }
0x97: {  	s18 =	sld [smem:$0x3FFB];
	_ =	sdelay $0x3  }
0x98: {  	_ =	strace s18  }
0x99: {  	s4 =	sld [smem:$0x3FFC];
	_ =	sdelay $0x3  }
0x9a: {  	_ =	strace s4  }
0x9b: {  	s4 =	sld [smem:$0x3FFD];
	_ =	sdelay $0x3  }
0x9c: {  	_ =	strace s4  }
0x9d: {  	_ =	strace $0x8FFFFFFF  }
0x9e: {  	s19 =	sld [smem:$0x3FDB];
	_ =	sdelay $0x1  }
0x9f: {  	s5 =	simm.s32 $_scs_section_size  }
0xa0: {  	s6 =	simm.s32 $_size__tile_overlayer_lowered;
	s7 =	simm.s32 $_tile_overlayer_lowered  }
0xa1: {  	s22 =	simm.s32 $0x1BFF;
	s21 =	sshll.u32 s7, $0x1;
	s4 =	sadd.s32 s5, s19  }
0xa2: {  	s8 =	simm.s32 $0x0;
	s20 =	sshll.u32 s6, $0x1;
	s6 =	sadd.s32 s21, s4  }
0xa3: {  	[timem:s8], [sflag:s22] =	dma.local [hbm:s6], s20  }
0xa4: {  	_ =	swait.ge [sflag:s22], s20  }
0xa5: {  	s5 =	ssub.s32 $0x0, s20;
	[sflag:s22] =	ssyncset.done $0x0  }
0xa6: {  	[sflag:s22] =	ssyncadd.s32 s5;
	_ =	sdelay $0x1  }
0xa7: {  	s23 =	simm.s32 $0x1B8B  }
0xa8: {  	_ =	swait.ge [sflag:s23], $0x1  }
0xa9: {  	[sflag:s23] =	ssyncset.done $0x0  }
0xaa: {  	s25 =	simm.s32 $0x1B8E;
	s24 =	sld [smem:$0x3FFE];
	[sflag:s23] =	ssyncadd.s32 $0xFFFFFFFF  }
0xab: {  	s26 =	simm.s32 $execute0_lowered;
	[smem:$0x3FD2] =	sst s25  }
0xac: {  	s6 =	sshll.u32 s26, $0x1;
	_ =	strace $0x80000049;
	[dreg:$0x1] =	wrdreg $0xFFFFFFFF  }
0xad: {  	s28 =	simm.s32 $_size_execute0_lowered;
	s4 =	sadd.s32 s4, s6;
	[dreg:$0x0] =	wrdreg $0x0  }
0xae: {  	s6 =	sshll.u32 s28, $0x1;
	[dreg:$0x2] =	wrdreg s4  }
0xaf: {  	[dreg:$0x3] =	wrdreg s6  }
0xb0: {  	[dreg:$0x4] =	wrdreg $0xC0  }
0xb1: {  	_ =	task [dreg:s8], $0x5FFFF  }
0xb2: {  	[dreg:$0x1] =	wrdreg $0xFFFFFFFF  }
0xb3: {  	[dreg:$0x0] =	wrdreg $0x60  }
0xb4: {  	[dreg:$0x2] =	wrdreg s24  }
0xb5: {  	[dreg:$0x3] =	wrdreg s17  }
0xb6: {  	[dreg:$0x4] =	wrdreg s16  }
0xb7: {  	[dreg:$0x5] =	wrdreg $0x130000  }
0xb8: {  	[dreg:$0x6] =	wrdreg $0x180000  }
0xb9: {  	[dreg:$0x7] =	wrdreg $0x9  }
0xba: {  	_ =	task.clear_ibuf [dreg:s8], $0x8FFFF;
	_ =	strace $0x90000049  }
0xbb: {  	s29 =	simm.s32 $0x9;
	_ =	strace $0x8000004B  }
0xbc: {  	_ =	swait.ge [sflag:s29], $0x1  }
0xbd: {  	[sflag:s29] =	ssyncadd.s32 $0xFFFFFFFF  }
0xbe: {  	_ =	strace $0x9000004B  }
0xbf: {  	_ =	sfence  }
0xc0: {  	s30 =	sld [smem:$0x0];
	_ =	sdelay $0x2  }
0xc1: {  	s31 =	sshll.u32 s1, $0xD;
	s1 =	sshrl.u32 s1, $0x2  }
0xc2: {  	s3 =	sand.u32 $0x4000, s31;
	s1 =	sadd.s32 s1, s30  }
0xc3: {  	s0 =	sor.u32 s3, s0;
	s1 =	sshll.u32 s1, $0x11  }
0xc4: {  	s0 =	sor.u32 s1, s0  }
0xc5: {  	s0 =	sadd.s32 $0x8F2B, s0  }
0xc6: {  	[sflag:s0] =	ssyncadd.remote.s32 $0x1  }
0xc7: {  	_ =	sfence.sel $0xFFFF  }
0xc8: {  	[dreg:$0x0] =	wrdreg $0xFFFFFFFF;
	(pc) =	sbr.abs _section_cstart, $3  }
0xc9: {  	[dreg:$0x1] =	wrdreg $0xFFFFFFFF  }
0xca: {  	_ =	task.clear_ibuf [dreg:s8], $0x2FFFF;
	_ =	strace $0x9FFFFFFF  }
0xcb: {  	(tm) =	ssettm $0x7FFFFFFF  }
tec
execute0_lowered:
.L_overlay_start_1:
0x0: {  	(tag) =	ssettag $0x1  }
0x1: {  	s0 =	srdreg.scid;
	s2 =	rddreg [dreg:$0x0]  }
0x2: {  	s15 =	stileid.u32;
	s8 =	rddreg [dreg:$0x1];
	s1 =	simm.s32 $0x0  }
0x3: {  	s28 =	rddreg [dreg:$0x4];
	s29 =	simm.s32 $0x2;
	s10 =	smul.u32 $0x280, s15  }
0x4: {  	s3 =	sand.u32 $0x1, s0;
	s0 =	rddreg [dreg:$0x2];
	s4 =	smul.u32 $0x500, s15  }
0x5: {  	[smem:$0x7FF] =	sst s1;
	s9 =	smul.u32 $0xA000, s3;
	s3 =	ssub.s32 $0x2, s3  }
0x6: {  	s6 =	sshrl.u32 s3, $0x1;
	s2 =	sadd.s32 s4, s2;
	s7 =	sadd.s32 $0x80, s10  }
0x7: {  	s4 =	sadd.s32 $0x180, s10;
	s5 =	sadd.s32 s10, s9;
	s6 =	ssub.s32 s3, s6  }
0x8: {  	s3 =	sadd.s32 $0x100, s10;
	s12 =	sadd.s32 s9, s7;
	s26 =	sadd.s32 s9, s4  }
0x9: {  	s31 =	sadd.s32 $0x2800, s9;
	s11 =	sshll.u32 s5, $0x2;
	s5 =	sadd.s32 $0x200, s10  }
0xa: {  	s13 =	sadd.s32 s9, s3;
	s23 =	sshll.u32 s12, $0x2;
	s16 =	sadd.s32 s10, s31  }
0xb: {  	s18 =	sadd.s32 s7, s31;
	s19 =	sadd.s32 s3, s31;
	s6 =	smax.u32 s6, $0x1  }
0xc: {  	s22 =	sadd.s32 s8, s11;
	s11 =	sadd.s32 s0, s11;
	s24 =	sshll.u32 s13, $0x2  }
0xd: {  	s30 =	sadd.s32 s9, s5;
	s17 =	sshll.u32 s16, $0x2;
	s12 =	sshll.u32 s18, $0x2  }
0xe: {  	s21 =	sshll.u32 s19, $0x2;
	s13 =	simm.s32 $0x6000;
	[dreg:$0x6] =	wrdreg s22  }
0xf: {  	[dreg:$0x7] =	wrdreg s11;
	s11 =	sadd.s32 s0, s23;
	s25 =	sadd.s32 s0, s24  }
0x10: {  	s14 =	sshll.u32 s30, $0x2;
	s20 =	sadd.s32 s0, s12;
	s22 =	sadd.s32 s4, s31  }
0x11: {  	s23 =	sadd.s32 s5, s31;
	s24 =	sadd.s32 $0x5000, s9;
	[dreg:$0x8] =	wrdreg s11  }
0x12: {  	s9 =	sadd.s32 $0x7800, s9;
	[dreg:$0x9] =	wrdreg s25;
	s11 =	sshll.u32 s26, $0x2  }
0x13: {  	[dreg:$0xe] =	wrdreg s20;
	s12 =	sshll.u32 s23, $0x2;
	s26 =	sadd.s32 s10, s24  }
0x14: {  	s30 =	sadd.s32 s7, s24;
	s31 =	sadd.s32 s3, s24;
	s10 =	sadd.s32 s10, s9  }
0x15: {  	s19 =	sadd.s32 s7, s9;
	s20 =	sadd.s32 s3, s9;
	s23 =	sadd.s32 s4, s9  }
0x16: {  	s9 =	sadd.s32 s5, s9;
	s3 =	sshll.u32 s3, $0x5;
	s11 =	sadd.s32 s0, s11  }
0x17: {  	s25 =	sadd.s32 s0, s12;
	s12 =	sshll.u32 s30, $0x2;
	[dreg:$0xa] =	wrdreg s11  }
0x18: {  	s10 =	sshll.u32 s10, $0x2;
	s30 =	sadd.s32 $0x7600, s2;
	[dreg:$0x11] =	wrdreg s25  }
0x19: {  	s2 =	sadd.s32 $0x1C00, s2;
	s11 =	sadd.s32 s0, s14;
	s25 =	rddreg [dreg:$0x3]  }
0x1a: {  	s3 =	sadd.s32 s3, s28;
	s14 =	sadd.s32 s8, s17;
	[dreg:$0xb] =	wrdreg s11  }
0x1b: {  	s12 =	sadd.s32 s0, s12;
	[dreg:$0xc] =	wrdreg s14;
	s11 =	sadd.s32 s0, s17  }
0x1c: {  	s14 =	sshll.u32 s31, $0x2;
	[dreg:$0x14] =	wrdreg s12;
	s17 =	sadd.s32 s5, s24  }
0x1d: {  	s31 =	sshll.u32 s7, $0x5;
	s5 =	sshll.u32 s5, $0x5;
	s7 =	simm.s32 $0x11  }
0x1e: {  	[dreg:$0xd] =	wrdreg s11;
	s11 =	sadd.s32 s0, s21;
	s14 =	sadd.s32 s0, s14  }
0x1f: {  	s12 =	sshll.u32 s17, $0x2;
	s21 =	sshll.u32 s20, $0x2;
	[dreg:$0xf] =	wrdreg s11  }
0x20: {  	s11 =	sshll.u32 s22, $0x2;
	[dreg:$0x15] =	wrdreg s14;
	s18 =	sadd.s32 s0, s12  }
0x21: {  	s5 =	sadd.s32 s5, s28;
	s11 =	sadd.s32 s0, s11;
	[dreg:$0x17] =	wrdreg s18  }
0x22: {  	s22 =	sadd.s32 s0, s21;
	[dreg:$0x10] =	wrdreg s11;
	s11 =	sshll.u32 s26, $0x2  }
0x23: {  	s12 =	simm.s32 $0x5000;
	[dreg:$0x1b] =	wrdreg s22;
	s16 =	sadd.s32 s8, s11  }
0x24: {  	s14 =	simm.s32 $0xF;
	s11 =	sadd.s32 s0, s11;
	[dreg:$0x12] =	wrdreg s16  }
0x25: {  	s22 =	simm.s32 $0x1;
	s8 =	sadd.s32 s8, s10;
	[dreg:$0x13] =	wrdreg s11  }
0x26: {  	s26 =	smul.u32 $0x5000, s15;
	s10 =	sadd.s32 s0, s10;
	[dreg:$0x18] =	wrdreg s8  }
0x27: {  	s15 =	simm.s32 $0x10;
	s16 =	sadd.s32 s4, s24;
	[dreg:$0x19] =	wrdreg s10  }
0x28: {  	s8 =	sshll.u32 s19, $0x2;
	s24 =	sshll.u32 s9, $0x2;
	s4 =	sshll.u32 s4, $0x5  }
0x29: {  	s9 =	simm.s32 $0xE000;
	s11 =	sshll.u32 s16, $0x2;
	s8 =	sadd.s32 s0, s8  }
0x2a: {  	s11 =	sadd.s32 s0, s11;
	[dreg:$0x1a] =	wrdreg s8;
	s8 =	sshll.u32 s23, $0x2  }
0x2b: {  	s10 =	simm.s32 $0xD000;
	[dreg:$0x16] =	wrdreg s11;
	s8 =	sadd.s32 s0, s8  }
0x2c: {  	s4 =	sadd.s32 s4, s28;
	s0 =	sadd.s32 s0, s24;
	[dreg:$0x1c] =	wrdreg s8  }
0x2d: {  	s16 =	simm.s32 $0x0;
	s24 =	sadd.s32 s26, s25;
	[dreg:$0x1d] =	wrdreg s0  }
0x2e: {  	s11 =	simm.s32 $0x80;
	_ =	strace $0x8000004A;
	[dreg:$0x1e] =	wrdreg s30  }
0x2f: {  	s0 =	sadd.s32 s26, s28;
	s8 =	simm.s32 $0x2800;
	[dreg:$0x1f] =	wrdreg s2  }
0x30: {  	v0 =	vimm.f32 $0.0e+00;
	s2 =	sadd.s32 s31, s28;
	[smem:$0x7FD] =	sst s6;
	s6 =	simm.s32 $0xC000  }
.LBB2_1:
0x31: {  	s17 =	rddreg [dreg:$0x1e]  }
0x32: {  	[tilespmem:s1], [sflag:$0x11] =	stream.linear.gather [hbm4b:s17+s1], $0x2800, $0x38;
	[tilespmem:$0x1D000] =	vst v63  }
0x33: {  	_ =	swait.ge [sflag:s7], $0x2800  }
0x34: {  	[sflag:s7] =	ssyncset.done $0x0  }
0x35: {  	s30 =	rddreg [dreg:$0x1f];
	[sflag:s7] =	ssyncadd.s32 $0xFFFFD800  }
0x36: {  	[tilespmem:s8], [sflag:$0x11] =	stream.linear.gather [hbm4b:s30+s1], $0x2800, $0x38;
	[tilespmem:$0x1D000] =	vst v63  }
0x37: {  	_ =	swait.ge [sflag:s7], $0x2800  }
0x38: {  	[sflag:s7] =	ssyncset.done $0x0  }
0x39: {  	s31 =	rddreg [dreg:$0x6];
	[sflag:s7] =	ssyncadd.s32 $0xFFFFD800  }
0x3a: {  	[tilespmem:s9], [sflag:$0x11] =	stream.linear.gather [hbm4b:s31+s1], $0x5000, $0x38;
	[tilespmem:$0x1D000] =	vst v63  }
0x3b: {  	_ =	swait.ge [sflag:s7], $0x5000  }
0x3c: {  	[sflag:s7] =	ssyncset.done $0x0  }
0x3d: {  	[sflag:s7] =	ssyncadd.s32 $0xFFFFB000  }
0x3e: {  	[spmem:s24] =	stream.linear.scatter [tilespmem:s9], [sflag:$0x11], $0x5000, $0x38;
	[tilespmem:$0x1D000] =	vst v63  }
0x3f: {  	_ =	swait.ge [sflag:s7], $0x5000  }
0x40: {  	[sflag:s7] =	ssyncset.done $0x0  }
0x41: {  	s18 =	simm.s32 $0x0;
	s17 =	simm.s32 $0x80;
	[sflag:s7] =	ssyncadd.s32 $0xFFFFB000  }
.LBB2_2:
0x42: {  	p0 =	sne.s32 s17, $0x3F80;
	[tilespmem:s18+$0xD000] =	vst v0;
	s19 =	smov.u32 s17;
	s17 =	sadd.s32 $0x80, s17  }
.Ltmp0:
0x43: {  	[tilespmem:s18+$0xD010] =	vst v0;
	(pc) =	sbr.rel @p0 .LBB2_2-.Ltmp0, $2  }
0x44: {  	_ =	sdelay $0x2  }
0x45: {  	s18 =	sshra.s32 s19, $0x2  }
0x46: {  	[tilespmem:s18+$0xD000] =	vst v0  }
0x47: {  	[tilespmem:s18+$0xD010] =	vst v0  }
0x48: {  	[spmem:s0] =	stream.linear.scatter [tilespmem:s10], [sflag:$0x11], $0x1000, $0x38;
	[tilespmem:$0x1D000] =	vst v63  }
0x49: {  	_ =	swait.ge [sflag:s7], $0x1000  }
0x4a: {  	[sflag:s7] =	ssyncset.done $0x0  }
0x4b: {  	[sflag:s7] =	ssyncadd.s32 $0xFFFFF000  }
0x4c: {  	[spmem:s2] =	stream.linear.scatter [tilespmem:s10], [sflag:$0x11], $0x1000, $0x38;
	[tilespmem:$0x1D000] =	vst v63  }
0x4d: {  	_ =	swait.ge [sflag:s7], $0x1000  }
0x4e: {  	[sflag:s7] =	ssyncset.done $0x0  }
0x4f: {  	[sflag:s7] =	ssyncadd.s32 $0xFFFFF000  }
0x50: {  	[spmem:s3] =	stream.linear.scatter [tilespmem:s10], [sflag:$0x11], $0x1000, $0x38;
	[tilespmem:$0x1D000] =	vst v63  }
0x51: {  	_ =	swait.ge [sflag:s7], $0x1000  }
0x52: {  	[sflag:s7] =	ssyncset.done $0x0  }
0x53: {  	[sflag:s7] =	ssyncadd.s32 $0xFFFFF000  }
0x54: {  	[spmem:s4] =	stream.linear.scatter [tilespmem:s10], [sflag:$0x11], $0x1000, $0x38;
	[tilespmem:$0x1D000] =	vst v63  }
0x55: {  	_ =	swait.ge [sflag:s7], $0x1000  }
0x56: {  	[sflag:s7] =	ssyncset.done $0x0  }
0x57: {  	[sflag:s7] =	ssyncadd.s32 $0xFFFFF000  }
0x58: {  	[spmem:s5] =	stream.linear.scatter [tilespmem:s10], [sflag:$0x11], $0x1000, $0x38;
	[tilespmem:$0x1D000] =	vst v63  }
0x59: {  	_ =	swait.ge [sflag:s7], $0x1000  }
0x5a: {  	[sflag:s7] =	ssyncset.done $0x0  }
0x5b: {  	[sflag:s7] =	ssyncadd.s32 $0xFFFFF000  }
0x5c: {  	[bflag:$0x0] =	sbarrier.arrive $0xFFFF  }
0x5d: {  	[tilespmem:s12], [sflag:$0x1] =	stream.indirect.gather [spmem:s25], $0x20, s1, s11, $0xb8;
	[tilespmem:$0x1D000] =	vst v63  }
0x5e: {  	_ = 	snop  }
0x5f: {  	[tilespmem:s13], [sflag:$0x2] =	stream.indirect.gather [spmem:s25], $0x20, s11, s11, $0xb8;
	[tilespmem:$0x1D000] =	vst v63  }
0x60: {  	s17 =	simm.s32 $0x100;
	s21 =	simm.s32 $0x7000  }
0x61: {  	[tilespmem:s21], [sflag:$0x3] =	stream.indirect.gather [spmem:s25], $0x20, s17, s11, $0xb8;
	[tilespmem:$0x1D000] =	vst v63  }
0x62: {  	s23 =	simm.s32 $0x180;
	s26 =	simm.s32 $0x8000  }
0x63: {  	[tilespmem:s26], [sflag:$0x4] =	stream.indirect.gather [spmem:s25], $0x20, s23, s11, $0xb8;
	[tilespmem:$0x1D000] =	vst v63  }
0x64: {  	s30 =	simm.s32 $0x200;
	s31 =	simm.s32 $0x9000  }
0x65: {  	[tilespmem:s31], [sflag:$0x5] =	stream.indirect.gather [spmem:s25], $0x20, s30, s11, $0xb8;
	[tilespmem:$0x1D000] =	vst v63  }
0x66: {  	s18 =	simm.s32 $0x280;
	s19 =	simm.s32 $0xA000  }
0x67: {  	[tilespmem:s19], [sflag:$0x6] =	stream.indirect.gather [spmem:s25], $0x20, s18, s11, $0xb8;
	[tilespmem:$0x1D000] =	vst v63  }
0x68: {  	_ =	swait.ge [sflag:s22], $0x1000  }
0x69: {  	[sflag:s22] =	ssyncset.done $0x0  }
0x6a: {  	[sflag:s22] =	ssyncadd.s32 $0xFFFFF000  }
0x6b: {  	[spmem:s28] =	stream.indirect.scatter.add.f32 [tilespmem:s12], [sflag:$0x9], $0x20, s8, s11, $0xb8;
	[tilespmem:$0x1D000] =	vst v63  }
0x6c: {  	s20 =	simm.s32 $0x300;
	s21 =	simm.s32 $0xB000  }
0x6d: {  	[tilespmem:s21], [sflag:$0x7] =	stream.indirect.gather [spmem:s25], $0x20, s20, s11, $0xb8;
	[tilespmem:$0x1D000] =	vst v63  }
0x6e: {  	p0 =	por $0x0, $0x0;
	s17 =	simm.s32 $0x9;
	_ =	swait.ge [sflag:s29], $0x1000  }
0x6f: {  	s23 =	simm.s32 $0x2880;
	s30 =	simm.s32 $0x2;
	[sflag:s29] =	ssyncset.done $0x0  }
0x70: {  	s19 =	simm.s32 $0x8;
	s21 =	sand.u32 $0x7, s30;
	[sflag:s29] =	ssyncadd.s32 $0xFFFFF000  }
0x71: {  	[spmem:s28] =	stream.indirect.scatter.add.f32 [tilespmem:s13], [sflag:$0xA], $0x20, s23, s11, $0xb8;
	[tilespmem:$0x1D000] =	vst v63  }
0x72: {  	s26 =	simm.s32 $0x380;
	s19 =	sand.u32 $0x7, s19;
	s23 =	sadd.s32 $0x1, s21  }
0x73: {  	[tilespmem:s6], [sflag:$0x8] =	stream.indirect.gather [spmem:s25], $0x20, s26, s11, $0xb8;
	[tilespmem:$0x1D000] =	vst v63  }
0x74: {  	s18 =	simm.s32 $0x400;
	s31 =	sadd.s32 $0x9, s19;
	_ =	swait.ge [sflag:s23], $0x1000  }
0x75: {  	s20 =	simm.s32 $0x2900;
	s26 =	sshll.u32 s21, $0xC;
	[sflag:s23] =	ssyncset.done $0x0  }
0x76: {  	s21 =	sadd.s32 $0x9, s21;
	s26 =	sadd.s32 $0x5000, s26;
	[sflag:s23] =	ssyncadd.s32 $0xFFFFF000  }
0x77: {  	[spmem:s28] =	stream.indirect.scatter.add.f32 [tilespmem:s26], [sflag:s21], $0x20, s20, s11, $0xb8;
	[tilespmem:$0x1D000] =	vst v63  }
0x78: {  	s26 =	sshll.u32 @!p0 s19, $0xC;
	s21 =	sadd.s32 @!p0 $0x1, s19;
	_ =	swait.ge [sflag:s31], $0x1000  }
0x79: {  	s19 =	simm.s32 $0x2980;
	s20 =	simm.s32 $0x480;
	[sflag:s31] =	ssyncset.done $0x0  }
0x7a: {  	s23 =	sadd.s32 @!p0 $0x5000, s26;
	s26 =	simm.s32 @!p0 $0x80;
	[sflag:s31] =	ssyncadd.s32 $0xFFFFF000  }
.LBB2_4:
0x7b: {  	[tilespmem:s23], [sflag:s21] =	stream.indirect.gather @!p0 [spmem:s25], $0x20, s18, s26, $0xb8;
	[tilespmem:$0x1D000] =	vst v63  }
0x7c: {  	s21 =	sadd.s32 $0xFFFFFFFA, s17;
	s23 =	smov.u32 s17;
	s17 =	sadd.s32 $0x1, s17  }
0x7d: {  	s18 =	smov.u32 s20;
	s26 =	sand.u32 $0x7, s21;
	p1 =	sne.s32 s17, $0x56  }
0x7e: {  	s30 =	sshll.u32 s26, $0xC;
	s31 =	sadd.s32 $0x1, s26  }
0x7f: {  	p0 =	sgt.u32 s21, $0x49;
	s23 =	sand.u32 $0x7, s23;
	_ =	swait.ge [sflag:s31], $0x1000  }
0x80: {  	s21 =	sadd.s32 $0x9, s26;
	s26 =	sadd.s32 $0x5000, s30;
	[sflag:s31] =	ssyncset.done $0x0  }
.Ltmp1:
0x81: {  	s30 =	sadd.s32 $0x9, s23;
	[sflag:s31] =	ssyncadd.s32 $0xFFFFF000;
	(pc) =	sbr.rel @p1 .LBB2_4-.Ltmp1, $4  }
0x82: {  	[spmem:s28] =	stream.indirect.scatter.add.f32 [tilespmem:s26], [sflag:s21], $0x20, s19, s11, $0xb8;
	[tilespmem:$0x1D000] =	vst v63  }
0x83: {  	s26 =	sshll.u32 @!p0 s23, $0xC;
	s21 =	sadd.s32 @!p0 $0x1, s23;
	_ =	swait.ge [sflag:s30], $0x1000  }
0x84: {  	s20 =	sadd.s32 $0x80, s20;
	s19 =	sadd.s32 $0x80, s19;
	[sflag:s30] =	ssyncset.done $0x0  }
0x85: {  	s23 =	sadd.s32 @!p0 $0x5000, s26;
	s26 =	simm.s32 @!p0 $0x80;
	[sflag:s30] =	ssyncadd.s32 $0xFFFFF000  }
0x86: {  	[tilespmem:s23], [sflag:s21] =	stream.indirect.gather @!p0 [spmem:s25], $0x20, s18, s26, $0xb8;
	[tilespmem:$0x1D000] =	vst v63  }
0x87: {  	_ =	swait.ge [sflag:s14], $0x1000  }
0x88: {  	[sflag:s14] =	ssyncset.done $0x0  }
0x89: {  	[sflag:s14] =	ssyncadd.s32 $0xFFFFF000  }
0x8a: {  	_ =	swait.ge [sflag:s15], $0x1000  }
0x8b: {  	[sflag:s15] =	ssyncset.done $0x0  }
0x8c: {  	[sflag:s15] =	ssyncadd.s32 $0xFFFFF000  }
0x8d: {  	[bflag:$0x0] =	sbarrier.arrive $0xFFFF  }
0x8e: {  	[tilespmem:s10], [sflag:$0x11] =	stream.linear.gather [spmem:s0], $0x1000, $0x38;
	[tilespmem:$0x1D000] =	vst v63  }
0x8f: {  	_ =	swait.ge [sflag:s7], $0x1000  }
0x90: {  	[sflag:s7] =	ssyncset.done $0x0  }
0x91: {  	s17 =	simm.s32 $0x0;
	s20 =	rddreg [dreg:$0x7];
	[sflag:s7] =	ssyncadd.s32 $0xFFFFF000  }
0x92: {  	[hbm4b:s20+s17] =	stream.linear.scatter [tilespmem:s10], [sflag:$0x11], $0x1000, $0x38;
	[tilespmem:$0x1D000] =	vst v63  }
0x93: {  	_ =	swait.ge [sflag:s7], $0x1000  }
0x94: {  	[sflag:s7] =	ssyncset.done $0x0  }
0x95: {  	[sflag:s7] =	ssyncadd.s32 $0xFFFFF000  }
0x96: {  	[tilespmem:s10], [sflag:$0x11] =	stream.linear.gather [spmem:s2], $0x1000, $0x38;
	[tilespmem:$0x1D000] =	vst v63  }
0x97: {  	_ =	swait.ge [sflag:s7], $0x1000  }
0x98: {  	[sflag:s7] =	ssyncset.done $0x0  }
0x99: {  	s21 =	rddreg [dreg:$0x8];
	[sflag:s7] =	ssyncadd.s32 $0xFFFFF000  }
0x9a: {  	[hbm4b:s21+s17] =	stream.linear.scatter [tilespmem:s10], [sflag:$0x11], $0x1000, $0x38;
	[tilespmem:$0x1D000] =	vst v63  }
0x9b: {  	_ =	swait.ge [sflag:s7], $0x1000  }
0x9c: {  	[sflag:s7] =	ssyncset.done $0x0  }
0x9d: {  	[sflag:s7] =	ssyncadd.s32 $0xFFFFF000  }
0x9e: {  	[tilespmem:s10], [sflag:$0x11] =	stream.linear.gather [spmem:s3], $0x1000, $0x38;
	[tilespmem:$0x1D000] =	vst v63  }
0x9f: {  	_ =	swait.ge [sflag:s7], $0x1000  }
0xa0: {  	[sflag:s7] =	ssyncset.done $0x0  }
0xa1: {  	s23 =	rddreg [dreg:$0x9];
	[sflag:s7] =	ssyncadd.s32 $0xFFFFF000  }
0xa2: {  	[hbm4b:s23+s17] =	stream.linear.scatter [tilespmem:s10], [sflag:$0x11], $0x1000, $0x38;
	[tilespmem:$0x1D000] =	vst v63  }
0xa3: {  	_ =	swait.ge [sflag:s7], $0x1000  }
0xa4: {  	[sflag:s7] =	ssyncset.done $0x0  }
0xa5: {  	[sflag:s7] =	ssyncadd.s32 $0xFFFFF000  }
0xa6: {  	[tilespmem:s10], [sflag:$0x11] =	stream.linear.gather [spmem:s4], $0x1000, $0x38;
	[tilespmem:$0x1D000] =	vst v63  }
0xa7: {  	_ =	swait.ge [sflag:s7], $0x1000  }
0xa8: {  	[sflag:s7] =	ssyncset.done $0x0  }
0xa9: {  	s26 =	rddreg [dreg:$0xa];
	[sflag:s7] =	ssyncadd.s32 $0xFFFFF000  }
0xaa: {  	[hbm4b:s26+s17] =	stream.linear.scatter [tilespmem:s10], [sflag:$0x11], $0x1000, $0x38;
	[tilespmem:$0x1D000] =	vst v63  }
0xab: {  	_ =	swait.ge [sflag:s7], $0x1000  }
0xac: {  	[sflag:s7] =	ssyncset.done $0x0  }
0xad: {  	[sflag:s7] =	ssyncadd.s32 $0xFFFFF000  }
0xae: {  	[tilespmem:s10], [sflag:$0x11] =	stream.linear.gather [spmem:s5], $0x1000, $0x38;
	[tilespmem:$0x1D000] =	vst v63  }
0xaf: {  	_ =	swait.ge [sflag:s7], $0x1000  }
0xb0: {  	[sflag:s7] =	ssyncset.done $0x0  }
0xb1: {  	s30 =	rddreg [dreg:$0xb];
	[sflag:s7] =	ssyncadd.s32 $0xFFFFF000  }
0xb2: {  	[hbm4b:s30+s17] =	stream.linear.scatter [tilespmem:s10], [sflag:$0x11], $0x1000, $0x38;
	[tilespmem:$0x1D000] =	vst v63  }
0xb3: {  	_ =	swait.ge [sflag:s7], $0x1000  }
0xb4: {  	[sflag:s7] =	ssyncset.done $0x0  }
0xb5: {  	s31 =	rddreg [dreg:$0xc];
	[sflag:s7] =	ssyncadd.s32 $0xFFFFF000  }
0xb6: {  	[tilespmem:s9], [sflag:$0x11] =	stream.linear.gather [hbm4b:s31+s17], $0x5000, $0x38;
	[tilespmem:$0x1D000] =	vst v63  }
0xb7: {  	_ =	swait.ge [sflag:s7], $0x5000  }
0xb8: {  	[sflag:s7] =	ssyncset.done $0x0  }
0xb9: {  	[sflag:s7] =	ssyncadd.s32 $0xFFFFB000  }
0xba: {  	[spmem:s24] =	stream.linear.scatter [tilespmem:s9], [sflag:$0x11], $0x5000, $0x38;
	[tilespmem:$0x1D000] =	vst v63  }
0xbb: {  	_ =	swait.ge [sflag:s7], $0x5000  }
0xbc: {  	[sflag:s7] =	ssyncset.done $0x0  }
0xbd: {  	s18 =	simm.s32 $0x0;
	s17 =	simm.s32 $0x80;
	[sflag:s7] =	ssyncadd.s32 $0xFFFFB000  }
.LBB2_6:
0xbe: {  	p0 =	sne.s32 s17, $0x3F80;
	[tilespmem:s18+$0xD000] =	vst v0;
	s19 =	smov.u32 s17;
	s17 =	sadd.s32 $0x80, s17  }
.Ltmp2:
0xbf: {  	[tilespmem:s18+$0xD010] =	vst v0;
	(pc) =	sbr.rel @p0 .LBB2_6-.Ltmp2, $2  }
0xc0: {  	_ =	sdelay $0x2  }
0xc1: {  	s18 =	sshra.s32 s19, $0x2  }
0xc2: {  	[tilespmem:s18+$0xD000] =	vst v0  }
0xc3: {  	[tilespmem:s18+$0xD010] =	vst v0  }
0xc4: {  	[spmem:s0] =	stream.linear.scatter [tilespmem:s10], [sflag:$0x11], $0x1000, $0x38;
	[tilespmem:$0x1D000] =	vst v63  }
0xc5: {  	_ =	swait.ge [sflag:s7], $0x1000  }
0xc6: {  	[sflag:s7] =	ssyncset.done $0x0  }
0xc7: {  	[sflag:s7] =	ssyncadd.s32 $0xFFFFF000  }
0xc8: {  	[spmem:s2] =	stream.linear.scatter [tilespmem:s10], [sflag:$0x11], $0x1000, $0x38;
	[tilespmem:$0x1D000] =	vst v63  }
0xc9: {  	_ =	swait.ge [sflag:s7], $0x1000  }
0xca: {  	[sflag:s7] =	ssyncset.done $0x0  }
0xcb: {  	[sflag:s7] =	ssyncadd.s32 $0xFFFFF000  }
0xcc: {  	[spmem:s3] =	stream.linear.scatter [tilespmem:s10], [sflag:$0x11], $0x1000, $0x38;
	[tilespmem:$0x1D000] =	vst v63  }
0xcd: {  	_ =	swait.ge [sflag:s7], $0x1000  }
0xce: {  	[sflag:s7] =	ssyncset.done $0x0  }
0xcf: {  	[sflag:s7] =	ssyncadd.s32 $0xFFFFF000  }
0xd0: {  	[spmem:s4] =	stream.linear.scatter [tilespmem:s10], [sflag:$0x11], $0x1000, $0x38;
	[tilespmem:$0x1D000] =	vst v63  }
0xd1: {  	_ =	swait.ge [sflag:s7], $0x1000  }
0xd2: {  	[sflag:s7] =	ssyncset.done $0x0  }
0xd3: {  	[sflag:s7] =	ssyncadd.s32 $0xFFFFF000  }
0xd4: {  	[spmem:s5] =	stream.linear.scatter [tilespmem:s10], [sflag:$0x11], $0x1000, $0x38;
	[tilespmem:$0x1D000] =	vst v63  }
0xd5: {  	_ =	swait.ge [sflag:s7], $0x1000  }
0xd6: {  	[sflag:s7] =	ssyncset.done $0x0  }
0xd7: {  	[sflag:s7] =	ssyncadd.s32 $0xFFFFF000  }
0xd8: {  	[bflag:$0x0] =	sbarrier.arrive $0xFFFF  }
0xd9: {  	[tilespmem:s12], [sflag:$0x1] =	stream.indirect.gather [spmem:s25], $0x20, s1, s11, $0xb8;
	[tilespmem:$0x1D000] =	vst v63  }
0xda: {  	_ = 	snop  }
0xdb: {  	[tilespmem:s13], [sflag:$0x2] =	stream.indirect.gather [spmem:s25], $0x20, s11, s11, $0xb8;
	[tilespmem:$0x1D000] =	vst v63  }
0xdc: {  	s17 =	simm.s32 $0x100;
	s21 =	simm.s32 $0x7000  }
0xdd: {  	[tilespmem:s21], [sflag:$0x3] =	stream.indirect.gather [spmem:s25], $0x20, s17, s11, $0xb8;
	[tilespmem:$0x1D000] =	vst v63  }
0xde: {  	s23 =	simm.s32 $0x180;
	s26 =	simm.s32 $0x8000  }
0xdf: {  	[tilespmem:s26], [sflag:$0x4] =	stream.indirect.gather [spmem:s25], $0x20, s23, s11, $0xb8;
	[tilespmem:$0x1D000] =	vst v63  }
0xe0: {  	s30 =	simm.s32 $0x200;
	s31 =	simm.s32 $0x9000  }
0xe1: {  	[tilespmem:s31], [sflag:$0x5] =	stream.indirect.gather [spmem:s25], $0x20, s30, s11, $0xb8;
	[tilespmem:$0x1D000] =	vst v63  }
0xe2: {  	s18 =	simm.s32 $0x280;
	s19 =	simm.s32 $0xA000  }
0xe3: {  	[tilespmem:s19], [sflag:$0x6] =	stream.indirect.gather [spmem:s25], $0x20, s18, s11, $0xb8;
	[tilespmem:$0x1D000] =	vst v63  }
0xe4: {  	_ =	swait.ge [sflag:s22], $0x1000  }
0xe5: {  	[sflag:s22] =	ssyncset.done $0x0  }
0xe6: {  	[sflag:s22] =	ssyncadd.s32 $0xFFFFF000  }
0xe7: {  	[spmem:s28] =	stream.indirect.scatter.add.f32 [tilespmem:s12], [sflag:$0x9], $0x20, s8, s11, $0xb8;
	[tilespmem:$0x1D000] =	vst v63  }
0xe8: {  	s20 =	simm.s32 $0x300;
	s21 =	simm.s32 $0xB000  }
0xe9: {  	[tilespmem:s21], [sflag:$0x7] =	stream.indirect.gather [spmem:s25], $0x20, s20, s11, $0xb8;
	[tilespmem:$0x1D000] =	vst v63  }
0xea: {  	p0 =	por $0x0, $0x0;
	s17 =	simm.s32 $0x9;
	_ =	swait.ge [sflag:s29], $0x1000  }
0xeb: {  	s23 =	simm.s32 $0x2880;
	s30 =	simm.s32 $0x2;
	[sflag:s29] =	ssyncset.done $0x0  }
0xec: {  	s19 =	simm.s32 $0x8;
	s21 =	sand.u32 $0x7, s30;
	[sflag:s29] =	ssyncadd.s32 $0xFFFFF000  }
0xed: {  	[spmem:s28] =	stream.indirect.scatter.add.f32 [tilespmem:s13], [sflag:$0xA], $0x20, s23, s11, $0xb8;
	[tilespmem:$0x1D000] =	vst v63  }
0xee: {  	s26 =	simm.s32 $0x380;
	s19 =	sand.u32 $0x7, s19;
	s23 =	sadd.s32 $0x1, s21  }
0xef: {  	[tilespmem:s6], [sflag:$0x8] =	stream.indirect.gather [spmem:s25], $0x20, s26, s11, $0xb8;
	[tilespmem:$0x1D000] =	vst v63  }
0xf0: {  	s18 =	simm.s32 $0x400;
	s31 =	sadd.s32 $0x9, s19;
	_ =	swait.ge [sflag:s23], $0x1000  }
0xf1: {  	s20 =	simm.s32 $0x2900;
	s26 =	sshll.u32 s21, $0xC;
	[sflag:s23] =	ssyncset.done $0x0  }
0xf2: {  	s21 =	sadd.s32 $0x9, s21;
	s26 =	sadd.s32 $0x5000, s26;
	[sflag:s23] =	ssyncadd.s32 $0xFFFFF000  }
0xf3: {  	[spmem:s28] =	stream.indirect.scatter.add.f32 [tilespmem:s26], [sflag:s21], $0x20, s20, s11, $0xb8;
	[tilespmem:$0x1D000] =	vst v63  }
0xf4: {  	s26 =	sshll.u32 @!p0 s19, $0xC;
	s21 =	sadd.s32 @!p0 $0x1, s19;
	_ =	swait.ge [sflag:s31], $0x1000  }
0xf5: {  	s19 =	simm.s32 $0x2980;
	s20 =	simm.s32 $0x480;
	[sflag:s31] =	ssyncset.done $0x0  }
0xf6: {  	s23 =	sadd.s32 @!p0 $0x5000, s26;
	s26 =	simm.s32 @!p0 $0x80;
	[sflag:s31] =	ssyncadd.s32 $0xFFFFF000  }
.LBB2_8:
0xf7: {  	[tilespmem:s23], [sflag:s21] =	stream.indirect.gather @!p0 [spmem:s25], $0x20, s18, s26, $0xb8;
	[tilespmem:$0x1D000] =	vst v63  }
0xf8: {  	s21 =	sadd.s32 $0xFFFFFFFA, s17;
	s23 =	smov.u32 s17;
	s17 =	sadd.s32 $0x1, s17  }
0xf9: {  	s18 =	smov.u32 s20;
	s26 =	sand.u32 $0x7, s21;
	p1 =	sne.s32 s17, $0x56  }
0xfa: {  	s30 =	sshll.u32 s26, $0xC;
	s31 =	sadd.s32 $0x1, s26  }
0xfb: {  	p0 =	sgt.u32 s21, $0x49;
	s23 =	sand.u32 $0x7, s23;
	_ =	swait.ge [sflag:s31], $0x1000  }
0xfc: {  	s21 =	sadd.s32 $0x9, s26;
	s26 =	sadd.s32 $0x5000, s30;
	[sflag:s31] =	ssyncset.done $0x0  }
.Ltmp3:
0xfd: {  	s30 =	sadd.s32 $0x9, s23;
	[sflag:s31] =	ssyncadd.s32 $0xFFFFF000;
	(pc) =	sbr.rel @p1 .LBB2_8-.Ltmp3, $4  }
0xfe: {  	[spmem:s28] =	stream.indirect.scatter.add.f32 [tilespmem:s26], [sflag:s21], $0x20, s19, s11, $0xb8;
	[tilespmem:$0x1D000] =	vst v63  }
0xff: {  	s26 =	sshll.u32 @!p0 s23, $0xC;
	s21 =	sadd.s32 @!p0 $0x1, s23;
	_ =	swait.ge [sflag:s30], $0x1000  }
0x100: {  	s20 =	sadd.s32 $0x80, s20;
	s19 =	sadd.s32 $0x80, s19;
	[sflag:s30] =	ssyncset.done $0x0  }
0x101: {  	s23 =	sadd.s32 @!p0 $0x5000, s26;
	s26 =	simm.s32 @!p0 $0x80;
	[sflag:s30] =	ssyncadd.s32 $0xFFFFF000  }
0x102: {  	[tilespmem:s23], [sflag:s21] =	stream.indirect.gather @!p0 [spmem:s25], $0x20, s18, s26, $0xb8;
	[tilespmem:$0x1D000] =	vst v63  }
0x103: {  	_ =	swait.ge [sflag:s14], $0x1000  }
0x104: {  	[sflag:s14] =	ssyncset.done $0x0  }
0x105: {  	[sflag:s14] =	ssyncadd.s32 $0xFFFFF000  }
0x106: {  	_ =	swait.ge [sflag:s15], $0x1000  }
0x107: {  	[sflag:s15] =	ssyncset.done $0x0  }
0x108: {  	[sflag:s15] =	ssyncadd.s32 $0xFFFFF000  }
0x109: {  	[bflag:$0x0] =	sbarrier.arrive $0xFFFF  }
0x10a: {  	[tilespmem:s10], [sflag:$0x11] =	stream.linear.gather [spmem:s0], $0x1000, $0x38;
	[tilespmem:$0x1D000] =	vst v63  }
0x10b: {  	_ =	swait.ge [sflag:s7], $0x1000  }
0x10c: {  	[sflag:s7] =	ssyncset.done $0x0  }
0x10d: {  	s17 =	simm.s32 $0x0;
	s20 =	rddreg [dreg:$0xd];
	[sflag:s7] =	ssyncadd.s32 $0xFFFFF000  }
0x10e: {  	[hbm4b:s20+s17] =	stream.linear.scatter [tilespmem:s10], [sflag:$0x11], $0x1000, $0x38;
	[tilespmem:$0x1D000] =	vst v63  }
0x10f: {  	_ =	swait.ge [sflag:s7], $0x1000  }
0x110: {  	[sflag:s7] =	ssyncset.done $0x0  }
0x111: {  	[sflag:s7] =	ssyncadd.s32 $0xFFFFF000  }
0x112: {  	[tilespmem:s10], [sflag:$0x11] =	stream.linear.gather [spmem:s2], $0x1000, $0x38;
	[tilespmem:$0x1D000] =	vst v63  }
0x113: {  	_ =	swait.ge [sflag:s7], $0x1000  }
0x114: {  	[sflag:s7] =	ssyncset.done $0x0  }
0x115: {  	s21 =	rddreg [dreg:$0xe];
	[sflag:s7] =	ssyncadd.s32 $0xFFFFF000  }
0x116: {  	[hbm4b:s21+s17] =	stream.linear.scatter [tilespmem:s10], [sflag:$0x11], $0x1000, $0x38;
	[tilespmem:$0x1D000] =	vst v63  }
0x117: {  	_ =	swait.ge [sflag:s7], $0x1000  }
0x118: {  	[sflag:s7] =	ssyncset.done $0x0  }
0x119: {  	[sflag:s7] =	ssyncadd.s32 $0xFFFFF000  }
0x11a: {  	[tilespmem:s10], [sflag:$0x11] =	stream.linear.gather [spmem:s3], $0x1000, $0x38;
	[tilespmem:$0x1D000] =	vst v63  }
0x11b: {  	_ =	swait.ge [sflag:s7], $0x1000  }
0x11c: {  	[sflag:s7] =	ssyncset.done $0x0  }
0x11d: {  	s23 =	rddreg [dreg:$0xf];
	[sflag:s7] =	ssyncadd.s32 $0xFFFFF000  }
0x11e: {  	[hbm4b:s23+s17] =	stream.linear.scatter [tilespmem:s10], [sflag:$0x11], $0x1000, $0x38;
	[tilespmem:$0x1D000] =	vst v63  }
0x11f: {  	_ =	swait.ge [sflag:s7], $0x1000  }
0x120: {  	[sflag:s7] =	ssyncset.done $0x0  }
0x121: {  	[sflag:s7] =	ssyncadd.s32 $0xFFFFF000  }
0x122: {  	[tilespmem:s10], [sflag:$0x11] =	stream.linear.gather [spmem:s4], $0x1000, $0x38;
	[tilespmem:$0x1D000] =	vst v63  }
0x123: {  	_ =	swait.ge [sflag:s7], $0x1000  }
0x124: {  	[sflag:s7] =	ssyncset.done $0x0  }
0x125: {  	s26 =	rddreg [dreg:$0x10];
	[sflag:s7] =	ssyncadd.s32 $0xFFFFF000  }
0x126: {  	[hbm4b:s26+s17] =	stream.linear.scatter [tilespmem:s10], [sflag:$0x11], $0x1000, $0x38;
	[tilespmem:$0x1D000] =	vst v63  }
0x127: {  	_ =	swait.ge [sflag:s7], $0x1000  }
0x128: {  	[sflag:s7] =	ssyncset.done $0x0  }
0x129: {  	[sflag:s7] =	ssyncadd.s32 $0xFFFFF000  }
0x12a: {  	[tilespmem:s10], [sflag:$0x11] =	stream.linear.gather [spmem:s5], $0x1000, $0x38;
	[tilespmem:$0x1D000] =	vst v63  }
0x12b: {  	_ =	swait.ge [sflag:s7], $0x1000  }
0x12c: {  	[sflag:s7] =	ssyncset.done $0x0  }
0x12d: {  	s30 =	rddreg [dreg:$0x11];
	[sflag:s7] =	ssyncadd.s32 $0xFFFFF000  }
0x12e: {  	[hbm4b:s30+s17] =	stream.linear.scatter [tilespmem:s10], [sflag:$0x11], $0x1000, $0x38;
	[tilespmem:$0x1D000] =	vst v63  }
0x12f: {  	_ =	swait.ge [sflag:s7], $0x1000  }
0x130: {  	[sflag:s7] =	ssyncset.done $0x0  }
0x131: {  	s31 =	rddreg [dreg:$0x12];
	[sflag:s7] =	ssyncadd.s32 $0xFFFFF000  }
0x132: {  	[tilespmem:s9], [sflag:$0x11] =	stream.linear.gather [hbm4b:s31+s17], $0x5000, $0x38;
	[tilespmem:$0x1D000] =	vst v63  }
0x133: {  	_ =	swait.ge [sflag:s7], $0x5000  }
0x134: {  	[sflag:s7] =	ssyncset.done $0x0  }
0x135: {  	[sflag:s7] =	ssyncadd.s32 $0xFFFFB000  }
0x136: {  	[spmem:s24] =	stream.linear.scatter [tilespmem:s9], [sflag:$0x11], $0x5000, $0x38;
	[tilespmem:$0x1D000] =	vst v63  }
0x137: {  	_ =	swait.ge [sflag:s7], $0x5000  }
0x138: {  	[sflag:s7] =	ssyncset.done $0x0  }
0x139: {  	s18 =	simm.s32 $0x0;
	s17 =	simm.s32 $0x80;
	[sflag:s7] =	ssyncadd.s32 $0xFFFFB000  }
.LBB2_10:
0x13a: {  	p0 =	sne.s32 s17, $0x3F80;
	[tilespmem:s18+$0xD000] =	vst v0;
	s19 =	smov.u32 s17;
	s17 =	sadd.s32 $0x80, s17  }
.Ltmp4:
0x13b: {  	[tilespmem:s18+$0xD010] =	vst v0;
	(pc) =	sbr.rel @p0 .LBB2_10-.Ltmp4, $2  }
0x13c: {  	_ =	sdelay $0x2  }
0x13d: {  	s18 =	sshra.s32 s19, $0x2  }
0x13e: {  	[tilespmem:s18+$0xD000] =	vst v0  }
0x13f: {  	[tilespmem:s18+$0xD010] =	vst v0  }
0x140: {  	[spmem:s0] =	stream.linear.scatter [tilespmem:s10], [sflag:$0x11], $0x1000, $0x38;
	[tilespmem:$0x1D000] =	vst v63  }
0x141: {  	_ =	swait.ge [sflag:s7], $0x1000  }
0x142: {  	[sflag:s7] =	ssyncset.done $0x0  }
0x143: {  	[sflag:s7] =	ssyncadd.s32 $0xFFFFF000  }
0x144: {  	[spmem:s2] =	stream.linear.scatter [tilespmem:s10], [sflag:$0x11], $0x1000, $0x38;
	[tilespmem:$0x1D000] =	vst v63  }
0x145: {  	_ =	swait.ge [sflag:s7], $0x1000  }
0x146: {  	[sflag:s7] =	ssyncset.done $0x0  }
0x147: {  	[sflag:s7] =	ssyncadd.s32 $0xFFFFF000  }
0x148: {  	[spmem:s3] =	stream.linear.scatter [tilespmem:s10], [sflag:$0x11], $0x1000, $0x38;
	[tilespmem:$0x1D000] =	vst v63  }
0x149: {  	_ =	swait.ge [sflag:s7], $0x1000  }
0x14a: {  	[sflag:s7] =	ssyncset.done $0x0  }
0x14b: {  	[sflag:s7] =	ssyncadd.s32 $0xFFFFF000  }
0x14c: {  	[spmem:s4] =	stream.linear.scatter [tilespmem:s10], [sflag:$0x11], $0x1000, $0x38;
	[tilespmem:$0x1D000] =	vst v63  }
0x14d: {  	_ =	swait.ge [sflag:s7], $0x1000  }
0x14e: {  	[sflag:s7] =	ssyncset.done $0x0  }
0x14f: {  	[sflag:s7] =	ssyncadd.s32 $0xFFFFF000  }
0x150: {  	[spmem:s5] =	stream.linear.scatter [tilespmem:s10], [sflag:$0x11], $0x1000, $0x38;
	[tilespmem:$0x1D000] =	vst v63  }
0x151: {  	_ =	swait.ge [sflag:s7], $0x1000  }
0x152: {  	[sflag:s7] =	ssyncset.done $0x0  }
0x153: {  	[sflag:s7] =	ssyncadd.s32 $0xFFFFF000  }
0x154: {  	[bflag:$0x0] =	sbarrier.arrive $0xFFFF  }
0x155: {  	[tilespmem:s12], [sflag:$0x1] =	stream.indirect.gather [spmem:s25], $0x20, s1, s11, $0xb8;
	[tilespmem:$0x1D000] =	vst v63  }
0x156: {  	_ = 	snop  }
0x157: {  	[tilespmem:s13], [sflag:$0x2] =	stream.indirect.gather [spmem:s25], $0x20, s11, s11, $0xb8;
	[tilespmem:$0x1D000] =	vst v63  }
0x158: {  	s17 =	simm.s32 $0x100;
	s21 =	simm.s32 $0x7000  }
0x159: {  	[tilespmem:s21], [sflag:$0x3] =	stream.indirect.gather [spmem:s25], $0x20, s17, s11, $0xb8;
	[tilespmem:$0x1D000] =	vst v63  }
0x15a: {  	s23 =	simm.s32 $0x180;
	s26 =	simm.s32 $0x8000  }
0x15b: {  	[tilespmem:s26], [sflag:$0x4] =	stream.indirect.gather [spmem:s25], $0x20, s23, s11, $0xb8;
	[tilespmem:$0x1D000] =	vst v63  }
0x15c: {  	s30 =	simm.s32 $0x200;
	s31 =	simm.s32 $0x9000  }
0x15d: {  	[tilespmem:s31], [sflag:$0x5] =	stream.indirect.gather [spmem:s25], $0x20, s30, s11, $0xb8;
	[tilespmem:$0x1D000] =	vst v63  }
0x15e: {  	s18 =	simm.s32 $0x280;
	s19 =	simm.s32 $0xA000  }
0x15f: {  	[tilespmem:s19], [sflag:$0x6] =	stream.indirect.gather [spmem:s25], $0x20, s18, s11, $0xb8;
	[tilespmem:$0x1D000] =	vst v63  }
0x160: {  	_ =	swait.ge [sflag:s22], $0x1000  }
0x161: {  	[sflag:s22] =	ssyncset.done $0x0  }
0x162: {  	[sflag:s22] =	ssyncadd.s32 $0xFFFFF000  }
0x163: {  	[spmem:s28] =	stream.indirect.scatter.add.f32 [tilespmem:s12], [sflag:$0x9], $0x20, s8, s11, $0xb8;
	[tilespmem:$0x1D000] =	vst v63  }
0x164: {  	s20 =	simm.s32 $0x300;
	s21 =	simm.s32 $0xB000  }
0x165: {  	[tilespmem:s21], [sflag:$0x7] =	stream.indirect.gather [spmem:s25], $0x20, s20, s11, $0xb8;
	[tilespmem:$0x1D000] =	vst v63  }
0x166: {  	p0 =	por $0x0, $0x0;
	s17 =	simm.s32 $0x9;
	_ =	swait.ge [sflag:s29], $0x1000  }
0x167: {  	s23 =	simm.s32 $0x2880;
	s30 =	simm.s32 $0x2;
	[sflag:s29] =	ssyncset.done $0x0  }
0x168: {  	s19 =	simm.s32 $0x8;
	s21 =	sand.u32 $0x7, s30;
	[sflag:s29] =	ssyncadd.s32 $0xFFFFF000  }
0x169: {  	[spmem:s28] =	stream.indirect.scatter.add.f32 [tilespmem:s13], [sflag:$0xA], $0x20, s23, s11, $0xb8;
	[tilespmem:$0x1D000] =	vst v63  }
0x16a: {  	s26 =	simm.s32 $0x380;
	s19 =	sand.u32 $0x7, s19;
	s23 =	sadd.s32 $0x1, s21  }
0x16b: {  	[tilespmem:s6], [sflag:$0x8] =	stream.indirect.gather [spmem:s25], $0x20, s26, s11, $0xb8;
	[tilespmem:$0x1D000] =	vst v63  }
0x16c: {  	s18 =	simm.s32 $0x400;
	s31 =	sadd.s32 $0x9, s19;
	_ =	swait.ge [sflag:s23], $0x1000  }
0x16d: {  	s20 =	simm.s32 $0x2900;
	s26 =	sshll.u32 s21, $0xC;
	[sflag:s23] =	ssyncset.done $0x0  }
0x16e: {  	s21 =	sadd.s32 $0x9, s21;
	s26 =	sadd.s32 $0x5000, s26;
	[sflag:s23] =	ssyncadd.s32 $0xFFFFF000  }
0x16f: {  	[spmem:s28] =	stream.indirect.scatter.add.f32 [tilespmem:s26], [sflag:s21], $0x20, s20, s11, $0xb8;
	[tilespmem:$0x1D000] =	vst v63  }
0x170: {  	s26 =	sshll.u32 @!p0 s19, $0xC;
	s21 =	sadd.s32 @!p0 $0x1, s19;
	_ =	swait.ge [sflag:s31], $0x1000  }
0x171: {  	s19 =	simm.s32 $0x2980;
	s20 =	simm.s32 $0x480;
	[sflag:s31] =	ssyncset.done $0x0  }
0x172: {  	s23 =	sadd.s32 @!p0 $0x5000, s26;
	s26 =	simm.s32 @!p0 $0x80;
	[sflag:s31] =	ssyncadd.s32 $0xFFFFF000  }
.LBB2_12:
0x173: {  	[tilespmem:s23], [sflag:s21] =	stream.indirect.gather @!p0 [spmem:s25], $0x20, s18, s26, $0xb8;
	[tilespmem:$0x1D000] =	vst v63  }
0x174: {  	s21 =	sadd.s32 $0xFFFFFFFA, s17;
	s23 =	smov.u32 s17;
	s17 =	sadd.s32 $0x1, s17  }
0x175: {  	s18 =	smov.u32 s20;
	s26 =	sand.u32 $0x7, s21;
	p1 =	sne.s32 s17, $0x56  }
0x176: {  	s30 =	sshll.u32 s26, $0xC;
	s31 =	sadd.s32 $0x1, s26  }
0x177: {  	p0 =	sgt.u32 s21, $0x49;
	s23 =	sand.u32 $0x7, s23;
	_ =	swait.ge [sflag:s31], $0x1000  }
0x178: {  	s21 =	sadd.s32 $0x9, s26;
	s26 =	sadd.s32 $0x5000, s30;
	[sflag:s31] =	ssyncset.done $0x0  }
.Ltmp5:
0x179: {  	s30 =	sadd.s32 $0x9, s23;
	[sflag:s31] =	ssyncadd.s32 $0xFFFFF000;
	(pc) =	sbr.rel @p1 .LBB2_12-.Ltmp5, $4  }
0x17a: {  	[spmem:s28] =	stream.indirect.scatter.add.f32 [tilespmem:s26], [sflag:s21], $0x20, s19, s11, $0xb8;
	[tilespmem:$0x1D000] =	vst v63  }
0x17b: {  	s26 =	sshll.u32 @!p0 s23, $0xC;
	s21 =	sadd.s32 @!p0 $0x1, s23;
	_ =	swait.ge [sflag:s30], $0x1000  }
0x17c: {  	s20 =	sadd.s32 $0x80, s20;
	s19 =	sadd.s32 $0x80, s19;
	[sflag:s30] =	ssyncset.done $0x0  }
0x17d: {  	s23 =	sadd.s32 @!p0 $0x5000, s26;
	s26 =	simm.s32 @!p0 $0x80;
	[sflag:s30] =	ssyncadd.s32 $0xFFFFF000  }
0x17e: {  	[tilespmem:s23], [sflag:s21] =	stream.indirect.gather @!p0 [spmem:s25], $0x20, s18, s26, $0xb8;
	[tilespmem:$0x1D000] =	vst v63  }
0x17f: {  	_ =	swait.ge [sflag:s14], $0x1000  }
0x180: {  	[sflag:s14] =	ssyncset.done $0x0  }
0x181: {  	[sflag:s14] =	ssyncadd.s32 $0xFFFFF000  }
0x182: {  	_ =	swait.ge [sflag:s15], $0x1000  }
0x183: {  	[sflag:s15] =	ssyncset.done $0x0  }
0x184: {  	[sflag:s15] =	ssyncadd.s32 $0xFFFFF000  }
0x185: {  	[bflag:$0x0] =	sbarrier.arrive $0xFFFF  }
0x186: {  	[tilespmem:s10], [sflag:$0x11] =	stream.linear.gather [spmem:s0], $0x1000, $0x38;
	[tilespmem:$0x1D000] =	vst v63  }
0x187: {  	_ =	swait.ge [sflag:s7], $0x1000  }
0x188: {  	[sflag:s7] =	ssyncset.done $0x0  }
0x189: {  	s17 =	simm.s32 $0x0;
	s20 =	rddreg [dreg:$0x13];
	[sflag:s7] =	ssyncadd.s32 $0xFFFFF000  }
0x18a: {  	[hbm4b:s20+s17] =	stream.linear.scatter [tilespmem:s10], [sflag:$0x11], $0x1000, $0x38;
	[tilespmem:$0x1D000] =	vst v63  }
0x18b: {  	_ =	swait.ge [sflag:s7], $0x1000  }
0x18c: {  	[sflag:s7] =	ssyncset.done $0x0  }
0x18d: {  	[sflag:s7] =	ssyncadd.s32 $0xFFFFF000  }
0x18e: {  	[tilespmem:s10], [sflag:$0x11] =	stream.linear.gather [spmem:s2], $0x1000, $0x38;
	[tilespmem:$0x1D000] =	vst v63  }
0x18f: {  	_ =	swait.ge [sflag:s7], $0x1000  }
0x190: {  	[sflag:s7] =	ssyncset.done $0x0  }
0x191: {  	s21 =	rddreg [dreg:$0x14];
	[sflag:s7] =	ssyncadd.s32 $0xFFFFF000  }
0x192: {  	[hbm4b:s21+s17] =	stream.linear.scatter [tilespmem:s10], [sflag:$0x11], $0x1000, $0x38;
	[tilespmem:$0x1D000] =	vst v63  }
0x193: {  	_ =	swait.ge [sflag:s7], $0x1000  }
0x194: {  	[sflag:s7] =	ssyncset.done $0x0  }
0x195: {  	[sflag:s7] =	ssyncadd.s32 $0xFFFFF000  }
0x196: {  	[tilespmem:s10], [sflag:$0x11] =	stream.linear.gather [spmem:s3], $0x1000, $0x38;
	[tilespmem:$0x1D000] =	vst v63  }
0x197: {  	_ =	swait.ge [sflag:s7], $0x1000  }
0x198: {  	[sflag:s7] =	ssyncset.done $0x0  }
0x199: {  	s23 =	rddreg [dreg:$0x15];
	[sflag:s7] =	ssyncadd.s32 $0xFFFFF000  }
0x19a: {  	[hbm4b:s23+s17] =	stream.linear.scatter [tilespmem:s10], [sflag:$0x11], $0x1000, $0x38;
	[tilespmem:$0x1D000] =	vst v63  }
0x19b: {  	_ =	swait.ge [sflag:s7], $0x1000  }
0x19c: {  	[sflag:s7] =	ssyncset.done $0x0  }
0x19d: {  	[sflag:s7] =	ssyncadd.s32 $0xFFFFF000  }
0x19e: {  	[tilespmem:s10], [sflag:$0x11] =	stream.linear.gather [spmem:s4], $0x1000, $0x38;
	[tilespmem:$0x1D000] =	vst v63  }
0x19f: {  	_ =	swait.ge [sflag:s7], $0x1000  }
0x1a0: {  	[sflag:s7] =	ssyncset.done $0x0  }
0x1a1: {  	s26 =	rddreg [dreg:$0x16];
	[sflag:s7] =	ssyncadd.s32 $0xFFFFF000  }
0x1a2: {  	[hbm4b:s26+s17] =	stream.linear.scatter [tilespmem:s10], [sflag:$0x11], $0x1000, $0x38;
	[tilespmem:$0x1D000] =	vst v63  }
0x1a3: {  	_ =	swait.ge [sflag:s7], $0x1000  }
0x1a4: {  	[sflag:s7] =	ssyncset.done $0x0  }
0x1a5: {  	[sflag:s7] =	ssyncadd.s32 $0xFFFFF000  }
0x1a6: {  	[tilespmem:s10], [sflag:$0x11] =	stream.linear.gather [spmem:s5], $0x1000, $0x38;
	[tilespmem:$0x1D000] =	vst v63  }
0x1a7: {  	_ =	swait.ge [sflag:s7], $0x1000  }
0x1a8: {  	[sflag:s7] =	ssyncset.done $0x0  }
0x1a9: {  	s30 =	rddreg [dreg:$0x17];
	[sflag:s7] =	ssyncadd.s32 $0xFFFFF000  }
0x1aa: {  	[hbm4b:s30+s17] =	stream.linear.scatter [tilespmem:s10], [sflag:$0x11], $0x1000, $0x38;
	[tilespmem:$0x1D000] =	vst v63  }
0x1ab: {  	_ =	swait.ge [sflag:s7], $0x1000  }
0x1ac: {  	[sflag:s7] =	ssyncset.done $0x0  }
0x1ad: {  	s31 =	rddreg [dreg:$0x18];
	[sflag:s7] =	ssyncadd.s32 $0xFFFFF000  }
0x1ae: {  	[tilespmem:s9], [sflag:$0x11] =	stream.linear.gather [hbm4b:s31+s17], $0x5000, $0x38;
	[tilespmem:$0x1D000] =	vst v63  }
0x1af: {  	_ =	swait.ge [sflag:s7], $0x5000  }
0x1b0: {  	[sflag:s7] =	ssyncset.done $0x0  }
0x1b1: {  	[sflag:s7] =	ssyncadd.s32 $0xFFFFB000  }
0x1b2: {  	[spmem:s24] =	stream.linear.scatter [tilespmem:s9], [sflag:$0x11], $0x5000, $0x38;
	[tilespmem:$0x1D000] =	vst v63  }
0x1b3: {  	_ =	swait.ge [sflag:s7], $0x5000  }
0x1b4: {  	[sflag:s7] =	ssyncset.done $0x0  }
0x1b5: {  	s18 =	simm.s32 $0x0;
	s17 =	simm.s32 $0x80;
	[sflag:s7] =	ssyncadd.s32 $0xFFFFB000  }
.LBB2_14:
0x1b6: {  	p0 =	sne.s32 s17, $0x3F80;
	[tilespmem:s18+$0xD000] =	vst v0;
	s19 =	smov.u32 s17;
	s17 =	sadd.s32 $0x80, s17  }
.Ltmp6:
0x1b7: {  	[tilespmem:s18+$0xD010] =	vst v0;
	(pc) =	sbr.rel @p0 .LBB2_14-.Ltmp6, $2  }
0x1b8: {  	_ =	sdelay $0x2  }
0x1b9: {  	s18 =	sshra.s32 s19, $0x2  }
0x1ba: {  	[tilespmem:s18+$0xD000] =	vst v0  }
0x1bb: {  	[tilespmem:s18+$0xD010] =	vst v0  }
0x1bc: {  	[spmem:s0] =	stream.linear.scatter [tilespmem:s10], [sflag:$0x11], $0x1000, $0x38;
	[tilespmem:$0x1D000] =	vst v63  }
0x1bd: {  	_ =	swait.ge [sflag:s7], $0x1000  }
0x1be: {  	[sflag:s7] =	ssyncset.done $0x0  }
0x1bf: {  	[sflag:s7] =	ssyncadd.s32 $0xFFFFF000  }
0x1c0: {  	[spmem:s2] =	stream.linear.scatter [tilespmem:s10], [sflag:$0x11], $0x1000, $0x38;
	[tilespmem:$0x1D000] =	vst v63  }
0x1c1: {  	_ =	swait.ge [sflag:s7], $0x1000  }
0x1c2: {  	[sflag:s7] =	ssyncset.done $0x0  }
0x1c3: {  	[sflag:s7] =	ssyncadd.s32 $0xFFFFF000  }
0x1c4: {  	[spmem:s3] =	stream.linear.scatter [tilespmem:s10], [sflag:$0x11], $0x1000, $0x38;
	[tilespmem:$0x1D000] =	vst v63  }
0x1c5: {  	_ =	swait.ge [sflag:s7], $0x1000  }
0x1c6: {  	[sflag:s7] =	ssyncset.done $0x0  }
0x1c7: {  	[sflag:s7] =	ssyncadd.s32 $0xFFFFF000  }
0x1c8: {  	[spmem:s4] =	stream.linear.scatter [tilespmem:s10], [sflag:$0x11], $0x1000, $0x38;
	[tilespmem:$0x1D000] =	vst v63  }
0x1c9: {  	_ =	swait.ge [sflag:s7], $0x1000  }
0x1ca: {  	[sflag:s7] =	ssyncset.done $0x0  }
0x1cb: {  	[sflag:s7] =	ssyncadd.s32 $0xFFFFF000  }
0x1cc: {  	[spmem:s5] =	stream.linear.scatter [tilespmem:s10], [sflag:$0x11], $0x1000, $0x38;
	[tilespmem:$0x1D000] =	vst v63  }
0x1cd: {  	_ =	swait.ge [sflag:s7], $0x1000  }
0x1ce: {  	[sflag:s7] =	ssyncset.done $0x0  }
0x1cf: {  	[sflag:s7] =	ssyncadd.s32 $0xFFFFF000  }
0x1d0: {  	[bflag:$0x0] =	sbarrier.arrive $0xFFFF  }
0x1d1: {  	[tilespmem:s12], [sflag:$0x1] =	stream.indirect.gather [spmem:s25], $0x20, s1, s11, $0xb8;
	[tilespmem:$0x1D000] =	vst v63  }
0x1d2: {  	_ = 	snop  }
0x1d3: {  	[tilespmem:s13], [sflag:$0x2] =	stream.indirect.gather [spmem:s25], $0x20, s11, s11, $0xb8;
	[tilespmem:$0x1D000] =	vst v63  }
0x1d4: {  	s17 =	simm.s32 $0x100;
	s21 =	simm.s32 $0x7000  }
0x1d5: {  	[tilespmem:s21], [sflag:$0x3] =	stream.indirect.gather [spmem:s25], $0x20, s17, s11, $0xb8;
	[tilespmem:$0x1D000] =	vst v63  }
0x1d6: {  	s23 =	simm.s32 $0x180;
	s26 =	simm.s32 $0x8000  }
0x1d7: {  	[tilespmem:s26], [sflag:$0x4] =	stream.indirect.gather [spmem:s25], $0x20, s23, s11, $0xb8;
	[tilespmem:$0x1D000] =	vst v63  }
0x1d8: {  	s30 =	simm.s32 $0x200;
	s31 =	simm.s32 $0x9000  }
0x1d9: {  	[tilespmem:s31], [sflag:$0x5] =	stream.indirect.gather [spmem:s25], $0x20, s30, s11, $0xb8;
	[tilespmem:$0x1D000] =	vst v63  }
0x1da: {  	s18 =	simm.s32 $0x280;
	s19 =	simm.s32 $0xA000  }
0x1db: {  	[tilespmem:s19], [sflag:$0x6] =	stream.indirect.gather [spmem:s25], $0x20, s18, s11, $0xb8;
	[tilespmem:$0x1D000] =	vst v63  }
0x1dc: {  	_ =	swait.ge [sflag:s22], $0x1000  }
0x1dd: {  	[sflag:s22] =	ssyncset.done $0x0  }
0x1de: {  	[sflag:s22] =	ssyncadd.s32 $0xFFFFF000  }
0x1df: {  	[spmem:s28] =	stream.indirect.scatter.add.f32 [tilespmem:s12], [sflag:$0x9], $0x20, s8, s11, $0xb8;
	[tilespmem:$0x1D000] =	vst v63  }
0x1e0: {  	s20 =	simm.s32 $0x300;
	s21 =	simm.s32 $0xB000  }
0x1e1: {  	[tilespmem:s21], [sflag:$0x7] =	stream.indirect.gather [spmem:s25], $0x20, s20, s11, $0xb8;
	[tilespmem:$0x1D000] =	vst v63  }
0x1e2: {  	p0 =	por $0x0, $0x0;
	s17 =	simm.s32 $0x9;
	_ =	swait.ge [sflag:s29], $0x1000  }
0x1e3: {  	s23 =	simm.s32 $0x2880;
	s30 =	simm.s32 $0x2;
	[sflag:s29] =	ssyncset.done $0x0  }
0x1e4: {  	s19 =	simm.s32 $0x8;
	s21 =	sand.u32 $0x7, s30;
	[sflag:s29] =	ssyncadd.s32 $0xFFFFF000  }
0x1e5: {  	[spmem:s28] =	stream.indirect.scatter.add.f32 [tilespmem:s13], [sflag:$0xA], $0x20, s23, s11, $0xb8;
	[tilespmem:$0x1D000] =	vst v63  }
0x1e6: {  	s26 =	simm.s32 $0x380;
	s19 =	sand.u32 $0x7, s19;
	s23 =	sadd.s32 $0x1, s21  }
0x1e7: {  	[tilespmem:s6], [sflag:$0x8] =	stream.indirect.gather [spmem:s25], $0x20, s26, s11, $0xb8;
	[tilespmem:$0x1D000] =	vst v63  }
0x1e8: {  	s18 =	simm.s32 $0x400;
	s31 =	sadd.s32 $0x9, s19;
	_ =	swait.ge [sflag:s23], $0x1000  }
0x1e9: {  	s20 =	simm.s32 $0x2900;
	s26 =	sshll.u32 s21, $0xC;
	[sflag:s23] =	ssyncset.done $0x0  }
0x1ea: {  	s21 =	sadd.s32 $0x9, s21;
	s26 =	sadd.s32 $0x5000, s26;
	[sflag:s23] =	ssyncadd.s32 $0xFFFFF000  }
0x1eb: {  	[spmem:s28] =	stream.indirect.scatter.add.f32 [tilespmem:s26], [sflag:s21], $0x20, s20, s11, $0xb8;
	[tilespmem:$0x1D000] =	vst v63  }
0x1ec: {  	s26 =	sshll.u32 @!p0 s19, $0xC;
	s21 =	sadd.s32 @!p0 $0x1, s19;
	_ =	swait.ge [sflag:s31], $0x1000  }
0x1ed: {  	s19 =	simm.s32 $0x2980;
	s20 =	simm.s32 $0x480;
	[sflag:s31] =	ssyncset.done $0x0  }
0x1ee: {  	s23 =	sadd.s32 @!p0 $0x5000, s26;
	s26 =	simm.s32 @!p0 $0x80;
	[sflag:s31] =	ssyncadd.s32 $0xFFFFF000  }
.LBB2_16:
0x1ef: {  	[tilespmem:s23], [sflag:s21] =	stream.indirect.gather @!p0 [spmem:s25], $0x20, s18, s26, $0xb8;
	[tilespmem:$0x1D000] =	vst v63  }
0x1f0: {  	s21 =	sadd.s32 $0xFFFFFFFA, s17;
	s23 =	smov.u32 s17;
	s17 =	sadd.s32 $0x1, s17  }
0x1f1: {  	s18 =	smov.u32 s20;
	s26 =	sand.u32 $0x7, s21;
	p1 =	sne.s32 s17, $0x56  }
0x1f2: {  	s30 =	sshll.u32 s26, $0xC;
	s31 =	sadd.s32 $0x1, s26  }
0x1f3: {  	p0 =	sgt.u32 s21, $0x49;
	s23 =	sand.u32 $0x7, s23;
	_ =	swait.ge [sflag:s31], $0x1000  }
0x1f4: {  	s21 =	sadd.s32 $0x9, s26;
	s26 =	sadd.s32 $0x5000, s30;
	[sflag:s31] =	ssyncset.done $0x0  }
.Ltmp7:
0x1f5: {  	s30 =	sadd.s32 $0x9, s23;
	[sflag:s31] =	ssyncadd.s32 $0xFFFFF000;
	(pc) =	sbr.rel @p1 .LBB2_16-.Ltmp7, $4  }
0x1f6: {  	[spmem:s28] =	stream.indirect.scatter.add.f32 [tilespmem:s26], [sflag:s21], $0x20, s19, s11, $0xb8;
	[tilespmem:$0x1D000] =	vst v63  }
0x1f7: {  	s26 =	sshll.u32 @!p0 s23, $0xC;
	s21 =	sadd.s32 @!p0 $0x1, s23;
	_ =	swait.ge [sflag:s30], $0x1000  }
0x1f8: {  	s20 =	sadd.s32 $0x80, s20;
	s19 =	sadd.s32 $0x80, s19;
	[sflag:s30] =	ssyncset.done $0x0  }
0x1f9: {  	s23 =	sadd.s32 @!p0 $0x5000, s26;
	s26 =	simm.s32 @!p0 $0x80;
	[sflag:s30] =	ssyncadd.s32 $0xFFFFF000  }
0x1fa: {  	[tilespmem:s23], [sflag:s21] =	stream.indirect.gather @!p0 [spmem:s25], $0x20, s18, s26, $0xb8;
	[tilespmem:$0x1D000] =	vst v63  }
0x1fb: {  	_ =	swait.ge [sflag:s14], $0x1000  }
0x1fc: {  	[sflag:s14] =	ssyncset.done $0x0  }
0x1fd: {  	[sflag:s14] =	ssyncadd.s32 $0xFFFFF000  }
0x1fe: {  	_ =	swait.ge [sflag:s15], $0x1000  }
0x1ff: {  	[sflag:s15] =	ssyncset.done $0x0  }
0x200: {  	[sflag:s15] =	ssyncadd.s32 $0xFFFFF000  }
0x201: {  	[bflag:$0x0] =	sbarrier.arrive $0xFFFF  }
0x202: {  	[tilespmem:s10], [sflag:$0x11] =	stream.linear.gather [spmem:s0], $0x1000, $0x38;
	[tilespmem:$0x1D000] =	vst v63  }
0x203: {  	_ =	swait.ge [sflag:s7], $0x1000  }
0x204: {  	[sflag:s7] =	ssyncset.done $0x0  }
0x205: {  	s17 =	rddreg [dreg:$0x19];
	[sflag:s7] =	ssyncadd.s32 $0xFFFFF000  }
0x206: {  	[hbm4b:s17+s1] =	stream.linear.scatter [tilespmem:s10], [sflag:$0x11], $0x1000, $0x38;
	[tilespmem:$0x1D000] =	vst v63  }
0x207: {  	_ =	swait.ge [sflag:s7], $0x1000  }
0x208: {  	[sflag:s7] =	ssyncset.done $0x0  }
0x209: {  	[sflag:s7] =	ssyncadd.s32 $0xFFFFF000  }
0x20a: {  	[tilespmem:s10], [sflag:$0x11] =	stream.linear.gather [spmem:s2], $0x1000, $0x38;
	[tilespmem:$0x1D000] =	vst v63  }
0x20b: {  	_ =	swait.ge [sflag:s7], $0x1000  }
0x20c: {  	[sflag:s7] =	ssyncset.done $0x0  }
0x20d: {  	s21 =	rddreg [dreg:$0x1a];
	[sflag:s7] =	ssyncadd.s32 $0xFFFFF000  }
0x20e: {  	[hbm4b:s21+s1] =	stream.linear.scatter [tilespmem:s10], [sflag:$0x11], $0x1000, $0x38;
	[tilespmem:$0x1D000] =	vst v63  }
0x20f: {  	_ =	swait.ge [sflag:s7], $0x1000  }
0x210: {  	[sflag:s7] =	ssyncset.done $0x0  }
0x211: {  	[sflag:s7] =	ssyncadd.s32 $0xFFFFF000  }
0x212: {  	[tilespmem:s10], [sflag:$0x11] =	stream.linear.gather [spmem:s3], $0x1000, $0x38;
	[tilespmem:$0x1D000] =	vst v63  }
0x213: {  	_ =	swait.ge [sflag:s7], $0x1000  }
0x214: {  	[sflag:s7] =	ssyncset.done $0x0  }
0x215: {  	s23 =	rddreg [dreg:$0x1b];
	[sflag:s7] =	ssyncadd.s32 $0xFFFFF000  }
0x216: {  	[hbm4b:s23+s1] =	stream.linear.scatter [tilespmem:s10], [sflag:$0x11], $0x1000, $0x38;
	[tilespmem:$0x1D000] =	vst v63  }
0x217: {  	_ =	swait.ge [sflag:s7], $0x1000  }
0x218: {  	[sflag:s7] =	ssyncset.done $0x0  }
0x219: {  	[sflag:s7] =	ssyncadd.s32 $0xFFFFF000  }
0x21a: {  	[tilespmem:s10], [sflag:$0x11] =	stream.linear.gather [spmem:s4], $0x1000, $0x38;
	[tilespmem:$0x1D000] =	vst v63  }
0x21b: {  	_ =	swait.ge [sflag:s7], $0x1000  }
0x21c: {  	[sflag:s7] =	ssyncset.done $0x0  }
0x21d: {  	s26 =	rddreg [dreg:$0x1c];
	[sflag:s7] =	ssyncadd.s32 $0xFFFFF000  }
0x21e: {  	[hbm4b:s26+s1] =	stream.linear.scatter [tilespmem:s10], [sflag:$0x11], $0x1000, $0x38;
	[tilespmem:$0x1D000] =	vst v63  }
0x21f: {  	_ =	swait.ge [sflag:s7], $0x1000  }
0x220: {  	[sflag:s7] =	ssyncset.done $0x0  }
0x221: {  	[sflag:s7] =	ssyncadd.s32 $0xFFFFF000  }
0x222: {  	[tilespmem:s10], [sflag:$0x11] =	stream.linear.gather [spmem:s5], $0x1000, $0x38;
	[tilespmem:$0x1D000] =	vst v63  }
0x223: {  	_ =	swait.ge [sflag:s7], $0x1000  }
0x224: {  	[sflag:s7] =	ssyncset.done $0x0  }
0x225: {  	s30 =	rddreg [dreg:$0x1d];
	[sflag:s7] =	ssyncadd.s32 $0xFFFFF000  }
0x226: {  	[hbm4b:s30+s1] =	stream.linear.scatter [tilespmem:s10], [sflag:$0x11], $0x1000, $0x38;
	[tilespmem:$0x1D000] =	vst v63  }
0x227: {  	_ =	swait.ge [sflag:s7], $0x1000  }
0x228: {  	s31 =	sld [smem:$0x7FD];
	_ =	sdelay $0x1  }
0x229: {  	s16 =	sadd.s32 $0x1, s16  }
0x22a: {  	p0 =	sne.s32 s16, s31  }
.Ltmp8:
0x22b: {  	_ = 	snop;
	(pc) =	sbr.rel @p0 .LBB2_1-.Ltmp8, $3  }
0x22c: {  	_ =	sdelay $0x1  }
0x22d: {  	[sflag:s7] =	ssyncset.done $0x0  }
0x22e: {  	[sflag:s7] =	ssyncadd.s32 $0xFFFFF000  }
0x22f: {  	_ =	sfence.sel $0x180000  }
0x230: {  	[bflag:$0x0] =	sbarrier.arrive $0xFFFF  }
0x231: {  	_ =	strace $0x9000004A  }
0x232: {  	s0 =	stileid.u32;
	[bflag:$0x2] =	sbarrier.arrive $0xFFFF  }
0x233: {  	p0 =	sne.s32 s0, $0x0;
	s0 =	rddreg [dreg:$0x5]  }
0x234: {  	s0 =	sadd.s32 @!p0 $0x100000, s0  }
0x235: {  	[sflag:s0] =	ssyncadd.tile.s32 @!p0 $0x1;
	_ =	shalt  }
.Lfunc_end2:
_tile_overlayer_lowered:
.L_overlay_start_2:
0x236: {  	(tag) =	ssettag $0x2  }
0x237: {  	s0 =	rddreg [dreg:$0x0];
	s2 =	stileid.u32  }
0x238: {  	s1 =	rddreg [dreg:$0x1];
	p0 =	sne.s32 s2, $0x0  }
0x239: {  	s3 =	rddreg [dreg:$0x2];
	[bflag:$0x3] =	sbarrier.arrive $0xFFFF;
	s2 =	simm.s32 @!p0 $0x1C11  }
0x23a: {  	[timem:s3], [sflag:s2] =	dma.local @!p0 [hbm:s0], s1  }
0x23b: {  	s0 =	simm.s32 @!p0 $0x11  }
0x23c: {  	_ =	swait.ge @!p0 [sflag:s0], s1  }
0x23d: {  	s1 =	ssub.s32 @!p0 $0x0, s1;
	[sflag:s0] =	ssyncset.done @!p0 $0x0  }
0x23e: {  	[sflag:s0] =	ssyncadd.s32 @!p0 s1  }
0x23f: {  	[bflag:$0x3] =	sbarrier.arrive $0xFFFF  }
0x240: {  	_ =	shalt  }

// kernel: kernel.13.cloned.1.call-start
scs
__scs_entry_jumppad:
0x0: {  	(pc) =	sbr.rel $0x88, $3  }
0x1: {  	(tag) =	ssettag $0x0;
	lr =	simm.s32 $0x1  }
0x2: {  	[smem:$0x3F9C] =	sst lr;
	_ =	strace $0xD0000000  }
0x3: {  	_ = 	snop  }
0x4: {  	_ = 	snop  }
0x5: {  	_ = 	snop  }
0x6: {  	_ = 	snop  }
0x7: {  	_ = 	snop  }
__scs_overlays_trampoline_lowered:
0x8: {  	[smem:$0x3FAB] =	sst s0  }
0x9: {  	[smem:$0x3FAC] =	sst s1  }
0xa: {  	[smem:$0x3FAD] =	sst s2  }
0xb: {  	[smem:$0x3FAE] =	sst s3  }
0xc: {  	[smem:$0x3FAF] =	sst s4  }
0xd: {  	[smem:$0x3FB0] =	sst s5  }
0xe: {  	[smem:$0x3FB1] =	sst s6  }
0xf: {  	[smem:$0x3FB2] =	sst s7  }
0x10: {  	[smem:$0x3FB3] =	sst s8  }
0x11: {  	[smem:$0x3FB4] =	sst s9;
	s0 =	simm.s32 @!p0 $0x0  }
0x12: {  	s1 =	sld [smem:$0x3F9A];
	s0 =	simm.s32 @p0 $0x1  }
0x13: {  	[smem:$0x3FB5] =	sst s0;
	s0 =	simm.s32 @!p1 $0x0  }
0x14: {  	s2 =	sld [smem:$0x3F99];
	s0 =	simm.s32 @p1 $0x1  }
0x15: {  	[smem:$0x3FB6] =	sst s0;
	s0 =	simm.s32 @!p2 $0x0  }
0x16: {  	s3 =	sld [smem:$0x3FDB];
	s0 =	simm.s32 @p2 $0x1  }
0x17: {  	s4 =	simm.s32 $0x1BF5;
	[smem:$0x3FB8] =	sst s0  }
0x18: {  	s0 =	sld [smem:$0x3F9B];
	_ =	swait.ge [sflag:s4], $0x0  }
0x19: {  	s7 =	sld [smem:$0x3F9C]  }
0x1a: {  	s8 =	sadd.s32 $0xFFFFE003, lr  }
0x1b: {  	s9 =	sadd.s32 $0xFFFFFEF7, lr;
	s5 =	simm.s32 $0xFFFFFFFF;
	p2 =	slt.u32 s8, $0xFFFFF086  }
0x1c: {  	p1 =	slt.u32 s9, $0xF7A;
	s5 =	simm.s32 @!p2 $0x0  }
0x1d: {  	s5 =	simm.s32 @p1 $0x1;
	p0 =	seq.s32 s7, s2  }
0x1e: {  	s7 =	smul.u32 @!p0 $0xF7A, s2;
	p2 =	seq.s32 @!p0 s5, $0x0  }
0x1f: {  	s9 =	smul.u32 $0xF7A, s1;
	s8 =	simm.s32 @!p0 $0x1BF5;
	p2 =	por !p2, p0  }
0x20: {  	[sflag:s8] =	ssyncset.s32 @!p0 $0xFFFFF086;
	s6 =	sadd.s32 @!p0 s3, s7;
	s7 =	simm.s32 @!p0 $0x108  }
0x21: {  	s3 =	sadd.s32 s3, s9;
	s6 =	sadd.s32 @!p0 $0x88, s6;
	s7 =	simm.s32 @p2 $0x1082  }
0x22: {  	[simem:s7], [sflag:s8] =	dma.local @!p0 [hbm:s6], $0xF7A  }
0x23: {  	s9 =	sor.u32 $0xD0000000, s2;
	s6 =	simm.s32 $0x108;
	_ =	swait.ge @!p0 [sflag:s8], $0x0  }
0x24: {  	s3 =	sadd.s32 $0x88, s3;
	s6 =	simm.s32 @!p1 $0x1082;
	[sflag:s4] =	ssyncset.s32 $0xFFFFF086  }
0x25: {  	[simem:s6], [sflag:s4] =	dma.local [hbm:s3], $0xF7A  }
0x26: {  	[smem:$0x3F9C] =	sst s1;
	(tag) =	ssettag s2;
	_ =	strace s9  }
0x27: {  	s1 =	sld [smem:$0x3FAC]  }
0x28: {  	s2 =	sld [smem:$0x3FAD]  }
0x29: {  	s4 =	sld [smem:$0x3FAF]  }
0x2a: {  	p0 =	seq.s32 s5, $0x0;
	s5 =	sld [smem:$0x3FB0]  }
0x2b: {  	s6 =	sld [smem:$0x3FB1]  }
0x2c: {  	s7 =	sld [smem:$0x3FB2]  }
0x2d: {  	s3 =	simm.s32 $0x108;
	s8 =	sld [smem:$0x3FB3]  }
0x2e: {  	s3 =	simm.s32 @!p0 $0x1082;
	s9 =	sld [smem:$0x3FB4]  }
0x2f: {  	lr =	sadd.s32 s0, s3;
	s0 =	sld [smem:$0x3FAB]  }
0x30: {  	s3 =	sld [smem:$0x3FAE]  }
0x31: {  	[smem:$0x3FB7] =	sst s10  }
0x32: {  	s10 =	sld [smem:$0x3FB5];
	_ =	sdelay $0x3  }
0x33: {  	p0 =	seq.s32 s10, $0x1;
	s10 =	sld [smem:$0x3FB7];
	_ =	sdelay $0x3  }
0x34: {  	[smem:$0x3FB7] =	sst s10  }
0x35: {  	s10 =	sld [smem:$0x3FB6];
	_ =	sdelay $0x3  }
0x36: {  	p1 =	seq.s32 s10, $0x1;
	s10 =	sld [smem:$0x3FB7];
	_ =	sdelay $0x3  }
0x37: {  	[smem:$0x3FB7] =	sst s10  }
0x38: {  	s10 =	sld [smem:$0x3FB8]  }
0x39: {  	_ = 	snop;
	(pc) =	sbr.ind lr, $3  }
0x3a: {  	_ = 	snop  }
0x3b: {  	_ = 	snop  }
0x3c: {  	p2 =	seq.s32 s10, $0x1;
	s10 =	sld [smem:$0x3FB7]  }
0x3d: {  	_ =	shalt  }
0x3e: {  	_ =	shalt  }
0x3f: {  	_ =	shalt  }
0x40: {  	_ =	shalt  }
0x41: {  	_ =	shalt  }
0x42: {  	_ =	shalt  }
0x43: {  	_ =	shalt  }
0x44: {  	_ =	shalt  }
0x45: {  	_ =	shalt  }
0x46: {  	_ =	shalt  }
0x47: {  	_ =	shalt  }
0x48: {  	_ =	shalt  }
0x49: {  	_ =	shalt  }
0x4a: {  	_ =	shalt  }
0x4b: {  	_ =	shalt  }
0x4c: {  	_ =	shalt  }
0x4d: {  	_ =	shalt  }
0x4e: {  	_ =	shalt  }
0x4f: {  	_ =	shalt  }
0x50: {  	_ =	shalt  }
0x51: {  	_ =	shalt  }
0x52: {  	_ =	shalt  }
0x53: {  	_ =	shalt  }
0x54: {  	_ =	shalt  }
0x55: {  	_ =	shalt  }
0x56: {  	_ =	shalt  }
0x57: {  	_ =	shalt  }
0x58: {  	_ =	shalt  }
0x59: {  	_ =	shalt  }
0x5a: {  	_ =	shalt  }
0x5b: {  	_ =	shalt  }
0x5c: {  	_ =	shalt  }
0x5d: {  	_ =	shalt  }
0x5e: {  	_ =	shalt  }
0x5f: {  	_ =	shalt  }
0x60: {  	_ =	shalt  }
0x61: {  	_ =	shalt  }
0x62: {  	_ =	shalt  }
0x63: {  	_ =	shalt  }
0x64: {  	_ =	shalt  }
0x65: {  	_ =	shalt  }
0x66: {  	_ =	shalt  }
0x67: {  	_ =	shalt  }
0x68: {  	_ =	shalt  }
0x69: {  	_ =	shalt  }
0x6a: {  	_ =	shalt  }
0x6b: {  	_ =	shalt  }
0x6c: {  	_ =	shalt  }
0x6d: {  	_ =	shalt  }
0x6e: {  	_ =	shalt  }
0x6f: {  	_ =	shalt  }
0x70: {  	_ =	shalt  }
0x71: {  	_ =	shalt  }
0x72: {  	_ =	shalt  }
0x73: {  	_ =	shalt  }
0x74: {  	_ =	shalt  }
0x75: {  	_ =	shalt  }
0x76: {  	_ =	shalt  }
0x77: {  	_ =	shalt  }
0x78: {  	_ =	shalt  }
0x79: {  	_ =	shalt  }
0x7a: {  	_ =	shalt  }
0x7b: {  	_ =	shalt  }
0x7c: {  	_ =	shalt  }
0x7d: {  	_ =	shalt  }
0x7e: {  	_ =	shalt  }
0x7f: {  	_ =	shalt  }
0x80: {  	_ =	shalt  }
0x81: {  	_ =	shalt  }
0x82: {  	_ =	shalt  }
0x83: {  	_ =	shalt  }
0x84: {  	_ =	shalt  }
0x85: {  	_ =	shalt  }
0x86: {  	_ =	shalt  }
0x87: {  	_ =	shalt  }
.Lfunc_end0:
.L_simem_size_0:
called_computation.2_lowered:
.L_overlay_start_0:
0x88: {  	s2 =	sld [smem:$0x3FD9]  }
0x89: {  	s3 =	sld [smem:$0x3FFE];
	_ =	sdelay $0x1  }
0x8a: {  	s1 =	srdreg.scid  }
0x8b: {  	s0 =	sand.u32 $0x1, s1  }
0x8c: {  	s14 =	sshll.u32 s0, $0xA;
	s2 =	sadd.s32 s3, s2  }
0x8d: {  	s2 =	sadd.s32 s2, s14  }
0x8e: {  	[smem:$0x3FC3] =	sst s2  }
0x8f: {  	_ = 	snop  }
0x90: {  	s2 =	sld [smem:$0x3FD0];
	_ =	sdelay $0x2  }
0x91: {  	s4 =	simm.s32 $0xA;
	s5 =	simm.s32 $0x10;
	s15 =	sld [smem:$0x3FC9]  }
0x92: {  	[smem:s5], [sflag:s4] =	dma.local [hbm:s2], $0x1  }
0x93: {  	_ =	swait.eq [sflag:s4], $0x1  }
0x94: {  	[sflag:s4] =	ssyncset.done $0x0  }
0x95: {  	s16 =	sld [smem:$0x10];
	[sflag:s4] =	ssyncadd.s32 $0xFFFFFFFF  }
0x96: {  	s17 =	sld [smem:$0x11];
	(tm) =	ssettm $0x1  }
0x97: {  	s18 =	sld [smem:$0x3FFB];
	_ =	sdelay $0x3  }
0x98: {  	_ =	strace s18  }
0x99: {  	s5 =	sld [smem:$0x3FFC];
	_ =	sdelay $0x3  }
0x9a: {  	_ =	strace s5  }
0x9b: {  	s5 =	sld [smem:$0x3FFD];
	_ =	sdelay $0x3  }
0x9c: {  	_ =	strace s5  }
0x9d: {  	_ =	strace $0x8FFFFFFF  }
0x9e: {  	s19 =	sld [smem:$0x3FDB];
	_ =	sdelay $0x1  }
0x9f: {  	s6 =	simm.s32 $_scs_section_size  }
0xa0: {  	s7 =	simm.s32 $_size__tile_overlayer_lowered;
	s8 =	simm.s32 $_tile_overlayer_lowered  }
0xa1: {  	s22 =	simm.s32 $0x1BFF;
	s21 =	sshll.u32 s8, $0x1;
	s5 =	sadd.s32 s6, s19  }
0xa2: {  	s9 =	simm.s32 $0x0;
	s20 =	sshll.u32 s7, $0x1;
	s7 =	sadd.s32 s21, s5  }
0xa3: {  	[timem:s9], [sflag:s22] =	dma.local [hbm:s7], s20  }
0xa4: {  	_ =	swait.ge [sflag:s22], s20  }
0xa5: {  	s6 =	ssub.s32 $0x0, s20;
	[sflag:s22] =	ssyncset.done $0x0  }
0xa6: {  	[sflag:s22] =	ssyncadd.s32 s6;
	_ =	sdelay $0x1  }
0xa7: {  	s23 =	simm.s32 $0x1B8B  }
0xa8: {  	_ =	swait.ge [sflag:s23], $0x1  }
0xa9: {  	[sflag:s23] =	ssyncset.done $0x0  }
0xaa: {  	s25 =	simm.s32 $0x1B8E;
	s24 =	sld [smem:$0x3FFE];
	[sflag:s23] =	ssyncadd.s32 $0xFFFFFFFF  }
0xab: {  	s26 =	simm.s32 $execute0_lowered;
	[smem:$0x3FD2] =	sst s25  }
0xac: {  	s7 =	sshll.u32 s26, $0x1;
	_ =	strace $0x8000004C;
	[dreg:$0x1] =	wrdreg $0xFFFFFFFF  }
0xad: {  	s28 =	simm.s32 $_size_execute0_lowered;
	s5 =	sadd.s32 s5, s7;
	[dreg:$0x0] =	wrdreg $0x0  }
0xae: {  	s7 =	sshll.u32 s28, $0x1;
	[dreg:$0x2] =	wrdreg s5  }
0xaf: {  	[dreg:$0x3] =	wrdreg s7  }
0xb0: {  	[dreg:$0x4] =	wrdreg $0xC0  }
0xb1: {  	_ =	task [dreg:s9], $0x5FFFF  }
0xb2: {  	[dreg:$0x1] =	wrdreg $0xFFFFFFFF  }
0xb3: {  	[dreg:$0x0] =	wrdreg $0x60  }
0xb4: {  	[dreg:$0x2] =	wrdreg s24  }
0xb5: {  	[dreg:$0x3] =	wrdreg s15  }
0xb6: {  	[dreg:$0x4] =	wrdreg s16  }
0xb7: {  	[dreg:$0x5] =	wrdreg s17  }
0xb8: {  	[dreg:$0x6] =	wrdreg $0x9  }
0xb9: {  	_ =	task.clear_ibuf [dreg:s9], $0x7FFFF;
	_ =	strace $0x9000004C  }
0xba: {  	s29 =	simm.s32 $0x9;
	_ =	strace $0x8000004E  }
0xbb: {  	_ =	swait.ge [sflag:s29], $0x1  }
0xbc: {  	[sflag:s29] =	ssyncadd.s32 $0xFFFFFFFF  }
0xbd: {  	_ =	strace $0x9000004E  }
0xbe: {  	_ =	sfence  }
0xbf: {  	s30 =	sld [smem:$0x0];
	_ =	sdelay $0x2  }
0xc0: {  	s31 =	sshll.u32 s1, $0xD;
	s1 =	sshrl.u32 s1, $0x2  }
0xc1: {  	s3 =	sand.u32 $0x4000, s31;
	s1 =	sadd.s32 s1, s30  }
0xc2: {  	s0 =	sor.u32 s3, s0;
	s1 =	sshll.u32 s1, $0x11  }
0xc3: {  	s0 =	sor.u32 s1, s0  }
0xc4: {  	s0 =	sadd.s32 $0x8F2B, s0  }
0xc5: {  	[sflag:s0] =	ssyncadd.remote.s32 $0x1  }
0xc6: {  	_ =	sfence.sel $0xFFFF  }
0xc7: {  	[dreg:$0x0] =	wrdreg $0xFFFFFFFF;
	(pc) =	sbr.abs _section_cstart, $3  }
0xc8: {  	[dreg:$0x1] =	wrdreg $0xFFFFFFFF  }
0xc9: {  	_ =	task.clear_ibuf [dreg:s9], $0x2FFFF;
	_ =	strace $0x9FFFFFFF  }
0xca: {  	(tm) =	ssettm $0x7FFFFFFF  }
0xcb: {  	_ =	shalt  }
tec
execute0_lowered:
.L_overlay_start_1:
0x0: {  	(tag) =	ssettag $0x1  }
0x1: {  	s0 =	rddreg [dreg:$0x0]  }
0x2: {  	s2 =	rddreg [dreg:$0x1]  }
0x3: {  	s8 =	rddreg [dreg:$0x2]  }
0x4: {  	s9 =	rddreg [dreg:$0x3];
	s3 =	srdreg.scid  }
0x5: {  	s1 =	simm.s32 $0x0;
	s10 =	stileid.u32;
	s12 =	simm.s32 $0x9  }
0x6: {  	s16 =	simm.s32 $0x1C00;
	s17 =	simm.s32 $0x2400;
	s18 =	simm.s32 $0x2C00  }
0x7: {  	s19 =	simm.s32 $0x3400;
	s20 =	simm.s32 $0x3C00;
	s21 =	simm.s32 $0x4400  }
0x8: {  	s22 =	simm.s32 $0x4C00;
	s23 =	simm.s32 $0x5400;
	s24 =	simm.s32 $0x5C00  }
0x9: {  	s25 =	simm.s32 $0x6400;
	s28 =	simm.s32 $0x7400;
	s29 =	simm.s32 $0x7C00  }
0xa: {  	s30 =	simm.s32 $0x7;
	s31 =	simm.s32 $0x8;
	s4 =	sand.u32 $0x1, s3  }
0xb: {  	[smem:$0x7FF] =	sst s1;
	s3 =	sadd.s32 $0x1C00, s0;
	s26 =	sshll.u32 s10, $0x8  }
.Ltmp0:
0xc: {  	s10 =	sshll.u32 s10, $0x10;
	s5 =	ssub.s32 $0x2, s4;
	(pc) =	sbr.rel .LBB2_1-.Ltmp0, $4  }
0xd: {  	_ =	strace $0x8000004D;
	p0 =	seq.s32 s4, $0x1;
	s4 =	sadd.s32 s2, s26  }
0xe: {  	v2 =	vlaneseq.u32;
	s11 =	sadd.s32 s10, s8;
	s9 =	sadd.s32 s10, s9;
	s6 =	sshrl.u32 s5, $0x1  }
0xf: {  	vm0 =	vmmov $0xffff;
	v1 =	vshrl.u32 v2, $0x3;
	s26 =	simm.s32 $0x6C00;
	s7 =	ssub.s32 s5, s6;
	s5 =	sadd.s32 $0x1D00, s0  }
0x10: {  	v0 =	vand.u32 $0x7, v2;
	v2 =	vor.u32 $0x8, v2;
	v1 =	vmul.u32 $0x8, v1;
	s6 =	sadd.s32 $0x10, s4;
	s0 =	simm.s32 $0x0;
	s7 =	smax.u32 s7, $0x1  }
.LBB2_6:
0x11: {  	s0 =	sadd.s32 $0x1, s0  }
0x12: {  	_ =	swait.ge [sflag:s30], $0x4000;
	p1 =	sne.s32 s0, s7  }
.Ltmp1:
0x13: {  	[sflag:s30] =	ssyncset.done $0x0;
	(pc) =	sbr.rel @!p1 .LBB2_7-.Ltmp1, $4  }
0x14: {  	[sflag:s30] =	ssyncadd.s32 $0xFFFFC000  }
0x15: {  	_ =	swait.ge [sflag:s31], $0x4000  }
0x16: {  	[sflag:s31] =	ssyncset.done $0x0  }
0x17: {  	[sflag:s31] =	ssyncadd.s32 $0xFFFFC000  }
.LBB2_1:
.Ltmp2:
0x18: {  	(pc) =	sbr.rel @!p0 .LBB2_2-.Ltmp2, $2  }
0x19: {  	_ =	sdelay $0x2  }
0x1a: {  	s2 =	simm.s32 $0x0;
	s8 =	simm.s32 $0x80;
	s10 =	simm.s32 $0x100  }
0x1b: {  	[tilespmem:s2], [sflag:$0x9] =	stream.strided.gather [hbm4b:s6+s8], $0x400, s10, s8, $0x38;
	[tilespmem:$0x10400] =	vst v63  }
0x1c: {  	_ =	swait.ge [sflag:s12], $0x400  }
0x1d: {  	[sflag:s12] =	ssyncset.done $0x0  }
0x1e: {  	[sflag:s12] =	ssyncadd.s32 $0xFFFFFC00  }
0x1f: {  	v3 =	vld [tilespmem:$0x0];
	_ =	sdelay $0x4  }
0x20: {  	v4 =	vshll.u32 v3, $0x2  }
0x21: {  	v3 =	vand.u32 $0x7, v3;
	v4 =	vand.u32 $0xFFFFFFE0, v4  }
0x22: {  	v3 =	vor.u32 v3, v4  }
0x23: {  	v4 =	vperm.xlane v3, v0;
	_ =	sdelay $0x1  }
0x24: {  	v4 =	vadd.s32 v1, v4;
	_ =	sdelay $0x1  }
0x25: {  	v3 =	vperm.xlane v3, v2;
	_ =	sdelay $0x1  }
0x26: {  	s13 =	simm.s32 $0x400;
	v3 =	vadd.s32 v1, v3  }
0x27: {  	[tilespmem:s13], [sflag:$0x1] =	stream.indirect_vreg.gather [hbm4b:s3+s2], $0x80, v4, vm0, $0xb8;
	[tilespmem:$0x10400] =	vst v63  }
0x28: {  	s14 =	simm.s32 $0xC00  }
0x29: {  	[tilespmem:s14], [sflag:$0x1] =	stream.indirect_vreg.gather [hbm4b:s5+s2], $0x80, v4, vm0, $0xb8;
	[tilespmem:$0x10400] =	vst v63  }
0x2a: {  	s15 =	simm.s32 $0x1400  }
0x2b: {  	[tilespmem:s15], [sflag:$0x1] =	stream.indirect_vreg.gather [hbm4b:s3+s2], $0x80, v3, vm0, $0xb8;
	[tilespmem:$0x10400] =	vst v63  }
0x2c: {  	_ = 	snop  }
0x2d: {  	[tilespmem:s16], [sflag:$0x1] =	stream.indirect_vreg.gather [hbm4b:s5+s2], $0x80, v3, vm0, $0xb8;
	[tilespmem:$0x10400] =	vst v63  }
0x2e: {  	v3 =	vld [tilespmem:$0x10];
	_ =	sdelay $0x4  }
0x2f: {  	v61 =	vshll.u32 v3, $0x2  }
0x30: {  	v3 =	vand.u32 $0x7, v3;
	v4 =	vand.u32 $0xFFFFFFE0, v61  }
0x31: {  	v3 =	vor.u32 v3, v4  }
0x32: {  	v4 =	vperm.xlane v3, v0;
	_ =	sdelay $0x1  }
0x33: {  	v4 =	vadd.s32 v1, v4;
	_ =	sdelay $0x1  }
0x34: {  	v3 =	vperm.xlane v3, v2;
	_ =	sdelay $0x1  }
0x35: {  	v3 =	vadd.s32 v1, v3  }
0x36: {  	[tilespmem:s17], [sflag:$0x1] =	stream.indirect_vreg.gather [hbm4b:s3+s2], $0x80, v4, vm0, $0xb8;
	[tilespmem:$0x10400] =	vst v63  }
0x37: {  	_ = 	snop  }
0x38: {  	[tilespmem:s18], [sflag:$0x1] =	stream.indirect_vreg.gather [hbm4b:s5+s2], $0x80, v4, vm0, $0xb8;
	[tilespmem:$0x10400] =	vst v63  }
0x39: {  	_ = 	snop  }
0x3a: {  	[tilespmem:s19], [sflag:$0x1] =	stream.indirect_vreg.gather [hbm4b:s3+s2], $0x80, v3, vm0, $0xb8;
	[tilespmem:$0x10400] =	vst v63  }
0x3b: {  	_ = 	snop  }
0x3c: {  	[tilespmem:s20], [sflag:$0x1] =	stream.indirect_vreg.gather [hbm4b:s5+s2], $0x80, v3, vm0, $0xb8;
	[tilespmem:$0x10400] =	vst v63  }
0x3d: {  	v3 =	vld [tilespmem:$0x20];
	_ =	sdelay $0x4  }
0x3e: {  	v62 =	vshll.u32 v3, $0x2  }
0x3f: {  	v3 =	vand.u32 $0x7, v3;
	v4 =	vand.u32 $0xFFFFFFE0, v62  }
0x40: {  	v3 =	vor.u32 v3, v4  }
0x41: {  	v4 =	vperm.xlane v3, v0;
	_ =	sdelay $0x1  }
0x42: {  	v4 =	vadd.s32 v1, v4;
	_ =	sdelay $0x1  }
0x43: {  	v3 =	vperm.xlane v3, v2;
	_ =	sdelay $0x1  }
0x44: {  	v3 =	vadd.s32 v1, v3  }
0x45: {  	[tilespmem:s21], [sflag:$0x2] =	stream.indirect_vreg.gather [hbm4b:s3+s2], $0x80, v4, vm0, $0xb8;
	[tilespmem:$0x10400] =	vst v63  }
0x46: {  	_ = 	snop  }
0x47: {  	[tilespmem:s22], [sflag:$0x2] =	stream.indirect_vreg.gather [hbm4b:s5+s2], $0x80, v4, vm0, $0xb8;
	[tilespmem:$0x10400] =	vst v63  }
0x48: {  	_ = 	snop  }
0x49: {  	[tilespmem:s23], [sflag:$0x2] =	stream.indirect_vreg.gather [hbm4b:s3+s2], $0x80, v3, vm0, $0xb8;
	[tilespmem:$0x10400] =	vst v63  }
0x4a: {  	_ = 	snop  }
0x4b: {  	[tilespmem:s24], [sflag:$0x2] =	stream.indirect_vreg.gather [hbm4b:s5+s2], $0x80, v3, vm0, $0xb8;
	[tilespmem:$0x10400] =	vst v63  }
0x4c: {  	v3 =	vld [tilespmem:$0x30];
	_ =	sdelay $0x4  }
0x4d: {  	v63 =	vshll.u32 v3, $0x2  }
0x4e: {  	v3 =	vand.u32 $0x7, v3;
	v4 =	vand.u32 $0xFFFFFFE0, v63  }
0x4f: {  	v3 =	vor.u32 v3, v4  }
0x50: {  	v4 =	vperm.xlane v3, v0;
	_ =	sdelay $0x1  }
0x51: {  	v4 =	vadd.s32 v1, v4;
	_ =	sdelay $0x1  }
0x52: {  	v3 =	vperm.xlane v3, v2;
	_ =	sdelay $0x1  }
0x53: {  	v3 =	vadd.s32 v1, v3  }
0x54: {  	[tilespmem:s25], [sflag:$0x2] =	stream.indirect_vreg.gather [hbm4b:s3+s2], $0x80, v4, vm0, $0xb8;
	[tilespmem:$0x10400] =	vst v63  }
0x55: {  	_ = 	snop  }
0x56: {  	[tilespmem:s26], [sflag:$0x2] =	stream.indirect_vreg.gather [hbm4b:s5+s2], $0x80, v4, vm0, $0xb8;
	[tilespmem:$0x10400] =	vst v63  }
0x57: {  	_ = 	snop  }
0x58: {  	[tilespmem:s28], [sflag:$0x2] =	stream.indirect_vreg.gather [hbm4b:s3+s2], $0x80, v3, vm0, $0xb8;
	[tilespmem:$0x10400] =	vst v63  }
0x59: {  	s10 =	simm.s32 $0x50;
	s8 =	smov.u32 s9  }
0x5a: {  	[tilespmem:s29], [sflag:$0x2] =	stream.indirect_vreg.gather [hbm4b:s5+s2], $0x80, v3, vm0, $0xb8;
	[tilespmem:$0x10400] =	vst v63  }
.LBB2_5:
0x5b: {  	s13 =	sand.u32 $0x3, s2  }
0x5c: {  	s14 =	sadd.s32 $0x1, s13  }
0x5d: {  	s15 =	sshll.u32 s13, $0xE;
	_ =	swait.ge [sflag:s14], $0x4000  }
0x5e: {  	p1 =	slt.u32 s2, $0x2;
	s15 =	sor.u32 $0x400, s15;
	[sflag:s14] =	ssyncset.done $0x0  }
0x5f: {  	[sflag:s14] =	ssyncadd.s32 $0xFFFFC000;
	s14 =	sadd.s32 $0x5, s13;
	s13 =	sxor.u32 @!p1 $0x2, s13  }
0x60: {  	[hbm4b:s8+s1] =	stream.linear.scatter [tilespmem:s15], [sflag:s14], $0x4000, $0x38;
	[tilespmem:$0x10400] =	vst v63  }
0x61: {  	s13 =	sadd.s32 @!p1 $0x5, s13  }
0x62: {  	_ =	swait.ge @!p1 [sflag:s13], $0x4000  }
0x63: {  	p2 =	sgt.u32 @!p1 s2, $0x1D;
	[sflag:s13] =	ssyncset.done @!p1 $0x0  }
0x64: {  	p2 =	por p1, !p2;
	[sflag:s13] =	ssyncadd.s32 @!p1 $0xFFFFC000  }
0x65: {  	v3 =	vld @p2 [tilespmem:s10+$0xFFFFFFF0];
	_ =	sdelay $0x4  }
0x66: {  	v4 =	vshll.u32 @p2 v3, $0x2  }
0x67: {  	v3 =	vand.u32 @p2 $0x7, v3;
	v4 =	vand.u32 @p2 $0xFFFFFFE0, v4  }
0x68: {  	v3 =	vor.u32 @p2 v3, v4  }
0x69: {  	v4 =	vperm.xlane @p2 v3, v0;
	_ =	sdelay $0x1  }
0x6a: {  	v4 =	vadd.s32 @p2 v1, v4  }
0x6b: {  	s13 =	sadd.s32 @p2 $0x2, s2  }
0x6c: {  	s13 =	sand.u32 @p2 $0x3, s13;
	v3 =	vperm.xlane @p2 v3, v2  }
0x6d: {  	s14 =	sshll.u32 @p2 s13, $0xE  }
0x6e: {  	s13 =	sadd.s32 @p2 $0x1, s13;
	s15 =	sor.u32 @p2 $0x400, s14;
	v3 =	vadd.s32 @p2 v1, v3  }
0x6f: {  	[tilespmem:s15], [sflag:s13] =	stream.indirect_vreg.gather @p2 [hbm4b:s3+s1], $0x80, v4, vm0, $0xb8;
	[tilespmem:$0x10400] =	vst v63  }
0x70: {  	s15 =	sor.u32 @p2 $0xC00, s14  }
0x71: {  	[tilespmem:s15], [sflag:s13] =	stream.indirect_vreg.gather @p2 [hbm4b:s5+s1], $0x80, v4, vm0, $0xb8;
	[tilespmem:$0x10400] =	vst v63  }
0x72: {  	s15 =	sor.u32 @p2 $0x1400, s14  }
0x73: {  	[tilespmem:s15], [sflag:s13] =	stream.indirect_vreg.gather @p2 [hbm4b:s3+s1], $0x80, v3, vm0, $0xb8;
	[tilespmem:$0x10400] =	vst v63  }
0x74: {  	s15 =	sor.u32 @p2 $0x1C00, s14  }
0x75: {  	[tilespmem:s15], [sflag:s13] =	stream.indirect_vreg.gather @p2 [hbm4b:s5+s1], $0x80, v3, vm0, $0xb8;
	[tilespmem:$0x10400] =	vst v63  }
0x76: {  	v3 =	vld @p2 [tilespmem:s10+$0x0];
	_ =	sdelay $0x4  }
0x77: {  	v4 =	vshll.u32 @p2 v3, $0x2  }
0x78: {  	v3 =	vand.u32 @p2 $0x7, v3;
	v4 =	vand.u32 @p2 $0xFFFFFFE0, v4  }
0x79: {  	v3 =	vor.u32 @p2 v3, v4  }
0x7a: {  	v4 =	vperm.xlane @p2 v3, v0;
	_ =	sdelay $0x1  }
0x7b: {  	v4 =	vadd.s32 @p2 v1, v4;
	_ =	sdelay $0x2  }
0x7c: {  	v3 =	vperm.xlane @p2 v3, v2  }
0x7d: {  	s2 =	sadd.s32 $0x1, s2;
	s15 =	sor.u32 @p2 $0x2400, s14  }
0x7e: {  	v3 =	vadd.s32 @p2 v1, v3;
	[tilespmem:s15], [sflag:s13] =	stream.indirect_vreg.gather @p2 [hbm4b:s3+s1], $0x80, v4, vm0, $0xb8;
	[tilespmem:$0x10400] =	vst v63  }
0x7f: {  	p1 =	sne.s32 s2, $0x20;
	s15 =	sor.u32 @p2 $0x2C00, s14  }
0x80: {  	[tilespmem:s15], [sflag:s13] =	stream.indirect_vreg.gather @p2 [hbm4b:s5+s1], $0x80, v4, vm0, $0xb8;
	[tilespmem:$0x10400] =	vst v63  }
.Ltmp3:
0x81: {  	_ = 	snop;
	(pc) =	sbr.rel @p1 .LBB2_5-.Ltmp3, $4  }
0x82: {  	s15 =	sor.u32 @p2 $0x3400, s14  }
0x83: {  	[tilespmem:s15], [sflag:s13] =	stream.indirect_vreg.gather @p2 [hbm4b:s3+s1], $0x80, v3, vm0, $0xb8;
	[tilespmem:$0x10400] =	vst v63  }
0x84: {  	s8 =	sadd.s32 $0x800, s8;
	s10 =	sadd.s32 $0x20, s10;
	s14 =	sor.u32 @p2 $0x3C00, s14  }
0x85: {  	[tilespmem:s14], [sflag:s13] =	stream.indirect_vreg.gather @p2 [hbm4b:s5+s1], $0x80, v3, vm0, $0xb8;
	[tilespmem:$0x10400] =	vst v63  }
.Ltmp4:
0x86: {  	_ = 	snop;
	(pc) =	sbr.rel .LBB2_6-.Ltmp4, $1  }
0x87: {  	_ =	sdelay $0x3  }
.LBB2_2:
0x88: {  	[tilespmem:s2], [sflag:$0x9] =	stream.strided.gather [hbm4b:s4+s8], $0x400, s10, s8, $0x38;
	[tilespmem:$0x10400] =	vst v63  }
0x89: {  	_ =	swait.ge [sflag:s12], $0x400  }
0x8a: {  	[sflag:s12] =	ssyncset.done $0x0  }
0x8b: {  	[sflag:s12] =	ssyncadd.s32 $0xFFFFFC00  }
0x8c: {  	v3 =	vld [tilespmem:$0x0];
	_ =	sdelay $0x4  }
0x8d: {  	v4 =	vshll.u32 v3, $0x2  }
0x8e: {  	v3 =	vand.u32 $0x7, v3;
	v4 =	vand.u32 $0xFFFFFFE0, v4  }
0x8f: {  	v3 =	vor.u32 v3, v4  }
0x90: {  	v4 =	vperm.xlane v3, v0;
	_ =	sdelay $0x1  }
0x91: {  	v4 =	vadd.s32 v1, v4;
	_ =	sdelay $0x1  }
0x92: {  	v3 =	vperm.xlane v3, v2;
	_ =	sdelay $0x1  }
0x93: {  	s13 =	simm.s32 $0x400;
	v3 =	vadd.s32 v1, v3  }
0x94: {  	[tilespmem:s13], [sflag:$0x1] =	stream.indirect_vreg.gather [hbm4b:s3+s2], $0x80, v4, vm0, $0xb8;
	[tilespmem:$0x10400] =	vst v63  }
0x95: {  	s14 =	simm.s32 $0xC00  }
0x96: {  	[tilespmem:s14], [sflag:$0x1] =	stream.indirect_vreg.gather [hbm4b:s5+s2], $0x80, v4, vm0, $0xb8;
	[tilespmem:$0x10400] =	vst v63  }
0x97: {  	s15 =	simm.s32 $0x1400  }
0x98: {  	[tilespmem:s15], [sflag:$0x1] =	stream.indirect_vreg.gather [hbm4b:s3+s2], $0x80, v3, vm0, $0xb8;
	[tilespmem:$0x10400] =	vst v63  }
0x99: {  	_ = 	snop  }
0x9a: {  	[tilespmem:s16], [sflag:$0x1] =	stream.indirect_vreg.gather [hbm4b:s5+s2], $0x80, v3, vm0, $0xb8;
	[tilespmem:$0x10400] =	vst v63  }
0x9b: {  	v3 =	vld [tilespmem:$0x10];
	_ =	sdelay $0x4  }
0x9c: {  	v61 =	vshll.u32 v3, $0x2  }
0x9d: {  	v3 =	vand.u32 $0x7, v3;
	v4 =	vand.u32 $0xFFFFFFE0, v61  }
0x9e: {  	v3 =	vor.u32 v3, v4  }
0x9f: {  	v4 =	vperm.xlane v3, v0;
	_ =	sdelay $0x1  }
0xa0: {  	v4 =	vadd.s32 v1, v4;
	_ =	sdelay $0x1  }
0xa1: {  	v3 =	vperm.xlane v3, v2;
	_ =	sdelay $0x1  }
0xa2: {  	v3 =	vadd.s32 v1, v3  }
0xa3: {  	[tilespmem:s17], [sflag:$0x1] =	stream.indirect_vreg.gather [hbm4b:s3+s2], $0x80, v4, vm0, $0xb8;
	[tilespmem:$0x10400] =	vst v63  }
0xa4: {  	_ = 	snop  }
0xa5: {  	[tilespmem:s18], [sflag:$0x1] =	stream.indirect_vreg.gather [hbm4b:s5+s2], $0x80, v4, vm0, $0xb8;
	[tilespmem:$0x10400] =	vst v63  }
0xa6: {  	_ = 	snop  }
0xa7: {  	[tilespmem:s19], [sflag:$0x1] =	stream.indirect_vreg.gather [hbm4b:s3+s2], $0x80, v3, vm0, $0xb8;
	[tilespmem:$0x10400] =	vst v63  }
0xa8: {  	_ = 	snop  }
0xa9: {  	[tilespmem:s20], [sflag:$0x1] =	stream.indirect_vreg.gather [hbm4b:s5+s2], $0x80, v3, vm0, $0xb8;
	[tilespmem:$0x10400] =	vst v63  }
0xaa: {  	v3 =	vld [tilespmem:$0x20];
	_ =	sdelay $0x4  }
0xab: {  	v62 =	vshll.u32 v3, $0x2  }
0xac: {  	v3 =	vand.u32 $0x7, v3;
	v4 =	vand.u32 $0xFFFFFFE0, v62  }
0xad: {  	v3 =	vor.u32 v3, v4  }
0xae: {  	v4 =	vperm.xlane v3, v0;
	_ =	sdelay $0x1  }
0xaf: {  	v4 =	vadd.s32 v1, v4;
	_ =	sdelay $0x1  }
0xb0: {  	v3 =	vperm.xlane v3, v2;
	_ =	sdelay $0x1  }
0xb1: {  	v3 =	vadd.s32 v1, v3  }
0xb2: {  	[tilespmem:s21], [sflag:$0x2] =	stream.indirect_vreg.gather [hbm4b:s3+s2], $0x80, v4, vm0, $0xb8;
	[tilespmem:$0x10400] =	vst v63  }
0xb3: {  	_ = 	snop  }
0xb4: {  	[tilespmem:s22], [sflag:$0x2] =	stream.indirect_vreg.gather [hbm4b:s5+s2], $0x80, v4, vm0, $0xb8;
	[tilespmem:$0x10400] =	vst v63  }
0xb5: {  	_ = 	snop  }
0xb6: {  	[tilespmem:s23], [sflag:$0x2] =	stream.indirect_vreg.gather [hbm4b:s3+s2], $0x80, v3, vm0, $0xb8;
	[tilespmem:$0x10400] =	vst v63  }
0xb7: {  	_ = 	snop  }
0xb8: {  	[tilespmem:s24], [sflag:$0x2] =	stream.indirect_vreg.gather [hbm4b:s5+s2], $0x80, v3, vm0, $0xb8;
	[tilespmem:$0x10400] =	vst v63  }
0xb9: {  	v3 =	vld [tilespmem:$0x30];
	_ =	sdelay $0x4  }
0xba: {  	v63 =	vshll.u32 v3, $0x2  }
0xbb: {  	v3 =	vand.u32 $0x7, v3;
	v4 =	vand.u32 $0xFFFFFFE0, v63  }
0xbc: {  	v3 =	vor.u32 v3, v4  }
0xbd: {  	v4 =	vperm.xlane v3, v0;
	_ =	sdelay $0x1  }
0xbe: {  	v4 =	vadd.s32 v1, v4;
	_ =	sdelay $0x1  }
0xbf: {  	v3 =	vperm.xlane v3, v2;
	_ =	sdelay $0x1  }
0xc0: {  	v3 =	vadd.s32 v1, v3  }
0xc1: {  	[tilespmem:s25], [sflag:$0x2] =	stream.indirect_vreg.gather [hbm4b:s3+s2], $0x80, v4, vm0, $0xb8;
	[tilespmem:$0x10400] =	vst v63  }
0xc2: {  	_ = 	snop  }
0xc3: {  	[tilespmem:s26], [sflag:$0x2] =	stream.indirect_vreg.gather [hbm4b:s5+s2], $0x80, v4, vm0, $0xb8;
	[tilespmem:$0x10400] =	vst v63  }
0xc4: {  	_ = 	snop  }
0xc5: {  	[tilespmem:s28], [sflag:$0x2] =	stream.indirect_vreg.gather [hbm4b:s3+s2], $0x80, v3, vm0, $0xb8;
	[tilespmem:$0x10400] =	vst v63  }
0xc6: {  	s10 =	simm.s32 $0x50;
	s8 =	smov.u32 s11  }
0xc7: {  	[tilespmem:s29], [sflag:$0x2] =	stream.indirect_vreg.gather [hbm4b:s5+s2], $0x80, v3, vm0, $0xb8;
	[tilespmem:$0x10400] =	vst v63  }
.LBB2_3:
0xc8: {  	s13 =	sand.u32 $0x3, s2  }
0xc9: {  	s14 =	sadd.s32 $0x1, s13  }
0xca: {  	s15 =	sshll.u32 s13, $0xE;
	_ =	swait.ge [sflag:s14], $0x4000  }
0xcb: {  	p1 =	slt.u32 s2, $0x2;
	s15 =	sor.u32 $0x400, s15;
	[sflag:s14] =	ssyncset.done $0x0  }
0xcc: {  	[sflag:s14] =	ssyncadd.s32 $0xFFFFC000;
	s14 =	sadd.s32 $0x5, s13;
	s13 =	sxor.u32 @!p1 $0x2, s13  }
0xcd: {  	[hbm4b:s8+s1] =	stream.linear.scatter [tilespmem:s15], [sflag:s14], $0x4000, $0x38;
	[tilespmem:$0x10400] =	vst v63  }
0xce: {  	s13 =	sadd.s32 @!p1 $0x5, s13  }
0xcf: {  	_ =	swait.ge @!p1 [sflag:s13], $0x4000  }
0xd0: {  	p2 =	sgt.u32 @!p1 s2, $0x1D;
	[sflag:s13] =	ssyncset.done @!p1 $0x0  }
0xd1: {  	p2 =	por p1, !p2;
	[sflag:s13] =	ssyncadd.s32 @!p1 $0xFFFFC000  }
0xd2: {  	v3 =	vld @p2 [tilespmem:s10+$0xFFFFFFF0];
	_ =	sdelay $0x4  }
0xd3: {  	v4 =	vshll.u32 @p2 v3, $0x2  }
0xd4: {  	v3 =	vand.u32 @p2 $0x7, v3;
	v4 =	vand.u32 @p2 $0xFFFFFFE0, v4  }
0xd5: {  	v3 =	vor.u32 @p2 v3, v4  }
0xd6: {  	v4 =	vperm.xlane @p2 v3, v0;
	_ =	sdelay $0x1  }
0xd7: {  	v4 =	vadd.s32 @p2 v1, v4  }
0xd8: {  	s13 =	sadd.s32 @p2 $0x2, s2  }
0xd9: {  	s13 =	sand.u32 @p2 $0x3, s13;
	v3 =	vperm.xlane @p2 v3, v2  }
0xda: {  	s14 =	sshll.u32 @p2 s13, $0xE  }
0xdb: {  	s13 =	sadd.s32 @p2 $0x1, s13;
	s15 =	sor.u32 @p2 $0x400, s14;
	v3 =	vadd.s32 @p2 v1, v3  }
0xdc: {  	[tilespmem:s15], [sflag:s13] =	stream.indirect_vreg.gather @p2 [hbm4b:s3+s1], $0x80, v4, vm0, $0xb8;
	[tilespmem:$0x10400] =	vst v63  }
0xdd: {  	s15 =	sor.u32 @p2 $0xC00, s14  }
0xde: {  	[tilespmem:s15], [sflag:s13] =	stream.indirect_vreg.gather @p2 [hbm4b:s5+s1], $0x80, v4, vm0, $0xb8;
	[tilespmem:$0x10400] =	vst v63  }
0xdf: {  	s15 =	sor.u32 @p2 $0x1400, s14  }
0xe0: {  	[tilespmem:s15], [sflag:s13] =	stream.indirect_vreg.gather @p2 [hbm4b:s3+s1], $0x80, v3, vm0, $0xb8;
	[tilespmem:$0x10400] =	vst v63  }
0xe1: {  	s15 =	sor.u32 @p2 $0x1C00, s14  }
0xe2: {  	[tilespmem:s15], [sflag:s13] =	stream.indirect_vreg.gather @p2 [hbm4b:s5+s1], $0x80, v3, vm0, $0xb8;
	[tilespmem:$0x10400] =	vst v63  }
0xe3: {  	v3 =	vld @p2 [tilespmem:s10+$0x0];
	_ =	sdelay $0x4  }
0xe4: {  	v4 =	vshll.u32 @p2 v3, $0x2  }
0xe5: {  	v3 =	vand.u32 @p2 $0x7, v3;
	v4 =	vand.u32 @p2 $0xFFFFFFE0, v4  }
0xe6: {  	v3 =	vor.u32 @p2 v3, v4  }
0xe7: {  	v4 =	vperm.xlane @p2 v3, v0;
	_ =	sdelay $0x1  }
0xe8: {  	v4 =	vadd.s32 @p2 v1, v4;
	_ =	sdelay $0x2  }
0xe9: {  	v3 =	vperm.xlane @p2 v3, v2  }
0xea: {  	s2 =	sadd.s32 $0x1, s2;
	s15 =	sor.u32 @p2 $0x2400, s14  }
0xeb: {  	v3 =	vadd.s32 @p2 v1, v3;
	[tilespmem:s15], [sflag:s13] =	stream.indirect_vreg.gather @p2 [hbm4b:s3+s1], $0x80, v4, vm0, $0xb8;
	[tilespmem:$0x10400] =	vst v63  }
0xec: {  	p1 =	seq.s32 s2, $0x20;
	s15 =	sor.u32 @p2 $0x2C00, s14  }
0xed: {  	[tilespmem:s15], [sflag:s13] =	stream.indirect_vreg.gather @p2 [hbm4b:s5+s1], $0x80, v4, vm0, $0xb8;
	[tilespmem:$0x10400] =	vst v63  }
.Ltmp5:
0xee: {  	_ = 	snop;
	(pc) =	sbr.rel @!p1 .LBB2_3-.Ltmp5, $4  }
0xef: {  	s15 =	sor.u32 @p2 $0x3400, s14  }
0xf0: {  	[tilespmem:s15], [sflag:s13] =	stream.indirect_vreg.gather @p2 [hbm4b:s3+s1], $0x80, v3, vm0, $0xb8;
	[tilespmem:$0x10400] =	vst v63  }
0xf1: {  	s8 =	sadd.s32 $0x800, s8;
	s10 =	sadd.s32 $0x20, s10;
	s14 =	sor.u32 @p2 $0x3C00, s14  }
0xf2: {  	[tilespmem:s14], [sflag:s13] =	stream.indirect_vreg.gather @p2 [hbm4b:s5+s1], $0x80, v3, vm0, $0xb8;
	[tilespmem:$0x10400] =	vst v63  }
.Ltmp6:
0xf3: {  	_ = 	snop;
	(pc) =	sbr.rel .LBB2_6-.Ltmp6, $1  }
0xf4: {  	_ =	sdelay $0x3  }
.LBB2_7:
0xf5: {  	_ =	sfence.sel $0x180000  }
0xf6: {  	[bflag:$0x0] =	sbarrier.arrive $0xFFFF  }
0xf7: {  	_ =	strace $0x9000004D  }
0xf8: {  	s0 =	stileid.u32;
	[bflag:$0x2] =	sbarrier.arrive $0xFFFF  }
0xf9: {  	p0 =	sne.s32 s0, $0x0;
	s0 =	rddreg [dreg:$0x4]  }
0xfa: {  	s0 =	sadd.s32 @!p0 $0x100000, s0  }
0xfb: {  	[sflag:s0] =	ssyncadd.tile.s32 @!p0 $0x1;
	_ =	shalt  }
.Lfunc_end2:
_tile_overlayer_lowered:
.L_overlay_start_2:
0xfc: {  	(tag) =	ssettag $0x2  }
0xfd: {  	s0 =	rddreg [dreg:$0x0];
	s2 =	stileid.u32  }
0xfe: {  	s1 =	rddreg [dreg:$0x1];
	p0 =	sne.s32 s2, $0x0  }
0xff: {  	s3 =	rddreg [dreg:$0x2];
	[bflag:$0x3] =	sbarrier.arrive $0xFFFF;
	s2 =	simm.s32 @!p0 $0x1C09  }
0x100: {  	[timem:s3], [sflag:s2] =	dma.local @!p0 [hbm:s0], s1  }
0x101: {  	s0 =	simm.s32 @!p0 $0x9  }
0x102: {  	_ =	swait.ge @!p0 [sflag:s0], s1  }
0x103: {  	s1 =	ssub.s32 @!p0 $0x0, s1;
	[sflag:s0] =	ssyncset.done @!p0 $0x0  }
0x104: {  	[sflag:s0] =	ssyncadd.s32 @!p0 s1  }
0x105: {  	[bflag:$0x3] =	sbarrier.arrive $0xFFFF  }
0x106: {  	_ =	shalt  }

// kernel: kernel.7.cloned.1.call-start
scs
__scs_entry_jumppad:
0x0: {  	(pc) =	sbr.rel $0x88, $3  }
0x1: {  	(tag) =	ssettag $0x0;
	lr =	simm.s32 $0x1  }
0x2: {  	[smem:$0x3F9C] =	sst lr;
	_ =	strace $0xD0000000  }
0x3: {  	_ = 	snop  }
0x4: {  	_ = 	snop  }
0x5: {  	_ = 	snop  }
0x6: {  	_ = 	snop  }
0x7: {  	_ = 	snop  }
__scs_overlays_trampoline_lowered:
0x8: {  	[smem:$0x3FAB] =	sst s0  }
0x9: {  	[smem:$0x3FAC] =	sst s1  }
0xa: {  	[smem:$0x3FAD] =	sst s2  }
0xb: {  	[smem:$0x3FAE] =	sst s3  }
0xc: {  	[smem:$0x3FAF] =	sst s4  }
0xd: {  	[smem:$0x3FB0] =	sst s5  }
0xe: {  	[smem:$0x3FB1] =	sst s6  }
0xf: {  	[smem:$0x3FB2] =	sst s7  }
0x10: {  	[smem:$0x3FB3] =	sst s8  }
0x11: {  	[smem:$0x3FB4] =	sst s9;
	s0 =	simm.s32 @!p0 $0x0  }
0x12: {  	s1 =	sld [smem:$0x3F9A];
	s0 =	simm.s32 @p0 $0x1  }
0x13: {  	[smem:$0x3FB5] =	sst s0;
	s0 =	simm.s32 @!p1 $0x0  }
0x14: {  	s2 =	sld [smem:$0x3F99];
	s0 =	simm.s32 @p1 $0x1  }
0x15: {  	[smem:$0x3FB6] =	sst s0;
	s0 =	simm.s32 @!p2 $0x0  }
0x16: {  	s3 =	sld [smem:$0x3FDB];
	s0 =	simm.s32 @p2 $0x1  }
0x17: {  	s4 =	simm.s32 $0x1BF5;
	[smem:$0x3FB8] =	sst s0  }
0x18: {  	s0 =	sld [smem:$0x3F9B];
	_ =	swait.ge [sflag:s4], $0x0  }
0x19: {  	s7 =	sld [smem:$0x3F9C]  }
0x1a: {  	s8 =	sadd.s32 $0xFFFFE003, lr  }
0x1b: {  	s9 =	sadd.s32 $0xFFFFFEF7, lr;
	s5 =	simm.s32 $0xFFFFFFFF;
	p2 =	slt.u32 s8, $0xFFFFF086  }
0x1c: {  	p1 =	slt.u32 s9, $0xF7A;
	s5 =	simm.s32 @!p2 $0x0  }
0x1d: {  	s5 =	simm.s32 @p1 $0x1;
	p0 =	seq.s32 s7, s2  }
0x1e: {  	s7 =	smul.u32 @!p0 $0xF7A, s2;
	p2 =	seq.s32 @!p0 s5, $0x0  }
0x1f: {  	s9 =	smul.u32 $0xF7A, s1;
	s8 =	simm.s32 @!p0 $0x1BF5;
	p2 =	por !p2, p0  }
0x20: {  	[sflag:s8] =	ssyncset.s32 @!p0 $0xFFFFF086;
	s6 =	sadd.s32 @!p0 s3, s7;
	s7 =	simm.s32 @!p0 $0x108  }
0x21: {  	s3 =	sadd.s32 s3, s9;
	s6 =	sadd.s32 @!p0 $0x88, s6;
	s7 =	simm.s32 @p2 $0x1082  }
0x22: {  	[simem:s7], [sflag:s8] =	dma.local @!p0 [hbm:s6], $0xF7A  }
0x23: {  	s9 =	sor.u32 $0xD0000000, s2;
	s6 =	simm.s32 $0x108;
	_ =	swait.ge @!p0 [sflag:s8], $0x0  }
0x24: {  	s3 =	sadd.s32 $0x88, s3;
	s6 =	simm.s32 @!p1 $0x1082;
	[sflag:s4] =	ssyncset.s32 $0xFFFFF086  }
0x25: {  	[simem:s6], [sflag:s4] =	dma.local [hbm:s3], $0xF7A  }
0x26: {  	[smem:$0x3F9C] =	sst s1;
	(tag) =	ssettag s2;
	_ =	strace s9  }
0x27: {  	s1 =	sld [smem:$0x3FAC]  }
0x28: {  	s2 =	sld [smem:$0x3FAD]  }
0x29: {  	s4 =	sld [smem:$0x3FAF]  }
0x2a: {  	p0 =	seq.s32 s5, $0x0;
	s5 =	sld [smem:$0x3FB0]  }
0x2b: {  	s6 =	sld [smem:$0x3FB1]  }
0x2c: {  	s7 =	sld [smem:$0x3FB2]  }
0x2d: {  	s3 =	simm.s32 $0x108;
	s8 =	sld [smem:$0x3FB3]  }
0x2e: {  	s3 =	simm.s32 @!p0 $0x1082;
	s9 =	sld [smem:$0x3FB4]  }
0x2f: {  	lr =	sadd.s32 s0, s3;
	s0 =	sld [smem:$0x3FAB]  }
0x30: {  	s3 =	sld [smem:$0x3FAE]  }
0x31: {  	[smem:$0x3FB7] =	sst s10  }
0x32: {  	s10 =	sld [smem:$0x3FB5];
	_ =	sdelay $0x3  }
0x33: {  	p0 =	seq.s32 s10, $0x1;
	s10 =	sld [smem:$0x3FB7];
	_ =	sdelay $0x3  }
0x34: {  	[smem:$0x3FB7] =	sst s10  }
0x35: {  	s10 =	sld [smem:$0x3FB6];
	_ =	sdelay $0x3  }
0x36: {  	p1 =	seq.s32 s10, $0x1;
	s10 =	sld [smem:$0x3FB7];
	_ =	sdelay $0x3  }
0x37: {  	[smem:$0x3FB7] =	sst s10  }
0x38: {  	s10 =	sld [smem:$0x3FB8]  }
0x39: {  	_ = 	snop;
	(pc) =	sbr.ind lr, $3  }
0x3a: {  	_ = 	snop  }
0x3b: {  	_ = 	snop  }
0x3c: {  	p2 =	seq.s32 s10, $0x1;
	s10 =	sld [smem:$0x3FB7]  }
0x3d: {  	_ =	shalt  }
0x3e: {  	_ =	shalt  }
0x3f: {  	_ =	shalt  }
0x40: {  	_ =	shalt  }
0x41: {  	_ =	shalt  }
0x42: {  	_ =	shalt  }
0x43: {  	_ =	shalt  }
0x44: {  	_ =	shalt  }
0x45: {  	_ =	shalt  }
0x46: {  	_ =	shalt  }
0x47: {  	_ =	shalt  }
0x48: {  	_ =	shalt  }
0x49: {  	_ =	shalt  }
0x4a: {  	_ =	shalt  }
0x4b: {  	_ =	shalt  }
0x4c: {  	_ =	shalt  }
0x4d: {  	_ =	shalt  }
0x4e: {  	_ =	shalt  }
0x4f: {  	_ =	shalt  }
0x50: {  	_ =	shalt  }
0x51: {  	_ =	shalt  }
0x52: {  	_ =	shalt  }
0x53: {  	_ =	shalt  }
0x54: {  	_ =	shalt  }
0x55: {  	_ =	shalt  }
0x56: {  	_ =	shalt  }
0x57: {  	_ =	shalt  }
0x58: {  	_ =	shalt  }
0x59: {  	_ =	shalt  }
0x5a: {  	_ =	shalt  }
0x5b: {  	_ =	shalt  }
0x5c: {  	_ =	shalt  }
0x5d: {  	_ =	shalt  }
0x5e: {  	_ =	shalt  }
0x5f: {  	_ =	shalt  }
0x60: {  	_ =	shalt  }
0x61: {  	_ =	shalt  }
0x62: {  	_ =	shalt  }
0x63: {  	_ =	shalt  }
0x64: {  	_ =	shalt  }
0x65: {  	_ =	shalt  }
0x66: {  	_ =	shalt  }
0x67: {  	_ =	shalt  }
0x68: {  	_ =	shalt  }
0x69: {  	_ =	shalt  }
0x6a: {  	_ =	shalt  }
0x6b: {  	_ =	shalt  }
0x6c: {  	_ =	shalt  }
0x6d: {  	_ =	shalt  }
0x6e: {  	_ =	shalt  }
0x6f: {  	_ =	shalt  }
0x70: {  	_ =	shalt  }
0x71: {  	_ =	shalt  }
0x72: {  	_ =	shalt  }
0x73: {  	_ =	shalt  }
0x74: {  	_ =	shalt  }
0x75: {  	_ =	shalt  }
0x76: {  	_ =	shalt  }
0x77: {  	_ =	shalt  }
0x78: {  	_ =	shalt  }
0x79: {  	_ =	shalt  }
0x7a: {  	_ =	shalt  }
0x7b: {  	_ =	shalt  }
0x7c: {  	_ =	shalt  }
0x7d: {  	_ =	shalt  }
0x7e: {  	_ =	shalt  }
0x7f: {  	_ =	shalt  }
0x80: {  	_ =	shalt  }
0x81: {  	_ =	shalt  }
0x82: {  	_ =	shalt  }
0x83: {  	_ =	shalt  }
0x84: {  	_ =	shalt  }
0x85: {  	_ =	shalt  }
0x86: {  	_ =	shalt  }
0x87: {  	_ =	shalt  }
.Lfunc_end0:
.L_simem_size_0:
called_computation_lowered:
.L_overlay_start_0:
0x88: {  	s2 =	sld [smem:$0x3FD9]  }
0x89: {  	s3 =	sld [smem:$0x3FFE];
	_ =	sdelay $0x1  }
0x8a: {  	s1 =	srdreg.scid  }
0x8b: {  	s0 =	sand.u32 $0x1, s1  }
0x8c: {  	s16 =	sshll.u32 s0, $0xA;
	s2 =	sadd.s32 s3, s2  }
0x8d: {  	s2 =	sadd.s32 s2, s16  }
0x8e: {  	[smem:$0x3FC3] =	sst s2  }
0x8f: {  	_ = 	snop  }
0x90: {  	(tm) =	ssettm $0x1  }
0x91: {  	s17 =	sld [smem:$0x3FFB];
	_ =	sdelay $0x3  }
0x92: {  	_ =	strace s17  }
0x93: {  	s2 =	sld [smem:$0x3FFC];
	_ =	sdelay $0x3  }
0x94: {  	_ =	strace s2  }
0x95: {  	s2 =	sld [smem:$0x3FFD];
	_ =	sdelay $0x3  }
0x96: {  	_ =	strace s2  }
0x97: {  	_ =	strace $0x8FFFFFFF  }
0x98: {  	s18 =	sld [smem:$0x3FDB];
	_ =	sdelay $0x1  }
0x99: {  	s19 =	simm.s32 $_scs_section_size  }
0x9a: {  	s4 =	simm.s32 $_size__tile_overlayer_lowered;
	s5 =	simm.s32 $_tile_overlayer_lowered  }
0x9b: {  	s22 =	simm.s32 $0x1BFF;
	s21 =	sshll.u32 s5, $0x1;
	s2 =	sadd.s32 s19, s18  }
0x9c: {  	s6 =	simm.s32 $0x0;
	s20 =	sshll.u32 s4, $0x1;
	s4 =	sadd.s32 s21, s2  }
0x9d: {  	[timem:s6], [sflag:s22] =	dma.local [hbm:s4], s20  }
0x9e: {  	_ =	swait.ge [sflag:s22], s20  }
0x9f: {  	s3 =	ssub.s32 $0x0, s20;
	[sflag:s22] =	ssyncset.done $0x0  }
0xa0: {  	[sflag:s22] =	ssyncadd.s32 s3;
	_ =	sdelay $0x1  }
0xa1: {  	s23 =	simm.s32 $0x1B8B  }
0xa2: {  	_ =	swait.ge [sflag:s23], $0x1  }
0xa3: {  	[sflag:s23] =	ssyncset.done $0x0  }
0xa4: {  	s25 =	simm.s32 $0x1B8E;
	s24 =	sld [smem:$0x3FFE];
	[sflag:s23] =	ssyncadd.s32 $0xFFFFFFFF  }
0xa5: {  	s26 =	simm.s32 $execute0_lowered;
	[smem:$0x3FD2] =	sst s25  }
0xa6: {  	s4 =	sshll.u32 s26, $0x1;
	_ =	strace $0x80000046;
	[dreg:$0x1] =	wrdreg $0xFFFFFFFF  }
0xa7: {  	s28 =	simm.s32 $_size_execute0_lowered;
	s2 =	sadd.s32 s2, s4;
	[dreg:$0x0] =	wrdreg $0x0  }
0xa8: {  	s4 =	sshll.u32 s28, $0x1;
	[dreg:$0x2] =	wrdreg s2  }
0xa9: {  	[dreg:$0x3] =	wrdreg s4  }
0xaa: {  	[dreg:$0x4] =	wrdreg $0xC0  }
0xab: {  	_ =	task [dreg:s6], $0x5FFFF  }
0xac: {  	[dreg:$0x1] =	wrdreg $0xFFFFFFFF  }
0xad: {  	[dreg:$0x0] =	wrdreg $0x60  }
0xae: {  	[dreg:$0x2] =	wrdreg s24  }
0xaf: {  	[dreg:$0x3] =	wrdreg $0x17000  }
0xb0: {  	[dreg:$0x4] =	wrdreg $0x9  }
0xb1: {  	_ =	task.clear_ibuf [dreg:s6], $0x5FFFF;
	_ =	strace $0x90000046  }
0xb2: {  	s29 =	simm.s32 $0x9;
	_ =	strace $0x80000048  }
0xb3: {  	_ =	swait.ge [sflag:s29], $0x1  }
0xb4: {  	[sflag:s29] =	ssyncadd.s32 $0xFFFFFFFF  }
0xb5: {  	_ =	strace $0x90000048  }
0xb6: {  	_ =	sfence  }
0xb7: {  	s30 =	sld [smem:$0x0];
	_ =	sdelay $0x2  }
0xb8: {  	s31 =	sshll.u32 s1, $0xD;
	s1 =	sshrl.u32 s1, $0x2  }
0xb9: {  	s3 =	sand.u32 $0x4000, s31;
	s1 =	sadd.s32 s1, s30  }
0xba: {  	s0 =	sor.u32 s3, s0;
	s1 =	sshll.u32 s1, $0x11  }
0xbb: {  	s0 =	sor.u32 s1, s0  }
0xbc: {  	s0 =	sadd.s32 $0x8F2B, s0  }
0xbd: {  	[sflag:s0] =	ssyncadd.remote.s32 $0x1  }
0xbe: {  	_ =	sfence.sel $0xFFFF  }
0xbf: {  	[dreg:$0x0] =	wrdreg $0xFFFFFFFF;
	(pc) =	sbr.abs _section_cstart, $3  }
0xc0: {  	[dreg:$0x1] =	wrdreg $0xFFFFFFFF  }
0xc1: {  	_ =	task.clear_ibuf [dreg:s6], $0x2FFFF;
	_ =	strace $0x9FFFFFFF  }
0xc2: {  	(tm) =	ssettm $0x7FFFFFFF  }
0xc3: {  	_ =	shalt  }
tec
execute0_lowered:
.L_overlay_start_1:
0x0: {  	(tag) =	ssettag $0x1  }
0x1: {  	s4 =	rddreg [dreg:$0x0]  }
0x2: {  	s2 =	rddreg [dreg:$0x1];
	s3 =	srdreg.scid  }
0x3: {  	s1 =	stileid.u32;
	s0 =	rddreg [dreg:$0x2];
	s10 =	simm.s32 $0x80  }
0x4: {  	s11 =	simm.s32 $0x1400;
	s5 =	sand.u32 $0x1, s3;
	s6 =	smul.u32 $0x280, s1  }
0x5: {  	s3 =	simm.s32 $0x0;
	s7 =	sshll.u32 s1, $0x1;
	s8 =	smul.u32 $0x2800, s5  }
0x6: {  	s12 =	simm.s32 $0x0;
	[smem:$0x7FF] =	sst s3;
	s7 =	sor.u32 s5, s7  }
0x7: {  	s5 =	ssub.s32 $0x2, s5;
	s7 =	smul.u32 $0x280, s7;
	s8 =	sadd.s32 s6, s8  }
0x8: {  	_ =	strace $0x80000047;
	s9 =	sshrl.u32 s5, $0x1;
	s8 =	sshrl.u32 s8, $0x3  }
0x9: {  	s9 =	ssub.s32 s5, s9;
	s7 =	sadd.s32 s7, s4;
	s8 =	sadd.s32 s8, s4  }
0xa: {  	s4 =	sadd.s32 s6, s2;
	s5 =	sadd.s32 $0x1C00, s7;
	s7 =	smax.u32 s9, $0x1  }
0xb: {  	v0 =	vimm.f32 $1.000000000e+00;
	v1 =	vimm.f32 $0.0e+00;
	s9 =	simm.s32 $0x1;
	s6 =	sadd.s32 $0x6C00, s8;
	s8 =	simm.s32 $0x1480  }
.LBB2_1:
0xc: {  	[tilespmem:$0x1400] =	vst v0  }
0xd: {  	[tilespmem:$0x1410] =	vst v0  }
0xe: {  	[tilespmem:$0x1420] =	vst v0  }
0xf: {  	[tilespmem:$0x1430] =	vst v0  }
0x10: {  	[tilespmem:$0x1440] =	vst v0  }
0x11: {  	[tilespmem:$0x1450] =	vst v0  }
0x12: {  	[tilespmem:$0x1460] =	vst v0  }
0x13: {  	[tilespmem:$0x1470] =	vst v0  }
0x14: {  	[tilespmem:$0x1480] =	vst v1  }
0x15: {  	[tilespmem:$0x1490] =	vst v1  }
0x16: {  	[tilespmem:$0x14A0] =	vst v1  }
0x17: {  	[tilespmem:$0x14B0] =	vst v1  }
0x18: {  	[tilespmem:$0x14C0] =	vst v1  }
0x19: {  	[tilespmem:$0x14D0] =	vst v1  }
0x1a: {  	[tilespmem:$0x14E0] =	vst v1  }
0x1b: {  	[tilespmem:$0x14F0] =	vst v1  }
0x1c: {  	[tilespmem:$0x1500] =	vst v1  }
0x1d: {  	[tilespmem:$0x1510] =	vst v1  }
0x1e: {  	[tilespmem:$0x1520] =	vst v1  }
0x1f: {  	[tilespmem:$0x1530] =	vst v1  }
0x20: {  	[tilespmem:$0x1540] =	vst v1  }
0x21: {  	[tilespmem:$0x1550] =	vst v1  }
0x22: {  	[tilespmem:$0x1560] =	vst v1  }
0x23: {  	[tilespmem:$0x1570] =	vst v1  }
0x24: {  	[tilespmem:$0x1580] =	vst v1  }
0x25: {  	[tilespmem:$0x1590] =	vst v1  }
0x26: {  	[tilespmem:$0x15A0] =	vst v1  }
0x27: {  	[tilespmem:$0x15B0] =	vst v1  }
0x28: {  	[tilespmem:$0x15C0] =	vst v1  }
0x29: {  	[tilespmem:$0x15D0] =	vst v1  }
0x2a: {  	[tilespmem:$0x15E0] =	vst v1  }
0x2b: {  	[tilespmem:$0x15F0] =	vst v1  }
0x2c: {  	[tilespmem:$0x1600] =	vst v1  }
0x2d: {  	[tilespmem:$0x1610] =	vst v1  }
0x2e: {  	[tilespmem:$0x1620] =	vst v1  }
0x2f: {  	[tilespmem:$0x1630] =	vst v1  }
0x30: {  	[tilespmem:$0x1640] =	vst v1  }
0x31: {  	[tilespmem:$0x1650] =	vst v1  }
0x32: {  	[tilespmem:$0x1660] =	vst v1  }
0x33: {  	[tilespmem:$0x1670] =	vst v1  }
0x34: {  	[tilespmem:$0x1680] =	vst v1  }
0x35: {  	[tilespmem:$0x1690] =	vst v1  }
0x36: {  	[tilespmem:$0x16A0] =	vst v1  }
0x37: {  	[tilespmem:$0x16B0] =	vst v1  }
0x38: {  	[tilespmem:$0x16C0] =	vst v1  }
0x39: {  	[tilespmem:$0x16D0] =	vst v1  }
0x3a: {  	[tilespmem:$0x16E0] =	vst v1  }
0x3b: {  	[tilespmem:$0x16F0] =	vst v1  }
0x3c: {  	[spmem:s4] =	stream.linear.scatter [tilespmem:s8], [sflag:$0x1], $0x280, $0x38;
	[tilespmem:$0x1980] =	vst v63  }
0x3d: {  	_ =	swait.ge [sflag:s9], $0x280  }
0x3e: {  	[sflag:s9] =	ssyncset.done $0x0  }
0x3f: {  	[sflag:s9] =	ssyncadd.s32 $0xFFFFFD80  }
0x40: {  	[tilespmem:s3], [sflag:$0x1] =	stream.linear.gather [hbm4b:s5+s3], $0x1400, $0x38;
	[tilespmem:$0x1980] =	vst v63  }
0x41: {  	_ =	swait.ge [sflag:s9], $0x1400  }
0x42: {  	[sflag:s9] =	ssyncset.done $0x0  }
0x43: {  	[sflag:s9] =	ssyncadd.s32 $0xFFFFEC00  }
0x44: {  	s13 =	simm.s32 $0x0;
	[bflag:$0x0] =	sbarrier.arrive $0xFFFF  }
0x45: {  	[spmem:s2] =	stream.indirect.scatter.add.f32 [tilespmem:s11], [sflag:$0x1], $0x1, s13, s10, $0xb8;
	[tilespmem:$0x1980] =	vst v63  }
0x46: {  	_ =	swait.ge [sflag:s9], $0x80  }
0x47: {  	s13 =	simm.s32 $0x200;
	[sflag:s9] =	ssyncset.done $0x0  }
.LBB2_2:
0x48: {  	s14 =	sshra.s32 s13, $0x2;
	[sflag:s9] =	ssyncadd.s32 $0xFFFFFF80;
	p0 =	sne.s32 s13, $0x4E00  }
0x49: {  	[spmem:s2] =	stream.indirect.scatter.add.f32 [tilespmem:s11], [sflag:$0x1], $0x1, s14, s10, $0xb8;
	[tilespmem:$0x1980] =	vst v63  }
.Ltmp0:
0x4a: {  	_ = 	snop;
	(pc) =	sbr.rel @p0 .LBB2_2-.Ltmp0, $4  }
0x4b: {  	_ = 	snop  }
0x4c: {  	s13 =	sadd.s32 $0x200, s13  }
0x4d: {  	_ =	swait.ge [sflag:s9], $0x80  }
0x4e: {  	[sflag:s9] =	ssyncset.done $0x0  }
0x4f: {  	[sflag:s9] =	ssyncadd.s32 $0xFFFFFF80  }
0x50: {  	[bflag:$0x0] =	sbarrier.arrive $0xFFFF  }
0x51: {  	[tilespmem:s8], [sflag:$0x1] =	stream.linear.gather [spmem:s4], $0x280, $0x38;
	[tilespmem:$0x1980] =	vst v63  }
0x52: {  	s12 =	sadd.s32 $0x1, s12;
	_ =	swait.ge [sflag:s9], $0x280  }
0x53: {  	p0 =	sne.s32 s12, s7;
	[sflag:s9] =	ssyncset.done $0x0  }
.Ltmp1:
0x54: {  	[sflag:s9] =	ssyncadd.s32 $0xFFFFFD80;
	(pc) =	sbr.rel @p0 .LBB2_1-.Ltmp1, $4  }
0x55: {  	[hbm4b:s6+s3] =	stream.linear.scatter [tilespmem:s8], [sflag:$0x1], $0x280, $0x38;
	[tilespmem:$0x1980] =	vst v63  }
0x56: {  	_ =	swait.ge [sflag:s9], $0x280  }
0x57: {  	[sflag:s9] =	ssyncset.done $0x0  }
0x58: {  	[sflag:s9] =	ssyncadd.s32 $0xFFFFFD80  }
0x59: {  	_ =	sfence.sel $0x180000  }
0x5a: {  	[bflag:$0x0] =	sbarrier.arrive $0xFFFF  }
0x5b: {  	p0 =	sne.s32 s1, $0x0;
	_ =	strace $0x90000047  }
0x5c: {  	s0 =	sadd.s32 @!p0 $0x100000, s0;
	[bflag:$0x2] =	sbarrier.arrive $0xFFFF  }
0x5d: {  	[sflag:s0] =	ssyncadd.tile.s32 @!p0 $0x1;
	_ =	shalt  }
.Lfunc_end2:
_tile_overlayer_lowered:
.L_overlay_start_2:
0x5e: {  	(tag) =	ssettag $0x2  }
0x5f: {  	s0 =	rddreg [dreg:$0x0];
	s2 =	stileid.u32  }
0x60: {  	s1 =	rddreg [dreg:$0x1];
	p0 =	sne.s32 s2, $0x0  }
0x61: {  	s3 =	rddreg [dreg:$0x2];
	[bflag:$0x3] =	sbarrier.arrive $0xFFFF;
	s2 =	simm.s32 @!p0 $0x1C01  }
0x62: {  	[timem:s3], [sflag:s2] =	dma.local @!p0 [hbm:s0], s1  }
0x63: {  	s0 =	simm.s32 @!p0 $0x1  }
0x64: {  	_ =	swait.ge @!p0 [sflag:s0], s1  }
0x65: {  	s1 =	ssub.s32 @!p0 $0x0, s1;
	[sflag:s0] =	ssyncset.done @!p0 $0x0  }
0x66: {  	[sflag:s0] =	ssyncadd.s32 @!p0 s1  }
0x67: {  	[bflag:$0x3] =	sbarrier.arrive $0xFFFF  }
0x68: {  	_ =	shalt  }

</sc_bundles>
